<compile_context>
chip_gen: v7x
topology: tpu7x:2x2x1
jax: 0.10.2.dev20260603
libtpu: 0.0.44.dev20260713+nightly
codegen_flags: <defaults>
</compile_context>

<pallas_src>
import jax
import jax.numpy as jnp
from jax import lax
from jax.experimental import pallas as pl
from jax.experimental.pallas import tpu as pltpu
from jax.experimental.pallas import tpu_sc as plsc

N = 10000
E = 320000
TS = 128
DIMS = 4
HID = 256
OUT = 128
KSEL = 2
THO = 0.1

NC = 2
NS = 16
NW = NC * NS
EPW = E // NW
CH = 125
NCHUNK = EPW // CH
GC = 8
NGRP = NCHUNK // GC
NPAD = 10240
RPT = NPAD // NS

_mesh = lambda: plsc.VectorSubcoreMesh(core_axis_name="c", subcore_axis_name="s",
                                       num_cores=NC, num_subcores=NS)


def _sc_hist_body(dst3_hbm, ones_hbm, zeros_hbm, hist_out,
                  didx_all, ones_v, hsem, hist_s):
    c = lax.axis_index("c")
    s = lax.axis_index("s")
    w = c * NS + s
    pltpu.sync_copy(zeros_hbm, hist_s.at[pl.ds(s * RPT, RPT)])
    pltpu.sync_copy(ones_hbm, ones_v)
    pltpu.sync_copy(dst3_hbm.at[w], didx_all)
    plsc.subcore_barrier()

    def fire(i, carry):
        pltpu.async_copy(ones_v, hist_s.at[didx_all.at[i]], hsem, add=True)
        return carry

    lax.fori_loop(0, NCHUNK, fire, 0)

    def drain(i, carry):
        pltpu.make_async_copy(ones_v, hist_s.at[didx_all.at[0]], hsem).wait()
        return carry

    lax.fori_loop(0, NCHUNK, drain, 0)
    plsc.subcore_barrier()
    pltpu.sync_copy(hist_s.at[pl.ds(s * RPT, RPT)],
                    hist_out.at[c, pl.ds(s * RPT, RPT)])


def _sc_hist(dst3, ones, zeros):
    return pl.kernel(
        _sc_hist_body,
        out_type=jax.ShapeDtypeStruct((NC, NPAD), jnp.float32),
        mesh=_mesh(),
        scratch_types=[
            pltpu.VMEM((NCHUNK, CH), jnp.int32),
            pltpu.VMEM((CH,), jnp.float32),
            pltpu.SemaphoreType.DMA,
            pltpu.VMEM_SHARED((NPAD,), jnp.float32),
        ],
    )(dst3, ones, zeros)


def _sc_agg_body(gs_hbm, dflat_hbm, src3_hbm, dst3_hbm, zeros128_hbm, zeros_hbm,
                 p_out, t_out,
                 sg, dg, rows2, dvals2,
                 gsem, dsem, isem, p_s, t_s):
    c = lax.axis_index("c")
    s = lax.axis_index("s")
    w = c * NS + s
    pltpu.sync_copy(zeros128_hbm, p_s.at[pl.ds(s * RPT, RPT)])
    pltpu.sync_copy(zeros_hbm, t_s.at[pl.ds(s * RPT, RPT)])
    pltpu.sync_copy(src3_hbm.at[w, pl.ds(0, GC)], sg.at[0])
    pltpu.sync_copy(dst3_hbm.at[w, pl.ds(0, GC)], dg.at[0])
    plsc.subcore_barrier()
    pltpu.async_copy(src3_hbm.at[w, pl.ds(GC, GC)], sg.at[1], isem)
    pltpu.async_copy(dst3_hbm.at[w, pl.ds(GC, GC)], dg.at[1], isem)
    pltpu.async_copy(gs_hbm.at[sg.at[0, 0]], rows2.at[0], gsem)
    pltpu.async_copy(dflat_hbm.at[dg.at[0, 0]], dvals2.at[0], dsem)

    def gbody(gg, carry):
        for gb in range(2):
            g = gg * 2 + gb
            for j in range(GC):
                i = g * GC + j
                bj = j % 2
                pltpu.make_async_copy(gs_hbm.at[sg.at[gb, j]],
                                      rows2.at[bj], gsem).wait()
                pltpu.make_async_copy(dflat_hbm.at[dg.at[gb, j]],
                                      dvals2.at[bj], dsem).wait()
                if j + 1 < GC:
                    pltpu.async_copy(gs_hbm.at[sg.at[gb, j + 1]],
                                     rows2.at[1 - bj], gsem)
                    pltpu.async_copy(dflat_hbm.at[dg.at[gb, j + 1]],
                                     dvals2.at[1 - bj], dsem)
                else:
                    @pl.when(g + 1 < NGRP)
                    def _():
                        pltpu.make_async_copy(src3_hbm.at[w, pl.ds(0, GC)],
                                              sg.at[1 - gb], isem).wait()
                        pltpu.make_async_copy(dst3_hbm.at[w, pl.ds(0, GC)],
                                              dg.at[1 - gb], isem).wait()
                        pltpu.async_copy(gs_hbm.at[sg.at[1 - gb, 0]],
                                         rows2.at[1 - bj], gsem)
                        pltpu.async_copy(dflat_hbm.at[dg.at[1 - gb, 0]],
                                         dvals2.at[1 - bj], dsem)

                pltpu.sync_copy(rows2.at[bj], p_s.at[dg.at[gb, j]], add=True)
                pltpu.sync_copy(dvals2.at[bj], t_s.at[sg.at[gb, j]], add=True)

            @pl.when(g + 2 < NGRP)
            def _():
                pltpu.async_copy(src3_hbm.at[w, pl.ds((g + 2) * GC, GC)],
                                 sg.at[gb], isem)
                pltpu.async_copy(dst3_hbm.at[w, pl.ds((g + 2) * GC, GC)],
                                 dg.at[gb], isem)
        return carry

    lax.fori_loop(0, NGRP // 2, gbody, 0)
    plsc.subcore_barrier()
    pltpu.sync_copy(p_s.at[pl.ds(s * RPT, RPT)],
                    p_out.at[c, pl.ds(s * RPT, RPT)])
    pltpu.sync_copy(t_s.at[pl.ds(s * RPT, RPT)],
                    t_out.at[c, pl.ds(s * RPT, RPT)])


def _sc_agg(gs, dflat, src3, dst3, zeros128, zeros):
    return pl.kernel(
        _sc_agg_body,
        out_type=(
            jax.ShapeDtypeStruct((NC, NPAD, TS), jnp.float32),
            jax.ShapeDtypeStruct((NC, NPAD), jnp.float32),
        ),
        mesh=_mesh(),
        compiler_params=pltpu.CompilerParams(needs_layout_passes=False),
        scratch_types=[
            pltpu.VMEM((2, GC, CH), jnp.int32),
            pltpu.VMEM((2, GC, CH), jnp.int32),
            pltpu.VMEM((2, CH, TS), jnp.float32),
            pltpu.VMEM((2, CH), jnp.float32),
            pltpu.SemaphoreType.DMA,
            pltpu.SemaphoreType.DMA,
            pltpu.SemaphoreType.DMA,
            pltpu.VMEM_SHARED((NPAD, TS), jnp.float32),
            pltpu.VMEM_SHARED((NPAD,), jnp.float32),
        ],
    )(gs, dflat, src3, dst3, zeros128, zeros)


_RB = 2048


def _tc_prep_body(g_ref, h_ref, gs_ref, d1_ref):
    deg = h_ref[0] + h_ref[1] + 1.0
    d = lax.rsqrt(deg)
    gs_ref[...] = g_ref[...] * d
    d1_ref[...] = d


def _tc_prep(g, hist3):
    nblk = NPAD // _RB
    return pl.pallas_call(
        _tc_prep_body,
        grid=(nblk,),
        in_specs=[
            pl.BlockSpec((_RB, TS), lambda i: (i, 0)),
            pl.BlockSpec((NC, _RB, 1), lambda i: (0, i, 0)),
        ],
        out_specs=[
            pl.BlockSpec((_RB, TS), lambda i: (i, 0)),
            pl.BlockSpec((_RB, 1), lambda i: (i, 0)),
        ],
        out_shape=[
            jax.ShapeDtypeStruct((NPAD, TS), jnp.float32),
            jax.ShapeDtypeStruct((NPAD, 1), jnp.float32),
        ],
    )(g, hist3)


def _tc_final_body(p_ref, gs_ref, d1_ref, t3_ref, w1_ref, b1_ref,
                   w2_ref, b2_ref, out_ref, acc):
    i = pl.program_id(0)
    d = d1_ref[...]
    ag = (p_ref[0] + p_ref[1] + gs_ref[...]) * d
    h = jnp.dot(ag, w1_ref[...], preferred_element_type=jnp.float32)
    relu1 = jnp.maximum(h + b1_ref[...], 0.0)
    row = i * _RB + lax.broadcasted_iota(jnp.int32, (_RB, 1), 0)
    relu1 = jnp.where(row < N, relu1, 0.0)
    t = t3_ref[0] + t3_ref[1]
    cvec = d * (t + d)
    part = lax.dot_general(cvec, relu1, (((0,), (0,)), ((), ())),
                           preferred_element_type=jnp.float32)

    @pl.when(i == 0)
    def _():
        acc[...] = jnp.zeros((1, HID), jnp.float32)

    acc[...] += part

    @pl.when(i == pl.num_programs(0) - 1)
    def _():
        v = acc[...]
        m = jnp.dot(v, w2_ref[...],
                    preferred_element_type=jnp.float32) / float(N) + b2_ref[...]
        o = jax.nn.sigmoid(m)
        ot = jnp.where(o > THO, o - THO,
                       jnp.where(o < -THO, o + THO, 0.0))
        out_ref[...] = jnp.sign(ot) * o


def _tc_final(p2, gs, d1, t3, W1, b1, W2, b2):
    nblk = NPAD // _RB
    return pl.pallas_call(
        _tc_final_body,
        grid=(nblk,),
        in_specs=[
            pl.BlockSpec((NC, _RB, TS), lambda i: (0, i, 0)),
            pl.BlockSpec((_RB, TS), lambda i: (i, 0)),
            pl.BlockSpec((_RB, 1), lambda i: (i, 0)),
            pl.BlockSpec((NC, _RB, 1), lambda i: (0, i, 0)),
            pl.BlockSpec((TS, HID), lambda i: (0, 0)),
            pl.BlockSpec((1, HID), lambda i: (0, 0)),
            pl.BlockSpec((HID, OUT), lambda i: (0, 0)),
            pl.BlockSpec((1, OUT), lambda i: (0, 0)),
        ],
        out_specs=pl.BlockSpec((1, OUT), lambda i: (0, 0)),
        out_shape=jax.ShapeDtypeStruct((1, OUT), jnp.float32),
        scratch_shapes=[pltpu.VMEM((1, HID), jnp.float32)],
    )(p2, gs, d1, t3, W1, b1, W2, b2)


def kernel(x, edge_index, W1, b1, W2, b2):
    src3 = edge_index[0].reshape(NW, NCHUNK, CH)
    dst3 = edge_index[1].reshape(NW, NCHUNK, CH)
    g = x[:, :, KSEL]

    ones = jnp.ones((CH,), jnp.float32)
    zeros = jnp.zeros((RPT,), jnp.float32)
    zeros128 = jnp.zeros((RPT, TS), jnp.float32)

    hist = _sc_hist(dst3, ones, zeros)
    gs, d1 = _tc_prep(g, hist.reshape(NC, NPAD, 1))
    p2, t = _sc_agg(gs, d1.reshape(NPAD), src3, dst3, zeros128, zeros)
    out = _tc_final(p2, gs, d1, t.reshape(NC, NPAD, 1),
                    W1, b1.reshape(1, HID), W2, b2.reshape(1, OUT))
    return out.reshape(OUT, 1)

# --- scband reference (transcript-rebuilt; emitter-appended) ---
"""Pipeline reference for scband-gcn-classifier-57269093925261 (READ-ONLY COPY).

The authoritative reference and input builder live on the scoring server;
editing this copy changes nothing except your own understanding.
"""

import jax, jax.numpy as jnp
import numpy as np

N = 10000
E = 320000
TS = 128
DIMS = 4
HID = 256
OUT = 128
K = 2
THO = 0.1


def gcn_conv(x, edge_index, W, b):
    # PyG GCNConv: add self-loops, symmetric normalization, aggregate src->dst
    src = edge_index[0]
    dst = edge_index[1]
    loop = jnp.arange(N, dtype=src.dtype)
    src = jnp.concatenate([src, loop])
    dst = jnp.concatenate([dst, loop])
    ones = jnp.ones(src.shape[0], dtype=x.dtype)
    deg = jnp.zeros((N,), dtype=x.dtype).at[dst].add(ones)
    deg_inv_sqrt = jnp.where(deg > 0, 1.0 / jnp.sqrt(deg), 0.0)
    norm = deg_inv_sqrt[src] * deg_inv_sqrt[dst]
    h = x @ W
    msgs = h[src] * norm[:, None]
    out = jnp.zeros((N, h.shape[1]), dtype=x.dtype).at[dst].add(msgs)
    return out + b


def softshrink(v, lambd):
    return jnp.where(v > lambd, v - lambd, jnp.where(v < -lambd, v + lambd, 0.0))


def setup_inputs(seed: int = 0) -> dict:
    key = jax.random.key(seed)
    ks = jax.random.split(key, 6)
    x = jax.random.normal(ks[0], (N, TS, DIMS), dtype=jnp.float32)
    edge_index = jax.random.randint(ks[1], (2, E), 0, N, dtype=jnp.int32)
    W1 = jax.random.normal(ks[2], (TS, HID), dtype=jnp.float32) * 0.05
    b1 = jnp.zeros((HID,), dtype=jnp.float32)
    W2 = jax.random.normal(ks[3], (HID, OUT), dtype=jnp.float32) * 0.05
    b2 = jnp.zeros((OUT,), dtype=jnp.float32)
    return {"x": x, "edge_index": edge_index, "W1": W1, "b1": b1, "W2": W2, "b2": b2}


def reference(x, edge_index, W1, b1, W2, b2):
    h = x[:, :, K]
    h = jax.nn.relu(gcn_conv(h, edge_index, W1, b1))
    h = gcn_conv(h, edge_index, W2, b2)
    out = jax.nn.sigmoid(h.mean(0))
    out_t = softshrink(out, THO)
    out = jnp.sign(out_t) * out
    return out[:, None]

if __name__ == "__main__":
    import jax
    _d = setup_inputs()
    print(jax.jit(kernel)(*tuple(_d.values())))

</pallas_src>

<mosaic_0001>
#map = affine_map<(d0, d1) -> (0, 0)>
#map1 = affine_map<(d0, d1) -> (0)>
#map2 = affine_map<(d0, d1) -> (0, 0, 0)>
module attributes {stable_mosaic.version = 14 : i64} {
  func.func @_sc_agg_body(%arg0: i32, %arg1: i32, %arg2: memref<10240x128xf32, #tpu.memory_space<hbm>>, %arg3: memref<10240xf32, #tpu.memory_space<hbm>>, %arg4: memref<32x80x125xi32, #tpu.memory_space<hbm>>, %arg5: memref<32x80x125xi32, #tpu.memory_space<hbm>>, %arg6: memref<640x128xf32, #tpu.memory_space<hbm>>, %arg7: memref<640xf32, #tpu.memory_space<hbm>>, %arg8: memref<2x10240x128xf32, #tpu.memory_space<hbm>>, %arg9: memref<2x10240xf32, #tpu.memory_space<hbm>>, %arg10: memref<2x8x125xi32, #tpu.memory_space<vmem>>, %arg11: memref<2x8x125xi32, #tpu.memory_space<vmem>>, %arg12: memref<2x125x128xf32, #tpu.memory_space<vmem>>, %arg13: memref<2x125xf32, #tpu.memory_space<vmem>>, %arg14: memref<!tpu.dma_semaphore, #tpu.memory_space<semaphore_mem>>, %arg15: memref<!tpu.dma_semaphore, #tpu.memory_space<semaphore_mem>>, %arg16: memref<!tpu.dma_semaphore, #tpu.memory_space<semaphore_mem>>, %arg17: memref<10240x128xf32, #tpu.memory_space<vmem_shared>>, %arg18: memref<10240xf32, #tpu.memory_space<vmem_shared>>) attributes {dimension_semantics = [#tpu.dimension_semantics<core_parallel>, #tpu.dimension_semantics<subcore_parallel>], iteration_bounds = array<i64: 2, 16>, scalar_prefetch = 0 : i64, scratch_operands = 9 : i64, tpu.core_type = #tpu.core_type<sc_vector_subcore>, window_params = [{transform_indices = #map}, {transform_indices = #map1}, {transform_indices = #map2}, {transform_indices = #map2}, {transform_indices = #map}, {transform_indices = #map1}, {transform_indices = #map2}, {transform_indices = #map}]} {
    %mul3A = arith.constant 16 : i32
    %mul3A_0 = arith.muli %arg0, %mul3A : i32
    %add3A = arith.addi %mul3A_0, %arg1 : i32
    %mul3A_1 = arith.constant 640 : i32
    %mul3A_2 = arith.muli %arg1, %mul3A_1 : i32
    "tpu.region"() ({
      %run_scoped3A_77 = tpu.sem_alloc : memref<!tpu.dma_semaphore, #tpu.memory_space<semaphore_mem>>
      %dma_start3A_78 = arith.constant 0 : i32
      %dma_start3A_79 = tpu.memref_slice %arg17[%mul3A_2, %dma_start3A_78] : memref<10240x128xf32, #tpu.memory_space<vmem_shared>> -> memref<640x128xf32, #tpu.memory_space<vmem_shared>>
      tpu.enqueue_dma source(%arg6 : memref<640x128xf32, #tpu.memory_space<hbm>>) target(%dma_start3A_79 : memref<640x128xf32, #tpu.memory_space<vmem_shared>>) target_semaphore(%run_scoped3A_77 : memref<!tpu.dma_semaphore, #tpu.memory_space<semaphore_mem>>)
      %dma_wait3A = arith.constant 0 : i32
      %dma_wait3A_80 = tpu.memref_slice %arg17[%mul3A_2, %dma_wait3A] : memref<10240x128xf32, #tpu.memory_space<vmem_shared>> -> memref<640x128xf32, #tpu.memory_space<vmem_shared>>
      tpu.wait_dma2 semaphore(%run_scoped3A_77 : memref<!tpu.dma_semaphore, #tpu.memory_space<semaphore_mem>>) src(%arg6 : memref<640x128xf32, #tpu.memory_space<hbm>>) dst(%dma_wait3A_80 : memref<640x128xf32, #tpu.memory_space<vmem_shared>>)
      tpu.yield
    }) : () -> ()
    %mul3A_3 = arith.constant 640 : i32
    %mul3A_4 = arith.muli %arg1, %mul3A_3 : i32
    "tpu.region"() ({
      %run_scoped3A_77 = tpu.sem_alloc : memref<!tpu.dma_semaphore, #tpu.memory_space<semaphore_mem>>
      %dma_start3A_78 = tpu.memref_slice %arg18[%mul3A_4] : memref<10240xf32, #tpu.memory_space<vmem_shared>> -> memref<640xf32, #tpu.memory_space<vmem_shared>>
      tpu.enqueue_dma source(%arg7 : memref<640xf32, #tpu.memory_space<hbm>>) target(%dma_start3A_78 : memref<640xf32, #tpu.memory_space<vmem_shared>>) target_semaphore(%run_scoped3A_77 : memref<!tpu.dma_semaphore, #tpu.memory_space<semaphore_mem>>)
      %dma_wait3A = tpu.memref_slice %arg18[%mul3A_4] : memref<10240xf32, #tpu.memory_space<vmem_shared>> -> memref<640xf32, #tpu.memory_space<vmem_shared>>
      tpu.wait_dma2 semaphore(%run_scoped3A_77 : memref<!tpu.dma_semaphore, #tpu.memory_space<semaphore_mem>>) src(%arg7 : memref<640xf32, #tpu.memory_space<hbm>>) dst(%dma_wait3A : memref<640xf32, #tpu.memory_space<vmem_shared>>)
      tpu.yield
    }) : () -> ()
    %run_scoped3A = arith.constant 0 : i32
    "tpu.region"() ({
      %run_scoped3A_77 = tpu.sem_alloc : memref<!tpu.dma_semaphore, #tpu.memory_space<semaphore_mem>>
      %dma_start3A_78 = arith.constant 0 : i32
      %dma_start3A_79 = arith.constant 0 : i32
      %dma_start3A_80 = tpu.memref_slice %arg10[%run_scoped3A, %dma_start3A_78, %dma_start3A_79] : memref<2x8x125xi32, #tpu.memory_space<vmem>> -> memref<1x8x125xi32, #tpu.memory_space<vmem>>
      %dma_start3A_81 = tpu.memref_squeeze %dma_start3A_80 : memref<1x8x125xi32, #tpu.memory_space<vmem>> -> memref<8x125xi32, #tpu.memory_space<vmem>>
      %dma_start3A_82 = arith.constant 0 : i32
      %dma_start3A_83 = arith.constant 0 : i32
      %dma_start3A_84 = tpu.memref_slice %arg4[%add3A, %dma_start3A_82, %dma_start3A_83] : memref<32x80x125xi32, #tpu.memory_space<hbm>> -> memref<1x8x125xi32, #tpu.memory_space<hbm>>
      %dma_start3A_85 = tpu.memref_squeeze %dma_start3A_84 : memref<1x8x125xi32, #tpu.memory_space<hbm>> -> memref<8x125xi32, #tpu.memory_space<hbm>>
      %dma_start3A_86 = arith.constant 0 : i32
      %dma_start3A_87 = arith.constant 0 : i32
      %dma_start3A_88 = tpu.memref_slice %arg10[%run_scoped3A, %dma_start3A_86, %dma_start3A_87] : memref<2x8x125xi32, #tpu.memory_space<vmem>> -> memref<1x8x125xi32, #tpu.memory_space<vmem>>
      %dma_start3A_89 = tpu.memref_squeeze %dma_start3A_88 : memref<1x8x125xi32, #tpu.memory_space<vmem>> -> memref<8x125xi32, #tpu.memory_space<vmem>>
      %dma_start3A_90 = arith.constant 0 : i32
      %dma_start3A_91 = arith.constant 0 : i32
      %dma_start3A_92 = tpu.memref_slice %arg4[%add3A, %dma_start3A_90, %dma_start3A_91] : memref<32x80x125xi32, #tpu.memory_space<hbm>> -> memref<1x8x125xi32, #tpu.memory_space<hbm>>
      %dma_start3A_93 = tpu.memref_squeeze %dma_start3A_92 : memref<1x8x125xi32, #tpu.memory_space<hbm>> -> memref<8x125xi32, #tpu.memory_space<hbm>>
      tpu.enqueue_dma source(%dma_start3A_93 : memref<8x125xi32, #tpu.memory_space<hbm>>) target(%dma_start3A_89 : memref<8x125xi32, #tpu.memory_space<vmem>>) target_semaphore(%run_scoped3A_77 : memref<!tpu.dma_semaphore, #tpu.memory_space<semaphore_mem>>)
      %dma_wait3A = arith.constant 0 : i32
      %dma_wait3A_94 = arith.constant 0 : i32
      %dma_wait3A_95 = tpu.memref_slice %arg10[%run_scoped3A, %dma_wait3A, %dma_wait3A_94] : memref<2x8x125xi32, #tpu.memory_space<vmem>> -> memref<1x8x125xi32, #tpu.memory_space<vmem>>
      %dma_wait3A_96 = tpu.memref_squeeze %dma_wait3A_95 : memref<1x8x125xi32, #tpu.memory_space<vmem>> -> memref<8x125xi32, #tpu.memory_space<vmem>>
      %dma_wait3A_97 = arith.constant 0 : i32
      %dma_wait3A_98 = arith.constant 0 : i32
      %dma_wait3A_99 = tpu.memref_slice %arg4[%add3A, %dma_wait3A_97, %dma_wait3A_98] : memref<32x80x125xi32, #tpu.memory_space<hbm>> -> memref<1x8x125xi32, #tpu.memory_space<hbm>>
      %dma_wait3A_100 = tpu.memref_squeeze %dma_wait3A_99 : memref<1x8x125xi32, #tpu.memory_space<hbm>> -> memref<8x125xi32, #tpu.memory_space<hbm>>
      %dma_wait3A_101 = arith.constant 0 : i32
      %dma_wait3A_102 = arith.constant 0 : i32
      %dma_wait3A_103 = tpu.memref_slice %arg10[%run_scoped3A, %dma_wait3A_101, %dma_wait3A_102] : memref<2x8x125xi32, #tpu.memory_space<vmem>> -> memref<1x8x125xi32, #tpu.memory_space<vmem>>
      %dma_wait3A_104 = tpu.memref_squeeze %dma_wait3A_103 : memref<1x8x125xi32, #tpu.memory_space<vmem>> -> memref<8x125xi32, #tpu.memory_space<vmem>>
      %dma_wait3A_105 = arith.constant 0 : i32
      %dma_wait3A_106 = arith.constant 0 : i32
      %dma_wait3A_107 = tpu.memref_slice %arg4[%add3A, %dma_wait3A_105, %dma_wait3A_106] : memref<32x80x125xi32, #tpu.memory_space<hbm>> -> memref<1x8x125xi32, #tpu.memory_space<hbm>>
      %dma_wait3A_108 = tpu.memref_squeeze %dma_wait3A_107 : memref<1x8x125xi32, #tpu.memory_space<hbm>> -> memref<8x125xi32, #tpu.memory_space<hbm>>
      tpu.wait_dma2 semaphore(%run_scoped3A_77 : memref<!tpu.dma_semaphore, #tpu.memory_space<semaphore_mem>>) src(%dma_wait3A_108 : memref<8x125xi32, #tpu.memory_space<hbm>>) dst(%dma_wait3A_104 : memref<8x125xi32, #tpu.memory_space<vmem>>)
      tpu.yield
    }) : () -> ()
    %run_scoped3A_5 = arith.constant 0 : i32
    "tpu.region"() ({
      %run_scoped3A_77 = tpu.sem_alloc : memref<!tpu.dma_semaphore, #tpu.memory_space<semaphore_mem>>
      %dma_start3A_78 = arith.constant 0 : i32
      %dma_start3A_79 = arith.constant 0 : i32
      %dma_start3A_80 = tpu.memref_slice %arg11[%run_scoped3A_5, %dma_start3A_78, %dma_start3A_79] : memref<2x8x125xi32, #tpu.memory_space<vmem>> -> memref<1x8x125xi32, #tpu.memory_space<vmem>>
      %dma_start3A_81 = tpu.memref_squeeze %dma_start3A_80 : memref<1x8x125xi32, #tpu.memory_space<vmem>> -> memref<8x125xi32, #tpu.memory_space<vmem>>
      %dma_start3A_82 = arith.constant 0 : i32
      %dma_start3A_83 = arith.constant 0 : i32
      %dma_start3A_84 = tpu.memref_slice %arg5[%add3A, %dma_start3A_82, %dma_start3A_83] : memref<32x80x125xi32, #tpu.memory_space<hbm>> -> memref<1x8x125xi32, #tpu.memory_space<hbm>>
      %dma_start3A_85 = tpu.memref_squeeze %dma_start3A_84 : memref<1x8x125xi32, #tpu.memory_space<hbm>> -> memref<8x125xi32, #tpu.memory_space<hbm>>
      %dma_start3A_86 = arith.constant 0 : i32
      %dma_start3A_87 = arith.constant 0 : i32
      %dma_start3A_88 = tpu.memref_slice %arg11[%run_scoped3A_5, %dma_start3A_86, %dma_start3A_87] : memref<2x8x125xi32, #tpu.memory_space<vmem>> -> memref<1x8x125xi32, #tpu.memory_space<vmem>>
      %dma_start3A_89 = tpu.memref_squeeze %dma_start3A_88 : memref<1x8x125xi32, #tpu.memory_space<vmem>> -> memref<8x125xi32, #tpu.memory_space<vmem>>
      %dma_start3A_90 = arith.constant 0 : i32
      %dma_start3A_91 = arith.constant 0 : i32
      %dma_start3A_92 = tpu.memref_slice %arg5[%add3A, %dma_start3A_90, %dma_start3A_91] : memref<32x80x125xi32, #tpu.memory_space<hbm>> -> memref<1x8x125xi32, #tpu.memory_space<hbm>>
      %dma_start3A_93 = tpu.memref_squeeze %dma_start3A_92 : memref<1x8x125xi32, #tpu.memory_space<hbm>> -> memref<8x125xi32, #tpu.memory_space<hbm>>
      tpu.enqueue_dma source(%dma_start3A_93 : memref<8x125xi32, #tpu.memory_space<hbm>>) target(%dma_start3A_89 : memref<8x125xi32, #tpu.memory_space<vmem>>) target_semaphore(%run_scoped3A_77 : memref<!tpu.dma_semaphore, #tpu.memory_space<semaphore_mem>>)
      %dma_wait3A = arith.constant 0 : i32
      %dma_wait3A_94 = arith.constant 0 : i32
      %dma_wait3A_95 = tpu.memref_slice %arg11[%run_scoped3A_5, %dma_wait3A, %dma_wait3A_94] : memref<2x8x125xi32, #tpu.memory_space<vmem>> -> memref<1x8x125xi32, #tpu.memory_space<vmem>>
      %dma_wait3A_96 = tpu.memref_squeeze %dma_wait3A_95 : memref<1x8x125xi32, #tpu.memory_space<vmem>> -> memref<8x125xi32, #tpu.memory_space<vmem>>
      %dma_wait3A_97 = arith.constant 0 : i32
      %dma_wait3A_98 = arith.constant 0 : i32
      %dma_wait3A_99 = tpu.memref_slice %arg5[%add3A, %dma_wait3A_97, %dma_wait3A_98] : memref<32x80x125xi32, #tpu.memory_space<hbm>> -> memref<1x8x125xi32, #tpu.memory_space<hbm>>
      %dma_wait3A_100 = tpu.memref_squeeze %dma_wait3A_99 : memref<1x8x125xi32, #tpu.memory_space<hbm>> -> memref<8x125xi32, #tpu.memory_space<hbm>>
      %dma_wait3A_101 = arith.constant 0 : i32
      %dma_wait3A_102 = arith.constant 0 : i32
      %dma_wait3A_103 = tpu.memref_slice %arg11[%run_scoped3A_5, %dma_wait3A_101, %dma_wait3A_102] : memref<2x8x125xi32, #tpu.memory_space<vmem>> -> memref<1x8x125xi32, #tpu.memory_space<vmem>>
      %dma_wait3A_104 = tpu.memref_squeeze %dma_wait3A_103 : memref<1x8x125xi32, #tpu.memory_space<vmem>> -> memref<8x125xi32, #tpu.memory_space<vmem>>
      %dma_wait3A_105 = arith.constant 0 : i32
      %dma_wait3A_106 = arith.constant 0 : i32
      %dma_wait3A_107 = tpu.memref_slice %arg5[%add3A, %dma_wait3A_105, %dma_wait3A_106] : memref<32x80x125xi32, #tpu.memory_space<hbm>> -> memref<1x8x125xi32, #tpu.memory_space<hbm>>
      %dma_wait3A_108 = tpu.memref_squeeze %dma_wait3A_107 : memref<1x8x125xi32, #tpu.memory_space<hbm>> -> memref<8x125xi32, #tpu.memory_space<hbm>>
      tpu.wait_dma2 semaphore(%run_scoped3A_77 : memref<!tpu.dma_semaphore, #tpu.memory_space<semaphore_mem>>) src(%dma_wait3A_108 : memref<8x125xi32, #tpu.memory_space<hbm>>) dst(%dma_wait3A_104 : memref<8x125xi32, #tpu.memory_space<vmem>>)
      tpu.yield
    }) : () -> ()
    %barrier3A = arith.constant 0 : index
    tpu.barrier barrier_id(%barrier3A)
    %dma_start3A = arith.constant 1 : i32
    %dma_start3A_6 = arith.constant 0 : i32
    %dma_start3A_7 = arith.constant 0 : i32
    %dma_start3A_8 = tpu.memref_slice %arg10[%dma_start3A, %dma_start3A_6, %dma_start3A_7] : memref<2x8x125xi32, #tpu.memory_space<vmem>> -> memref<1x8x125xi32, #tpu.memory_space<vmem>>
    %dma_start3A_9 = tpu.memref_squeeze %dma_start3A_8 : memref<1x8x125xi32, #tpu.memory_space<vmem>> -> memref<8x125xi32, #tpu.memory_space<vmem>>
    %dma_start3A_10 = arith.constant 8 : i32
    %dma_start3A_11 = arith.constant 0 : i32
    %dma_start3A_12 = tpu.memref_slice %arg4[%add3A, %dma_start3A_10, %dma_start3A_11] : memref<32x80x125xi32, #tpu.memory_space<hbm>> -> memref<1x8x125xi32, #tpu.memory_space<hbm>>
    %dma_start3A_13 = tpu.memref_squeeze %dma_start3A_12 : memref<1x8x125xi32, #tpu.memory_space<hbm>> -> memref<8x125xi32, #tpu.memory_space<hbm>>
    %dma_start3A_14 = arith.constant 0 : i32
    %dma_start3A_15 = arith.constant 0 : i32
    %dma_start3A_16 = tpu.memref_slice %arg10[%dma_start3A, %dma_start3A_14, %dma_start3A_15] : memref<2x8x125xi32, #tpu.memory_space<vmem>> -> memref<1x8x125xi32, #tpu.memory_space<vmem>>
    %dma_start3A_17 = tpu.memref_squeeze %dma_start3A_16 : memref<1x8x125xi32, #tpu.memory_space<vmem>> -> memref<8x125xi32, #tpu.memory_space<vmem>>
    %dma_start3A_18 = arith.constant 8 : i32
    %dma_start3A_19 = arith.constant 0 : i32
    %dma_start3A_20 = tpu.memref_slice %arg4[%add3A, %dma_start3A_18, %dma_start3A_19] : memref<32x80x125xi32, #tpu.memory_space<hbm>> -> memref<1x8x125xi32, #tpu.memory_space<hbm>>
    %dma_start3A_21 = tpu.memref_squeeze %dma_start3A_20 : memref<1x8x125xi32, #tpu.memory_space<hbm>> -> memref<8x125xi32, #tpu.memory_space<hbm>>
    tpu.enqueue_dma source(%dma_start3A_21 : memref<8x125xi32, #tpu.memory_space<hbm>>) target(%dma_start3A_17 : memref<8x125xi32, #tpu.memory_space<vmem>>) target_semaphore(%arg16 : memref<!tpu.dma_semaphore, #tpu.memory_space<semaphore_mem>>)
    %dma_start3A_22 = arith.constant 1 : i32
    %dma_start3A_23 = arith.constant 0 : i32
    %dma_start3A_24 = arith.constant 0 : i32
    %dma_start3A_25 = tpu.memref_slice %arg11[%dma_start3A_22, %dma_start3A_23, %dma_start3A_24] : memref<2x8x125xi32, #tpu.memory_space<vmem>> -> memref<1x8x125xi32, #tpu.memory_space<vmem>>
    %dma_start3A_26 = tpu.memref_squeeze %dma_start3A_25 : memref<1x8x125xi32, #tpu.memory_space<vmem>> -> memref<8x125xi32, #tpu.memory_space<vmem>>
    %dma_start3A_27 = arith.constant 8 : i32
    %dma_start3A_28 = arith.constant 0 : i32
    %dma_start3A_29 = tpu.memref_slice %arg5[%add3A, %dma_start3A_27, %dma_start3A_28] : memref<32x80x125xi32, #tpu.memory_space<hbm>> -> memref<1x8x125xi32, #tpu.memory_space<hbm>>
    %dma_start3A_30 = tpu.memref_squeeze %dma_start3A_29 : memref<1x8x125xi32, #tpu.memory_space<hbm>> -> memref<8x125xi32, #tpu.memory_space<hbm>>
    %dma_start3A_31 = arith.constant 0 : i32
    %dma_start3A_32 = arith.constant 0 : i32
    %dma_start3A_33 = tpu.memref_slice %arg11[%dma_start3A_22, %dma_start3A_31, %dma_start3A_32] : memref<2x8x125xi32, #tpu.memory_space<vmem>> -> memref<1x8x125xi32, #tpu.memory_space<vmem>>
    %dma_start3A_34 = tpu.memref_squeeze %dma_start3A_33 : memref<1x8x125xi32, #tpu.memory_space<vmem>> -> memref<8x125xi32, #tpu.memory_space<vmem>>
    %dma_start3A_35 = arith.constant 8 : i32
    %dma_start3A_36 = arith.constant 0 : i32
    %dma_start3A_37 = tpu.memref_slice %arg5[%add3A, %dma_start3A_35, %dma_start3A_36] : memref<32x80x125xi32, #tpu.memory_space<hbm>> -> memref<1x8x125xi32, #tpu.memory_space<hbm>>
    %dma_start3A_38 = tpu.memref_squeeze %dma_start3A_37 : memref<1x8x125xi32, #tpu.memory_space<hbm>> -> memref<8x125xi32, #tpu.memory_space<hbm>>
    tpu.enqueue_dma source(%dma_start3A_38 : memref<8x125xi32, #tpu.memory_space<hbm>>) target(%dma_start3A_34 : memref<8x125xi32, #tpu.memory_space<vmem>>) target_semaphore(%arg16 : memref<!tpu.dma_semaphore, #tpu.memory_space<semaphore_mem>>)
    %dma_start3A_39 = arith.constant 0 : i32
    %dma_start3A_40 = arith.constant 0 : i32
    %dma_start3A_41 = arith.constant 0 : i32
    %dma_start3A_42 = arith.constant 0 : i32
    %dma_start3A_43 = arith.constant 0 : i32
    %dma_start3A_44 = tpu.memref_slice %arg12[%dma_start3A_41, %dma_start3A_42, %dma_start3A_43] : memref<2x125x128xf32, #tpu.memory_space<vmem>> -> memref<1x125x128xf32, #tpu.memory_space<vmem>>
    %dma_start3A_45 = tpu.memref_squeeze %dma_start3A_44 : memref<1x125x128xf32, #tpu.memory_space<vmem>> -> memref<125x128xf32, #tpu.memory_space<vmem>>
    %dma_start3A_46 = arith.constant 0 : i32
    %dma_start3A_47 = tpu.memref_slice %arg10[%dma_start3A_39, %dma_start3A_40, %dma_start3A_46] : memref<2x8x125xi32, #tpu.memory_space<vmem>> -> memref<1x1x125xi32, #tpu.memory_space<vmem>>
    %dma_start3A_48 = tpu.memref_squeeze %dma_start3A_47 : memref<1x1x125xi32, #tpu.memory_space<vmem>> -> memref<125xi32, #tpu.memory_space<vmem>>
    %dma_start3A_49 = arith.constant 0 : i32
    %dma_start3A_50 = arith.constant 0 : i32
    %dma_start3A_51 = tpu.memref_slice %arg2[%dma_start3A_49, %dma_start3A_50] : memref<10240x128xf32, #tpu.memory_space<hbm>> -> memref<10240x128xf32, #tpu.memory_space<hbm>>
    tpu.enqueue_indirect_dma source(%dma_start3A_51 : memref<10240x128xf32, #tpu.memory_space<hbm>>) target(%dma_start3A_45 : memref<125x128xf32, #tpu.memory_space<vmem>>) offsets(%dma_start3A_48 : memref<125xi32, #tpu.memory_space<vmem>>) semaphore(%arg14 : memref<!tpu.dma_semaphore, #tpu.memory_space<semaphore_mem>>)
    %dma_start3A_52 = arith.constant 0 : i32
    %dma_start3A_53 = arith.constant 0 : i32
    %dma_start3A_54 = arith.constant 0 : i32
    %dma_start3A_55 = arith.constant 0 : i32
    %dma_start3A_56 = tpu.memref_slice %arg13[%dma_start3A_54, %dma_start3A_55] : memref<2x125xf32, #tpu.memory_space<vmem>> -> memref<1x125xf32, #tpu.memory_space<vmem>>
    %dma_start3A_57 = tpu.memref_squeeze %dma_start3A_56 : memref<1x125xf32, #tpu.memory_space<vmem>> -> memref<125xf32, #tpu.memory_space<vmem>>
    %dma_start3A_58 = arith.constant 0 : i32
    %dma_start3A_59 = tpu.memref_slice %arg11[%dma_start3A_52, %dma_start3A_53, %dma_start3A_58] : memref<2x8x125xi32, #tpu.memory_space<vmem>> -> memref<1x1x125xi32, #tpu.memory_space<vmem>>
    %dma_start3A_60 = tpu.memref_squeeze %dma_start3A_59 : memref<1x1x125xi32, #tpu.memory_space<vmem>> -> memref<125xi32, #tpu.memory_space<vmem>>
    %dma_start3A_61 = arith.constant 0 : i32
    %dma_start3A_62 = tpu.memref_slice %arg3[%dma_start3A_61] : memref<10240xf32, #tpu.memory_space<hbm>> -> memref<10240xf32, #tpu.memory_space<hbm>>
    tpu.enqueue_indirect_dma source(%dma_start3A_62 : memref<10240xf32, #tpu.memory_space<hbm>>) target(%dma_start3A_57 : memref<125xf32, #tpu.memory_space<vmem>>) offsets(%dma_start3A_60 : memref<125xi32, #tpu.memory_space<vmem>>) semaphore(%arg15 : memref<!tpu.dma_semaphore, #tpu.memory_space<semaphore_mem>>)
    %scan3A = arith.constant 0 : i32
    %scan3A_63 = arith.constant 0 : i32
    %scan3A_64 = arith.constant 5 : i32
    %scan3A_65 = arith.addi %scan3A_63, %scan3A_64 : i32
    %scan3A_66 = arith.constant 1 : i32
    scf.for %scan3A_77 = %scan3A_63 to %scan3A_65 step %scan3A_66  : i32 {
      %mul3A_78 = arith.constant 2 : i32
      %mul3A_79 = arith.muli %scan3A_77, %mul3A_78 : i32
      %add3A_80 = arith.constant 0 : i32
      %add3A_81 = arith.addi %mul3A_79, %add3A_80 : i32
      %mul3A_82 = arith.constant 8 : i32
      %mul3A_83 = arith.muli %add3A_81, %mul3A_82 : i32
      %add3A_84 = arith.constant 0 : i32
      %add3A_85 = arith.addi %mul3A_83, %add3A_84 : i32
      %dma_wait3A = arith.constant 0 : i32
      %dma_wait3A_86 = arith.constant 0 : i32
      %dma_wait3A_87 = arith.constant 0 : i32
      %dma_wait3A_88 = arith.constant 0 : i32
      %dma_wait3A_89 = arith.constant 0 : i32
      %dma_wait3A_90 = tpu.memref_slice %arg12[%dma_wait3A_87, %dma_wait3A_88, %dma_wait3A_89] : memref<2x125x128xf32, #tpu.memory_space<vmem>> -> memref<1x125x128xf32, #tpu.memory_space<vmem>>
      %dma_wait3A_91 = tpu.memref_squeeze %dma_wait3A_90 : memref<1x125x128xf32, #tpu.memory_space<vmem>> -> memref<125x128xf32, #tpu.memory_space<vmem>>
      %dma_wait3A_92 = arith.constant 0 : i32
      %dma_wait3A_93 = tpu.memref_slice %arg10[%dma_wait3A, %dma_wait3A_86, %dma_wait3A_92] : memref<2x8x125xi32, #tpu.memory_space<vmem>> -> memref<1x1x125xi32, #tpu.memory_space<vmem>>
      %dma_wait3A_94 = tpu.memref_squeeze %dma_wait3A_93 : memref<1x1x125xi32, #tpu.memory_space<vmem>> -> memref<125xi32, #tpu.memory_space<vmem>>
      %dma_wait3A_95 = arith.constant 0 : i32
      %dma_wait3A_96 = arith.constant 0 : i32
      %dma_wait3A_97 = tpu.memref_slice %arg2[%dma_wait3A_95, %dma_wait3A_96] : memref<10240x128xf32, #tpu.memory_space<hbm>> -> memref<10240x128xf32, #tpu.memory_space<hbm>>
      tpu.wait_indirect_dma semaphore(%arg14 : memref<!tpu.dma_semaphore, #tpu.memory_space<semaphore_mem>>) src(%dma_wait3A_97 : memref<10240x128xf32, #tpu.memory_space<hbm>>) dst(%dma_wait3A_91 : memref<125x128xf32, #tpu.memory_space<vmem>>)
      %dma_wait3A_98 = arith.constant 0 : i32
      %dma_wait3A_99 = arith.constant 0 : i32
      %dma_wait3A_100 = arith.constant 0 : i32
      %dma_wait3A_101 = arith.constant 0 : i32
      %dma_wait3A_102 = tpu.memref_slice %arg13[%dma_wait3A_100, %dma_wait3A_101] : memref<2x125xf32, #tpu.memory_space<vmem>> -> memref<1x125xf32, #tpu.memory_space<vmem>>
      %dma_wait3A_103 = tpu.memref_squeeze %dma_wait3A_102 : memref<1x125xf32, #tpu.memory_space<vmem>> -> memref<125xf32, #tpu.memory_space<vmem>>
      %dma_wait3A_104 = arith.constant 0 : i32
      %dma_wait3A_105 = tpu.memref_slice %arg11[%dma_wait3A_98, %dma_wait3A_99, %dma_wait3A_104] : memref<2x8x125xi32, #tpu.memory_space<vmem>> -> memref<1x1x125xi32, #tpu.memory_space<vmem>>
      %dma_wait3A_106 = tpu.memref_squeeze %dma_wait3A_105 : memref<1x1x125xi32, #tpu.memory_space<vmem>> -> memref<125xi32, #tpu.memory_space<vmem>>
      %dma_wait3A_107 = arith.constant 0 : i32
      %dma_wait3A_108 = tpu.memref_slice %arg3[%dma_wait3A_107] : memref<10240xf32, #tpu.memory_space<hbm>> -> memref<10240xf32, #tpu.memory_space<hbm>>
      tpu.wait_indirect_dma semaphore(%arg15 : memref<!tpu.dma_semaphore, #tpu.memory_space<semaphore_mem>>) src(%dma_wait3A_108 : memref<10240xf32, #tpu.memory_space<hbm>>) dst(%dma_wait3A_103 : memref<125xf32, #tpu.memory_space<vmem>>)
      %dma_start3A_109 = arith.constant 0 : i32
      %dma_start3A_110 = arith.constant 1 : i32
      %dma_start3A_111 = arith.constant 1 : i32
      %dma_start3A_112 = arith.constant 0 : i32
      %dma_start3A_113 = arith.constant 0 : i32
      %dma_start3A_114 = tpu.memref_slice %arg12[%dma_start3A_111, %dma_start3A_112, %dma_start3A_113] : memref<2x125x128xf32, #tpu.memory_space<vmem>> -> memref<1x125x128xf32, #tpu.memory_space<vmem>>
      %dma_start3A_115 = tpu.memref_squeeze %dma_start3A_114 : memref<1x125x128xf32, #tpu.memory_space<vmem>> -> memref<125x128xf32, #tpu.memory_space<vmem>>
      %dma_start3A_116 = arith.constant 0 : i32
      %dma_start3A_117 = tpu.memref_slice %arg10[%dma_start3A_109, %dma_start3A_110, %dma_start3A_116] : memref<2x8x125xi32, #tpu.memory_space<vmem>> -> memref<1x1x125xi32, #tpu.memory_space<vmem>>
      %dma_start3A_118 = tpu.memref_squeeze %dma_start3A_117 : memref<1x1x125xi32, #tpu.memory_space<vmem>> -> memref<125xi32, #tpu.memory_space<vmem>>
      %dma_start3A_119 = arith.constant 0 : i32
      %dma_start3A_120 = arith.constant 0 : i32
      %dma_start3A_121 = tpu.memref_slice %arg2[%dma_start3A_119, %dma_start3A_120] : memref<10240x128xf32, #tpu.memory_space<hbm>> -> memref<10240x128xf32, #tpu.memory_space<hbm>>
      tpu.enqueue_indirect_dma source(%dma_start3A_121 : memref<10240x128xf32, #tpu.memory_space<hbm>>) target(%dma_start3A_115 : memref<125x128xf32, #tpu.memory_space<vmem>>) offsets(%dma_start3A_118 : memref<125xi32, #tpu.memory_space<vmem>>) semaphore(%arg14 : memref<!tpu.dma_semaphore, #tpu.memory_space<semaphore_mem>>)
      %dma_start3A_122 = arith.constant 0 : i32
      %dma_start3A_123 = arith.constant 1 : i32
      %dma_start3A_124 = arith.constant 1 : i32
      %dma_start3A_125 = arith.constant 0 : i32
      %dma_start3A_126 = tpu.memref_slice %arg13[%dma_start3A_124, %dma_start3A_125] : memref<2x125xf32, #tpu.memory_space<vmem>> -> memref<1x125xf32, #tpu.memory_space<vmem>>
      %dma_start3A_127 = tpu.memref_squeeze %dma_start3A_126 : memref<1x125xf32, #tpu.memory_space<vmem>> -> memref<125xf32, #tpu.memory_space<vmem>>
      %dma_start3A_128 = arith.constant 0 : i32
      %dma_start3A_129 = tpu.memref_slice %arg11[%dma_start3A_122, %dma_start3A_123, %dma_start3A_128] : memref<2x8x125xi32, #tpu.memory_space<vmem>> -> memref<1x1x125xi32, #tpu.memory_space<vmem>>
      %dma_start3A_130 = tpu.memref_squeeze %dma_start3A_129 : memref<1x1x125xi32, #tpu.memory_space<vmem>> -> memref<125xi32, #tpu.memory_space<vmem>>
      %dma_start3A_131 = arith.constant 0 : i32
      %dma_start3A_132 = tpu.memref_slice %arg3[%dma_start3A_131] : memref<10240xf32, #tpu.memory_space<hbm>> -> memref<10240xf32, #tpu.memory_space<hbm>>
      tpu.enqueue_indirect_dma source(%dma_start3A_132 : memref<10240xf32, #tpu.memory_space<hbm>>) target(%dma_start3A_127 : memref<125xf32, #tpu.memory_space<vmem>>) offsets(%dma_start3A_130 : memref<125xi32, #tpu.memory_space<vmem>>) semaphore(%arg15 : memref<!tpu.dma_semaphore, #tpu.memory_space<semaphore_mem>>)
      %run_scoped3A_133 = arith.constant 0 : i32
      %run_scoped3A_134 = arith.constant 0 : i32
      %run_scoped3A_135 = arith.constant 0 : i32
      "tpu.region"() ({
        %run_scoped3A_990 = tpu.sem_alloc : memref<!tpu.dma_semaphore, #tpu.memory_space<semaphore_mem>>
        %dma_start3A_991 = arith.constant 0 : i32
        %dma_start3A_992 = arith.constant 0 : i32
        %dma_start3A_993 = tpu.memref_slice %arg12[%run_scoped3A_133, %dma_start3A_991, %dma_start3A_992] : memref<2x125x128xf32, #tpu.memory_space<vmem>> -> memref<1x125x128xf32, #tpu.memory_space<vmem>>
        %dma_start3A_994 = tpu.memref_squeeze %dma_start3A_993 : memref<1x125x128xf32, #tpu.memory_space<vmem>> -> memref<125x128xf32, #tpu.memory_space<vmem>>
        %dma_start3A_995 = arith.constant 0 : i32
        %dma_start3A_996 = tpu.memref_slice %arg11[%run_scoped3A_134, %run_scoped3A_135, %dma_start3A_995] : memref<2x8x125xi32, #tpu.memory_space<vmem>> -> memref<1x1x125xi32, #tpu.memory_space<vmem>>
        %dma_start3A_997 = tpu.memref_squeeze %dma_start3A_996 : memref<1x1x125xi32, #tpu.memory_space<vmem>> -> memref<125xi32, #tpu.memory_space<vmem>>
        %dma_start3A_998 = arith.constant 0 : i32
        %dma_start3A_999 = arith.constant 0 : i32
        %dma_start3A_1000 = tpu.memref_slice %arg17[%dma_start3A_998, %dma_start3A_999] : memref<10240x128xf32, #tpu.memory_space<vmem_shared>> -> memref<10240x128xf32, #tpu.memory_space<vmem_shared>>
        tpu.enqueue_indirect_dma source(%dma_start3A_994 : memref<125x128xf32, #tpu.memory_space<vmem>>) target(%dma_start3A_1000 : memref<10240x128xf32, #tpu.memory_space<vmem_shared>>) offsets(%dma_start3A_997 : memref<125xi32, #tpu.memory_space<vmem>>) semaphore(%run_scoped3A_990 : memref<!tpu.dma_semaphore, #tpu.memory_space<semaphore_mem>>) {add = true}
        %dma_wait3A_1001 = arith.constant 0 : i32
        %dma_wait3A_1002 = arith.constant 0 : i32
        %dma_wait3A_1003 = tpu.memref_slice %arg12[%run_scoped3A_133, %dma_wait3A_1001, %dma_wait3A_1002] : memref<2x125x128xf32, #tpu.memory_space<vmem>> -> memref<1x125x128xf32, #tpu.memory_space<vmem>>
        %dma_wait3A_1004 = tpu.memref_squeeze %dma_wait3A_1003 : memref<1x125x128xf32, #tpu.memory_space<vmem>> -> memref<125x128xf32, #tpu.memory_space<vmem>>
        %dma_wait3A_1005 = arith.constant 0 : i32
        %dma_wait3A_1006 = tpu.memref_slice %arg11[%run_scoped3A_134, %run_scoped3A_135, %dma_wait3A_1005] : memref<2x8x125xi32, #tpu.memory_space<vmem>> -> memref<1x1x125xi32, #tpu.memory_space<vmem>>
        %dma_wait3A_1007 = tpu.memref_squeeze %dma_wait3A_1006 : memref<1x1x125xi32, #tpu.memory_space<vmem>> -> memref<125xi32, #tpu.memory_space<vmem>>
        %dma_wait3A_1008 = arith.constant 0 : i32
        %dma_wait3A_1009 = arith.constant 0 : i32
        %dma_wait3A_1010 = tpu.memref_slice %arg17[%dma_wait3A_1008, %dma_wait3A_1009] : memref<10240x128xf32, #tpu.memory_space<vmem_shared>> -> memref<10240x128xf32, #tpu.memory_space<vmem_shared>>
        tpu.wait_indirect_dma semaphore(%run_scoped3A_990 : memref<!tpu.dma_semaphore, #tpu.memory_space<semaphore_mem>>) src(%dma_wait3A_1004 : memref<125x128xf32, #tpu.memory_space<vmem>>) dst(%dma_wait3A_1010 : memref<10240x128xf32, #tpu.memory_space<vmem_shared>>)
        tpu.yield
      }) : () -> ()
      %run_scoped3A_136 = arith.constant 0 : i32
      %run_scoped3A_137 = arith.constant 0 : i32
      %run_scoped3A_138 = arith.constant 0 : i32
      "tpu.region"() ({
        %run_scoped3A_990 = tpu.sem_alloc : memref<!tpu.dma_semaphore, #tpu.memory_space<semaphore_mem>>
        %dma_start3A_991 = arith.constant 0 : i32
        %dma_start3A_992 = tpu.memref_slice %arg13[%run_scoped3A_136, %dma_start3A_991] : memref<2x125xf32, #tpu.memory_space<vmem>> -> memref<1x125xf32, #tpu.memory_space<vmem>>
        %dma_start3A_993 = tpu.memref_squeeze %dma_start3A_992 : memref<1x125xf32, #tpu.memory_space<vmem>> -> memref<125xf32, #tpu.memory_space<vmem>>
        %dma_start3A_994 = arith.constant 0 : i32
        %dma_start3A_995 = tpu.memref_slice %arg10[%run_scoped3A_137, %run_scoped3A_138, %dma_start3A_994] : memref<2x8x125xi32, #tpu.memory_space<vmem>> -> memref<1x1x125xi32, #tpu.memory_space<vmem>>
        %dma_start3A_996 = tpu.memref_squeeze %dma_start3A_995 : memref<1x1x125xi32, #tpu.memory_space<vmem>> -> memref<125xi32, #tpu.memory_space<vmem>>
        %dma_start3A_997 = arith.constant 0 : i32
        %dma_start3A_998 = tpu.memref_slice %arg18[%dma_start3A_997] : memref<10240xf32, #tpu.memory_space<vmem_shared>> -> memref<10240xf32, #tpu.memory_space<vmem_shared>>
        tpu.enqueue_indirect_dma source(%dma_start3A_993 : memref<125xf32, #tpu.memory_space<vmem>>) target(%dma_start3A_998 : memref<10240xf32, #tpu.memory_space<vmem_shared>>) offsets(%dma_start3A_996 : memref<125xi32, #tpu.memory_space<vmem>>) semaphore(%run_scoped3A_990 : memref<!tpu.dma_semaphore, #tpu.memory_space<semaphore_mem>>) {add = true}
        %dma_wait3A_999 = arith.constant 0 : i32
        %dma_wait3A_1000 = tpu.memref_slice %arg13[%run_scoped3A_136, %dma_wait3A_999] : memref<2x125xf32, #tpu.memory_space<vmem>> -> memref<1x125xf32, #tpu.memory_space<vmem>>
        %dma_wait3A_1001 = tpu.memref_squeeze %dma_wait3A_1000 : memref<1x125xf32, #tpu.memory_space<vmem>> -> memref<125xf32, #tpu.memory_space<vmem>>
        %dma_wait3A_1002 = arith.constant 0 : i32
        %dma_wait3A_1003 = tpu.memref_slice %arg10[%run_scoped3A_137, %run_scoped3A_138, %dma_wait3A_1002] : memref<2x8x125xi32, #tpu.memory_space<vmem>> -> memref<1x1x125xi32, #tpu.memory_space<vmem>>
        %dma_wait3A_1004 = tpu.memref_squeeze %dma_wait3A_1003 : memref<1x1x125xi32, #tpu.memory_space<vmem>> -> memref<125xi32, #tpu.memory_space<vmem>>
        %dma_wait3A_1005 = arith.constant 0 : i32
        %dma_wait3A_1006 = tpu.memref_slice %arg18[%dma_wait3A_1005] : memref<10240xf32, #tpu.memory_space<vmem_shared>> -> memref<10240xf32, #tpu.memory_space<vmem_shared>>
        tpu.wait_indirect_dma semaphore(%run_scoped3A_990 : memref<!tpu.dma_semaphore, #tpu.memory_space<semaphore_mem>>) src(%dma_wait3A_1001 : memref<125xf32, #tpu.memory_space<vmem>>) dst(%dma_wait3A_1006 : memref<10240xf32, #tpu.memory_space<vmem_shared>>)
        tpu.yield
      }) : () -> ()
      %mul3A_139 = arith.constant 8 : i32
      %mul3A_140 = arith.muli %add3A_81, %mul3A_139 : i32
      %add3A_141 = arith.constant 1 : i32
      %add3A_142 = arith.addi %mul3A_140, %add3A_141 : i32
      %dma_wait3A_143 = arith.constant 0 : i32
      %dma_wait3A_144 = arith.constant 1 : i32
      %dma_wait3A_145 = arith.constant 1 : i32
      %dma_wait3A_146 = arith.constant 0 : i32
      %dma_wait3A_147 = arith.constant 0 : i32
      %dma_wait3A_148 = tpu.memref_slice %arg12[%dma_wait3A_145, %dma_wait3A_146, %dma_wait3A_147] : memref<2x125x128xf32, #tpu.memory_space<vmem>> -> memref<1x125x128xf32, #tpu.memory_space<vmem>>
      %dma_wait3A_149 = tpu.memref_squeeze %dma_wait3A_148 : memref<1x125x128xf32, #tpu.memory_space<vmem>> -> memref<125x128xf32, #tpu.memory_space<vmem>>
      %dma_wait3A_150 = arith.constant 0 : i32
      %dma_wait3A_151 = tpu.memref_slice %arg10[%dma_wait3A_143, %dma_wait3A_144, %dma_wait3A_150] : memref<2x8x125xi32, #tpu.memory_space<vmem>> -> memref<1x1x125xi32, #tpu.memory_space<vmem>>
      %dma_wait3A_152 = tpu.memref_squeeze %dma_wait3A_151 : memref<1x1x125xi32, #tpu.memory_space<vmem>> -> memref<125xi32, #tpu.memory_space<vmem>>
      %dma_wait3A_153 = arith.constant 0 : i32
      %dma_wait3A_154 = arith.constant 0 : i32
      %dma_wait3A_155 = tpu.memref_slice %arg2[%dma_wait3A_153, %dma_wait3A_154] : memref<10240x128xf32, #tpu.memory_space<hbm>> -> memref<10240x128xf32, #tpu.memory_space<hbm>>
      tpu.wait_indirect_dma semaphore(%arg14 : memref<!tpu.dma_semaphore, #tpu.memory_space<semaphore_mem>>) src(%dma_wait3A_155 : memref<10240x128xf32, #tpu.memory_space<hbm>>) dst(%dma_wait3A_149 : memref<125x128xf32, #tpu.memory_space<vmem>>)
      %dma_wait3A_156 = arith.constant 0 : i32
      %dma_wait3A_157 = arith.constant 1 : i32
      %dma_wait3A_158 = arith.constant 1 : i32
      %dma_wait3A_159 = arith.constant 0 : i32
      %dma_wait3A_160 = tpu.memref_slice %arg13[%dma_wait3A_158, %dma_wait3A_159] : memref<2x125xf32, #tpu.memory_space<vmem>> -> memref<1x125xf32, #tpu.memory_space<vmem>>
      %dma_wait3A_161 = tpu.memref_squeeze %dma_wait3A_160 : memref<1x125xf32, #tpu.memory_space<vmem>> -> memref<125xf32, #tpu.memory_space<vmem>>
      %dma_wait3A_162 = arith.constant 0 : i32
      %dma_wait3A_163 = tpu.memref_slice %arg11[%dma_wait3A_156, %dma_wait3A_157, %dma_wait3A_162] : memref<2x8x125xi32, #tpu.memory_space<vmem>> -> memref<1x1x125xi32, #tpu.memory_space<vmem>>
      %dma_wait3A_164 = tpu.memref_squeeze %dma_wait3A_163 : memref<1x1x125xi32, #tpu.memory_space<vmem>> -> memref<125xi32, #tpu.memory_space<vmem>>
      %dma_wait3A_165 = arith.constant 0 : i32
      %dma_wait3A_166 = tpu.memref_slice %arg3[%dma_wait3A_165] : memref<10240xf32, #tpu.memory_space<hbm>> -> memref<10240xf32, #tpu.memory_space<hbm>>
      tpu.wait_indirect_dma semaphore(%arg15 : memref<!tpu.dma_semaphore, #tpu.memory_space<semaphore_mem>>) src(%dma_wait3A_166 : memref<10240xf32, #tpu.memory_space<hbm>>) dst(%dma_wait3A_161 : memref<125xf32, #tpu.memory_space<vmem>>)
      %dma_start3A_167 = arith.constant 0 : i32
      %dma_start3A_168 = arith.constant 2 : i32
      %dma_start3A_169 = arith.constant 0 : i32
      %dma_start3A_170 = arith.constant 0 : i32
      %dma_start3A_171 = arith.constant 0 : i32
      %dma_start3A_172 = tpu.memref_slice %arg12[%dma_start3A_169, %dma_start3A_170, %dma_start3A_171] : memref<2x125x128xf32, #tpu.memory_space<vmem>> -> memref<1x125x128xf32, #tpu.memory_space<vmem>>
      %dma_start3A_173 = tpu.memref_squeeze %dma_start3A_172 : memref<1x125x128xf32, #tpu.memory_space<vmem>> -> memref<125x128xf32, #tpu.memory_space<vmem>>
      %dma_start3A_174 = arith.constant 0 : i32
      %dma_start3A_175 = tpu.memref_slice %arg10[%dma_start3A_167, %dma_start3A_168, %dma_start3A_174] : memref<2x8x125xi32, #tpu.memory_space<vmem>> -> memref<1x1x125xi32, #tpu.memory_space<vmem>>
      %dma_start3A_176 = tpu.memref_squeeze %dma_start3A_175 : memref<1x1x125xi32, #tpu.memory_space<vmem>> -> memref<125xi32, #tpu.memory_space<vmem>>
      %dma_start3A_177 = arith.constant 0 : i32
      %dma_start3A_178 = arith.constant 0 : i32
      %dma_start3A_179 = tpu.memref_slice %arg2[%dma_start3A_177, %dma_start3A_178] : memref<10240x128xf32, #tpu.memory_space<hbm>> -> memref<10240x128xf32, #tpu.memory_space<hbm>>
      tpu.enqueue_indirect_dma source(%dma_start3A_179 : memref<10240x128xf32, #tpu.memory_space<hbm>>) target(%dma_start3A_173 : memref<125x128xf32, #tpu.memory_space<vmem>>) offsets(%dma_start3A_176 : memref<125xi32, #tpu.memory_space<vmem>>) semaphore(%arg14 : memref<!tpu.dma_semaphore, #tpu.memory_space<semaphore_mem>>)
      %dma_start3A_180 = arith.constant 0 : i32
      %dma_start3A_181 = arith.constant 2 : i32
      %dma_start3A_182 = arith.constant 0 : i32
      %dma_start3A_183 = arith.constant 0 : i32
      %dma_start3A_184 = tpu.memref_slice %arg13[%dma_start3A_182, %dma_start3A_183] : memref<2x125xf32, #tpu.memory_space<vmem>> -> memref<1x125xf32, #tpu.memory_space<vmem>>
      %dma_start3A_185 = tpu.memref_squeeze %dma_start3A_184 : memref<1x125xf32, #tpu.memory_space<vmem>> -> memref<125xf32, #tpu.memory_space<vmem>>
      %dma_start3A_186 = arith.constant 0 : i32
      %dma_start3A_187 = tpu.memref_slice %arg11[%dma_start3A_180, %dma_start3A_181, %dma_start3A_186] : memref<2x8x125xi32, #tpu.memory_space<vmem>> -> memref<1x1x125xi32, #tpu.memory_space<vmem>>
      %dma_start3A_188 = tpu.memref_squeeze %dma_start3A_187 : memref<1x1x125xi32, #tpu.memory_space<vmem>> -> memref<125xi32, #tpu.memory_space<vmem>>
      %dma_start3A_189 = arith.constant 0 : i32
      %dma_start3A_190 = tpu.memref_slice %arg3[%dma_start3A_189] : memref<10240xf32, #tpu.memory_space<hbm>> -> memref<10240xf32, #tpu.memory_space<hbm>>
      tpu.enqueue_indirect_dma source(%dma_start3A_190 : memref<10240xf32, #tpu.memory_space<hbm>>) target(%dma_start3A_185 : memref<125xf32, #tpu.memory_space<vmem>>) offsets(%dma_start3A_188 : memref<125xi32, #tpu.memory_space<vmem>>) semaphore(%arg15 : memref<!tpu.dma_semaphore, #tpu.memory_space<semaphore_mem>>)
      %run_scoped3A_191 = arith.constant 1 : i32
      %run_scoped3A_192 = arith.constant 0 : i32
      %run_scoped3A_193 = arith.constant 1 : i32
      "tpu.region"() ({
        %run_scoped3A_990 = tpu.sem_alloc : memref<!tpu.dma_semaphore, #tpu.memory_space<semaphore_mem>>
        %dma_start3A_991 = arith.constant 0 : i32
        %dma_start3A_992 = arith.constant 0 : i32
        %dma_start3A_993 = tpu.memref_slice %arg12[%run_scoped3A_191, %dma_start3A_991, %dma_start3A_992] : memref<2x125x128xf32, #tpu.memory_space<vmem>> -> memref<1x125x128xf32, #tpu.memory_space<vmem>>
        %dma_start3A_994 = tpu.memref_squeeze %dma_start3A_993 : memref<1x125x128xf32, #tpu.memory_space<vmem>> -> memref<125x128xf32, #tpu.memory_space<vmem>>
        %dma_start3A_995 = arith.constant 0 : i32
        %dma_start3A_996 = tpu.memref_slice %arg11[%run_scoped3A_192, %run_scoped3A_193, %dma_start3A_995] : memref<2x8x125xi32, #tpu.memory_space<vmem>> -> memref<1x1x125xi32, #tpu.memory_space<vmem>>
        %dma_start3A_997 = tpu.memref_squeeze %dma_start3A_996 : memref<1x1x125xi32, #tpu.memory_space<vmem>> -> memref<125xi32, #tpu.memory_space<vmem>>
        %dma_start3A_998 = arith.constant 0 : i32
        %dma_start3A_999 = arith.constant 0 : i32
        %dma_start3A_1000 = tpu.memref_slice %arg17[%dma_start3A_998, %dma_start3A_999] : memref<10240x128xf32, #tpu.memory_space<vmem_shared>> -> memref<10240x128xf32, #tpu.memory_space<vmem_shared>>
        tpu.enqueue_indirect_dma source(%dma_start3A_994 : memref<125x128xf32, #tpu.memory_space<vmem>>) target(%dma_start3A_1000 : memref<10240x128xf32, #tpu.memory_space<vmem_shared>>) offsets(%dma_start3A_997 : memref<125xi32, #tpu.memory_space<vmem>>) semaphore(%run_scoped3A_990 : memref<!tpu.dma_semaphore, #tpu.memory_space<semaphore_mem>>) {add = true}
        %dma_wait3A_1001 = arith.constant 0 : i32
        %dma_wait3A_1002 = arith.constant 0 : i32
        %dma_wait3A_1003 = tpu.memref_slice %arg12[%run_scoped3A_191, %dma_wait3A_1001, %dma_wait3A_1002] : memref<2x125x128xf32, #tpu.memory_space<vmem>> -> memref<1x125x128xf32, #tpu.memory_space<vmem>>
        %dma_wait3A_1004 = tpu.memref_squeeze %dma_wait3A_1003 : memref<1x125x128xf32, #tpu.memory_space<vmem>> -> memref<125x128xf32, #tpu.memory_space<vmem>>
        %dma_wait3A_1005 = arith.constant 0 : i32
        %dma_wait3A_1006 = tpu.memref_slice %arg11[%run_scoped3A_192, %run_scoped3A_193, %dma_wait3A_1005] : memref<2x8x125xi32, #tpu.memory_space<vmem>> -> memref<1x1x125xi32, #tpu.memory_space<vmem>>
        %dma_wait3A_1007 = tpu.memref_squeeze %dma_wait3A_1006 : memref<1x1x125xi32, #tpu.memory_space<vmem>> -> memref<125xi32, #tpu.memory_space<vmem>>
        %dma_wait3A_1008 = arith.constant 0 : i32
        %dma_wait3A_1009 = arith.constant 0 : i32
        %dma_wait3A_1010 = tpu.memref_slice %arg17[%dma_wait3A_1008, %dma_wait3A_1009] : memref<10240x128xf32, #tpu.memory_space<vmem_shared>> -> memref<10240x128xf32, #tpu.memory_space<vmem_shared>>
        tpu.wait_indirect_dma semaphore(%run_scoped3A_990 : memref<!tpu.dma_semaphore, #tpu.memory_space<semaphore_mem>>) src(%dma_wait3A_1004 : memref<125x128xf32, #tpu.memory_space<vmem>>) dst(%dma_wait3A_1010 : memref<10240x128xf32, #tpu.memory_space<vmem_shared>>)
        tpu.yield
      }) : () -> ()
      %run_scoped3A_194 = arith.constant 1 : i32
      %run_scoped3A_195 = arith.constant 0 : i32
      %run_scoped3A_196 = arith.constant 1 : i32
      "tpu.region"() ({
        %run_scoped3A_990 = tpu.sem_alloc : memref<!tpu.dma_semaphore, #tpu.memory_space<semaphore_mem>>
        %dma_start3A_991 = arith.constant 0 : i32
        %dma_start3A_992 = tpu.memref_slice %arg13[%run_scoped3A_194, %dma_start3A_991] : memref<2x125xf32, #tpu.memory_space<vmem>> -> memref<1x125xf32, #tpu.memory_space<vmem>>
        %dma_start3A_993 = tpu.memref_squeeze %dma_start3A_992 : memref<1x125xf32, #tpu.memory_space<vmem>> -> memref<125xf32, #tpu.memory_space<vmem>>
        %dma_start3A_994 = arith.constant 0 : i32
        %dma_start3A_995 = tpu.memref_slice %arg10[%run_scoped3A_195, %run_scoped3A_196, %dma_start3A_994] : memref<2x8x125xi32, #tpu.memory_space<vmem>> -> memref<1x1x125xi32, #tpu.memory_space<vmem>>
        %dma_start3A_996 = tpu.memref_squeeze %dma_start3A_995 : memref<1x1x125xi32, #tpu.memory_space<vmem>> -> memref<125xi32, #tpu.memory_space<vmem>>
        %dma_start3A_997 = arith.constant 0 : i32
        %dma_start3A_998 = tpu.memref_slice %arg18[%dma_start3A_997] : memref<10240xf32, #tpu.memory_space<vmem_shared>> -> memref<10240xf32, #tpu.memory_space<vmem_shared>>
        tpu.enqueue_indirect_dma source(%dma_start3A_993 : memref<125xf32, #tpu.memory_space<vmem>>) target(%dma_start3A_998 : memref<10240xf32, #tpu.memory_space<vmem_shared>>) offsets(%dma_start3A_996 : memref<125xi32, #tpu.memory_space<vmem>>) semaphore(%run_scoped3A_990 : memref<!tpu.dma_semaphore, #tpu.memory_space<semaphore_mem>>) {add = true}
        %dma_wait3A_999 = arith.constant 0 : i32
        %dma_wait3A_1000 = tpu.memref_slice %arg13[%run_scoped3A_194, %dma_wait3A_999] : memref<2x125xf32, #tpu.memory_space<vmem>> -> memref<1x125xf32, #tpu.memory_space<vmem>>
        %dma_wait3A_1001 = tpu.memref_squeeze %dma_wait3A_1000 : memref<1x125xf32, #tpu.memory_space<vmem>> -> memref<125xf32, #tpu.memory_space<vmem>>
        %dma_wait3A_1002 = arith.constant 0 : i32
        %dma_wait3A_1003 = tpu.memref_slice %arg10[%run_scoped3A_195, %run_scoped3A_196, %dma_wait3A_1002] : memref<2x8x125xi32, #tpu.memory_space<vmem>> -> memref<1x1x125xi32, #tpu.memory_space<vmem>>
        %dma_wait3A_1004 = tpu.memref_squeeze %dma_wait3A_1003 : memref<1x1x125xi32, #tpu.memory_space<vmem>> -> memref<125xi32, #tpu.memory_space<vmem>>
        %dma_wait3A_1005 = arith.constant 0 : i32
        %dma_wait3A_1006 = tpu.memref_slice %arg18[%dma_wait3A_1005] : memref<10240xf32, #tpu.memory_space<vmem_shared>> -> memref<10240xf32, #tpu.memory_space<vmem_shared>>
        tpu.wait_indirect_dma semaphore(%run_scoped3A_990 : memref<!tpu.dma_semaphore, #tpu.memory_space<semaphore_mem>>) src(%dma_wait3A_1001 : memref<125xf32, #tpu.memory_space<vmem>>) dst(%dma_wait3A_1006 : memref<10240xf32, #tpu.memory_space<vmem_shared>>)
        tpu.yield
      }) : () -> ()
      %mul3A_197 = arith.constant 8 : i32
      %mul3A_198 = arith.muli %add3A_81, %mul3A_197 : i32
      %add3A_199 = arith.constant 2 : i32
      %add3A_200 = arith.addi %mul3A_198, %add3A_199 : i32
      %dma_wait3A_201 = arith.constant 0 : i32
      %dma_wait3A_202 = arith.constant 2 : i32
      %dma_wait3A_203 = arith.constant 0 : i32
      %dma_wait3A_204 = arith.constant 0 : i32
      %dma_wait3A_205 = arith.constant 0 : i32
      %dma_wait3A_206 = tpu.memref_slice %arg12[%dma_wait3A_203, %dma_wait3A_204, %dma_wait3A_205] : memref<2x125x128xf32, #tpu.memory_space<vmem>> -> memref<1x125x128xf32, #tpu.memory_space<vmem>>
      %dma_wait3A_207 = tpu.memref_squeeze %dma_wait3A_206 : memref<1x125x128xf32, #tpu.memory_space<vmem>> -> memref<125x128xf32, #tpu.memory_space<vmem>>
      %dma_wait3A_208 = arith.constant 0 : i32
      %dma_wait3A_209 = tpu.memref_slice %arg10[%dma_wait3A_201, %dma_wait3A_202, %dma_wait3A_208] : memref<2x8x125xi32, #tpu.memory_space<vmem>> -> memref<1x1x125xi32, #tpu.memory_space<vmem>>
      %dma_wait3A_210 = tpu.memref_squeeze %dma_wait3A_209 : memref<1x1x125xi32, #tpu.memory_space<vmem>> -> memref<125xi32, #tpu.memory_space<vmem>>
      %dma_wait3A_211 = arith.constant 0 : i32
      %dma_wait3A_212 = arith.constant 0 : i32
      %dma_wait3A_213 = tpu.memref_slice %arg2[%dma_wait3A_211, %dma_wait3A_212] : memref<10240x128xf32, #tpu.memory_space<hbm>> -> memref<10240x128xf32, #tpu.memory_space<hbm>>
      tpu.wait_indirect_dma semaphore(%arg14 : memref<!tpu.dma_semaphore, #tpu.memory_space<semaphore_mem>>) src(%dma_wait3A_213 : memref<10240x128xf32, #tpu.memory_space<hbm>>) dst(%dma_wait3A_207 : memref<125x128xf32, #tpu.memory_space<vmem>>)
      %dma_wait3A_214 = arith.constant 0 : i32
      %dma_wait3A_215 = arith.constant 2 : i32
      %dma_wait3A_216 = arith.constant 0 : i32
      %dma_wait3A_217 = arith.constant 0 : i32
      %dma_wait3A_218 = tpu.memref_slice %arg13[%dma_wait3A_216, %dma_wait3A_217] : memref<2x125xf32, #tpu.memory_space<vmem>> -> memref<1x125xf32, #tpu.memory_space<vmem>>
      %dma_wait3A_219 = tpu.memref_squeeze %dma_wait3A_218 : memref<1x125xf32, #tpu.memory_space<vmem>> -> memref<125xf32, #tpu.memory_space<vmem>>
      %dma_wait3A_220 = arith.constant 0 : i32
      %dma_wait3A_221 = tpu.memref_slice %arg11[%dma_wait3A_214, %dma_wait3A_215, %dma_wait3A_220] : memref<2x8x125xi32, #tpu.memory_space<vmem>> -> memref<1x1x125xi32, #tpu.memory_space<vmem>>
      %dma_wait3A_222 = tpu.memref_squeeze %dma_wait3A_221 : memref<1x1x125xi32, #tpu.memory_space<vmem>> -> memref<125xi32, #tpu.memory_space<vmem>>
      %dma_wait3A_223 = arith.constant 0 : i32
      %dma_wait3A_224 = tpu.memref_slice %arg3[%dma_wait3A_223] : memref<10240xf32, #tpu.memory_space<hbm>> -> memref<10240xf32, #tpu.memory_space<hbm>>
      tpu.wait_indirect_dma semaphore(%arg15 : memref<!tpu.dma_semaphore, #tpu.memory_space<semaphore_mem>>) src(%dma_wait3A_224 : memref<10240xf32, #tpu.memory_space<hbm>>) dst(%dma_wait3A_219 : memref<125xf32, #tpu.memory_space<vmem>>)
      %dma_start3A_225 = arith.constant 0 : i32
      %dma_start3A_226 = arith.constant 3 : i32
      %dma_start3A_227 = arith.constant 1 : i32
      %dma_start3A_228 = arith.constant 0 : i32
      %dma_start3A_229 = arith.constant 0 : i32
      %dma_start3A_230 = tpu.memref_slice %arg12[%dma_start3A_227, %dma_start3A_228, %dma_start3A_229] : memref<2x125x128xf32, #tpu.memory_space<vmem>> -> memref<1x125x128xf32, #tpu.memory_space<vmem>>
      %dma_start3A_231 = tpu.memref_squeeze %dma_start3A_230 : memref<1x125x128xf32, #tpu.memory_space<vmem>> -> memref<125x128xf32, #tpu.memory_space<vmem>>
      %dma_start3A_232 = arith.constant 0 : i32
      %dma_start3A_233 = tpu.memref_slice %arg10[%dma_start3A_225, %dma_start3A_226, %dma_start3A_232] : memref<2x8x125xi32, #tpu.memory_space<vmem>> -> memref<1x1x125xi32, #tpu.memory_space<vmem>>
      %dma_start3A_234 = tpu.memref_squeeze %dma_start3A_233 : memref<1x1x125xi32, #tpu.memory_space<vmem>> -> memref<125xi32, #tpu.memory_space<vmem>>
      %dma_start3A_235 = arith.constant 0 : i32
      %dma_start3A_236 = arith.constant 0 : i32
      %dma_start3A_237 = tpu.memref_slice %arg2[%dma_start3A_235, %dma_start3A_236] : memref<10240x128xf32, #tpu.memory_space<hbm>> -> memref<10240x128xf32, #tpu.memory_space<hbm>>
      tpu.enqueue_indirect_dma source(%dma_start3A_237 : memref<10240x128xf32, #tpu.memory_space<hbm>>) target(%dma_start3A_231 : memref<125x128xf32, #tpu.memory_space<vmem>>) offsets(%dma_start3A_234 : memref<125xi32, #tpu.memory_space<vmem>>) semaphore(%arg14 : memref<!tpu.dma_semaphore, #tpu.memory_space<semaphore_mem>>)
      %dma_start3A_238 = arith.constant 0 : i32
      %dma_start3A_239 = arith.constant 3 : i32
      %dma_start3A_240 = arith.constant 1 : i32
      %dma_start3A_241 = arith.constant 0 : i32
      %dma_start3A_242 = tpu.memref_slice %arg13[%dma_start3A_240, %dma_start3A_241] : memref<2x125xf32, #tpu.memory_space<vmem>> -> memref<1x125xf32, #tpu.memory_space<vmem>>
      %dma_start3A_243 = tpu.memref_squeeze %dma_start3A_242 : memref<1x125xf32, #tpu.memory_space<vmem>> -> memref<125xf32, #tpu.memory_space<vmem>>
      %dma_start3A_244 = arith.constant 0 : i32
      %dma_start3A_245 = tpu.memref_slice %arg11[%dma_start3A_238, %dma_start3A_239, %dma_start3A_244] : memref<2x8x125xi32, #tpu.memory_space<vmem>> -> memref<1x1x125xi32, #tpu.memory_space<vmem>>
      %dma_start3A_246 = tpu.memref_squeeze %dma_start3A_245 : memref<1x1x125xi32, #tpu.memory_space<vmem>> -> memref<125xi32, #tpu.memory_space<vmem>>
      %dma_start3A_247 = arith.constant 0 : i32
      %dma_start3A_248 = tpu.memref_slice %arg3[%dma_start3A_247] : memref<10240xf32, #tpu.memory_space<hbm>> -> memref<10240xf32, #tpu.memory_space<hbm>>
      tpu.enqueue_indirect_dma source(%dma_start3A_248 : memref<10240xf32, #tpu.memory_space<hbm>>) target(%dma_start3A_243 : memref<125xf32, #tpu.memory_space<vmem>>) offsets(%dma_start3A_246 : memref<125xi32, #tpu.memory_space<vmem>>) semaphore(%arg15 : memref<!tpu.dma_semaphore, #tpu.memory_space<semaphore_mem>>)
      %run_scoped3A_249 = arith.constant 0 : i32
      %run_scoped3A_250 = arith.constant 0 : i32
      %run_scoped3A_251 = arith.constant 2 : i32
      "tpu.region"() ({
        %run_scoped3A_990 = tpu.sem_alloc : memref<!tpu.dma_semaphore, #tpu.memory_space<semaphore_mem>>
        %dma_start3A_991 = arith.constant 0 : i32
        %dma_start3A_992 = arith.constant 0 : i32
        %dma_start3A_993 = tpu.memref_slice %arg12[%run_scoped3A_249, %dma_start3A_991, %dma_start3A_992] : memref<2x125x128xf32, #tpu.memory_space<vmem>> -> memref<1x125x128xf32, #tpu.memory_space<vmem>>
        %dma_start3A_994 = tpu.memref_squeeze %dma_start3A_993 : memref<1x125x128xf32, #tpu.memory_space<vmem>> -> memref<125x128xf32, #tpu.memory_space<vmem>>
        %dma_start3A_995 = arith.constant 0 : i32
        %dma_start3A_996 = tpu.memref_slice %arg11[%run_scoped3A_250, %run_scoped3A_251, %dma_start3A_995] : memref<2x8x125xi32, #tpu.memory_space<vmem>> -> memref<1x1x125xi32, #tpu.memory_space<vmem>>
        %dma_start3A_997 = tpu.memref_squeeze %dma_start3A_996 : memref<1x1x125xi32, #tpu.memory_space<vmem>> -> memref<125xi32, #tpu.memory_space<vmem>>
        %dma_start3A_998 = arith.constant 0 : i32
        %dma_start3A_999 = arith.constant 0 : i32
        %dma_start3A_1000 = tpu.memref_slice %arg17[%dma_start3A_998, %dma_start3A_999] : memref<10240x128xf32, #tpu.memory_space<vmem_shared>> -> memref<10240x128xf32, #tpu.memory_space<vmem_shared>>
        tpu.enqueue_indirect_dma source(%dma_start3A_994 : memref<125x128xf32, #tpu.memory_space<vmem>>) target(%dma_start3A_1000 : memref<10240x128xf32, #tpu.memory_space<vmem_shared>>) offsets(%dma_start3A_997 : memref<125xi32, #tpu.memory_space<vmem>>) semaphore(%run_scoped3A_990 : memref<!tpu.dma_semaphore, #tpu.memory_space<semaphore_mem>>) {add = true}
        %dma_wait3A_1001 = arith.constant 0 : i32
        %dma_wait3A_1002 = arith.constant 0 : i32
        %dma_wait3A_1003 = tpu.memref_slice %arg12[%run_scoped3A_249, %dma_wait3A_1001, %dma_wait3A_1002] : memref<2x125x128xf32, #tpu.memory_space<vmem>> -> memref<1x125x128xf32, #tpu.memory_space<vmem>>
        %dma_wait3A_1004 = tpu.memref_squeeze %dma_wait3A_1003 : memref<1x125x128xf32, #tpu.memory_space<vmem>> -> memref<125x128xf32, #tpu.memory_space<vmem>>
        %dma_wait3A_1005 = arith.constant 0 : i32
        %dma_wait3A_1006 = tpu.memref_slice %arg11[%run_scoped3A_250, %run_scoped3A_251, %dma_wait3A_1005] : memref<2x8x125xi32, #tpu.memory_space<vmem>> -> memref<1x1x125xi32, #tpu.memory_space<vmem>>
        %dma_wait3A_1007 = tpu.memref_squeeze %dma_wait3A_1006 : memref<1x1x125xi32, #tpu.memory_space<vmem>> -> memref<125xi32, #tpu.memory_space<vmem>>
        %dma_wait3A_1008 = arith.constant 0 : i32
        %dma_wait3A_1009 = arith.constant 0 : i32
        %dma_wait3A_1010 = tpu.memref_slice %arg17[%dma_wait3A_1008, %dma_wait3A_1009] : memref<10240x128xf32, #tpu.memory_space<vmem_shared>> -> memref<10240x128xf32, #tpu.memory_space<vmem_shared>>
        tpu.wait_indirect_dma semaphore(%run_scoped3A_990 : memref<!tpu.dma_semaphore, #tpu.memory_space<semaphore_mem>>) src(%dma_wait3A_1004 : memref<125x128xf32, #tpu.memory_space<vmem>>) dst(%dma_wait3A_1010 : memref<10240x128xf32, #tpu.memory_space<vmem_shared>>)
        tpu.yield
      }) : () -> ()
      %run_scoped3A_252 = arith.constant 0 : i32
      %run_scoped3A_253 = arith.constant 0 : i32
      %run_scoped3A_254 = arith.constant 2 : i32
      "tpu.region"() ({
        %run_scoped3A_990 = tpu.sem_alloc : memref<!tpu.dma_semaphore, #tpu.memory_space<semaphore_mem>>
        %dma_start3A_991 = arith.constant 0 : i32
        %dma_start3A_992 = tpu.memref_slice %arg13[%run_scoped3A_252, %dma_start3A_991] : memref<2x125xf32, #tpu.memory_space<vmem>> -> memref<1x125xf32, #tpu.memory_space<vmem>>
        %dma_start3A_993 = tpu.memref_squeeze %dma_start3A_992 : memref<1x125xf32, #tpu.memory_space<vmem>> -> memref<125xf32, #tpu.memory_space<vmem>>
        %dma_start3A_994 = arith.constant 0 : i32
        %dma_start3A_995 = tpu.memref_slice %arg10[%run_scoped3A_253, %run_scoped3A_254, %dma_start3A_994] : memref<2x8x125xi32, #tpu.memory_space<vmem>> -> memref<1x1x125xi32, #tpu.memory_space<vmem>>
        %dma_start3A_996 = tpu.memref_squeeze %dma_start3A_995 : memref<1x1x125xi32, #tpu.memory_space<vmem>> -> memref<125xi32, #tpu.memory_space<vmem>>
        %dma_start3A_997 = arith.constant 0 : i32
        %dma_start3A_998 = tpu.memref_slice %arg18[%dma_start3A_997] : memref<10240xf32, #tpu.memory_space<vmem_shared>> -> memref<10240xf32, #tpu.memory_space<vmem_shared>>
        tpu.enqueue_indirect_dma source(%dma_start3A_993 : memref<125xf32, #tpu.memory_space<vmem>>) target(%dma_start3A_998 : memref<10240xf32, #tpu.memory_space<vmem_shared>>) offsets(%dma_start3A_996 : memref<125xi32, #tpu.memory_space<vmem>>) semaphore(%run_scoped3A_990 : memref<!tpu.dma_semaphore, #tpu.memory_space<semaphore_mem>>) {add = true}
        %dma_wait3A_999 = arith.constant 0 : i32
        %dma_wait3A_1000 = tpu.memref_slice %arg13[%run_scoped3A_252, %dma_wait3A_999] : memref<2x125xf32, #tpu.memory_space<vmem>> -> memref<1x125xf32, #tpu.memory_space<vmem>>
        %dma_wait3A_1001 = tpu.memref_squeeze %dma_wait3A_1000 : memref<1x125xf32, #tpu.memory_space<vmem>> -> memref<125xf32, #tpu.memory_space<vmem>>
        %dma_wait3A_1002 = arith.constant 0 : i32
        %dma_wait3A_1003 = tpu.memref_slice %arg10[%run_scoped3A_253, %run_scoped3A_254, %dma_wait3A_1002] : memref<2x8x125xi32, #tpu.memory_space<vmem>> -> memref<1x1x125xi32, #tpu.memory_space<vmem>>
        %dma_wait3A_1004 = tpu.memref_squeeze %dma_wait3A_1003 : memref<1x1x125xi32, #tpu.memory_space<vmem>> -> memref<125xi32, #tpu.memory_space<vmem>>
        %dma_wait3A_1005 = arith.constant 0 : i32
        %dma_wait3A_1006 = tpu.memref_slice %arg18[%dma_wait3A_1005] : memref<10240xf32, #tpu.memory_space<vmem_shared>> -> memref<10240xf32, #tpu.memory_space<vmem_shared>>
        tpu.wait_indirect_dma semaphore(%run_scoped3A_990 : memref<!tpu.dma_semaphore, #tpu.memory_space<semaphore_mem>>) src(%dma_wait3A_1001 : memref<125xf32, #tpu.memory_space<vmem>>) dst(%dma_wait3A_1006 : memref<10240xf32, #tpu.memory_space<vmem_shared>>)
        tpu.yield
      }) : () -> ()
      %mul3A_255 = arith.constant 8 : i32
      %mul3A_256 = arith.muli %add3A_81, %mul3A_255 : i32
      %add3A_257 = arith.constant 3 : i32
      %add3A_258 = arith.addi %mul3A_256, %add3A_257 : i32
      %dma_wait3A_259 = arith.constant 0 : i32
      %dma_wait3A_260 = arith.constant 3 : i32
      %dma_wait3A_261 = arith.constant 1 : i32
      %dma_wait3A_262 = arith.constant 0 : i32
      %dma_wait3A_263 = arith.constant 0 : i32
      %dma_wait3A_264 = tpu.memref_slice %arg12[%dma_wait3A_261, %dma_wait3A_262, %dma_wait3A_263] : memref<2x125x128xf32, #tpu.memory_space<vmem>> -> memref<1x125x128xf32, #tpu.memory_space<vmem>>
      %dma_wait3A_265 = tpu.memref_squeeze %dma_wait3A_264 : memref<1x125x128xf32, #tpu.memory_space<vmem>> -> memref<125x128xf32, #tpu.memory_space<vmem>>
      %dma_wait3A_266 = arith.constant 0 : i32
      %dma_wait3A_267 = tpu.memref_slice %arg10[%dma_wait3A_259, %dma_wait3A_260, %dma_wait3A_266] : memref<2x8x125xi32, #tpu.memory_space<vmem>> -> memref<1x1x125xi32, #tpu.memory_space<vmem>>
      %dma_wait3A_268 = tpu.memref_squeeze %dma_wait3A_267 : memref<1x1x125xi32, #tpu.memory_space<vmem>> -> memref<125xi32, #tpu.memory_space<vmem>>
      %dma_wait3A_269 = arith.constant 0 : i32
      %dma_wait3A_270 = arith.constant 0 : i32
      %dma_wait3A_271 = tpu.memref_slice %arg2[%dma_wait3A_269, %dma_wait3A_270] : memref<10240x128xf32, #tpu.memory_space<hbm>> -> memref<10240x128xf32, #tpu.memory_space<hbm>>
      tpu.wait_indirect_dma semaphore(%arg14 : memref<!tpu.dma_semaphore, #tpu.memory_space<semaphore_mem>>) src(%dma_wait3A_271 : memref<10240x128xf32, #tpu.memory_space<hbm>>) dst(%dma_wait3A_265 : memref<125x128xf32, #tpu.memory_space<vmem>>)
      %dma_wait3A_272 = arith.constant 0 : i32
      %dma_wait3A_273 = arith.constant 3 : i32
      %dma_wait3A_274 = arith.constant 1 : i32
      %dma_wait3A_275 = arith.constant 0 : i32
      %dma_wait3A_276 = tpu.memref_slice %arg13[%dma_wait3A_274, %dma_wait3A_275] : memref<2x125xf32, #tpu.memory_space<vmem>> -> memref<1x125xf32, #tpu.memory_space<vmem>>
      %dma_wait3A_277 = tpu.memref_squeeze %dma_wait3A_276 : memref<1x125xf32, #tpu.memory_space<vmem>> -> memref<125xf32, #tpu.memory_space<vmem>>
      %dma_wait3A_278 = arith.constant 0 : i32
      %dma_wait3A_279 = tpu.memref_slice %arg11[%dma_wait3A_272, %dma_wait3A_273, %dma_wait3A_278] : memref<2x8x125xi32, #tpu.memory_space<vmem>> -> memref<1x1x125xi32, #tpu.memory_space<vmem>>
      %dma_wait3A_280 = tpu.memref_squeeze %dma_wait3A_279 : memref<1x1x125xi32, #tpu.memory_space<vmem>> -> memref<125xi32, #tpu.memory_space<vmem>>
      %dma_wait3A_281 = arith.constant 0 : i32
      %dma_wait3A_282 = tpu.memref_slice %arg3[%dma_wait3A_281] : memref<10240xf32, #tpu.memory_space<hbm>> -> memref<10240xf32, #tpu.memory_space<hbm>>
      tpu.wait_indirect_dma semaphore(%arg15 : memref<!tpu.dma_semaphore, #tpu.memory_space<semaphore_mem>>) src(%dma_wait3A_282 : memref<10240xf32, #tpu.memory_space<hbm>>) dst(%dma_wait3A_277 : memref<125xf32, #tpu.memory_space<vmem>>)
      %dma_start3A_283 = arith.constant 0 : i32
      %dma_start3A_284 = arith.constant 4 : i32
      %dma_start3A_285 = arith.constant 0 : i32
      %dma_start3A_286 = arith.constant 0 : i32
      %dma_start3A_287 = arith.constant 0 : i32
      %dma_start3A_288 = tpu.memref_slice %arg12[%dma_start3A_285, %dma_start3A_286, %dma_start3A_287] : memref<2x125x128xf32, #tpu.memory_space<vmem>> -> memref<1x125x128xf32, #tpu.memory_space<vmem>>
      %dma_start3A_289 = tpu.memref_squeeze %dma_start3A_288 : memref<1x125x128xf32, #tpu.memory_space<vmem>> -> memref<125x128xf32, #tpu.memory_space<vmem>>
      %dma_start3A_290 = arith.constant 0 : i32
      %dma_start3A_291 = tpu.memref_slice %arg10[%dma_start3A_283, %dma_start3A_284, %dma_start3A_290] : memref<2x8x125xi32, #tpu.memory_space<vmem>> -> memref<1x1x125xi32, #tpu.memory_space<vmem>>
      %dma_start3A_292 = tpu.memref_squeeze %dma_start3A_291 : memref<1x1x125xi32, #tpu.memory_space<vmem>> -> memref<125xi32, #tpu.memory_space<vmem>>
      %dma_start3A_293 = arith.constant 0 : i32
      %dma_start3A_294 = arith.constant 0 : i32
      %dma_start3A_295 = tpu.memref_slice %arg2[%dma_start3A_293, %dma_start3A_294] : memref<10240x128xf32, #tpu.memory_space<hbm>> -> memref<10240x128xf32, #tpu.memory_space<hbm>>
      tpu.enqueue_indirect_dma source(%dma_start3A_295 : memref<10240x128xf32, #tpu.memory_space<hbm>>) target(%dma_start3A_289 : memref<125x128xf32, #tpu.memory_space<vmem>>) offsets(%dma_start3A_292 : memref<125xi32, #tpu.memory_space<vmem>>) semaphore(%arg14 : memref<!tpu.dma_semaphore, #tpu.memory_space<semaphore_mem>>)
      %dma_start3A_296 = arith.constant 0 : i32
      %dma_start3A_297 = arith.constant 4 : i32
      %dma_start3A_298 = arith.constant 0 : i32
      %dma_start3A_299 = arith.constant 0 : i32
      %dma_start3A_300 = tpu.memref_slice %arg13[%dma_start3A_298, %dma_start3A_299] : memref<2x125xf32, #tpu.memory_space<vmem>> -> memref<1x125xf32, #tpu.memory_space<vmem>>
      %dma_start3A_301 = tpu.memref_squeeze %dma_start3A_300 : memref<1x125xf32, #tpu.memory_space<vmem>> -> memref<125xf32, #tpu.memory_space<vmem>>
      %dma_start3A_302 = arith.constant 0 : i32
      %dma_start3A_303 = tpu.memref_slice %arg11[%dma_start3A_296, %dma_start3A_297, %dma_start3A_302] : memref<2x8x125xi32, #tpu.memory_space<vmem>> -> memref<1x1x125xi32, #tpu.memory_space<vmem>>
      %dma_start3A_304 = tpu.memref_squeeze %dma_start3A_303 : memref<1x1x125xi32, #tpu.memory_space<vmem>> -> memref<125xi32, #tpu.memory_space<vmem>>
      %dma_start3A_305 = arith.constant 0 : i32
      %dma_start3A_306 = tpu.memref_slice %arg3[%dma_start3A_305] : memref<10240xf32, #tpu.memory_space<hbm>> -> memref<10240xf32, #tpu.memory_space<hbm>>
      tpu.enqueue_indirect_dma source(%dma_start3A_306 : memref<10240xf32, #tpu.memory_space<hbm>>) target(%dma_start3A_301 : memref<125xf32, #tpu.memory_space<vmem>>) offsets(%dma_start3A_304 : memref<125xi32, #tpu.memory_space<vmem>>) semaphore(%arg15 : memref<!tpu.dma_semaphore, #tpu.memory_space<semaphore_mem>>)
      %run_scoped3A_307 = arith.constant 1 : i32
      %run_scoped3A_308 = arith.constant 0 : i32
      %run_scoped3A_309 = arith.constant 3 : i32
      "tpu.region"() ({
        %run_scoped3A_990 = tpu.sem_alloc : memref<!tpu.dma_semaphore, #tpu.memory_space<semaphore_mem>>
        %dma_start3A_991 = arith.constant 0 : i32
        %dma_start3A_992 = arith.constant 0 : i32
        %dma_start3A_993 = tpu.memref_slice %arg12[%run_scoped3A_307, %dma_start3A_991, %dma_start3A_992] : memref<2x125x128xf32, #tpu.memory_space<vmem>> -> memref<1x125x128xf32, #tpu.memory_space<vmem>>
        %dma_start3A_994 = tpu.memref_squeeze %dma_start3A_993 : memref<1x125x128xf32, #tpu.memory_space<vmem>> -> memref<125x128xf32, #tpu.memory_space<vmem>>
        %dma_start3A_995 = arith.constant 0 : i32
        %dma_start3A_996 = tpu.memref_slice %arg11[%run_scoped3A_308, %run_scoped3A_309, %dma_start3A_995] : memref<2x8x125xi32, #tpu.memory_space<vmem>> -> memref<1x1x125xi32, #tpu.memory_space<vmem>>
        %dma_start3A_997 = tpu.memref_squeeze %dma_start3A_996 : memref<1x1x125xi32, #tpu.memory_space<vmem>> -> memref<125xi32, #tpu.memory_space<vmem>>
        %dma_start3A_998 = arith.constant 0 : i32
        %dma_start3A_999 = arith.constant 0 : i32
        %dma_start3A_1000 = tpu.memref_slice %arg17[%dma_start3A_998, %dma_start3A_999] : memref<10240x128xf32, #tpu.memory_space<vmem_shared>> -> memref<10240x128xf32, #tpu.memory_space<vmem_shared>>
        tpu.enqueue_indirect_dma source(%dma_start3A_994 : memref<125x128xf32, #tpu.memory_space<vmem>>) target(%dma_start3A_1000 : memref<10240x128xf32, #tpu.memory_space<vmem_shared>>) offsets(%dma_start3A_997 : memref<125xi32, #tpu.memory_space<vmem>>) semaphore(%run_scoped3A_990 : memref<!tpu.dma_semaphore, #tpu.memory_space<semaphore_mem>>) {add = true}
        %dma_wait3A_1001 = arith.constant 0 : i32
        %dma_wait3A_1002 = arith.constant 0 : i32
        %dma_wait3A_1003 = tpu.memref_slice %arg12[%run_scoped3A_307, %dma_wait3A_1001, %dma_wait3A_1002] : memref<2x125x128xf32, #tpu.memory_space<vmem>> -> memref<1x125x128xf32, #tpu.memory_space<vmem>>
        %dma_wait3A_1004 = tpu.memref_squeeze %dma_wait3A_1003 : memref<1x125x128xf32, #tpu.memory_space<vmem>> -> memref<125x128xf32, #tpu.memory_space<vmem>>
        %dma_wait3A_1005 = arith.constant 0 : i32
        %dma_wait3A_1006 = tpu.memref_slice %arg11[%run_scoped3A_308, %run_scoped3A_309, %dma_wait3A_1005] : memref<2x8x125xi32, #tpu.memory_space<vmem>> -> memref<1x1x125xi32, #tpu.memory_space<vmem>>
        %dma_wait3A_1007 = tpu.memref_squeeze %dma_wait3A_1006 : memref<1x1x125xi32, #tpu.memory_space<vmem>> -> memref<125xi32, #tpu.memory_space<vmem>>
        %dma_wait3A_1008 = arith.constant 0 : i32
        %dma_wait3A_1009 = arith.constant 0 : i32
        %dma_wait3A_1010 = tpu.memref_slice %arg17[%dma_wait3A_1008, %dma_wait3A_1009] : memref<10240x128xf32, #tpu.memory_space<vmem_shared>> -> memref<10240x128xf32, #tpu.memory_space<vmem_shared>>
        tpu.wait_indirect_dma semaphore(%run_scoped3A_990 : memref<!tpu.dma_semaphore, #tpu.memory_space<semaphore_mem>>) src(%dma_wait3A_1004 : memref<125x128xf32, #tpu.memory_space<vmem>>) dst(%dma_wait3A_1010 : memref<10240x128xf32, #tpu.memory_space<vmem_shared>>)
        tpu.yield
      }) : () -> ()
      %run_scoped3A_310 = arith.constant 1 : i32
      %run_scoped3A_311 = arith.constant 0 : i32
      %run_scoped3A_312 = arith.constant 3 : i32
      "tpu.region"() ({
        %run_scoped3A_990 = tpu.sem_alloc : memref<!tpu.dma_semaphore, #tpu.memory_space<semaphore_mem>>
        %dma_start3A_991 = arith.constant 0 : i32
        %dma_start3A_992 = tpu.memref_slice %arg13[%run_scoped3A_310, %dma_start3A_991] : memref<2x125xf32, #tpu.memory_space<vmem>> -> memref<1x125xf32, #tpu.memory_space<vmem>>
        %dma_start3A_993 = tpu.memref_squeeze %dma_start3A_992 : memref<1x125xf32, #tpu.memory_space<vmem>> -> memref<125xf32, #tpu.memory_space<vmem>>
        %dma_start3A_994 = arith.constant 0 : i32
        %dma_start3A_995 = tpu.memref_slice %arg10[%run_scoped3A_311, %run_scoped3A_312, %dma_start3A_994] : memref<2x8x125xi32, #tpu.memory_space<vmem>> -> memref<1x1x125xi32, #tpu.memory_space<vmem>>
        %dma_start3A_996 = tpu.memref_squeeze %dma_start3A_995 : memref<1x1x125xi32, #tpu.memory_space<vmem>> -> memref<125xi32, #tpu.memory_space<vmem>>
        %dma_start3A_997 = arith.constant 0 : i32
        %dma_start3A_998 = tpu.memref_slice %arg18[%dma_start3A_997] : memref<10240xf32, #tpu.memory_space<vmem_shared>> -> memref<10240xf32, #tpu.memory_space<vmem_shared>>
        tpu.enqueue_indirect_dma source(%dma_start3A_993 : memref<125xf32, #tpu.memory_space<vmem>>) target(%dma_start3A_998 : memref<10240xf32, #tpu.memory_space<vmem_shared>>) offsets(%dma_start3A_996 : memref<125xi32, #tpu.memory_space<vmem>>) semaphore(%run_scoped3A_990 : memref<!tpu.dma_semaphore, #tpu.memory_space<semaphore_mem>>) {add = true}
        %dma_wait3A_999 = arith.constant 0 : i32
        %dma_wait3A_1000 = tpu.memref_slice %arg13[%run_scoped3A_310, %dma_wait3A_999] : memref<2x125xf32, #tpu.memory_space<vmem>> -> memref<1x125xf32, #tpu.memory_space<vmem>>
        %dma_wait3A_1001 = tpu.memref_squeeze %dma_wait3A_1000 : memref<1x125xf32, #tpu.memory_space<vmem>> -> memref<125xf32, #tpu.memory_space<vmem>>
        %dma_wait3A_1002 = arith.constant 0 : i32
        %dma_wait3A_1003 = tpu.memref_slice %arg10[%run_scoped3A_311, %run_scoped3A_312, %dma_wait3A_1002] : memref<2x8x125xi32, #tpu.memory_space<vmem>> -> memref<1x1x125xi32, #tpu.memory_space<vmem>>
        %dma_wait3A_1004 = tpu.memref_squeeze %dma_wait3A_1003 : memref<1x1x125xi32, #tpu.memory_space<vmem>> -> memref<125xi32, #tpu.memory_space<vmem>>
        %dma_wait3A_1005 = arith.constant 0 : i32
        %dma_wait3A_1006 = tpu.memref_slice %arg18[%dma_wait3A_1005] : memref<10240xf32, #tpu.memory_space<vmem_shared>> -> memref<10240xf32, #tpu.memory_space<vmem_shared>>
        tpu.wait_indirect_dma semaphore(%run_scoped3A_990 : memref<!tpu.dma_semaphore, #tpu.memory_space<semaphore_mem>>) src(%dma_wait3A_1001 : memref<125xf32, #tpu.memory_space<vmem>>) dst(%dma_wait3A_1006 : memref<10240xf32, #tpu.memory_space<vmem_shared>>)
        tpu.yield
      }) : () -> ()
      %mul3A_313 = arith.constant 8 : i32
      %mul3A_314 = arith.muli %add3A_81, %mul3A_313 : i32
      %add3A_315 = arith.constant 4 : i32
      %add3A_316 = arith.addi %mul3A_314, %add3A_315 : i32
      %dma_wait3A_317 = arith.constant 0 : i32
      %dma_wait3A_318 = arith.constant 4 : i32
      %dma_wait3A_319 = arith.constant 0 : i32
      %dma_wait3A_320 = arith.constant 0 : i32
      %dma_wait3A_321 = arith.constant 0 : i32
      %dma_wait3A_322 = tpu.memref_slice %arg12[%dma_wait3A_319, %dma_wait3A_320, %dma_wait3A_321] : memref<2x125x128xf32, #tpu.memory_space<vmem>> -> memref<1x125x128xf32, #tpu.memory_space<vmem>>
      %dma_wait3A_323 = tpu.memref_squeeze %dma_wait3A_322 : memref<1x125x128xf32, #tpu.memory_space<vmem>> -> memref<125x128xf32, #tpu.memory_space<vmem>>
      %dma_wait3A_324 = arith.constant 0 : i32
      %dma_wait3A_325 = tpu.memref_slice %arg10[%dma_wait3A_317, %dma_wait3A_318, %dma_wait3A_324] : memref<2x8x125xi32, #tpu.memory_space<vmem>> -> memref<1x1x125xi32, #tpu.memory_space<vmem>>
      %dma_wait3A_326 = tpu.memref_squeeze %dma_wait3A_325 : memref<1x1x125xi32, #tpu.memory_space<vmem>> -> memref<125xi32, #tpu.memory_space<vmem>>
      %dma_wait3A_327 = arith.constant 0 : i32
      %dma_wait3A_328 = arith.constant 0 : i32
      %dma_wait3A_329 = tpu.memref_slice %arg2[%dma_wait3A_327, %dma_wait3A_328] : memref<10240x128xf32, #tpu.memory_space<hbm>> -> memref<10240x128xf32, #tpu.memory_space<hbm>>
      tpu.wait_indirect_dma semaphore(%arg14 : memref<!tpu.dma_semaphore, #tpu.memory_space<semaphore_mem>>) src(%dma_wait3A_329 : memref<10240x128xf32, #tpu.memory_space<hbm>>) dst(%dma_wait3A_323 : memref<125x128xf32, #tpu.memory_space<vmem>>)
      %dma_wait3A_330 = arith.constant 0 : i32
      %dma_wait3A_331 = arith.constant 4 : i32
      %dma_wait3A_332 = arith.constant 0 : i32
      %dma_wait3A_333 = arith.constant 0 : i32
      %dma_wait3A_334 = tpu.memref_slice %arg13[%dma_wait3A_332, %dma_wait3A_333] : memref<2x125xf32, #tpu.memory_space<vmem>> -> memref<1x125xf32, #tpu.memory_space<vmem>>
      %dma_wait3A_335 = tpu.memref_squeeze %dma_wait3A_334 : memref<1x125xf32, #tpu.memory_space<vmem>> -> memref<125xf32, #tpu.memory_space<vmem>>
      %dma_wait3A_336 = arith.constant 0 : i32
      %dma_wait3A_337 = tpu.memref_slice %arg11[%dma_wait3A_330, %dma_wait3A_331, %dma_wait3A_336] : memref<2x8x125xi32, #tpu.memory_space<vmem>> -> memref<1x1x125xi32, #tpu.memory_space<vmem>>
      %dma_wait3A_338 = tpu.memref_squeeze %dma_wait3A_337 : memref<1x1x125xi32, #tpu.memory_space<vmem>> -> memref<125xi32, #tpu.memory_space<vmem>>
      %dma_wait3A_339 = arith.constant 0 : i32
      %dma_wait3A_340 = tpu.memref_slice %arg3[%dma_wait3A_339] : memref<10240xf32, #tpu.memory_space<hbm>> -> memref<10240xf32, #tpu.memory_space<hbm>>
      tpu.wait_indirect_dma semaphore(%arg15 : memref<!tpu.dma_semaphore, #tpu.memory_space<semaphore_mem>>) src(%dma_wait3A_340 : memref<10240xf32, #tpu.memory_space<hbm>>) dst(%dma_wait3A_335 : memref<125xf32, #tpu.memory_space<vmem>>)
      %dma_start3A_341 = arith.constant 0 : i32
      %dma_start3A_342 = arith.constant 5 : i32
      %dma_start3A_343 = arith.constant 1 : i32
      %dma_start3A_344 = arith.constant 0 : i32
      %dma_start3A_345 = arith.constant 0 : i32
      %dma_start3A_346 = tpu.memref_slice %arg12[%dma_start3A_343, %dma_start3A_344, %dma_start3A_345] : memref<2x125x128xf32, #tpu.memory_space<vmem>> -> memref<1x125x128xf32, #tpu.memory_space<vmem>>
      %dma_start3A_347 = tpu.memref_squeeze %dma_start3A_346 : memref<1x125x128xf32, #tpu.memory_space<vmem>> -> memref<125x128xf32, #tpu.memory_space<vmem>>
      %dma_start3A_348 = arith.constant 0 : i32
      %dma_start3A_349 = tpu.memref_slice %arg10[%dma_start3A_341, %dma_start3A_342, %dma_start3A_348] : memref<2x8x125xi32, #tpu.memory_space<vmem>> -> memref<1x1x125xi32, #tpu.memory_space<vmem>>
      %dma_start3A_350 = tpu.memref_squeeze %dma_start3A_349 : memref<1x1x125xi32, #tpu.memory_space<vmem>> -> memref<125xi32, #tpu.memory_space<vmem>>
      %dma_start3A_351 = arith.constant 0 : i32
      %dma_start3A_352 = arith.constant 0 : i32
      %dma_start3A_353 = tpu.memref_slice %arg2[%dma_start3A_351, %dma_start3A_352] : memref<10240x128xf32, #tpu.memory_space<hbm>> -> memref<10240x128xf32, #tpu.memory_space<hbm>>
      tpu.enqueue_indirect_dma source(%dma_start3A_353 : memref<10240x128xf32, #tpu.memory_space<hbm>>) target(%dma_start3A_347 : memref<125x128xf32, #tpu.memory_space<vmem>>) offsets(%dma_start3A_350 : memref<125xi32, #tpu.memory_space<vmem>>) semaphore(%arg14 : memref<!tpu.dma_semaphore, #tpu.memory_space<semaphore_mem>>)
      %dma_start3A_354 = arith.constant 0 : i32
      %dma_start3A_355 = arith.constant 5 : i32
      %dma_start3A_356 = arith.constant 1 : i32
      %dma_start3A_357 = arith.constant 0 : i32
      %dma_start3A_358 = tpu.memref_slice %arg13[%dma_start3A_356, %dma_start3A_357] : memref<2x125xf32, #tpu.memory_space<vmem>> -> memref<1x125xf32, #tpu.memory_space<vmem>>
      %dma_start3A_359 = tpu.memref_squeeze %dma_start3A_358 : memref<1x125xf32, #tpu.memory_space<vmem>> -> memref<125xf32, #tpu.memory_space<vmem>>
      %dma_start3A_360 = arith.constant 0 : i32
      %dma_start3A_361 = tpu.memref_slice %arg11[%dma_start3A_354, %dma_start3A_355, %dma_start3A_360] : memref<2x8x125xi32, #tpu.memory_space<vmem>> -> memref<1x1x125xi32, #tpu.memory_space<vmem>>
      %dma_start3A_362 = tpu.memref_squeeze %dma_start3A_361 : memref<1x1x125xi32, #tpu.memory_space<vmem>> -> memref<125xi32, #tpu.memory_space<vmem>>
      %dma_start3A_363 = arith.constant 0 : i32
      %dma_start3A_364 = tpu.memref_slice %arg3[%dma_start3A_363] : memref<10240xf32, #tpu.memory_space<hbm>> -> memref<10240xf32, #tpu.memory_space<hbm>>
      tpu.enqueue_indirect_dma source(%dma_start3A_364 : memref<10240xf32, #tpu.memory_space<hbm>>) target(%dma_start3A_359 : memref<125xf32, #tpu.memory_space<vmem>>) offsets(%dma_start3A_362 : memref<125xi32, #tpu.memory_space<vmem>>) semaphore(%arg15 : memref<!tpu.dma_semaphore, #tpu.memory_space<semaphore_mem>>)
      %run_scoped3A_365 = arith.constant 0 : i32
      %run_scoped3A_366 = arith.constant 0 : i32
      %run_scoped3A_367 = arith.constant 4 : i32
      "tpu.region"() ({
        %run_scoped3A_990 = tpu.sem_alloc : memref<!tpu.dma_semaphore, #tpu.memory_space<semaphore_mem>>
        %dma_start3A_991 = arith.constant 0 : i32
        %dma_start3A_992 = arith.constant 0 : i32
        %dma_start3A_993 = tpu.memref_slice %arg12[%run_scoped3A_365, %dma_start3A_991, %dma_start3A_992] : memref<2x125x128xf32, #tpu.memory_space<vmem>> -> memref<1x125x128xf32, #tpu.memory_space<vmem>>
        %dma_start3A_994 = tpu.memref_squeeze %dma_start3A_993 : memref<1x125x128xf32, #tpu.memory_space<vmem>> -> memref<125x128xf32, #tpu.memory_space<vmem>>
        %dma_start3A_995 = arith.constant 0 : i32
        %dma_start3A_996 = tpu.memref_slice %arg11[%run_scoped3A_366, %run_scoped3A_367, %dma_start3A_995] : memref<2x8x125xi32, #tpu.memory_space<vmem>> -> memref<1x1x125xi32, #tpu.memory_space<vmem>>
        %dma_start3A_997 = tpu.memref_squeeze %dma_start3A_996 : memref<1x1x125xi32, #tpu.memory_space<vmem>> -> memref<125xi32, #tpu.memory_space<vmem>>
        %dma_start3A_998 = arith.constant 0 : i32
        %dma_start3A_999 = arith.constant 0 : i32
        %dma_start3A_1000 = tpu.memref_slice %arg17[%dma_start3A_998, %dma_start3A_999] : memref<10240x128xf32, #tpu.memory_space<vmem_shared>> -> memref<10240x128xf32, #tpu.memory_space<vmem_shared>>
        tpu.enqueue_indirect_dma source(%dma_start3A_994 : memref<125x128xf32, #tpu.memory_space<vmem>>) target(%dma_start3A_1000 : memref<10240x128xf32, #tpu.memory_space<vmem_shared>>) offsets(%dma_start3A_997 : memref<125xi32, #tpu.memory_space<vmem>>) semaphore(%run_scoped3A_990 : memref<!tpu.dma_semaphore, #tpu.memory_space<semaphore_mem>>) {add = true}
        %dma_wait3A_1001 = arith.constant 0 : i32
        %dma_wait3A_1002 = arith.constant 0 : i32
        %dma_wait3A_1003 = tpu.memref_slice %arg12[%run_scoped3A_365, %dma_wait3A_1001, %dma_wait3A_1002] : memref<2x125x128xf32, #tpu.memory_space<vmem>> -> memref<1x125x128xf32, #tpu.memory_space<vmem>>
        %dma_wait3A_1004 = tpu.memref_squeeze %dma_wait3A_1003 : memref<1x125x128xf32, #tpu.memory_space<vmem>> -> memref<125x128xf32, #tpu.memory_space<vmem>>
        %dma_wait3A_1005 = arith.constant 0 : i32
        %dma_wait3A_1006 = tpu.memref_slice %arg11[%run_scoped3A_366, %run_scoped3A_367, %dma_wait3A_1005] : memref<2x8x125xi32, #tpu.memory_space<vmem>> -> memref<1x1x125xi32, #tpu.memory_space<vmem>>
        %dma_wait3A_1007 = tpu.memref_squeeze %dma_wait3A_1006 : memref<1x1x125xi32, #tpu.memory_space<vmem>> -> memref<125xi32, #tpu.memory_space<vmem>>
        %dma_wait3A_1008 = arith.constant 0 : i32
        %dma_wait3A_1009 = arith.constant 0 : i32
        %dma_wait3A_1010 = tpu.memref_slice %arg17[%dma_wait3A_1008, %dma_wait3A_1009] : memref<10240x128xf32, #tpu.memory_space<vmem_shared>> -> memref<10240x128xf32, #tpu.memory_space<vmem_shared>>
        tpu.wait_indirect_dma semaphore(%run_scoped3A_990 : memref<!tpu.dma_semaphore, #tpu.memory_space<semaphore_mem>>) src(%dma_wait3A_1004 : memref<125x128xf32, #tpu.memory_space<vmem>>) dst(%dma_wait3A_1010 : memref<10240x128xf32, #tpu.memory_space<vmem_shared>>)
        tpu.yield
      }) : () -> ()
      %run_scoped3A_368 = arith.constant 0 : i32
      %run_scoped3A_369 = arith.constant 0 : i32
      %run_scoped3A_370 = arith.constant 4 : i32
      "tpu.region"() ({
        %run_scoped3A_990 = tpu.sem_alloc : memref<!tpu.dma_semaphore, #tpu.memory_space<semaphore_mem>>
        %dma_start3A_991 = arith.constant 0 : i32
        %dma_start3A_992 = tpu.memref_slice %arg13[%run_scoped3A_368, %dma_start3A_991] : memref<2x125xf32, #tpu.memory_space<vmem>> -> memref<1x125xf32, #tpu.memory_space<vmem>>
        %dma_start3A_993 = tpu.memref_squeeze %dma_start3A_992 : memref<1x125xf32, #tpu.memory_space<vmem>> -> memref<125xf32, #tpu.memory_space<vmem>>
        %dma_start3A_994 = arith.constant 0 : i32
        %dma_start3A_995 = tpu.memref_slice %arg10[%run_scoped3A_369, %run_scoped3A_370, %dma_start3A_994] : memref<2x8x125xi32, #tpu.memory_space<vmem>> -> memref<1x1x125xi32, #tpu.memory_space<vmem>>
        %dma_start3A_996 = tpu.memref_squeeze %dma_start3A_995 : memref<1x1x125xi32, #tpu.memory_space<vmem>> -> memref<125xi32, #tpu.memory_space<vmem>>
        %dma_start3A_997 = arith.constant 0 : i32
        %dma_start3A_998 = tpu.memref_slice %arg18[%dma_start3A_997] : memref<10240xf32, #tpu.memory_space<vmem_shared>> -> memref<10240xf32, #tpu.memory_space<vmem_shared>>
        tpu.enqueue_indirect_dma source(%dma_start3A_993 : memref<125xf32, #tpu.memory_space<vmem>>) target(%dma_start3A_998 : memref<10240xf32, #tpu.memory_space<vmem_shared>>) offsets(%dma_start3A_996 : memref<125xi32, #tpu.memory_space<vmem>>) semaphore(%run_scoped3A_990 : memref<!tpu.dma_semaphore, #tpu.memory_space<semaphore_mem>>) {add = true}
        %dma_wait3A_999 = arith.constant 0 : i32
        %dma_wait3A_1000 = tpu.memref_slice %arg13[%run_scoped3A_368, %dma_wait3A_999] : memref<2x125xf32, #tpu.memory_space<vmem>> -> memref<1x125xf32, #tpu.memory_space<vmem>>
        %dma_wait3A_1001 = tpu.memref_squeeze %dma_wait3A_1000 : memref<1x125xf32, #tpu.memory_space<vmem>> -> memref<125xf32, #tpu.memory_space<vmem>>
        %dma_wait3A_1002 = arith.constant 0 : i32
        %dma_wait3A_1003 = tpu.memref_slice %arg10[%run_scoped3A_369, %run_scoped3A_370, %dma_wait3A_1002] : memref<2x8x125xi32, #tpu.memory_space<vmem>> -> memref<1x1x125xi32, #tpu.memory_space<vmem>>
        %dma_wait3A_1004 = tpu.memref_squeeze %dma_wait3A_1003 : memref<1x1x125xi32, #tpu.memory_space<vmem>> -> memref<125xi32, #tpu.memory_space<vmem>>
        %dma_wait3A_1005 = arith.constant 0 : i32
        %dma_wait3A_1006 = tpu.memref_slice %arg18[%dma_wait3A_1005] : memref<10240xf32, #tpu.memory_space<vmem_shared>> -> memref<10240xf32, #tpu.memory_space<vmem_shared>>
        tpu.wait_indirect_dma semaphore(%run_scoped3A_990 : memref<!tpu.dma_semaphore, #tpu.memory_space<semaphore_mem>>) src(%dma_wait3A_1001 : memref<125xf32, #tpu.memory_space<vmem>>) dst(%dma_wait3A_1006 : memref<10240xf32, #tpu.memory_space<vmem_shared>>)
        tpu.yield
      }) : () -> ()
      %mul3A_371 = arith.constant 8 : i32
      %mul3A_372 = arith.muli %add3A_81, %mul3A_371 : i32
      %add3A_373 = arith.constant 5 : i32
      %add3A_374 = arith.addi %mul3A_372, %add3A_373 : i32
      %dma_wait3A_375 = arith.constant 0 : i32
      %dma_wait3A_376 = arith.constant 5 : i32
      %dma_wait3A_377 = arith.constant 1 : i32
      %dma_wait3A_378 = arith.constant 0 : i32
      %dma_wait3A_379 = arith.constant 0 : i32
      %dma_wait3A_380 = tpu.memref_slice %arg12[%dma_wait3A_377, %dma_wait3A_378, %dma_wait3A_379] : memref<2x125x128xf32, #tpu.memory_space<vmem>> -> memref<1x125x128xf32, #tpu.memory_space<vmem>>
      %dma_wait3A_381 = tpu.memref_squeeze %dma_wait3A_380 : memref<1x125x128xf32, #tpu.memory_space<vmem>> -> memref<125x128xf32, #tpu.memory_space<vmem>>
      %dma_wait3A_382 = arith.constant 0 : i32
      %dma_wait3A_383 = tpu.memref_slice %arg10[%dma_wait3A_375, %dma_wait3A_376, %dma_wait3A_382] : memref<2x8x125xi32, #tpu.memory_space<vmem>> -> memref<1x1x125xi32, #tpu.memory_space<vmem>>
      %dma_wait3A_384 = tpu.memref_squeeze %dma_wait3A_383 : memref<1x1x125xi32, #tpu.memory_space<vmem>> -> memref<125xi32, #tpu.memory_space<vmem>>
      %dma_wait3A_385 = arith.constant 0 : i32
      %dma_wait3A_386 = arith.constant 0 : i32
      %dma_wait3A_387 = tpu.memref_slice %arg2[%dma_wait3A_385, %dma_wait3A_386] : memref<10240x128xf32, #tpu.memory_space<hbm>> -> memref<10240x128xf32, #tpu.memory_space<hbm>>
      tpu.wait_indirect_dma semaphore(%arg14 : memref<!tpu.dma_semaphore, #tpu.memory_space<semaphore_mem>>) src(%dma_wait3A_387 : memref<10240x128xf32, #tpu.memory_space<hbm>>) dst(%dma_wait3A_381 : memref<125x128xf32, #tpu.memory_space<vmem>>)
      %dma_wait3A_388 = arith.constant 0 : i32
      %dma_wait3A_389 = arith.constant 5 : i32
      %dma_wait3A_390 = arith.constant 1 : i32
      %dma_wait3A_391 = arith.constant 0 : i32
      %dma_wait3A_392 = tpu.memref_slice %arg13[%dma_wait3A_390, %dma_wait3A_391] : memref<2x125xf32, #tpu.memory_space<vmem>> -> memref<1x125xf32, #tpu.memory_space<vmem>>
      %dma_wait3A_393 = tpu.memref_squeeze %dma_wait3A_392 : memref<1x125xf32, #tpu.memory_space<vmem>> -> memref<125xf32, #tpu.memory_space<vmem>>
      %dma_wait3A_394 = arith.constant 0 : i32
      %dma_wait3A_395 = tpu.memref_slice %arg11[%dma_wait3A_388, %dma_wait3A_389, %dma_wait3A_394] : memref<2x8x125xi32, #tpu.memory_space<vmem>> -> memref<1x1x125xi32, #tpu.memory_space<vmem>>
      %dma_wait3A_396 = tpu.memref_squeeze %dma_wait3A_395 : memref<1x1x125xi32, #tpu.memory_space<vmem>> -> memref<125xi32, #tpu.memory_space<vmem>>
      %dma_wait3A_397 = arith.constant 0 : i32
      %dma_wait3A_398 = tpu.memref_slice %arg3[%dma_wait3A_397] : memref<10240xf32, #tpu.memory_space<hbm>> -> memref<10240xf32, #tpu.memory_space<hbm>>
      tpu.wait_indirect_dma semaphore(%arg15 : memref<!tpu.dma_semaphore, #tpu.memory_space<semaphore_mem>>) src(%dma_wait3A_398 : memref<10240xf32, #tpu.memory_space<hbm>>) dst(%dma_wait3A_393 : memref<125xf32, #tpu.memory_space<vmem>>)
      %dma_start3A_399 = arith.constant 0 : i32
      %dma_start3A_400 = arith.constant 6 : i32
      %dma_start3A_401 = arith.constant 0 : i32
      %dma_start3A_402 = arith.constant 0 : i32
      %dma_start3A_403 = arith.constant 0 : i32
      %dma_start3A_404 = tpu.memref_slice %arg12[%dma_start3A_401, %dma_start3A_402, %dma_start3A_403] : memref<2x125x128xf32, #tpu.memory_space<vmem>> -> memref<1x125x128xf32, #tpu.memory_space<vmem>>
      %dma_start3A_405 = tpu.memref_squeeze %dma_start3A_404 : memref<1x125x128xf32, #tpu.memory_space<vmem>> -> memref<125x128xf32, #tpu.memory_space<vmem>>
      %dma_start3A_406 = arith.constant 0 : i32
      %dma_start3A_407 = tpu.memref_slice %arg10[%dma_start3A_399, %dma_start3A_400, %dma_start3A_406] : memref<2x8x125xi32, #tpu.memory_space<vmem>> -> memref<1x1x125xi32, #tpu.memory_space<vmem>>
      %dma_start3A_408 = tpu.memref_squeeze %dma_start3A_407 : memref<1x1x125xi32, #tpu.memory_space<vmem>> -> memref<125xi32, #tpu.memory_space<vmem>>
      %dma_start3A_409 = arith.constant 0 : i32
      %dma_start3A_410 = arith.constant 0 : i32
      %dma_start3A_411 = tpu.memref_slice %arg2[%dma_start3A_409, %dma_start3A_410] : memref<10240x128xf32, #tpu.memory_space<hbm>> -> memref<10240x128xf32, #tpu.memory_space<hbm>>
      tpu.enqueue_indirect_dma source(%dma_start3A_411 : memref<10240x128xf32, #tpu.memory_space<hbm>>) target(%dma_start3A_405 : memref<125x128xf32, #tpu.memory_space<vmem>>) offsets(%dma_start3A_408 : memref<125xi32, #tpu.memory_space<vmem>>) semaphore(%arg14 : memref<!tpu.dma_semaphore, #tpu.memory_space<semaphore_mem>>)
      %dma_start3A_412 = arith.constant 0 : i32
      %dma_start3A_413 = arith.constant 6 : i32
      %dma_start3A_414 = arith.constant 0 : i32
      %dma_start3A_415 = arith.constant 0 : i32
      %dma_start3A_416 = tpu.memref_slice %arg13[%dma_start3A_414, %dma_start3A_415] : memref<2x125xf32, #tpu.memory_space<vmem>> -> memref<1x125xf32, #tpu.memory_space<vmem>>
      %dma_start3A_417 = tpu.memref_squeeze %dma_start3A_416 : memref<1x125xf32, #tpu.memory_space<vmem>> -> memref<125xf32, #tpu.memory_space<vmem>>
      %dma_start3A_418 = arith.constant 0 : i32
      %dma_start3A_419 = tpu.memref_slice %arg11[%dma_start3A_412, %dma_start3A_413, %dma_start3A_418] : memref<2x8x125xi32, #tpu.memory_space<vmem>> -> memref<1x1x125xi32, #tpu.memory_space<vmem>>
      %dma_start3A_420 = tpu.memref_squeeze %dma_start3A_419 : memref<1x1x125xi32, #tpu.memory_space<vmem>> -> memref<125xi32, #tpu.memory_space<vmem>>
      %dma_start3A_421 = arith.constant 0 : i32
      %dma_start3A_422 = tpu.memref_slice %arg3[%dma_start3A_421] : memref<10240xf32, #tpu.memory_space<hbm>> -> memref<10240xf32, #tpu.memory_space<hbm>>
      tpu.enqueue_indirect_dma source(%dma_start3A_422 : memref<10240xf32, #tpu.memory_space<hbm>>) target(%dma_start3A_417 : memref<125xf32, #tpu.memory_space<vmem>>) offsets(%dma_start3A_420 : memref<125xi32, #tpu.memory_space<vmem>>) semaphore(%arg15 : memref<!tpu.dma_semaphore, #tpu.memory_space<semaphore_mem>>)
      %run_scoped3A_423 = arith.constant 1 : i32
      %run_scoped3A_424 = arith.constant 0 : i32
      %run_scoped3A_425 = arith.constant 5 : i32
      "tpu.region"() ({
        %run_scoped3A_990 = tpu.sem_alloc : memref<!tpu.dma_semaphore, #tpu.memory_space<semaphore_mem>>
        %dma_start3A_991 = arith.constant 0 : i32
        %dma_start3A_992 = arith.constant 0 : i32
        %dma_start3A_993 = tpu.memref_slice %arg12[%run_scoped3A_423, %dma_start3A_991, %dma_start3A_992] : memref<2x125x128xf32, #tpu.memory_space<vmem>> -> memref<1x125x128xf32, #tpu.memory_space<vmem>>
        %dma_start3A_994 = tpu.memref_squeeze %dma_start3A_993 : memref<1x125x128xf32, #tpu.memory_space<vmem>> -> memref<125x128xf32, #tpu.memory_space<vmem>>
        %dma_start3A_995 = arith.constant 0 : i32
        %dma_start3A_996 = tpu.memref_slice %arg11[%run_scoped3A_424, %run_scoped3A_425, %dma_start3A_995] : memref<2x8x125xi32, #tpu.memory_space<vmem>> -> memref<1x1x125xi32, #tpu.memory_space<vmem>>
        %dma_start3A_997 = tpu.memref_squeeze %dma_start3A_996 : memref<1x1x125xi32, #tpu.memory_space<vmem>> -> memref<125xi32, #tpu.memory_space<vmem>>
        %dma_start3A_998 = arith.constant 0 : i32
        %dma_start3A_999 = arith.constant 0 : i32
        %dma_start3A_1000 = tpu.memref_slice %arg17[%dma_start3A_998, %dma_start3A_999] : memref<10240x128xf32, #tpu.memory_space<vmem_shared>> -> memref<10240x128xf32, #tpu.memory_space<vmem_shared>>
        tpu.enqueue_indirect_dma source(%dma_start3A_994 : memref<125x128xf32, #tpu.memory_space<vmem>>) target(%dma_start3A_1000 : memref<10240x128xf32, #tpu.memory_space<vmem_shared>>) offsets(%dma_start3A_997 : memref<125xi32, #tpu.memory_space<vmem>>) semaphore(%run_scoped3A_990 : memref<!tpu.dma_semaphore, #tpu.memory_space<semaphore_mem>>) {add = true}
        %dma_wait3A_1001 = arith.constant 0 : i32
        %dma_wait3A_1002 = arith.constant 0 : i32
        %dma_wait3A_1003 = tpu.memref_slice %arg12[%run_scoped3A_423, %dma_wait3A_1001, %dma_wait3A_1002] : memref<2x125x128xf32, #tpu.memory_space<vmem>> -> memref<1x125x128xf32, #tpu.memory_space<vmem>>
        %dma_wait3A_1004 = tpu.memref_squeeze %dma_wait3A_1003 : memref<1x125x128xf32, #tpu.memory_space<vmem>> -> memref<125x128xf32, #tpu.memory_space<vmem>>
        %dma_wait3A_1005 = arith.constant 0 : i32
        %dma_wait3A_1006 = tpu.memref_slice %arg11[%run_scoped3A_424, %run_scoped3A_425, %dma_wait3A_1005] : memref<2x8x125xi32, #tpu.memory_space<vmem>> -> memref<1x1x125xi32, #tpu.memory_space<vmem>>
        %dma_wait3A_1007 = tpu.memref_squeeze %dma_wait3A_1006 : memref<1x1x125xi32, #tpu.memory_space<vmem>> -> memref<125xi32, #tpu.memory_space<vmem>>
        %dma_wait3A_1008 = arith.constant 0 : i32
        %dma_wait3A_1009 = arith.constant 0 : i32
        %dma_wait3A_1010 = tpu.memref_slice %arg17[%dma_wait3A_1008, %dma_wait3A_1009] : memref<10240x128xf32, #tpu.memory_space<vmem_shared>> -> memref<10240x128xf32, #tpu.memory_space<vmem_shared>>
        tpu.wait_indirect_dma semaphore(%run_scoped3A_990 : memref<!tpu.dma_semaphore, #tpu.memory_space<semaphore_mem>>) src(%dma_wait3A_1004 : memref<125x128xf32, #tpu.memory_space<vmem>>) dst(%dma_wait3A_1010 : memref<10240x128xf32, #tpu.memory_space<vmem_shared>>)
        tpu.yield
      }) : () -> ()
      %run_scoped3A_426 = arith.constant 1 : i32
      %run_scoped3A_427 = arith.constant 0 : i32
      %run_scoped3A_428 = arith.constant 5 : i32
      "tpu.region"() ({
        %run_scoped3A_990 = tpu.sem_alloc : memref<!tpu.dma_semaphore, #tpu.memory_space<semaphore_mem>>
        %dma_start3A_991 = arith.constant 0 : i32
        %dma_start3A_992 = tpu.memref_slice %arg13[%run_scoped3A_426, %dma_start3A_991] : memref<2x125xf32, #tpu.memory_space<vmem>> -> memref<1x125xf32, #tpu.memory_space<vmem>>
        %dma_start3A_993 = tpu.memref_squeeze %dma_start3A_992 : memref<1x125xf32, #tpu.memory_space<vmem>> -> memref<125xf32, #tpu.memory_space<vmem>>
        %dma_start3A_994 = arith.constant 0 : i32
        %dma_start3A_995 = tpu.memref_slice %arg10[%run_scoped3A_427, %run_scoped3A_428, %dma_start3A_994] : memref<2x8x125xi32, #tpu.memory_space<vmem>> -> memref<1x1x125xi32, #tpu.memory_space<vmem>>
        %dma_start3A_996 = tpu.memref_squeeze %dma_start3A_995 : memref<1x1x125xi32, #tpu.memory_space<vmem>> -> memref<125xi32, #tpu.memory_space<vmem>>
        %dma_start3A_997 = arith.constant 0 : i32
        %dma_start3A_998 = tpu.memref_slice %arg18[%dma_start3A_997] : memref<10240xf32, #tpu.memory_space<vmem_shared>> -> memref<10240xf32, #tpu.memory_space<vmem_shared>>
        tpu.enqueue_indirect_dma source(%dma_start3A_993 : memref<125xf32, #tpu.memory_space<vmem>>) target(%dma_start3A_998 : memref<10240xf32, #tpu.memory_space<vmem_shared>>) offsets(%dma_start3A_996 : memref<125xi32, #tpu.memory_space<vmem>>) semaphore(%run_scoped3A_990 : memref<!tpu.dma_semaphore, #tpu.memory_space<semaphore_mem>>) {add = true}
        %dma_wait3A_999 = arith.constant 0 : i32
        %dma_wait3A_1000 = tpu.memref_slice %arg13[%run_scoped3A_426, %dma_wait3A_999] : memref<2x125xf32, #tpu.memory_space<vmem>> -> memref<1x125xf32, #tpu.memory_space<vmem>>
        %dma_wait3A_1001 = tpu.memref_squeeze %dma_wait3A_1000 : memref<1x125xf32, #tpu.memory_space<vmem>> -> memref<125xf32, #tpu.memory_space<vmem>>
        %dma_wait3A_1002 = arith.constant 0 : i32
        %dma_wait3A_1003 = tpu.memref_slice %arg10[%run_scoped3A_427, %run_scoped3A_428, %dma_wait3A_1002] : memref<2x8x125xi32, #tpu.memory_space<vmem>> -> memref<1x1x125xi32, #tpu.memory_space<vmem>>
        %dma_wait3A_1004 = tpu.memref_squeeze %dma_wait3A_1003 : memref<1x1x125xi32, #tpu.memory_space<vmem>> -> memref<125xi32, #tpu.memory_space<vmem>>
        %dma_wait3A_1005 = arith.constant 0 : i32
        %dma_wait3A_1006 = tpu.memref_slice %arg18[%dma_wait3A_1005] : memref<10240xf32, #tpu.memory_space<vmem_shared>> -> memref<10240xf32, #tpu.memory_space<vmem_shared>>
        tpu.wait_indirect_dma semaphore(%run_scoped3A_990 : memref<!tpu.dma_semaphore, #tpu.memory_space<semaphore_mem>>) src(%dma_wait3A_1001 : memref<125xf32, #tpu.memory_space<vmem>>) dst(%dma_wait3A_1006 : memref<10240xf32, #tpu.memory_space<vmem_shared>>)
        tpu.yield
      }) : () -> ()
      %mul3A_429 = arith.constant 8 : i32
      %mul3A_430 = arith.muli %add3A_81, %mul3A_429 : i32
      %add3A_431 = arith.constant 6 : i32
      %add3A_432 = arith.addi %mul3A_430, %add3A_431 : i32
      %dma_wait3A_433 = arith.constant 0 : i32
      %dma_wait3A_434 = arith.constant 6 : i32
      %dma_wait3A_435 = arith.constant 0 : i32
      %dma_wait3A_436 = arith.constant 0 : i32
      %dma_wait3A_437 = arith.constant 0 : i32
      %dma_wait3A_438 = tpu.memref_slice %arg12[%dma_wait3A_435, %dma_wait3A_436, %dma_wait3A_437] : memref<2x125x128xf32, #tpu.memory_space<vmem>> -> memref<1x125x128xf32, #tpu.memory_space<vmem>>
      %dma_wait3A_439 = tpu.memref_squeeze %dma_wait3A_438 : memref<1x125x128xf32, #tpu.memory_space<vmem>> -> memref<125x128xf32, #tpu.memory_space<vmem>>
      %dma_wait3A_440 = arith.constant 0 : i32
      %dma_wait3A_441 = tpu.memref_slice %arg10[%dma_wait3A_433, %dma_wait3A_434, %dma_wait3A_440] : memref<2x8x125xi32, #tpu.memory_space<vmem>> -> memref<1x1x125xi32, #tpu.memory_space<vmem>>
      %dma_wait3A_442 = tpu.memref_squeeze %dma_wait3A_441 : memref<1x1x125xi32, #tpu.memory_space<vmem>> -> memref<125xi32, #tpu.memory_space<vmem>>
      %dma_wait3A_443 = arith.constant 0 : i32
      %dma_wait3A_444 = arith.constant 0 : i32
      %dma_wait3A_445 = tpu.memref_slice %arg2[%dma_wait3A_443, %dma_wait3A_444] : memref<10240x128xf32, #tpu.memory_space<hbm>> -> memref<10240x128xf32, #tpu.memory_space<hbm>>
      tpu.wait_indirect_dma semaphore(%arg14 : memref<!tpu.dma_semaphore, #tpu.memory_space<semaphore_mem>>) src(%dma_wait3A_445 : memref<10240x128xf32, #tpu.memory_space<hbm>>) dst(%dma_wait3A_439 : memref<125x128xf32, #tpu.memory_space<vmem>>)
      %dma_wait3A_446 = arith.constant 0 : i32
      %dma_wait3A_447 = arith.constant 6 : i32
      %dma_wait3A_448 = arith.constant 0 : i32
      %dma_wait3A_449 = arith.constant 0 : i32
      %dma_wait3A_450 = tpu.memref_slice %arg13[%dma_wait3A_448, %dma_wait3A_449] : memref<2x125xf32, #tpu.memory_space<vmem>> -> memref<1x125xf32, #tpu.memory_space<vmem>>
      %dma_wait3A_451 = tpu.memref_squeeze %dma_wait3A_450 : memref<1x125xf32, #tpu.memory_space<vmem>> -> memref<125xf32, #tpu.memory_space<vmem>>
      %dma_wait3A_452 = arith.constant 0 : i32
      %dma_wait3A_453 = tpu.memref_slice %arg11[%dma_wait3A_446, %dma_wait3A_447, %dma_wait3A_452] : memref<2x8x125xi32, #tpu.memory_space<vmem>> -> memref<1x1x125xi32, #tpu.memory_space<vmem>>
      %dma_wait3A_454 = tpu.memref_squeeze %dma_wait3A_453 : memref<1x1x125xi32, #tpu.memory_space<vmem>> -> memref<125xi32, #tpu.memory_space<vmem>>
      %dma_wait3A_455 = arith.constant 0 : i32
      %dma_wait3A_456 = tpu.memref_slice %arg3[%dma_wait3A_455] : memref<10240xf32, #tpu.memory_space<hbm>> -> memref<10240xf32, #tpu.memory_space<hbm>>
      tpu.wait_indirect_dma semaphore(%arg15 : memref<!tpu.dma_semaphore, #tpu.memory_space<semaphore_mem>>) src(%dma_wait3A_456 : memref<10240xf32, #tpu.memory_space<hbm>>) dst(%dma_wait3A_451 : memref<125xf32, #tpu.memory_space<vmem>>)
      %dma_start3A_457 = arith.constant 0 : i32
      %dma_start3A_458 = arith.constant 7 : i32
      %dma_start3A_459 = arith.constant 1 : i32
      %dma_start3A_460 = arith.constant 0 : i32
      %dma_start3A_461 = arith.constant 0 : i32
      %dma_start3A_462 = tpu.memref_slice %arg12[%dma_start3A_459, %dma_start3A_460, %dma_start3A_461] : memref<2x125x128xf32, #tpu.memory_space<vmem>> -> memref<1x125x128xf32, #tpu.memory_space<vmem>>
      %dma_start3A_463 = tpu.memref_squeeze %dma_start3A_462 : memref<1x125x128xf32, #tpu.memory_space<vmem>> -> memref<125x128xf32, #tpu.memory_space<vmem>>
      %dma_start3A_464 = arith.constant 0 : i32
      %dma_start3A_465 = tpu.memref_slice %arg10[%dma_start3A_457, %dma_start3A_458, %dma_start3A_464] : memref<2x8x125xi32, #tpu.memory_space<vmem>> -> memref<1x1x125xi32, #tpu.memory_space<vmem>>
      %dma_start3A_466 = tpu.memref_squeeze %dma_start3A_465 : memref<1x1x125xi32, #tpu.memory_space<vmem>> -> memref<125xi32, #tpu.memory_space<vmem>>
      %dma_start3A_467 = arith.constant 0 : i32
      %dma_start3A_468 = arith.constant 0 : i32
      %dma_start3A_469 = tpu.memref_slice %arg2[%dma_start3A_467, %dma_start3A_468] : memref<10240x128xf32, #tpu.memory_space<hbm>> -> memref<10240x128xf32, #tpu.memory_space<hbm>>
      tpu.enqueue_indirect_dma source(%dma_start3A_469 : memref<10240x128xf32, #tpu.memory_space<hbm>>) target(%dma_start3A_463 : memref<125x128xf32, #tpu.memory_space<vmem>>) offsets(%dma_start3A_466 : memref<125xi32, #tpu.memory_space<vmem>>) semaphore(%arg14 : memref<!tpu.dma_semaphore, #tpu.memory_space<semaphore_mem>>)
      %dma_start3A_470 = arith.constant 0 : i32
      %dma_start3A_471 = arith.constant 7 : i32
      %dma_start3A_472 = arith.constant 1 : i32
      %dma_start3A_473 = arith.constant 0 : i32
      %dma_start3A_474 = tpu.memref_slice %arg13[%dma_start3A_472, %dma_start3A_473] : memref<2x125xf32, #tpu.memory_space<vmem>> -> memref<1x125xf32, #tpu.memory_space<vmem>>
      %dma_start3A_475 = tpu.memref_squeeze %dma_start3A_474 : memref<1x125xf32, #tpu.memory_space<vmem>> -> memref<125xf32, #tpu.memory_space<vmem>>
      %dma_start3A_476 = arith.constant 0 : i32
      %dma_start3A_477 = tpu.memref_slice %arg11[%dma_start3A_470, %dma_start3A_471, %dma_start3A_476] : memref<2x8x125xi32, #tpu.memory_space<vmem>> -> memref<1x1x125xi32, #tpu.memory_space<vmem>>
      %dma_start3A_478 = tpu.memref_squeeze %dma_start3A_477 : memref<1x1x125xi32, #tpu.memory_space<vmem>> -> memref<125xi32, #tpu.memory_space<vmem>>
      %dma_start3A_479 = arith.constant 0 : i32
      %dma_start3A_480 = tpu.memref_slice %arg3[%dma_start3A_479] : memref<10240xf32, #tpu.memory_space<hbm>> -> memref<10240xf32, #tpu.memory_space<hbm>>
      tpu.enqueue_indirect_dma source(%dma_start3A_480 : memref<10240xf32, #tpu.memory_space<hbm>>) target(%dma_start3A_475 : memref<125xf32, #tpu.memory_space<vmem>>) offsets(%dma_start3A_478 : memref<125xi32, #tpu.memory_space<vmem>>) semaphore(%arg15 : memref<!tpu.dma_semaphore, #tpu.memory_space<semaphore_mem>>)
      %run_scoped3A_481 = arith.constant 0 : i32
      %run_scoped3A_482 = arith.constant 0 : i32
      %run_scoped3A_483 = arith.constant 6 : i32
      "tpu.region"() ({
        %run_scoped3A_990 = tpu.sem_alloc : memref<!tpu.dma_semaphore, #tpu.memory_space<semaphore_mem>>
        %dma_start3A_991 = arith.constant 0 : i32
        %dma_start3A_992 = arith.constant 0 : i32
        %dma_start3A_993 = tpu.memref_slice %arg12[%run_scoped3A_481, %dma_start3A_991, %dma_start3A_992] : memref<2x125x128xf32, #tpu.memory_space<vmem>> -> memref<1x125x128xf32, #tpu.memory_space<vmem>>
        %dma_start3A_994 = tpu.memref_squeeze %dma_start3A_993 : memref<1x125x128xf32, #tpu.memory_space<vmem>> -> memref<125x128xf32, #tpu.memory_space<vmem>>
        %dma_start3A_995 = arith.constant 0 : i32
        %dma_start3A_996 = tpu.memref_slice %arg11[%run_scoped3A_482, %run_scoped3A_483, %dma_start3A_995] : memref<2x8x125xi32, #tpu.memory_space<vmem>> -> memref<1x1x125xi32, #tpu.memory_space<vmem>>
        %dma_start3A_997 = tpu.memref_squeeze %dma_start3A_996 : memref<1x1x125xi32, #tpu.memory_space<vmem>> -> memref<125xi32, #tpu.memory_space<vmem>>
        %dma_start3A_998 = arith.constant 0 : i32
        %dma_start3A_999 = arith.constant 0 : i32
        %dma_start3A_1000 = tpu.memref_slice %arg17[%dma_start3A_998, %dma_start3A_999] : memref<10240x128xf32, #tpu.memory_space<vmem_shared>> -> memref<10240x128xf32, #tpu.memory_space<vmem_shared>>
        tpu.enqueue_indirect_dma source(%dma_start3A_994 : memref<125x128xf32, #tpu.memory_space<vmem>>) target(%dma_start3A_1000 : memref<10240x128xf32, #tpu.memory_space<vmem_shared>>) offsets(%dma_start3A_997 : memref<125xi32, #tpu.memory_space<vmem>>) semaphore(%run_scoped3A_990 : memref<!tpu.dma_semaphore, #tpu.memory_space<semaphore_mem>>) {add = true}
        %dma_wait3A_1001 = arith.constant 0 : i32
        %dma_wait3A_1002 = arith.constant 0 : i32
        %dma_wait3A_1003 = tpu.memref_slice %arg12[%run_scoped3A_481, %dma_wait3A_1001, %dma_wait3A_1002] : memref<2x125x128xf32, #tpu.memory_space<vmem>> -> memref<1x125x128xf32, #tpu.memory_space<vmem>>
        %dma_wait3A_1004 = tpu.memref_squeeze %dma_wait3A_1003 : memref<1x125x128xf32, #tpu.memory_space<vmem>> -> memref<125x128xf32, #tpu.memory_space<vmem>>
        %dma_wait3A_1005 = arith.constant 0 : i32
        %dma_wait3A_1006 = tpu.memref_slice %arg11[%run_scoped3A_482, %run_scoped3A_483, %dma_wait3A_1005] : memref<2x8x125xi32, #tpu.memory_space<vmem>> -> memref<1x1x125xi32, #tpu.memory_space<vmem>>
        %dma_wait3A_1007 = tpu.memref_squeeze %dma_wait3A_1006 : memref<1x1x125xi32, #tpu.memory_space<vmem>> -> memref<125xi32, #tpu.memory_space<vmem>>
        %dma_wait3A_1008 = arith.constant 0 : i32
        %dma_wait3A_1009 = arith.constant 0 : i32
        %dma_wait3A_1010 = tpu.memref_slice %arg17[%dma_wait3A_1008, %dma_wait3A_1009] : memref<10240x128xf32, #tpu.memory_space<vmem_shared>> -> memref<10240x128xf32, #tpu.memory_space<vmem_shared>>
        tpu.wait_indirect_dma semaphore(%run_scoped3A_990 : memref<!tpu.dma_semaphore, #tpu.memory_space<semaphore_mem>>) src(%dma_wait3A_1004 : memref<125x128xf32, #tpu.memory_space<vmem>>) dst(%dma_wait3A_1010 : memref<10240x128xf32, #tpu.memory_space<vmem_shared>>)
        tpu.yield
      }) : () -> ()
      %run_scoped3A_484 = arith.constant 0 : i32
      %run_scoped3A_485 = arith.constant 0 : i32
      %run_scoped3A_486 = arith.constant 6 : i32
      "tpu.region"() ({
        %run_scoped3A_990 = tpu.sem_alloc : memref<!tpu.dma_semaphore, #tpu.memory_space<semaphore_mem>>
        %dma_start3A_991 = arith.constant 0 : i32
        %dma_start3A_992 = tpu.memref_slice %arg13[%run_scoped3A_484, %dma_start3A_991] : memref<2x125xf32, #tpu.memory_space<vmem>> -> memref<1x125xf32, #tpu.memory_space<vmem>>
        %dma_start3A_993 = tpu.memref_squeeze %dma_start3A_992 : memref<1x125xf32, #tpu.memory_space<vmem>> -> memref<125xf32, #tpu.memory_space<vmem>>
        %dma_start3A_994 = arith.constant 0 : i32
        %dma_start3A_995 = tpu.memref_slice %arg10[%run_scoped3A_485, %run_scoped3A_486, %dma_start3A_994] : memref<2x8x125xi32, #tpu.memory_space<vmem>> -> memref<1x1x125xi32, #tpu.memory_space<vmem>>
        %dma_start3A_996 = tpu.memref_squeeze %dma_start3A_995 : memref<1x1x125xi32, #tpu.memory_space<vmem>> -> memref<125xi32, #tpu.memory_space<vmem>>
        %dma_start3A_997 = arith.constant 0 : i32
        %dma_start3A_998 = tpu.memref_slice %arg18[%dma_start3A_997] : memref<10240xf32, #tpu.memory_space<vmem_shared>> -> memref<10240xf32, #tpu.memory_space<vmem_shared>>
        tpu.enqueue_indirect_dma source(%dma_start3A_993 : memref<125xf32, #tpu.memory_space<vmem>>) target(%dma_start3A_998 : memref<10240xf32, #tpu.memory_space<vmem_shared>>) offsets(%dma_start3A_996 : memref<125xi32, #tpu.memory_space<vmem>>) semaphore(%run_scoped3A_990 : memref<!tpu.dma_semaphore, #tpu.memory_space<semaphore_mem>>) {add = true}
        %dma_wait3A_999 = arith.constant 0 : i32
        %dma_wait3A_1000 = tpu.memref_slice %arg13[%run_scoped3A_484, %dma_wait3A_999] : memref<2x125xf32, #tpu.memory_space<vmem>> -> memref<1x125xf32, #tpu.memory_space<vmem>>
        %dma_wait3A_1001 = tpu.memref_squeeze %dma_wait3A_1000 : memref<1x125xf32, #tpu.memory_space<vmem>> -> memref<125xf32, #tpu.memory_space<vmem>>
        %dma_wait3A_1002 = arith.constant 0 : i32
        %dma_wait3A_1003 = tpu.memref_slice %arg10[%run_scoped3A_485, %run_scoped3A_486, %dma_wait3A_1002] : memref<2x8x125xi32, #tpu.memory_space<vmem>> -> memref<1x1x125xi32, #tpu.memory_space<vmem>>
        %dma_wait3A_1004 = tpu.memref_squeeze %dma_wait3A_1003 : memref<1x1x125xi32, #tpu.memory_space<vmem>> -> memref<125xi32, #tpu.memory_space<vmem>>
        %dma_wait3A_1005 = arith.constant 0 : i32
        %dma_wait3A_1006 = tpu.memref_slice %arg18[%dma_wait3A_1005] : memref<10240xf32, #tpu.memory_space<vmem_shared>> -> memref<10240xf32, #tpu.memory_space<vmem_shared>>
        tpu.wait_indirect_dma semaphore(%run_scoped3A_990 : memref<!tpu.dma_semaphore, #tpu.memory_space<semaphore_mem>>) src(%dma_wait3A_1001 : memref<125xf32, #tpu.memory_space<vmem>>) dst(%dma_wait3A_1006 : memref<10240xf32, #tpu.memory_space<vmem_shared>>)
        tpu.yield
      }) : () -> ()
      %mul3A_487 = arith.constant 8 : i32
      %mul3A_488 = arith.muli %add3A_81, %mul3A_487 : i32
      %add3A_489 = arith.constant 7 : i32
      %add3A_490 = arith.addi %mul3A_488, %add3A_489 : i32
      %dma_wait3A_491 = arith.constant 0 : i32
      %dma_wait3A_492 = arith.constant 7 : i32
      %dma_wait3A_493 = arith.constant 1 : i32
      %dma_wait3A_494 = arith.constant 0 : i32
      %dma_wait3A_495 = arith.constant 0 : i32
      %dma_wait3A_496 = tpu.memref_slice %arg12[%dma_wait3A_493, %dma_wait3A_494, %dma_wait3A_495] : memref<2x125x128xf32, #tpu.memory_space<vmem>> -> memref<1x125x128xf32, #tpu.memory_space<vmem>>
      %dma_wait3A_497 = tpu.memref_squeeze %dma_wait3A_496 : memref<1x125x128xf32, #tpu.memory_space<vmem>> -> memref<125x128xf32, #tpu.memory_space<vmem>>
      %dma_wait3A_498 = arith.constant 0 : i32
      %dma_wait3A_499 = tpu.memref_slice %arg10[%dma_wait3A_491, %dma_wait3A_492, %dma_wait3A_498] : memref<2x8x125xi32, #tpu.memory_space<vmem>> -> memref<1x1x125xi32, #tpu.memory_space<vmem>>
      %dma_wait3A_500 = tpu.memref_squeeze %dma_wait3A_499 : memref<1x1x125xi32, #tpu.memory_space<vmem>> -> memref<125xi32, #tpu.memory_space<vmem>>
      %dma_wait3A_501 = arith.constant 0 : i32
      %dma_wait3A_502 = arith.constant 0 : i32
      %dma_wait3A_503 = tpu.memref_slice %arg2[%dma_wait3A_501, %dma_wait3A_502] : memref<10240x128xf32, #tpu.memory_space<hbm>> -> memref<10240x128xf32, #tpu.memory_space<hbm>>
      tpu.wait_indirect_dma semaphore(%arg14 : memref<!tpu.dma_semaphore, #tpu.memory_space<semaphore_mem>>) src(%dma_wait3A_503 : memref<10240x128xf32, #tpu.memory_space<hbm>>) dst(%dma_wait3A_497 : memref<125x128xf32, #tpu.memory_space<vmem>>)
      %dma_wait3A_504 = arith.constant 0 : i32
      %dma_wait3A_505 = arith.constant 7 : i32
      %dma_wait3A_506 = arith.constant 1 : i32
      %dma_wait3A_507 = arith.constant 0 : i32
      %dma_wait3A_508 = tpu.memref_slice %arg13[%dma_wait3A_506, %dma_wait3A_507] : memref<2x125xf32, #tpu.memory_space<vmem>> -> memref<1x125xf32, #tpu.memory_space<vmem>>
      %dma_wait3A_509 = tpu.memref_squeeze %dma_wait3A_508 : memref<1x125xf32, #tpu.memory_space<vmem>> -> memref<125xf32, #tpu.memory_space<vmem>>
      %dma_wait3A_510 = arith.constant 0 : i32
      %dma_wait3A_511 = tpu.memref_slice %arg11[%dma_wait3A_504, %dma_wait3A_505, %dma_wait3A_510] : memref<2x8x125xi32, #tpu.memory_space<vmem>> -> memref<1x1x125xi32, #tpu.memory_space<vmem>>
      %dma_wait3A_512 = tpu.memref_squeeze %dma_wait3A_511 : memref<1x1x125xi32, #tpu.memory_space<vmem>> -> memref<125xi32, #tpu.memory_space<vmem>>
      %dma_wait3A_513 = arith.constant 0 : i32
      %dma_wait3A_514 = tpu.memref_slice %arg3[%dma_wait3A_513] : memref<10240xf32, #tpu.memory_space<hbm>> -> memref<10240xf32, #tpu.memory_space<hbm>>
      tpu.wait_indirect_dma semaphore(%arg15 : memref<!tpu.dma_semaphore, #tpu.memory_space<semaphore_mem>>) src(%dma_wait3A_514 : memref<10240xf32, #tpu.memory_space<hbm>>) dst(%dma_wait3A_509 : memref<125xf32, #tpu.memory_space<vmem>>)
      %add3A_515 = arith.constant 1 : i32
      %add3A_516 = arith.addi %add3A_81, %add3A_515 : i32
      %lt3A = arith.constant 10 : i32
      %lt3A_517 = arith.cmpi slt, %add3A_516, %lt3A : i32
      %convert_element_type3A = arith.extui %lt3A_517 : i1 to i32
      %cond3A = arith.constant 0 : i32
      %cond3A_518 = arith.cmpi ne, %convert_element_type3A, %cond3A : i32
      scf.if %cond3A_518 {
        %dma_wait3A_990 = arith.constant 1 : i32
        %dma_wait3A_991 = arith.constant 0 : i32
        %dma_wait3A_992 = arith.constant 0 : i32
        %dma_wait3A_993 = tpu.memref_slice %arg10[%dma_wait3A_990, %dma_wait3A_991, %dma_wait3A_992] : memref<2x8x125xi32, #tpu.memory_space<vmem>> -> memref<1x8x125xi32, #tpu.memory_space<vmem>>
        %dma_wait3A_994 = tpu.memref_squeeze %dma_wait3A_993 : memref<1x8x125xi32, #tpu.memory_space<vmem>> -> memref<8x125xi32, #tpu.memory_space<vmem>>
        %dma_wait3A_995 = arith.constant 0 : i32
        %dma_wait3A_996 = arith.constant 0 : i32
        %dma_wait3A_997 = tpu.memref_slice %arg4[%add3A, %dma_wait3A_995, %dma_wait3A_996] : memref<32x80x125xi32, #tpu.memory_space<hbm>> -> memref<1x8x125xi32, #tpu.memory_space<hbm>>
        %dma_wait3A_998 = tpu.memref_squeeze %dma_wait3A_997 : memref<1x8x125xi32, #tpu.memory_space<hbm>> -> memref<8x125xi32, #tpu.memory_space<hbm>>
        %dma_wait3A_999 = arith.constant 0 : i32
        %dma_wait3A_1000 = arith.constant 0 : i32
        %dma_wait3A_1001 = tpu.memref_slice %arg10[%dma_wait3A_990, %dma_wait3A_999, %dma_wait3A_1000] : memref<2x8x125xi32, #tpu.memory_space<vmem>> -> memref<1x8x125xi32, #tpu.memory_space<vmem>>
        %dma_wait3A_1002 = tpu.memref_squeeze %dma_wait3A_1001 : memref<1x8x125xi32, #tpu.memory_space<vmem>> -> memref<8x125xi32, #tpu.memory_space<vmem>>
        %dma_wait3A_1003 = arith.constant 0 : i32
        %dma_wait3A_1004 = arith.constant 0 : i32
        %dma_wait3A_1005 = tpu.memref_slice %arg4[%add3A, %dma_wait3A_1003, %dma_wait3A_1004] : memref<32x80x125xi32, #tpu.memory_space<hbm>> -> memref<1x8x125xi32, #tpu.memory_space<hbm>>
        %dma_wait3A_1006 = tpu.memref_squeeze %dma_wait3A_1005 : memref<1x8x125xi32, #tpu.memory_space<hbm>> -> memref<8x125xi32, #tpu.memory_space<hbm>>
        tpu.wait_dma2 semaphore(%arg16 : memref<!tpu.dma_semaphore, #tpu.memory_space<semaphore_mem>>) src(%dma_wait3A_1006 : memref<8x125xi32, #tpu.memory_space<hbm>>) dst(%dma_wait3A_1002 : memref<8x125xi32, #tpu.memory_space<vmem>>)
        %dma_wait3A_1007 = arith.constant 1 : i32
        %dma_wait3A_1008 = arith.constant 0 : i32
        %dma_wait3A_1009 = arith.constant 0 : i32
        %dma_wait3A_1010 = tpu.memref_slice %arg11[%dma_wait3A_1007, %dma_wait3A_1008, %dma_wait3A_1009] : memref<2x8x125xi32, #tpu.memory_space<vmem>> -> memref<1x8x125xi32, #tpu.memory_space<vmem>>
        %dma_wait3A_1011 = tpu.memref_squeeze %dma_wait3A_1010 : memref<1x8x125xi32, #tpu.memory_space<vmem>> -> memref<8x125xi32, #tpu.memory_space<vmem>>
        %dma_wait3A_1012 = arith.constant 0 : i32
        %dma_wait3A_1013 = arith.constant 0 : i32
        %dma_wait3A_1014 = tpu.memref_slice %arg5[%add3A, %dma_wait3A_1012, %dma_wait3A_1013] : memref<32x80x125xi32, #tpu.memory_space<hbm>> -> memref<1x8x125xi32, #tpu.memory_space<hbm>>
        %dma_wait3A_1015 = tpu.memref_squeeze %dma_wait3A_1014 : memref<1x8x125xi32, #tpu.memory_space<hbm>> -> memref<8x125xi32, #tpu.memory_space<hbm>>
        %dma_wait3A_1016 = arith.constant 0 : i32
        %dma_wait3A_1017 = arith.constant 0 : i32
        %dma_wait3A_1018 = tpu.memref_slice %arg11[%dma_wait3A_1007, %dma_wait3A_1016, %dma_wait3A_1017] : memref<2x8x125xi32, #tpu.memory_space<vmem>> -> memref<1x8x125xi32, #tpu.memory_space<vmem>>
        %dma_wait3A_1019 = tpu.memref_squeeze %dma_wait3A_1018 : memref<1x8x125xi32, #tpu.memory_space<vmem>> -> memref<8x125xi32, #tpu.memory_space<vmem>>
        %dma_wait3A_1020 = arith.constant 0 : i32
        %dma_wait3A_1021 = arith.constant 0 : i32
        %dma_wait3A_1022 = tpu.memref_slice %arg5[%add3A, %dma_wait3A_1020, %dma_wait3A_1021] : memref<32x80x125xi32, #tpu.memory_space<hbm>> -> memref<1x8x125xi32, #tpu.memory_space<hbm>>
        %dma_wait3A_1023 = tpu.memref_squeeze %dma_wait3A_1022 : memref<1x8x125xi32, #tpu.memory_space<hbm>> -> memref<8x125xi32, #tpu.memory_space<hbm>>
        tpu.wait_dma2 semaphore(%arg16 : memref<!tpu.dma_semaphore, #tpu.memory_space<semaphore_mem>>) src(%dma_wait3A_1023 : memref<8x125xi32, #tpu.memory_space<hbm>>) dst(%dma_wait3A_1019 : memref<8x125xi32, #tpu.memory_space<vmem>>)
        %dma_start3A_1024 = arith.constant 1 : i32
        %dma_start3A_1025 = arith.constant 0 : i32
        %dma_start3A_1026 = arith.constant 0 : i32
        %dma_start3A_1027 = arith.constant 0 : i32
        %dma_start3A_1028 = arith.constant 0 : i32
        %dma_start3A_1029 = tpu.memref_slice %arg12[%dma_start3A_1026, %dma_start3A_1027, %dma_start3A_1028] : memref<2x125x128xf32, #tpu.memory_space<vmem>> -> memref<1x125x128xf32, #tpu.memory_space<vmem>>
        %dma_start3A_1030 = tpu.memref_squeeze %dma_start3A_1029 : memref<1x125x128xf32, #tpu.memory_space<vmem>> -> memref<125x128xf32, #tpu.memory_space<vmem>>
        %dma_start3A_1031 = arith.constant 0 : i32
        %dma_start3A_1032 = tpu.memref_slice %arg10[%dma_start3A_1024, %dma_start3A_1025, %dma_start3A_1031] : memref<2x8x125xi32, #tpu.memory_space<vmem>> -> memref<1x1x125xi32, #tpu.memory_space<vmem>>
        %dma_start3A_1033 = tpu.memref_squeeze %dma_start3A_1032 : memref<1x1x125xi32, #tpu.memory_space<vmem>> -> memref<125xi32, #tpu.memory_space<vmem>>
        %dma_start3A_1034 = arith.constant 0 : i32
        %dma_start3A_1035 = arith.constant 0 : i32
        %dma_start3A_1036 = tpu.memref_slice %arg2[%dma_start3A_1034, %dma_start3A_1035] : memref<10240x128xf32, #tpu.memory_space<hbm>> -> memref<10240x128xf32, #tpu.memory_space<hbm>>
        tpu.enqueue_indirect_dma source(%dma_start3A_1036 : memref<10240x128xf32, #tpu.memory_space<hbm>>) target(%dma_start3A_1030 : memref<125x128xf32, #tpu.memory_space<vmem>>) offsets(%dma_start3A_1033 : memref<125xi32, #tpu.memory_space<vmem>>) semaphore(%arg14 : memref<!tpu.dma_semaphore, #tpu.memory_space<semaphore_mem>>)
        %dma_start3A_1037 = arith.constant 1 : i32
        %dma_start3A_1038 = arith.constant 0 : i32
        %dma_start3A_1039 = arith.constant 0 : i32
        %dma_start3A_1040 = arith.constant 0 : i32
        %dma_start3A_1041 = tpu.memref_slice %arg13[%dma_start3A_1039, %dma_start3A_1040] : memref<2x125xf32, #tpu.memory_space<vmem>> -> memref<1x125xf32, #tpu.memory_space<vmem>>
        %dma_start3A_1042 = tpu.memref_squeeze %dma_start3A_1041 : memref<1x125xf32, #tpu.memory_space<vmem>> -> memref<125xf32, #tpu.memory_space<vmem>>
        %dma_start3A_1043 = arith.constant 0 : i32
        %dma_start3A_1044 = tpu.memref_slice %arg11[%dma_start3A_1037, %dma_start3A_1038, %dma_start3A_1043] : memref<2x8x125xi32, #tpu.memory_space<vmem>> -> memref<1x1x125xi32, #tpu.memory_space<vmem>>
        %dma_start3A_1045 = tpu.memref_squeeze %dma_start3A_1044 : memref<1x1x125xi32, #tpu.memory_space<vmem>> -> memref<125xi32, #tpu.memory_space<vmem>>
        %dma_start3A_1046 = arith.constant 0 : i32
        %dma_start3A_1047 = tpu.memref_slice %arg3[%dma_start3A_1046] : memref<10240xf32, #tpu.memory_space<hbm>> -> memref<10240xf32, #tpu.memory_space<hbm>>
        tpu.enqueue_indirect_dma source(%dma_start3A_1047 : memref<10240xf32, #tpu.memory_space<hbm>>) target(%dma_start3A_1042 : memref<125xf32, #tpu.memory_space<vmem>>) offsets(%dma_start3A_1045 : memref<125xi32, #tpu.memory_space<vmem>>) semaphore(%arg15 : memref<!tpu.dma_semaphore, #tpu.memory_space<semaphore_mem>>)
      } else {
      }
      %run_scoped3A_519 = arith.constant 1 : i32
      %run_scoped3A_520 = arith.constant 0 : i32
      %run_scoped3A_521 = arith.constant 7 : i32
      "tpu.region"() ({
        %run_scoped3A_990 = tpu.sem_alloc : memref<!tpu.dma_semaphore, #tpu.memory_space<semaphore_mem>>
        %dma_start3A_991 = arith.constant 0 : i32
        %dma_start3A_992 = arith.constant 0 : i32
        %dma_start3A_993 = tpu.memref_slice %arg12[%run_scoped3A_519, %dma_start3A_991, %dma_start3A_992] : memref<2x125x128xf32, #tpu.memory_space<vmem>> -> memref<1x125x128xf32, #tpu.memory_space<vmem>>
        %dma_start3A_994 = tpu.memref_squeeze %dma_start3A_993 : memref<1x125x128xf32, #tpu.memory_space<vmem>> -> memref<125x128xf32, #tpu.memory_space<vmem>>
        %dma_start3A_995 = arith.constant 0 : i32
        %dma_start3A_996 = tpu.memref_slice %arg11[%run_scoped3A_520, %run_scoped3A_521, %dma_start3A_995] : memref<2x8x125xi32, #tpu.memory_space<vmem>> -> memref<1x1x125xi32, #tpu.memory_space<vmem>>
        %dma_start3A_997 = tpu.memref_squeeze %dma_start3A_996 : memref<1x1x125xi32, #tpu.memory_space<vmem>> -> memref<125xi32, #tpu.memory_space<vmem>>
        %dma_start3A_998 = arith.constant 0 : i32
        %dma_start3A_999 = arith.constant 0 : i32
        %dma_start3A_1000 = tpu.memref_slice %arg17[%dma_start3A_998, %dma_start3A_999] : memref<10240x128xf32, #tpu.memory_space<vmem_shared>> -> memref<10240x128xf32, #tpu.memory_space<vmem_shared>>
        tpu.enqueue_indirect_dma source(%dma_start3A_994 : memref<125x128xf32, #tpu.memory_space<vmem>>) target(%dma_start3A_1000 : memref<10240x128xf32, #tpu.memory_space<vmem_shared>>) offsets(%dma_start3A_997 : memref<125xi32, #tpu.memory_space<vmem>>) semaphore(%run_scoped3A_990 : memref<!tpu.dma_semaphore, #tpu.memory_space<semaphore_mem>>) {add = true}
        %dma_wait3A_1001 = arith.constant 0 : i32
        %dma_wait3A_1002 = arith.constant 0 : i32
        %dma_wait3A_1003 = tpu.memref_slice %arg12[%run_scoped3A_519, %dma_wait3A_1001, %dma_wait3A_1002] : memref<2x125x128xf32, #tpu.memory_space<vmem>> -> memref<1x125x128xf32, #tpu.memory_space<vmem>>
        %dma_wait3A_1004 = tpu.memref_squeeze %dma_wait3A_1003 : memref<1x125x128xf32, #tpu.memory_space<vmem>> -> memref<125x128xf32, #tpu.memory_space<vmem>>
        %dma_wait3A_1005 = arith.constant 0 : i32
        %dma_wait3A_1006 = tpu.memref_slice %arg11[%run_scoped3A_520, %run_scoped3A_521, %dma_wait3A_1005] : memref<2x8x125xi32, #tpu.memory_space<vmem>> -> memref<1x1x125xi32, #tpu.memory_space<vmem>>
        %dma_wait3A_1007 = tpu.memref_squeeze %dma_wait3A_1006 : memref<1x1x125xi32, #tpu.memory_space<vmem>> -> memref<125xi32, #tpu.memory_space<vmem>>
        %dma_wait3A_1008 = arith.constant 0 : i32
        %dma_wait3A_1009 = arith.constant 0 : i32
        %dma_wait3A_1010 = tpu.memref_slice %arg17[%dma_wait3A_1008, %dma_wait3A_1009] : memref<10240x128xf32, #tpu.memory_space<vmem_shared>> -> memref<10240x128xf32, #tpu.memory_space<vmem_shared>>
        tpu.wait_indirect_dma semaphore(%run_scoped3A_990 : memref<!tpu.dma_semaphore, #tpu.memory_space<semaphore_mem>>) src(%dma_wait3A_1004 : memref<125x128xf32, #tpu.memory_space<vmem>>) dst(%dma_wait3A_1010 : memref<10240x128xf32, #tpu.memory_space<vmem_shared>>)
        tpu.yield
      }) : () -> ()
      %run_scoped3A_522 = arith.constant 1 : i32
      %run_scoped3A_523 = arith.constant 0 : i32
      %run_scoped3A_524 = arith.constant 7 : i32
      "tpu.region"() ({
        %run_scoped3A_990 = tpu.sem_alloc : memref<!tpu.dma_semaphore, #tpu.memory_space<semaphore_mem>>
        %dma_start3A_991 = arith.constant 0 : i32
        %dma_start3A_992 = tpu.memref_slice %arg13[%run_scoped3A_522, %dma_start3A_991] : memref<2x125xf32, #tpu.memory_space<vmem>> -> memref<1x125xf32, #tpu.memory_space<vmem>>
        %dma_start3A_993 = tpu.memref_squeeze %dma_start3A_992 : memref<1x125xf32, #tpu.memory_space<vmem>> -> memref<125xf32, #tpu.memory_space<vmem>>
        %dma_start3A_994 = arith.constant 0 : i32
        %dma_start3A_995 = tpu.memref_slice %arg10[%run_scoped3A_523, %run_scoped3A_524, %dma_start3A_994] : memref<2x8x125xi32, #tpu.memory_space<vmem>> -> memref<1x1x125xi32, #tpu.memory_space<vmem>>
        %dma_start3A_996 = tpu.memref_squeeze %dma_start3A_995 : memref<1x1x125xi32, #tpu.memory_space<vmem>> -> memref<125xi32, #tpu.memory_space<vmem>>
        %dma_start3A_997 = arith.constant 0 : i32
        %dma_start3A_998 = tpu.memref_slice %arg18[%dma_start3A_997] : memref<10240xf32, #tpu.memory_space<vmem_shared>> -> memref<10240xf32, #tpu.memory_space<vmem_shared>>
        tpu.enqueue_indirect_dma source(%dma_start3A_993 : memref<125xf32, #tpu.memory_space<vmem>>) target(%dma_start3A_998 : memref<10240xf32, #tpu.memory_space<vmem_shared>>) offsets(%dma_start3A_996 : memref<125xi32, #tpu.memory_space<vmem>>) semaphore(%run_scoped3A_990 : memref<!tpu.dma_semaphore, #tpu.memory_space<semaphore_mem>>) {add = true}
        %dma_wait3A_999 = arith.constant 0 : i32
        %dma_wait3A_1000 = tpu.memref_slice %arg13[%run_scoped3A_522, %dma_wait3A_999] : memref<2x125xf32, #tpu.memory_space<vmem>> -> memref<1x125xf32, #tpu.memory_space<vmem>>
        %dma_wait3A_1001 = tpu.memref_squeeze %dma_wait3A_1000 : memref<1x125xf32, #tpu.memory_space<vmem>> -> memref<125xf32, #tpu.memory_space<vmem>>
        %dma_wait3A_1002 = arith.constant 0 : i32
        %dma_wait3A_1003 = tpu.memref_slice %arg10[%run_scoped3A_523, %run_scoped3A_524, %dma_wait3A_1002] : memref<2x8x125xi32, #tpu.memory_space<vmem>> -> memref<1x1x125xi32, #tpu.memory_space<vmem>>
        %dma_wait3A_1004 = tpu.memref_squeeze %dma_wait3A_1003 : memref<1x1x125xi32, #tpu.memory_space<vmem>> -> memref<125xi32, #tpu.memory_space<vmem>>
        %dma_wait3A_1005 = arith.constant 0 : i32
        %dma_wait3A_1006 = tpu.memref_slice %arg18[%dma_wait3A_1005] : memref<10240xf32, #tpu.memory_space<vmem_shared>> -> memref<10240xf32, #tpu.memory_space<vmem_shared>>
        tpu.wait_indirect_dma semaphore(%run_scoped3A_990 : memref<!tpu.dma_semaphore, #tpu.memory_space<semaphore_mem>>) src(%dma_wait3A_1001 : memref<125xf32, #tpu.memory_space<vmem>>) dst(%dma_wait3A_1006 : memref<10240xf32, #tpu.memory_space<vmem_shared>>)
        tpu.yield
      }) : () -> ()
      %add3A_525 = arith.constant 2 : i32
      %add3A_526 = arith.addi %add3A_81, %add3A_525 : i32
      %lt3A_527 = arith.constant 10 : i32
      %lt3A_528 = arith.cmpi slt, %add3A_526, %lt3A_527 : i32
      %convert_element_type3A_529 = arith.extui %lt3A_528 : i1 to i32
      %cond3A_530 = arith.constant 0 : i32
      %cond3A_531 = arith.cmpi ne, %convert_element_type3A_529, %cond3A_530 : i32
      scf.if %cond3A_531 {
        %add3A_990 = arith.constant 2 : i32
        %add3A_991 = arith.addi %add3A_81, %add3A_990 : i32
        %mul3A_992 = arith.constant 8 : i32
        %mul3A_993 = arith.muli %add3A_991, %mul3A_992 : i32
        %dma_start3A_994 = arith.constant 0 : i32
        %dma_start3A_995 = arith.constant 0 : i32
        %dma_start3A_996 = arith.constant 0 : i32
        %dma_start3A_997 = tpu.memref_slice %arg10[%dma_start3A_994, %dma_start3A_995, %dma_start3A_996] : memref<2x8x125xi32, #tpu.memory_space<vmem>> -> memref<1x8x125xi32, #tpu.memory_space<vmem>>
        %dma_start3A_998 = tpu.memref_squeeze %dma_start3A_997 : memref<1x8x125xi32, #tpu.memory_space<vmem>> -> memref<8x125xi32, #tpu.memory_space<vmem>>
        %dma_start3A_999 = arith.constant 0 : i32
        %dma_start3A_1000 = tpu.memref_slice %arg4[%add3A, %mul3A_993, %dma_start3A_999] : memref<32x80x125xi32, #tpu.memory_space<hbm>> -> memref<1x8x125xi32, #tpu.memory_space<hbm>>
        %dma_start3A_1001 = tpu.memref_squeeze %dma_start3A_1000 : memref<1x8x125xi32, #tpu.memory_space<hbm>> -> memref<8x125xi32, #tpu.memory_space<hbm>>
        %dma_start3A_1002 = arith.constant 0 : i32
        %dma_start3A_1003 = arith.constant 0 : i32
        %dma_start3A_1004 = tpu.memref_slice %arg10[%dma_start3A_994, %dma_start3A_1002, %dma_start3A_1003] : memref<2x8x125xi32, #tpu.memory_space<vmem>> -> memref<1x8x125xi32, #tpu.memory_space<vmem>>
        %dma_start3A_1005 = tpu.memref_squeeze %dma_start3A_1004 : memref<1x8x125xi32, #tpu.memory_space<vmem>> -> memref<8x125xi32, #tpu.memory_space<vmem>>
        %dma_start3A_1006 = arith.constant 0 : i32
        %dma_start3A_1007 = tpu.memref_slice %arg4[%add3A, %mul3A_993, %dma_start3A_1006] : memref<32x80x125xi32, #tpu.memory_space<hbm>> -> memref<1x8x125xi32, #tpu.memory_space<hbm>>
        %dma_start3A_1008 = tpu.memref_squeeze %dma_start3A_1007 : memref<1x8x125xi32, #tpu.memory_space<hbm>> -> memref<8x125xi32, #tpu.memory_space<hbm>>
        tpu.enqueue_dma source(%dma_start3A_1008 : memref<8x125xi32, #tpu.memory_space<hbm>>) target(%dma_start3A_1005 : memref<8x125xi32, #tpu.memory_space<vmem>>) target_semaphore(%arg16 : memref<!tpu.dma_semaphore, #tpu.memory_space<semaphore_mem>>)
        %add3A_1009 = arith.constant 2 : i32
        %add3A_1010 = arith.addi %add3A_81, %add3A_1009 : i32
        %mul3A_1011 = arith.constant 8 : i32
        %mul3A_1012 = arith.muli %add3A_1010, %mul3A_1011 : i32
        %dma_start3A_1013 = arith.constant 0 : i32
        %dma_start3A_1014 = arith.constant 0 : i32
        %dma_start3A_1015 = arith.constant 0 : i32
        %dma_start3A_1016 = tpu.memref_slice %arg11[%dma_start3A_1013, %dma_start3A_1014, %dma_start3A_1015] : memref<2x8x125xi32, #tpu.memory_space<vmem>> -> memref<1x8x125xi32, #tpu.memory_space<vmem>>
        %dma_start3A_1017 = tpu.memref_squeeze %dma_start3A_1016 : memref<1x8x125xi32, #tpu.memory_space<vmem>> -> memref<8x125xi32, #tpu.memory_space<vmem>>
        %dma_start3A_1018 = arith.constant 0 : i32
        %dma_start3A_1019 = tpu.memref_slice %arg5[%add3A, %mul3A_1012, %dma_start3A_1018] : memref<32x80x125xi32, #tpu.memory_space<hbm>> -> memref<1x8x125xi32, #tpu.memory_space<hbm>>
        %dma_start3A_1020 = tpu.memref_squeeze %dma_start3A_1019 : memref<1x8x125xi32, #tpu.memory_space<hbm>> -> memref<8x125xi32, #tpu.memory_space<hbm>>
        %dma_start3A_1021 = arith.constant 0 : i32
        %dma_start3A_1022 = arith.constant 0 : i32
        %dma_start3A_1023 = tpu.memref_slice %arg11[%dma_start3A_1013, %dma_start3A_1021, %dma_start3A_1022] : memref<2x8x125xi32, #tpu.memory_space<vmem>> -> memref<1x8x125xi32, #tpu.memory_space<vmem>>
        %dma_start3A_1024 = tpu.memref_squeeze %dma_start3A_1023 : memref<1x8x125xi32, #tpu.memory_space<vmem>> -> memref<8x125xi32, #tpu.memory_space<vmem>>
        %dma_start3A_1025 = arith.constant 0 : i32
        %dma_start3A_1026 = tpu.memref_slice %arg5[%add3A, %mul3A_1012, %dma_start3A_1025] : memref<32x80x125xi32, #tpu.memory_space<hbm>> -> memref<1x8x125xi32, #tpu.memory_space<hbm>>
        %dma_start3A_1027 = tpu.memref_squeeze %dma_start3A_1026 : memref<1x8x125xi32, #tpu.memory_space<hbm>> -> memref<8x125xi32, #tpu.memory_space<hbm>>
        tpu.enqueue_dma source(%dma_start3A_1027 : memref<8x125xi32, #tpu.memory_space<hbm>>) target(%dma_start3A_1024 : memref<8x125xi32, #tpu.memory_space<vmem>>) target_semaphore(%arg16 : memref<!tpu.dma_semaphore, #tpu.memory_space<semaphore_mem>>)
      } else {
      }
      %mul3A_532 = arith.constant 2 : i32
      %mul3A_533 = arith.muli %scan3A_77, %mul3A_532 : i32
      %add3A_534 = arith.constant 1 : i32
      %add3A_535 = arith.addi %mul3A_533, %add3A_534 : i32
      %mul3A_536 = arith.constant 8 : i32
      %mul3A_537 = arith.muli %add3A_535, %mul3A_536 : i32
      %add3A_538 = arith.constant 0 : i32
      %add3A_539 = arith.addi %mul3A_537, %add3A_538 : i32
      %dma_wait3A_540 = arith.constant 1 : i32
      %dma_wait3A_541 = arith.constant 0 : i32
      %dma_wait3A_542 = arith.constant 0 : i32
      %dma_wait3A_543 = arith.constant 0 : i32
      %dma_wait3A_544 = arith.constant 0 : i32
      %dma_wait3A_545 = tpu.memref_slice %arg12[%dma_wait3A_542, %dma_wait3A_543, %dma_wait3A_544] : memref<2x125x128xf32, #tpu.memory_space<vmem>> -> memref<1x125x128xf32, #tpu.memory_space<vmem>>
      %dma_wait3A_546 = tpu.memref_squeeze %dma_wait3A_545 : memref<1x125x128xf32, #tpu.memory_space<vmem>> -> memref<125x128xf32, #tpu.memory_space<vmem>>
      %dma_wait3A_547 = arith.constant 0 : i32
      %dma_wait3A_548 = tpu.memref_slice %arg10[%dma_wait3A_540, %dma_wait3A_541, %dma_wait3A_547] : memref<2x8x125xi32, #tpu.memory_space<vmem>> -> memref<1x1x125xi32, #tpu.memory_space<vmem>>
      %dma_wait3A_549 = tpu.memref_squeeze %dma_wait3A_548 : memref<1x1x125xi32, #tpu.memory_space<vmem>> -> memref<125xi32, #tpu.memory_space<vmem>>
      %dma_wait3A_550 = arith.constant 0 : i32
      %dma_wait3A_551 = arith.constant 0 : i32
      %dma_wait3A_552 = tpu.memref_slice %arg2[%dma_wait3A_550, %dma_wait3A_551] : memref<10240x128xf32, #tpu.memory_space<hbm>> -> memref<10240x128xf32, #tpu.memory_space<hbm>>
      tpu.wait_indirect_dma semaphore(%arg14 : memref<!tpu.dma_semaphore, #tpu.memory_space<semaphore_mem>>) src(%dma_wait3A_552 : memref<10240x128xf32, #tpu.memory_space<hbm>>) dst(%dma_wait3A_546 : memref<125x128xf32, #tpu.memory_space<vmem>>)
      %dma_wait3A_553 = arith.constant 1 : i32
      %dma_wait3A_554 = arith.constant 0 : i32
      %dma_wait3A_555 = arith.constant 0 : i32
      %dma_wait3A_556 = arith.constant 0 : i32
      %dma_wait3A_557 = tpu.memref_slice %arg13[%dma_wait3A_555, %dma_wait3A_556] : memref<2x125xf32, #tpu.memory_space<vmem>> -> memref<1x125xf32, #tpu.memory_space<vmem>>
      %dma_wait3A_558 = tpu.memref_squeeze %dma_wait3A_557 : memref<1x125xf32, #tpu.memory_space<vmem>> -> memref<125xf32, #tpu.memory_space<vmem>>
      %dma_wait3A_559 = arith.constant 0 : i32
      %dma_wait3A_560 = tpu.memref_slice %arg11[%dma_wait3A_553, %dma_wait3A_554, %dma_wait3A_559] : memref<2x8x125xi32, #tpu.memory_space<vmem>> -> memref<1x1x125xi32, #tpu.memory_space<vmem>>
      %dma_wait3A_561 = tpu.memref_squeeze %dma_wait3A_560 : memref<1x1x125xi32, #tpu.memory_space<vmem>> -> memref<125xi32, #tpu.memory_space<vmem>>
      %dma_wait3A_562 = arith.constant 0 : i32
      %dma_wait3A_563 = tpu.memref_slice %arg3[%dma_wait3A_562] : memref<10240xf32, #tpu.memory_space<hbm>> -> memref<10240xf32, #tpu.memory_space<hbm>>
      tpu.wait_indirect_dma semaphore(%arg15 : memref<!tpu.dma_semaphore, #tpu.memory_space<semaphore_mem>>) src(%dma_wait3A_563 : memref<10240xf32, #tpu.memory_space<hbm>>) dst(%dma_wait3A_558 : memref<125xf32, #tpu.memory_space<vmem>>)
      %dma_start3A_564 = arith.constant 1 : i32
      %dma_start3A_565 = arith.constant 1 : i32
      %dma_start3A_566 = arith.constant 1 : i32
      %dma_start3A_567 = arith.constant 0 : i32
      %dma_start3A_568 = arith.constant 0 : i32
      %dma_start3A_569 = tpu.memref_slice %arg12[%dma_start3A_566, %dma_start3A_567, %dma_start3A_568] : memref<2x125x128xf32, #tpu.memory_space<vmem>> -> memref<1x125x128xf32, #tpu.memory_space<vmem>>
      %dma_start3A_570 = tpu.memref_squeeze %dma_start3A_569 : memref<1x125x128xf32, #tpu.memory_space<vmem>> -> memref<125x128xf32, #tpu.memory_space<vmem>>
      %dma_start3A_571 = arith.constant 0 : i32
      %dma_start3A_572 = tpu.memref_slice %arg10[%dma_start3A_564, %dma_start3A_565, %dma_start3A_571] : memref<2x8x125xi32, #tpu.memory_space<vmem>> -> memref<1x1x125xi32, #tpu.memory_space<vmem>>
      %dma_start3A_573 = tpu.memref_squeeze %dma_start3A_572 : memref<1x1x125xi32, #tpu.memory_space<vmem>> -> memref<125xi32, #tpu.memory_space<vmem>>
      %dma_start3A_574 = arith.constant 0 : i32
      %dma_start3A_575 = arith.constant 0 : i32
      %dma_start3A_576 = tpu.memref_slice %arg2[%dma_start3A_574, %dma_start3A_575] : memref<10240x128xf32, #tpu.memory_space<hbm>> -> memref<10240x128xf32, #tpu.memory_space<hbm>>
      tpu.enqueue_indirect_dma source(%dma_start3A_576 : memref<10240x128xf32, #tpu.memory_space<hbm>>) target(%dma_start3A_570 : memref<125x128xf32, #tpu.memory_space<vmem>>) offsets(%dma_start3A_573 : memref<125xi32, #tpu.memory_space<vmem>>) semaphore(%arg14 : memref<!tpu.dma_semaphore, #tpu.memory_space<semaphore_mem>>)
      %dma_start3A_577 = arith.constant 1 : i32
      %dma_start3A_578 = arith.constant 1 : i32
      %dma_start3A_579 = arith.constant 1 : i32
      %dma_start3A_580 = arith.constant 0 : i32
      %dma_start3A_581 = tpu.memref_slice %arg13[%dma_start3A_579, %dma_start3A_580] : memref<2x125xf32, #tpu.memory_space<vmem>> -> memref<1x125xf32, #tpu.memory_space<vmem>>
      %dma_start3A_582 = tpu.memref_squeeze %dma_start3A_581 : memref<1x125xf32, #tpu.memory_space<vmem>> -> memref<125xf32, #tpu.memory_space<vmem>>
      %dma_start3A_583 = arith.constant 0 : i32
      %dma_start3A_584 = tpu.memref_slice %arg11[%dma_start3A_577, %dma_start3A_578, %dma_start3A_583] : memref<2x8x125xi32, #tpu.memory_space<vmem>> -> memref<1x1x125xi32, #tpu.memory_space<vmem>>
      %dma_start3A_585 = tpu.memref_squeeze %dma_start3A_584 : memref<1x1x125xi32, #tpu.memory_space<vmem>> -> memref<125xi32, #tpu.memory_space<vmem>>
      %dma_start3A_586 = arith.constant 0 : i32
      %dma_start3A_587 = tpu.memref_slice %arg3[%dma_start3A_586] : memref<10240xf32, #tpu.memory_space<hbm>> -> memref<10240xf32, #tpu.memory_space<hbm>>
      tpu.enqueue_indirect_dma source(%dma_start3A_587 : memref<10240xf32, #tpu.memory_space<hbm>>) target(%dma_start3A_582 : memref<125xf32, #tpu.memory_space<vmem>>) offsets(%dma_start3A_585 : memref<125xi32, #tpu.memory_space<vmem>>) semaphore(%arg15 : memref<!tpu.dma_semaphore, #tpu.memory_space<semaphore_mem>>)
      %run_scoped3A_588 = arith.constant 0 : i32
      %run_scoped3A_589 = arith.constant 1 : i32
      %run_scoped3A_590 = arith.constant 0 : i32
      "tpu.region"() ({
        %run_scoped3A_990 = tpu.sem_alloc : memref<!tpu.dma_semaphore, #tpu.memory_space<semaphore_mem>>
        %dma_start3A_991 = arith.constant 0 : i32
        %dma_start3A_992 = arith.constant 0 : i32
        %dma_start3A_993 = tpu.memref_slice %arg12[%run_scoped3A_588, %dma_start3A_991, %dma_start3A_992] : memref<2x125x128xf32, #tpu.memory_space<vmem>> -> memref<1x125x128xf32, #tpu.memory_space<vmem>>
        %dma_start3A_994 = tpu.memref_squeeze %dma_start3A_993 : memref<1x125x128xf32, #tpu.memory_space<vmem>> -> memref<125x128xf32, #tpu.memory_space<vmem>>
        %dma_start3A_995 = arith.constant 0 : i32
        %dma_start3A_996 = tpu.memref_slice %arg11[%run_scoped3A_589, %run_scoped3A_590, %dma_start3A_995] : memref<2x8x125xi32, #tpu.memory_space<vmem>> -> memref<1x1x125xi32, #tpu.memory_space<vmem>>
        %dma_start3A_997 = tpu.memref_squeeze %dma_start3A_996 : memref<1x1x125xi32, #tpu.memory_space<vmem>> -> memref<125xi32, #tpu.memory_space<vmem>>
        %dma_start3A_998 = arith.constant 0 : i32
        %dma_start3A_999 = arith.constant 0 : i32
        %dma_start3A_1000 = tpu.memref_slice %arg17[%dma_start3A_998, %dma_start3A_999] : memref<10240x128xf32, #tpu.memory_space<vmem_shared>> -> memref<10240x128xf32, #tpu.memory_space<vmem_shared>>
        tpu.enqueue_indirect_dma source(%dma_start3A_994 : memref<125x128xf32, #tpu.memory_space<vmem>>) target(%dma_start3A_1000 : memref<10240x128xf32, #tpu.memory_space<vmem_shared>>) offsets(%dma_start3A_997 : memref<125xi32, #tpu.memory_space<vmem>>) semaphore(%run_scoped3A_990 : memref<!tpu.dma_semaphore, #tpu.memory_space<semaphore_mem>>) {add = true}
        %dma_wait3A_1001 = arith.constant 0 : i32
        %dma_wait3A_1002 = arith.constant 0 : i32
        %dma_wait3A_1003 = tpu.memref_slice %arg12[%run_scoped3A_588, %dma_wait3A_1001, %dma_wait3A_1002] : memref<2x125x128xf32, #tpu.memory_space<vmem>> -> memref<1x125x128xf32, #tpu.memory_space<vmem>>
        %dma_wait3A_1004 = tpu.memref_squeeze %dma_wait3A_1003 : memref<1x125x128xf32, #tpu.memory_space<vmem>> -> memref<125x128xf32, #tpu.memory_space<vmem>>
        %dma_wait3A_1005 = arith.constant 0 : i32
        %dma_wait3A_1006 = tpu.memref_slice %arg11[%run_scoped3A_589, %run_scoped3A_590, %dma_wait3A_1005] : memref<2x8x125xi32, #tpu.memory_space<vmem>> -> memref<1x1x125xi32, #tpu.memory_space<vmem>>
        %dma_wait3A_1007 = tpu.memref_squeeze %dma_wait3A_1006 : memref<1x1x125xi32, #tpu.memory_space<vmem>> -> memref<125xi32, #tpu.memory_space<vmem>>
        %dma_wait3A_1008 = arith.constant 0 : i32
        %dma_wait3A_1009 = arith.constant 0 : i32
        %dma_wait3A_1010 = tpu.memref_slice %arg17[%dma_wait3A_1008, %dma_wait3A_1009] : memref<10240x128xf32, #tpu.memory_space<vmem_shared>> -> memref<10240x128xf32, #tpu.memory_space<vmem_shared>>
        tpu.wait_indirect_dma semaphore(%run_scoped3A_990 : memref<!tpu.dma_semaphore, #tpu.memory_space<semaphore_mem>>) src(%dma_wait3A_1004 : memref<125x128xf32, #tpu.memory_space<vmem>>) dst(%dma_wait3A_1010 : memref<10240x128xf32, #tpu.memory_space<vmem_shared>>)
        tpu.yield
      }) : () -> ()
      %run_scoped3A_591 = arith.constant 0 : i32
      %run_scoped3A_592 = arith.constant 1 : i32
      %run_scoped3A_593 = arith.constant 0 : i32
      "tpu.region"() ({
        %run_scoped3A_990 = tpu.sem_alloc : memref<!tpu.dma_semaphore, #tpu.memory_space<semaphore_mem>>
        %dma_start3A_991 = arith.constant 0 : i32
        %dma_start3A_992 = tpu.memref_slice %arg13[%run_scoped3A_591, %dma_start3A_991] : memref<2x125xf32, #tpu.memory_space<vmem>> -> memref<1x125xf32, #tpu.memory_space<vmem>>
        %dma_start3A_993 = tpu.memref_squeeze %dma_start3A_992 : memref<1x125xf32, #tpu.memory_space<vmem>> -> memref<125xf32, #tpu.memory_space<vmem>>
        %dma_start3A_994 = arith.constant 0 : i32
        %dma_start3A_995 = tpu.memref_slice %arg10[%run_scoped3A_592, %run_scoped3A_593, %dma_start3A_994] : memref<2x8x125xi32, #tpu.memory_space<vmem>> -> memref<1x1x125xi32, #tpu.memory_space<vmem>>
        %dma_start3A_996 = tpu.memref_squeeze %dma_start3A_995 : memref<1x1x125xi32, #tpu.memory_space<vmem>> -> memref<125xi32, #tpu.memory_space<vmem>>
        %dma_start3A_997 = arith.constant 0 : i32
        %dma_start3A_998 = tpu.memref_slice %arg18[%dma_start3A_997] : memref<10240xf32, #tpu.memory_space<vmem_shared>> -> memref<10240xf32, #tpu.memory_space<vmem_shared>>
        tpu.enqueue_indirect_dma source(%dma_start3A_993 : memref<125xf32, #tpu.memory_space<vmem>>) target(%dma_start3A_998 : memref<10240xf32, #tpu.memory_space<vmem_shared>>) offsets(%dma_start3A_996 : memref<125xi32, #tpu.memory_space<vmem>>) semaphore(%run_scoped3A_990 : memref<!tpu.dma_semaphore, #tpu.memory_space<semaphore_mem>>) {add = true}
        %dma_wait3A_999 = arith.constant 0 : i32
        %dma_wait3A_1000 = tpu.memref_slice %arg13[%run_scoped3A_591, %dma_wait3A_999] : memref<2x125xf32, #tpu.memory_space<vmem>> -> memref<1x125xf32, #tpu.memory_space<vmem>>
        %dma_wait3A_1001 = tpu.memref_squeeze %dma_wait3A_1000 : memref<1x125xf32, #tpu.memory_space<vmem>> -> memref<125xf32, #tpu.memory_space<vmem>>
        %dma_wait3A_1002 = arith.constant 0 : i32
        %dma_wait3A_1003 = tpu.memref_slice %arg10[%run_scoped3A_592, %run_scoped3A_593, %dma_wait3A_1002] : memref<2x8x125xi32, #tpu.memory_space<vmem>> -> memref<1x1x125xi32, #tpu.memory_space<vmem>>
        %dma_wait3A_1004 = tpu.memref_squeeze %dma_wait3A_1003 : memref<1x1x125xi32, #tpu.memory_space<vmem>> -> memref<125xi32, #tpu.memory_space<vmem>>
        %dma_wait3A_1005 = arith.constant 0 : i32
        %dma_wait3A_1006 = tpu.memref_slice %arg18[%dma_wait3A_1005] : memref<10240xf32, #tpu.memory_space<vmem_shared>> -> memref<10240xf32, #tpu.memory_space<vmem_shared>>
        tpu.wait_indirect_dma semaphore(%run_scoped3A_990 : memref<!tpu.dma_semaphore, #tpu.memory_space<semaphore_mem>>) src(%dma_wait3A_1001 : memref<125xf32, #tpu.memory_space<vmem>>) dst(%dma_wait3A_1006 : memref<10240xf32, #tpu.memory_space<vmem_shared>>)
        tpu.yield
      }) : () -> ()
      %mul3A_594 = arith.constant 8 : i32
      %mul3A_595 = arith.muli %add3A_535, %mul3A_594 : i32
      %add3A_596 = arith.constant 1 : i32
      %add3A_597 = arith.addi %mul3A_595, %add3A_596 : i32
      %dma_wait3A_598 = arith.constant 1 : i32
      %dma_wait3A_599 = arith.constant 1 : i32
      %dma_wait3A_600 = arith.constant 1 : i32
      %dma_wait3A_601 = arith.constant 0 : i32
      %dma_wait3A_602 = arith.constant 0 : i32
      %dma_wait3A_603 = tpu.memref_slice %arg12[%dma_wait3A_600, %dma_wait3A_601, %dma_wait3A_602] : memref<2x125x128xf32, #tpu.memory_space<vmem>> -> memref<1x125x128xf32, #tpu.memory_space<vmem>>
      %dma_wait3A_604 = tpu.memref_squeeze %dma_wait3A_603 : memref<1x125x128xf32, #tpu.memory_space<vmem>> -> memref<125x128xf32, #tpu.memory_space<vmem>>
      %dma_wait3A_605 = arith.constant 0 : i32
      %dma_wait3A_606 = tpu.memref_slice %arg10[%dma_wait3A_598, %dma_wait3A_599, %dma_wait3A_605] : memref<2x8x125xi32, #tpu.memory_space<vmem>> -> memref<1x1x125xi32, #tpu.memory_space<vmem>>
      %dma_wait3A_607 = tpu.memref_squeeze %dma_wait3A_606 : memref<1x1x125xi32, #tpu.memory_space<vmem>> -> memref<125xi32, #tpu.memory_space<vmem>>
      %dma_wait3A_608 = arith.constant 0 : i32
      %dma_wait3A_609 = arith.constant 0 : i32
      %dma_wait3A_610 = tpu.memref_slice %arg2[%dma_wait3A_608, %dma_wait3A_609] : memref<10240x128xf32, #tpu.memory_space<hbm>> -> memref<10240x128xf32, #tpu.memory_space<hbm>>
      tpu.wait_indirect_dma semaphore(%arg14 : memref<!tpu.dma_semaphore, #tpu.memory_space<semaphore_mem>>) src(%dma_wait3A_610 : memref<10240x128xf32, #tpu.memory_space<hbm>>) dst(%dma_wait3A_604 : memref<125x128xf32, #tpu.memory_space<vmem>>)
      %dma_wait3A_611 = arith.constant 1 : i32
      %dma_wait3A_612 = arith.constant 1 : i32
      %dma_wait3A_613 = arith.constant 1 : i32
      %dma_wait3A_614 = arith.constant 0 : i32
      %dma_wait3A_615 = tpu.memref_slice %arg13[%dma_wait3A_613, %dma_wait3A_614] : memref<2x125xf32, #tpu.memory_space<vmem>> -> memref<1x125xf32, #tpu.memory_space<vmem>>
      %dma_wait3A_616 = tpu.memref_squeeze %dma_wait3A_615 : memref<1x125xf32, #tpu.memory_space<vmem>> -> memref<125xf32, #tpu.memory_space<vmem>>
      %dma_wait3A_617 = arith.constant 0 : i32
      %dma_wait3A_618 = tpu.memref_slice %arg11[%dma_wait3A_611, %dma_wait3A_612, %dma_wait3A_617] : memref<2x8x125xi32, #tpu.memory_space<vmem>> -> memref<1x1x125xi32, #tpu.memory_space<vmem>>
      %dma_wait3A_619 = tpu.memref_squeeze %dma_wait3A_618 : memref<1x1x125xi32, #tpu.memory_space<vmem>> -> memref<125xi32, #tpu.memory_space<vmem>>
      %dma_wait3A_620 = arith.constant 0 : i32
      %dma_wait3A_621 = tpu.memref_slice %arg3[%dma_wait3A_620] : memref<10240xf32, #tpu.memory_space<hbm>> -> memref<10240xf32, #tpu.memory_space<hbm>>
      tpu.wait_indirect_dma semaphore(%arg15 : memref<!tpu.dma_semaphore, #tpu.memory_space<semaphore_mem>>) src(%dma_wait3A_621 : memref<10240xf32, #tpu.memory_space<hbm>>) dst(%dma_wait3A_616 : memref<125xf32, #tpu.memory_space<vmem>>)
      %dma_start3A_622 = arith.constant 1 : i32
      %dma_start3A_623 = arith.constant 2 : i32
      %dma_start3A_624 = arith.constant 0 : i32
      %dma_start3A_625 = arith.constant 0 : i32
      %dma_start3A_626 = arith.constant 0 : i32
      %dma_start3A_627 = tpu.memref_slice %arg12[%dma_start3A_624, %dma_start3A_625, %dma_start3A_626] : memref<2x125x128xf32, #tpu.memory_space<vmem>> -> memref<1x125x128xf32, #tpu.memory_space<vmem>>
      %dma_start3A_628 = tpu.memref_squeeze %dma_start3A_627 : memref<1x125x128xf32, #tpu.memory_space<vmem>> -> memref<125x128xf32, #tpu.memory_space<vmem>>
      %dma_start3A_629 = arith.constant 0 : i32
      %dma_start3A_630 = tpu.memref_slice %arg10[%dma_start3A_622, %dma_start3A_623, %dma_start3A_629] : memref<2x8x125xi32, #tpu.memory_space<vmem>> -> memref<1x1x125xi32, #tpu.memory_space<vmem>>
      %dma_start3A_631 = tpu.memref_squeeze %dma_start3A_630 : memref<1x1x125xi32, #tpu.memory_space<vmem>> -> memref<125xi32, #tpu.memory_space<vmem>>
      %dma_start3A_632 = arith.constant 0 : i32
      %dma_start3A_633 = arith.constant 0 : i32
      %dma_start3A_634 = tpu.memref_slice %arg2[%dma_start3A_632, %dma_start3A_633] : memref<10240x128xf32, #tpu.memory_space<hbm>> -> memref<10240x128xf32, #tpu.memory_space<hbm>>
      tpu.enqueue_indirect_dma source(%dma_start3A_634 : memref<10240x128xf32, #tpu.memory_space<hbm>>) target(%dma_start3A_628 : memref<125x128xf32, #tpu.memory_space<vmem>>) offsets(%dma_start3A_631 : memref<125xi32, #tpu.memory_space<vmem>>) semaphore(%arg14 : memref<!tpu.dma_semaphore, #tpu.memory_space<semaphore_mem>>)
      %dma_start3A_635 = arith.constant 1 : i32
      %dma_start3A_636 = arith.constant 2 : i32
      %dma_start3A_637 = arith.constant 0 : i32
      %dma_start3A_638 = arith.constant 0 : i32
      %dma_start3A_639 = tpu.memref_slice %arg13[%dma_start3A_637, %dma_start3A_638] : memref<2x125xf32, #tpu.memory_space<vmem>> -> memref<1x125xf32, #tpu.memory_space<vmem>>
      %dma_start3A_640 = tpu.memref_squeeze %dma_start3A_639 : memref<1x125xf32, #tpu.memory_space<vmem>> -> memref<125xf32, #tpu.memory_space<vmem>>
      %dma_start3A_641 = arith.constant 0 : i32
      %dma_start3A_642 = tpu.memref_slice %arg11[%dma_start3A_635, %dma_start3A_636, %dma_start3A_641] : memref<2x8x125xi32, #tpu.memory_space<vmem>> -> memref<1x1x125xi32, #tpu.memory_space<vmem>>
      %dma_start3A_643 = tpu.memref_squeeze %dma_start3A_642 : memref<1x1x125xi32, #tpu.memory_space<vmem>> -> memref<125xi32, #tpu.memory_space<vmem>>
      %dma_start3A_644 = arith.constant 0 : i32
      %dma_start3A_645 = tpu.memref_slice %arg3[%dma_start3A_644] : memref<10240xf32, #tpu.memory_space<hbm>> -> memref<10240xf32, #tpu.memory_space<hbm>>
      tpu.enqueue_indirect_dma source(%dma_start3A_645 : memref<10240xf32, #tpu.memory_space<hbm>>) target(%dma_start3A_640 : memref<125xf32, #tpu.memory_space<vmem>>) offsets(%dma_start3A_643 : memref<125xi32, #tpu.memory_space<vmem>>) semaphore(%arg15 : memref<!tpu.dma_semaphore, #tpu.memory_space<semaphore_mem>>)
      %run_scoped3A_646 = arith.constant 1 : i32
      %run_scoped3A_647 = arith.constant 1 : i32
      %run_scoped3A_648 = arith.constant 1 : i32
      "tpu.region"() ({
        %run_scoped3A_990 = tpu.sem_alloc : memref<!tpu.dma_semaphore, #tpu.memory_space<semaphore_mem>>
        %dma_start3A_991 = arith.constant 0 : i32
        %dma_start3A_992 = arith.constant 0 : i32
        %dma_start3A_993 = tpu.memref_slice %arg12[%run_scoped3A_646, %dma_start3A_991, %dma_start3A_992] : memref<2x125x128xf32, #tpu.memory_space<vmem>> -> memref<1x125x128xf32, #tpu.memory_space<vmem>>
        %dma_start3A_994 = tpu.memref_squeeze %dma_start3A_993 : memref<1x125x128xf32, #tpu.memory_space<vmem>> -> memref<125x128xf32, #tpu.memory_space<vmem>>
        %dma_start3A_995 = arith.constant 0 : i32
        %dma_start3A_996 = tpu.memref_slice %arg11[%run_scoped3A_647, %run_scoped3A_648, %dma_start3A_995] : memref<2x8x125xi32, #tpu.memory_space<vmem>> -> memref<1x1x125xi32, #tpu.memory_space<vmem>>
        %dma_start3A_997 = tpu.memref_squeeze %dma_start3A_996 : memref<1x1x125xi32, #tpu.memory_space<vmem>> -> memref<125xi32, #tpu.memory_space<vmem>>
        %dma_start3A_998 = arith.constant 0 : i32
        %dma_start3A_999 = arith.constant 0 : i32
        %dma_start3A_1000 = tpu.memref_slice %arg17[%dma_start3A_998, %dma_start3A_999] : memref<10240x128xf32, #tpu.memory_space<vmem_shared>> -> memref<10240x128xf32, #tpu.memory_space<vmem_shared>>
        tpu.enqueue_indirect_dma source(%dma_start3A_994 : memref<125x128xf32, #tpu.memory_space<vmem>>) target(%dma_start3A_1000 : memref<10240x128xf32, #tpu.memory_space<vmem_shared>>) offsets(%dma_start3A_997 : memref<125xi32, #tpu.memory_space<vmem>>) semaphore(%run_scoped3A_990 : memref<!tpu.dma_semaphore, #tpu.memory_space<semaphore_mem>>) {add = true}
        %dma_wait3A_1001 = arith.constant 0 : i32
        %dma_wait3A_1002 = arith.constant 0 : i32
        %dma_wait3A_1003 = tpu.memref_slice %arg12[%run_scoped3A_646, %dma_wait3A_1001, %dma_wait3A_1002] : memref<2x125x128xf32, #tpu.memory_space<vmem>> -> memref<1x125x128xf32, #tpu.memory_space<vmem>>
        %dma_wait3A_1004 = tpu.memref_squeeze %dma_wait3A_1003 : memref<1x125x128xf32, #tpu.memory_space<vmem>> -> memref<125x128xf32, #tpu.memory_space<vmem>>
        %dma_wait3A_1005 = arith.constant 0 : i32
        %dma_wait3A_1006 = tpu.memref_slice %arg11[%run_scoped3A_647, %run_scoped3A_648, %dma_wait3A_1005] : memref<2x8x125xi32, #tpu.memory_space<vmem>> -> memref<1x1x125xi32, #tpu.memory_space<vmem>>
        %dma_wait3A_1007 = tpu.memref_squeeze %dma_wait3A_1006 : memref<1x1x125xi32, #tpu.memory_space<vmem>> -> memref<125xi32, #tpu.memory_space<vmem>>
        %dma_wait3A_1008 = arith.constant 0 : i32
        %dma_wait3A_1009 = arith.constant 0 : i32
        %dma_wait3A_1010 = tpu.memref_slice %arg17[%dma_wait3A_1008, %dma_wait3A_1009] : memref<10240x128xf32, #tpu.memory_space<vmem_shared>> -> memref<10240x128xf32, #tpu.memory_space<vmem_shared>>
        tpu.wait_indirect_dma semaphore(%run_scoped3A_990 : memref<!tpu.dma_semaphore, #tpu.memory_space<semaphore_mem>>) src(%dma_wait3A_1004 : memref<125x128xf32, #tpu.memory_space<vmem>>) dst(%dma_wait3A_1010 : memref<10240x128xf32, #tpu.memory_space<vmem_shared>>)
        tpu.yield
      }) : () -> ()
      %run_scoped3A_649 = arith.constant 1 : i32
      %run_scoped3A_650 = arith.constant 1 : i32
      %run_scoped3A_651 = arith.constant 1 : i32
      "tpu.region"() ({
        %run_scoped3A_990 = tpu.sem_alloc : memref<!tpu.dma_semaphore, #tpu.memory_space<semaphore_mem>>
        %dma_start3A_991 = arith.constant 0 : i32
        %dma_start3A_992 = tpu.memref_slice %arg13[%run_scoped3A_649, %dma_start3A_991] : memref<2x125xf32, #tpu.memory_space<vmem>> -> memref<1x125xf32, #tpu.memory_space<vmem>>
        %dma_start3A_993 = tpu.memref_squeeze %dma_start3A_992 : memref<1x125xf32, #tpu.memory_space<vmem>> -> memref<125xf32, #tpu.memory_space<vmem>>
        %dma_start3A_994 = arith.constant 0 : i32
        %dma_start3A_995 = tpu.memref_slice %arg10[%run_scoped3A_650, %run_scoped3A_651, %dma_start3A_994] : memref<2x8x125xi32, #tpu.memory_space<vmem>> -> memref<1x1x125xi32, #tpu.memory_space<vmem>>
        %dma_start3A_996 = tpu.memref_squeeze %dma_start3A_995 : memref<1x1x125xi32, #tpu.memory_space<vmem>> -> memref<125xi32, #tpu.memory_space<vmem>>
        %dma_start3A_997 = arith.constant 0 : i32
        %dma_start3A_998 = tpu.memref_slice %arg18[%dma_start3A_997] : memref<10240xf32, #tpu.memory_space<vmem_shared>> -> memref<10240xf32, #tpu.memory_space<vmem_shared>>
        tpu.enqueue_indirect_dma source(%dma_start3A_993 : memref<125xf32, #tpu.memory_space<vmem>>) target(%dma_start3A_998 : memref<10240xf32, #tpu.memory_space<vmem_shared>>) offsets(%dma_start3A_996 : memref<125xi32, #tpu.memory_space<vmem>>) semaphore(%run_scoped3A_990 : memref<!tpu.dma_semaphore, #tpu.memory_space<semaphore_mem>>) {add = true}
        %dma_wait3A_999 = arith.constant 0 : i32
        %dma_wait3A_1000 = tpu.memref_slice %arg13[%run_scoped3A_649, %dma_wait3A_999] : memref<2x125xf32, #tpu.memory_space<vmem>> -> memref<1x125xf32, #tpu.memory_space<vmem>>
        %dma_wait3A_1001 = tpu.memref_squeeze %dma_wait3A_1000 : memref<1x125xf32, #tpu.memory_space<vmem>> -> memref<125xf32, #tpu.memory_space<vmem>>
        %dma_wait3A_1002 = arith.constant 0 : i32
        %dma_wait3A_1003 = tpu.memref_slice %arg10[%run_scoped3A_650, %run_scoped3A_651, %dma_wait3A_1002] : memref<2x8x125xi32, #tpu.memory_space<vmem>> -> memref<1x1x125xi32, #tpu.memory_space<vmem>>
        %dma_wait3A_1004 = tpu.memref_squeeze %dma_wait3A_1003 : memref<1x1x125xi32, #tpu.memory_space<vmem>> -> memref<125xi32, #tpu.memory_space<vmem>>
        %dma_wait3A_1005 = arith.constant 0 : i32
        %dma_wait3A_1006 = tpu.memref_slice %arg18[%dma_wait3A_1005] : memref<10240xf32, #tpu.memory_space<vmem_shared>> -> memref<10240xf32, #tpu.memory_space<vmem_shared>>
        tpu.wait_indirect_dma semaphore(%run_scoped3A_990 : memref<!tpu.dma_semaphore, #tpu.memory_space<semaphore_mem>>) src(%dma_wait3A_1001 : memref<125xf32, #tpu.memory_space<vmem>>) dst(%dma_wait3A_1006 : memref<10240xf32, #tpu.memory_space<vmem_shared>>)
        tpu.yield
      }) : () -> ()
      %mul3A_652 = arith.constant 8 : i32
      %mul3A_653 = arith.muli %add3A_535, %mul3A_652 : i32
      %add3A_654 = arith.constant 2 : i32
      %add3A_655 = arith.addi %mul3A_653, %add3A_654 : i32
      %dma_wait3A_656 = arith.constant 1 : i32
      %dma_wait3A_657 = arith.constant 2 : i32
      %dma_wait3A_658 = arith.constant 0 : i32
      %dma_wait3A_659 = arith.constant 0 : i32
      %dma_wait3A_660 = arith.constant 0 : i32
      %dma_wait3A_661 = tpu.memref_slice %arg12[%dma_wait3A_658, %dma_wait3A_659, %dma_wait3A_660] : memref<2x125x128xf32, #tpu.memory_space<vmem>> -> memref<1x125x128xf32, #tpu.memory_space<vmem>>
      %dma_wait3A_662 = tpu.memref_squeeze %dma_wait3A_661 : memref<1x125x128xf32, #tpu.memory_space<vmem>> -> memref<125x128xf32, #tpu.memory_space<vmem>>
      %dma_wait3A_663 = arith.constant 0 : i32
      %dma_wait3A_664 = tpu.memref_slice %arg10[%dma_wait3A_656, %dma_wait3A_657, %dma_wait3A_663] : memref<2x8x125xi32, #tpu.memory_space<vmem>> -> memref<1x1x125xi32, #tpu.memory_space<vmem>>
      %dma_wait3A_665 = tpu.memref_squeeze %dma_wait3A_664 : memref<1x1x125xi32, #tpu.memory_space<vmem>> -> memref<125xi32, #tpu.memory_space<vmem>>
      %dma_wait3A_666 = arith.constant 0 : i32
      %dma_wait3A_667 = arith.constant 0 : i32
      %dma_wait3A_668 = tpu.memref_slice %arg2[%dma_wait3A_666, %dma_wait3A_667] : memref<10240x128xf32, #tpu.memory_space<hbm>> -> memref<10240x128xf32, #tpu.memory_space<hbm>>
      tpu.wait_indirect_dma semaphore(%arg14 : memref<!tpu.dma_semaphore, #tpu.memory_space<semaphore_mem>>) src(%dma_wait3A_668 : memref<10240x128xf32, #tpu.memory_space<hbm>>) dst(%dma_wait3A_662 : memref<125x128xf32, #tpu.memory_space<vmem>>)
      %dma_wait3A_669 = arith.constant 1 : i32
      %dma_wait3A_670 = arith.constant 2 : i32
      %dma_wait3A_671 = arith.constant 0 : i32
      %dma_wait3A_672 = arith.constant 0 : i32
      %dma_wait3A_673 = tpu.memref_slice %arg13[%dma_wait3A_671, %dma_wait3A_672] : memref<2x125xf32, #tpu.memory_space<vmem>> -> memref<1x125xf32, #tpu.memory_space<vmem>>
      %dma_wait3A_674 = tpu.memref_squeeze %dma_wait3A_673 : memref<1x125xf32, #tpu.memory_space<vmem>> -> memref<125xf32, #tpu.memory_space<vmem>>
      %dma_wait3A_675 = arith.constant 0 : i32
      %dma_wait3A_676 = tpu.memref_slice %arg11[%dma_wait3A_669, %dma_wait3A_670, %dma_wait3A_675] : memref<2x8x125xi32, #tpu.memory_space<vmem>> -> memref<1x1x125xi32, #tpu.memory_space<vmem>>
      %dma_wait3A_677 = tpu.memref_squeeze %dma_wait3A_676 : memref<1x1x125xi32, #tpu.memory_space<vmem>> -> memref<125xi32, #tpu.memory_space<vmem>>
      %dma_wait3A_678 = arith.constant 0 : i32
      %dma_wait3A_679 = tpu.memref_slice %arg3[%dma_wait3A_678] : memref<10240xf32, #tpu.memory_space<hbm>> -> memref<10240xf32, #tpu.memory_space<hbm>>
      tpu.wait_indirect_dma semaphore(%arg15 : memref<!tpu.dma_semaphore, #tpu.memory_space<semaphore_mem>>) src(%dma_wait3A_679 : memref<10240xf32, #tpu.memory_space<hbm>>) dst(%dma_wait3A_674 : memref<125xf32, #tpu.memory_space<vmem>>)
      %dma_start3A_680 = arith.constant 1 : i32
      %dma_start3A_681 = arith.constant 3 : i32
      %dma_start3A_682 = arith.constant 1 : i32
      %dma_start3A_683 = arith.constant 0 : i32
      %dma_start3A_684 = arith.constant 0 : i32
      %dma_start3A_685 = tpu.memref_slice %arg12[%dma_start3A_682, %dma_start3A_683, %dma_start3A_684] : memref<2x125x128xf32, #tpu.memory_space<vmem>> -> memref<1x125x128xf32, #tpu.memory_space<vmem>>
      %dma_start3A_686 = tpu.memref_squeeze %dma_start3A_685 : memref<1x125x128xf32, #tpu.memory_space<vmem>> -> memref<125x128xf32, #tpu.memory_space<vmem>>
      %dma_start3A_687 = arith.constant 0 : i32
      %dma_start3A_688 = tpu.memref_slice %arg10[%dma_start3A_680, %dma_start3A_681, %dma_start3A_687] : memref<2x8x125xi32, #tpu.memory_space<vmem>> -> memref<1x1x125xi32, #tpu.memory_space<vmem>>
      %dma_start3A_689 = tpu.memref_squeeze %dma_start3A_688 : memref<1x1x125xi32, #tpu.memory_space<vmem>> -> memref<125xi32, #tpu.memory_space<vmem>>
      %dma_start3A_690 = arith.constant 0 : i32
      %dma_start3A_691 = arith.constant 0 : i32
      %dma_start3A_692 = tpu.memref_slice %arg2[%dma_start3A_690, %dma_start3A_691] : memref<10240x128xf32, #tpu.memory_space<hbm>> -> memref<10240x128xf32, #tpu.memory_space<hbm>>
      tpu.enqueue_indirect_dma source(%dma_start3A_692 : memref<10240x128xf32, #tpu.memory_space<hbm>>) target(%dma_start3A_686 : memref<125x128xf32, #tpu.memory_space<vmem>>) offsets(%dma_start3A_689 : memref<125xi32, #tpu.memory_space<vmem>>) semaphore(%arg14 : memref<!tpu.dma_semaphore, #tpu.memory_space<semaphore_mem>>)
      %dma_start3A_693 = arith.constant 1 : i32
      %dma_start3A_694 = arith.constant 3 : i32
      %dma_start3A_695 = arith.constant 1 : i32
      %dma_start3A_696 = arith.constant 0 : i32
      %dma_start3A_697 = tpu.memref_slice %arg13[%dma_start3A_695, %dma_start3A_696] : memref<2x125xf32, #tpu.memory_space<vmem>> -> memref<1x125xf32, #tpu.memory_space<vmem>>
      %dma_start3A_698 = tpu.memref_squeeze %dma_start3A_697 : memref<1x125xf32, #tpu.memory_space<vmem>> -> memref<125xf32, #tpu.memory_space<vmem>>
      %dma_start3A_699 = arith.constant 0 : i32
      %dma_start3A_700 = tpu.memref_slice %arg11[%dma_start3A_693, %dma_start3A_694, %dma_start3A_699] : memref<2x8x125xi32, #tpu.memory_space<vmem>> -> memref<1x1x125xi32, #tpu.memory_space<vmem>>
      %dma_start3A_701 = tpu.memref_squeeze %dma_start3A_700 : memref<1x1x125xi32, #tpu.memory_space<vmem>> -> memref<125xi32, #tpu.memory_space<vmem>>
      %dma_start3A_702 = arith.constant 0 : i32
      %dma_start3A_703 = tpu.memref_slice %arg3[%dma_start3A_702] : memref<10240xf32, #tpu.memory_space<hbm>> -> memref<10240xf32, #tpu.memory_space<hbm>>
      tpu.enqueue_indirect_dma source(%dma_start3A_703 : memref<10240xf32, #tpu.memory_space<hbm>>) target(%dma_start3A_698 : memref<125xf32, #tpu.memory_space<vmem>>) offsets(%dma_start3A_701 : memref<125xi32, #tpu.memory_space<vmem>>) semaphore(%arg15 : memref<!tpu.dma_semaphore, #tpu.memory_space<semaphore_mem>>)
      %run_scoped3A_704 = arith.constant 0 : i32
      %run_scoped3A_705 = arith.constant 1 : i32
      %run_scoped3A_706 = arith.constant 2 : i32
      "tpu.region"() ({
        %run_scoped3A_990 = tpu.sem_alloc : memref<!tpu.dma_semaphore, #tpu.memory_space<semaphore_mem>>
        %dma_start3A_991 = arith.constant 0 : i32
        %dma_start3A_992 = arith.constant 0 : i32
        %dma_start3A_993 = tpu.memref_slice %arg12[%run_scoped3A_704, %dma_start3A_991, %dma_start3A_992] : memref<2x125x128xf32, #tpu.memory_space<vmem>> -> memref<1x125x128xf32, #tpu.memory_space<vmem>>
        %dma_start3A_994 = tpu.memref_squeeze %dma_start3A_993 : memref<1x125x128xf32, #tpu.memory_space<vmem>> -> memref<125x128xf32, #tpu.memory_space<vmem>>
        %dma_start3A_995 = arith.constant 0 : i32
        %dma_start3A_996 = tpu.memref_slice %arg11[%run_scoped3A_705, %run_scoped3A_706, %dma_start3A_995] : memref<2x8x125xi32, #tpu.memory_space<vmem>> -> memref<1x1x125xi32, #tpu.memory_space<vmem>>
        %dma_start3A_997 = tpu.memref_squeeze %dma_start3A_996 : memref<1x1x125xi32, #tpu.memory_space<vmem>> -> memref<125xi32, #tpu.memory_space<vmem>>
        %dma_start3A_998 = arith.constant 0 : i32
        %dma_start3A_999 = arith.constant 0 : i32
        %dma_start3A_1000 = tpu.memref_slice %arg17[%dma_start3A_998, %dma_start3A_999] : memref<10240x128xf32, #tpu.memory_space<vmem_shared>> -> memref<10240x128xf32, #tpu.memory_space<vmem_shared>>
        tpu.enqueue_indirect_dma source(%dma_start3A_994 : memref<125x128xf32, #tpu.memory_space<vmem>>) target(%dma_start3A_1000 : memref<10240x128xf32, #tpu.memory_space<vmem_shared>>) offsets(%dma_start3A_997 : memref<125xi32, #tpu.memory_space<vmem>>) semaphore(%run_scoped3A_990 : memref<!tpu.dma_semaphore, #tpu.memory_space<semaphore_mem>>) {add = true}
        %dma_wait3A_1001 = arith.constant 0 : i32
        %dma_wait3A_1002 = arith.constant 0 : i32
        %dma_wait3A_1003 = tpu.memref_slice %arg12[%run_scoped3A_704, %dma_wait3A_1001, %dma_wait3A_1002] : memref<2x125x128xf32, #tpu.memory_space<vmem>> -> memref<1x125x128xf32, #tpu.memory_space<vmem>>
        %dma_wait3A_1004 = tpu.memref_squeeze %dma_wait3A_1003 : memref<1x125x128xf32, #tpu.memory_space<vmem>> -> memref<125x128xf32, #tpu.memory_space<vmem>>
        %dma_wait3A_1005 = arith.constant 0 : i32
        %dma_wait3A_1006 = tpu.memref_slice %arg11[%run_scoped3A_705, %run_scoped3A_706, %dma_wait3A_1005] : memref<2x8x125xi32, #tpu.memory_space<vmem>> -> memref<1x1x125xi32, #tpu.memory_space<vmem>>
        %dma_wait3A_1007 = tpu.memref_squeeze %dma_wait3A_1006 : memref<1x1x125xi32, #tpu.memory_space<vmem>> -> memref<125xi32, #tpu.memory_space<vmem>>
        %dma_wait3A_1008 = arith.constant 0 : i32
        %dma_wait3A_1009 = arith.constant 0 : i32
        %dma_wait3A_1010 = tpu.memref_slice %arg17[%dma_wait3A_1008, %dma_wait3A_1009] : memref<10240x128xf32, #tpu.memory_space<vmem_shared>> -> memref<10240x128xf32, #tpu.memory_space<vmem_shared>>
        tpu.wait_indirect_dma semaphore(%run_scoped3A_990 : memref<!tpu.dma_semaphore, #tpu.memory_space<semaphore_mem>>) src(%dma_wait3A_1004 : memref<125x128xf32, #tpu.memory_space<vmem>>) dst(%dma_wait3A_1010 : memref<10240x128xf32, #tpu.memory_space<vmem_shared>>)
        tpu.yield
      }) : () -> ()
      %run_scoped3A_707 = arith.constant 0 : i32
      %run_scoped3A_708 = arith.constant 1 : i32
      %run_scoped3A_709 = arith.constant 2 : i32
      "tpu.region"() ({
        %run_scoped3A_990 = tpu.sem_alloc : memref<!tpu.dma_semaphore, #tpu.memory_space<semaphore_mem>>
        %dma_start3A_991 = arith.constant 0 : i32
        %dma_start3A_992 = tpu.memref_slice %arg13[%run_scoped3A_707, %dma_start3A_991] : memref<2x125xf32, #tpu.memory_space<vmem>> -> memref<1x125xf32, #tpu.memory_space<vmem>>
        %dma_start3A_993 = tpu.memref_squeeze %dma_start3A_992 : memref<1x125xf32, #tpu.memory_space<vmem>> -> memref<125xf32, #tpu.memory_space<vmem>>
        %dma_start3A_994 = arith.constant 0 : i32
        %dma_start3A_995 = tpu.memref_slice %arg10[%run_scoped3A_708, %run_scoped3A_709, %dma_start3A_994] : memref<2x8x125xi32, #tpu.memory_space<vmem>> -> memref<1x1x125xi32, #tpu.memory_space<vmem>>
        %dma_start3A_996 = tpu.memref_squeeze %dma_start3A_995 : memref<1x1x125xi32, #tpu.memory_space<vmem>> -> memref<125xi32, #tpu.memory_space<vmem>>
        %dma_start3A_997 = arith.constant 0 : i32
        %dma_start3A_998 = tpu.memref_slice %arg18[%dma_start3A_997] : memref<10240xf32, #tpu.memory_space<vmem_shared>> -> memref<10240xf32, #tpu.memory_space<vmem_shared>>
        tpu.enqueue_indirect_dma source(%dma_start3A_993 : memref<125xf32, #tpu.memory_space<vmem>>) target(%dma_start3A_998 : memref<10240xf32, #tpu.memory_space<vmem_shared>>) offsets(%dma_start3A_996 : memref<125xi32, #tpu.memory_space<vmem>>) semaphore(%run_scoped3A_990 : memref<!tpu.dma_semaphore, #tpu.memory_space<semaphore_mem>>) {add = true}
        %dma_wait3A_999 = arith.constant 0 : i32
        %dma_wait3A_1000 = tpu.memref_slice %arg13[%run_scoped3A_707, %dma_wait3A_999] : memref<2x125xf32, #tpu.memory_space<vmem>> -> memref<1x125xf32, #tpu.memory_space<vmem>>
        %dma_wait3A_1001 = tpu.memref_squeeze %dma_wait3A_1000 : memref<1x125xf32, #tpu.memory_space<vmem>> -> memref<125xf32, #tpu.memory_space<vmem>>
        %dma_wait3A_1002 = arith.constant 0 : i32
        %dma_wait3A_1003 = tpu.memref_slice %arg10[%run_scoped3A_708, %run_scoped3A_709, %dma_wait3A_1002] : memref<2x8x125xi32, #tpu.memory_space<vmem>> -> memref<1x1x125xi32, #tpu.memory_space<vmem>>
        %dma_wait3A_1004 = tpu.memref_squeeze %dma_wait3A_1003 : memref<1x1x125xi32, #tpu.memory_space<vmem>> -> memref<125xi32, #tpu.memory_space<vmem>>
        %dma_wait3A_1005 = arith.constant 0 : i32
        %dma_wait3A_1006 = tpu.memref_slice %arg18[%dma_wait3A_1005] : memref<10240xf32, #tpu.memory_space<vmem_shared>> -> memref<10240xf32, #tpu.memory_space<vmem_shared>>
        tpu.wait_indirect_dma semaphore(%run_scoped3A_990 : memref<!tpu.dma_semaphore, #tpu.memory_space<semaphore_mem>>) src(%dma_wait3A_1001 : memref<125xf32, #tpu.memory_space<vmem>>) dst(%dma_wait3A_1006 : memref<10240xf32, #tpu.memory_space<vmem_shared>>)
        tpu.yield
      }) : () -> ()
      %mul3A_710 = arith.constant 8 : i32
      %mul3A_711 = arith.muli %add3A_535, %mul3A_710 : i32
      %add3A_712 = arith.constant 3 : i32
      %add3A_713 = arith.addi %mul3A_711, %add3A_712 : i32
      %dma_wait3A_714 = arith.constant 1 : i32
      %dma_wait3A_715 = arith.constant 3 : i32
      %dma_wait3A_716 = arith.constant 1 : i32
      %dma_wait3A_717 = arith.constant 0 : i32
      %dma_wait3A_718 = arith.constant 0 : i32
      %dma_wait3A_719 = tpu.memref_slice %arg12[%dma_wait3A_716, %dma_wait3A_717, %dma_wait3A_718] : memref<2x125x128xf32, #tpu.memory_space<vmem>> -> memref<1x125x128xf32, #tpu.memory_space<vmem>>
      %dma_wait3A_720 = tpu.memref_squeeze %dma_wait3A_719 : memref<1x125x128xf32, #tpu.memory_space<vmem>> -> memref<125x128xf32, #tpu.memory_space<vmem>>
      %dma_wait3A_721 = arith.constant 0 : i32
      %dma_wait3A_722 = tpu.memref_slice %arg10[%dma_wait3A_714, %dma_wait3A_715, %dma_wait3A_721] : memref<2x8x125xi32, #tpu.memory_space<vmem>> -> memref<1x1x125xi32, #tpu.memory_space<vmem>>
      %dma_wait3A_723 = tpu.memref_squeeze %dma_wait3A_722 : memref<1x1x125xi32, #tpu.memory_space<vmem>> -> memref<125xi32, #tpu.memory_space<vmem>>
      %dma_wait3A_724 = arith.constant 0 : i32
      %dma_wait3A_725 = arith.constant 0 : i32
      %dma_wait3A_726 = tpu.memref_slice %arg2[%dma_wait3A_724, %dma_wait3A_725] : memref<10240x128xf32, #tpu.memory_space<hbm>> -> memref<10240x128xf32, #tpu.memory_space<hbm>>
      tpu.wait_indirect_dma semaphore(%arg14 : memref<!tpu.dma_semaphore, #tpu.memory_space<semaphore_mem>>) src(%dma_wait3A_726 : memref<10240x128xf32, #tpu.memory_space<hbm>>) dst(%dma_wait3A_720 : memref<125x128xf32, #tpu.memory_space<vmem>>)
      %dma_wait3A_727 = arith.constant 1 : i32
      %dma_wait3A_728 = arith.constant 3 : i32
      %dma_wait3A_729 = arith.constant 1 : i32
      %dma_wait3A_730 = arith.constant 0 : i32
      %dma_wait3A_731 = tpu.memref_slice %arg13[%dma_wait3A_729, %dma_wait3A_730] : memref<2x125xf32, #tpu.memory_space<vmem>> -> memref<1x125xf32, #tpu.memory_space<vmem>>
      %dma_wait3A_732 = tpu.memref_squeeze %dma_wait3A_731 : memref<1x125xf32, #tpu.memory_space<vmem>> -> memref<125xf32, #tpu.memory_space<vmem>>
      %dma_wait3A_733 = arith.constant 0 : i32
      %dma_wait3A_734 = tpu.memref_slice %arg11[%dma_wait3A_727, %dma_wait3A_728, %dma_wait3A_733] : memref<2x8x125xi32, #tpu.memory_space<vmem>> -> memref<1x1x125xi32, #tpu.memory_space<vmem>>
      %dma_wait3A_735 = tpu.memref_squeeze %dma_wait3A_734 : memref<1x1x125xi32, #tpu.memory_space<vmem>> -> memref<125xi32, #tpu.memory_space<vmem>>
      %dma_wait3A_736 = arith.constant 0 : i32
      %dma_wait3A_737 = tpu.memref_slice %arg3[%dma_wait3A_736] : memref<10240xf32, #tpu.memory_space<hbm>> -> memref<10240xf32, #tpu.memory_space<hbm>>
      tpu.wait_indirect_dma semaphore(%arg15 : memref<!tpu.dma_semaphore, #tpu.memory_space<semaphore_mem>>) src(%dma_wait3A_737 : memref<10240xf32, #tpu.memory_space<hbm>>) dst(%dma_wait3A_732 : memref<125xf32, #tpu.memory_space<vmem>>)
      %dma_start3A_738 = arith.constant 1 : i32
      %dma_start3A_739 = arith.constant 4 : i32
      %dma_start3A_740 = arith.constant 0 : i32
      %dma_start3A_741 = arith.constant 0 : i32
      %dma_start3A_742 = arith.constant 0 : i32
      %dma_start3A_743 = tpu.memref_slice %arg12[%dma_start3A_740, %dma_start3A_741, %dma_start3A_742] : memref<2x125x128xf32, #tpu.memory_space<vmem>> -> memref<1x125x128xf32, #tpu.memory_space<vmem>>
      %dma_start3A_744 = tpu.memref_squeeze %dma_start3A_743 : memref<1x125x128xf32, #tpu.memory_space<vmem>> -> memref<125x128xf32, #tpu.memory_space<vmem>>
      %dma_start3A_745 = arith.constant 0 : i32
      %dma_start3A_746 = tpu.memref_slice %arg10[%dma_start3A_738, %dma_start3A_739, %dma_start3A_745] : memref<2x8x125xi32, #tpu.memory_space<vmem>> -> memref<1x1x125xi32, #tpu.memory_space<vmem>>
      %dma_start3A_747 = tpu.memref_squeeze %dma_start3A_746 : memref<1x1x125xi32, #tpu.memory_space<vmem>> -> memref<125xi32, #tpu.memory_space<vmem>>
      %dma_start3A_748 = arith.constant 0 : i32
      %dma_start3A_749 = arith.constant 0 : i32
      %dma_start3A_750 = tpu.memref_slice %arg2[%dma_start3A_748, %dma_start3A_749] : memref<10240x128xf32, #tpu.memory_space<hbm>> -> memref<10240x128xf32, #tpu.memory_space<hbm>>
      tpu.enqueue_indirect_dma source(%dma_start3A_750 : memref<10240x128xf32, #tpu.memory_space<hbm>>) target(%dma_start3A_744 : memref<125x128xf32, #tpu.memory_space<vmem>>) offsets(%dma_start3A_747 : memref<125xi32, #tpu.memory_space<vmem>>) semaphore(%arg14 : memref<!tpu.dma_semaphore, #tpu.memory_space<semaphore_mem>>)
      %dma_start3A_751 = arith.constant 1 : i32
      %dma_start3A_752 = arith.constant 4 : i32
      %dma_start3A_753 = arith.constant 0 : i32
      %dma_start3A_754 = arith.constant 0 : i32
      %dma_start3A_755 = tpu.memref_slice %arg13[%dma_start3A_753, %dma_start3A_754] : memref<2x125xf32, #tpu.memory_space<vmem>> -> memref<1x125xf32, #tpu.memory_space<vmem>>
      %dma_start3A_756 = tpu.memref_squeeze %dma_start3A_755 : memref<1x125xf32, #tpu.memory_space<vmem>> -> memref<125xf32, #tpu.memory_space<vmem>>
      %dma_start3A_757 = arith.constant 0 : i32
      %dma_start3A_758 = tpu.memref_slice %arg11[%dma_start3A_751, %dma_start3A_752, %dma_start3A_757] : memref<2x8x125xi32, #tpu.memory_space<vmem>> -> memref<1x1x125xi32, #tpu.memory_space<vmem>>
      %dma_start3A_759 = tpu.memref_squeeze %dma_start3A_758 : memref<1x1x125xi32, #tpu.memory_space<vmem>> -> memref<125xi32, #tpu.memory_space<vmem>>
      %dma_start3A_760 = arith.constant 0 : i32
      %dma_start3A_761 = tpu.memref_slice %arg3[%dma_start3A_760] : memref<10240xf32, #tpu.memory_space<hbm>> -> memref<10240xf32, #tpu.memory_space<hbm>>
      tpu.enqueue_indirect_dma source(%dma_start3A_761 : memref<10240xf32, #tpu.memory_space<hbm>>) target(%dma_start3A_756 : memref<125xf32, #tpu.memory_space<vmem>>) offsets(%dma_start3A_759 : memref<125xi32, #tpu.memory_space<vmem>>) semaphore(%arg15 : memref<!tpu.dma_semaphore, #tpu.memory_space<semaphore_mem>>)
      %run_scoped3A_762 = arith.constant 1 : i32
      %run_scoped3A_763 = arith.constant 1 : i32
      %run_scoped3A_764 = arith.constant 3 : i32
      "tpu.region"() ({
        %run_scoped3A_990 = tpu.sem_alloc : memref<!tpu.dma_semaphore, #tpu.memory_space<semaphore_mem>>
        %dma_start3A_991 = arith.constant 0 : i32
        %dma_start3A_992 = arith.constant 0 : i32
        %dma_start3A_993 = tpu.memref_slice %arg12[%run_scoped3A_762, %dma_start3A_991, %dma_start3A_992] : memref<2x125x128xf32, #tpu.memory_space<vmem>> -> memref<1x125x128xf32, #tpu.memory_space<vmem>>
        %dma_start3A_994 = tpu.memref_squeeze %dma_start3A_993 : memref<1x125x128xf32, #tpu.memory_space<vmem>> -> memref<125x128xf32, #tpu.memory_space<vmem>>
        %dma_start3A_995 = arith.constant 0 : i32
        %dma_start3A_996 = tpu.memref_slice %arg11[%run_scoped3A_763, %run_scoped3A_764, %dma_start3A_995] : memref<2x8x125xi32, #tpu.memory_space<vmem>> -> memref<1x1x125xi32, #tpu.memory_space<vmem>>
        %dma_start3A_997 = tpu.memref_squeeze %dma_start3A_996 : memref<1x1x125xi32, #tpu.memory_space<vmem>> -> memref<125xi32, #tpu.memory_space<vmem>>
        %dma_start3A_998 = arith.constant 0 : i32
        %dma_start3A_999 = arith.constant 0 : i32
        %dma_start3A_1000 = tpu.memref_slice %arg17[%dma_start3A_998, %dma_start3A_999] : memref<10240x128xf32, #tpu.memory_space<vmem_shared>> -> memref<10240x128xf32, #tpu.memory_space<vmem_shared>>
        tpu.enqueue_indirect_dma source(%dma_start3A_994 : memref<125x128xf32, #tpu.memory_space<vmem>>) target(%dma_start3A_1000 : memref<10240x128xf32, #tpu.memory_space<vmem_shared>>) offsets(%dma_start3A_997 : memref<125xi32, #tpu.memory_space<vmem>>) semaphore(%run_scoped3A_990 : memref<!tpu.dma_semaphore, #tpu.memory_space<semaphore_mem>>) {add = true}
        %dma_wait3A_1001 = arith.constant 0 : i32
        %dma_wait3A_1002 = arith.constant 0 : i32
        %dma_wait3A_1003 = tpu.memref_slice %arg12[%run_scoped3A_762, %dma_wait3A_1001, %dma_wait3A_1002] : memref<2x125x128xf32, #tpu.memory_space<vmem>> -> memref<1x125x128xf32, #tpu.memory_space<vmem>>
        %dma_wait3A_1004 = tpu.memref_squeeze %dma_wait3A_1003 : memref<1x125x128xf32, #tpu.memory_space<vmem>> -> memref<125x128xf32, #tpu.memory_space<vmem>>
        %dma_wait3A_1005 = arith.constant 0 : i32
        %dma_wait3A_1006 = tpu.memref_slice %arg11[%run_scoped3A_763, %run_scoped3A_764, %dma_wait3A_1005] : memref<2x8x125xi32, #tpu.memory_space<vmem>> -> memref<1x1x125xi32, #tpu.memory_space<vmem>>
        %dma_wait3A_1007 = tpu.memref_squeeze %dma_wait3A_1006 : memref<1x1x125xi32, #tpu.memory_space<vmem>> -> memref<125xi32, #tpu.memory_space<vmem>>
        %dma_wait3A_1008 = arith.constant 0 : i32
        %dma_wait3A_1009 = arith.constant 0 : i32
        %dma_wait3A_1010 = tpu.memref_slice %arg17[%dma_wait3A_1008, %dma_wait3A_1009] : memref<10240x128xf32, #tpu.memory_space<vmem_shared>> -> memref<10240x128xf32, #tpu.memory_space<vmem_shared>>
        tpu.wait_indirect_dma semaphore(%run_scoped3A_990 : memref<!tpu.dma_semaphore, #tpu.memory_space<semaphore_mem>>) src(%dma_wait3A_1004 : memref<125x128xf32, #tpu.memory_space<vmem>>) dst(%dma_wait3A_1010 : memref<10240x128xf32, #tpu.memory_space<vmem_shared>>)
        tpu.yield
      }) : () -> ()
      %run_scoped3A_765 = arith.constant 1 : i32
      %run_scoped3A_766 = arith.constant 1 : i32
      %run_scoped3A_767 = arith.constant 3 : i32
      "tpu.region"() ({
        %run_scoped3A_990 = tpu.sem_alloc : memref<!tpu.dma_semaphore, #tpu.memory_space<semaphore_mem>>
        %dma_start3A_991 = arith.constant 0 : i32
        %dma_start3A_992 = tpu.memref_slice %arg13[%run_scoped3A_765, %dma_start3A_991] : memref<2x125xf32, #tpu.memory_space<vmem>> -> memref<1x125xf32, #tpu.memory_space<vmem>>
        %dma_start3A_993 = tpu.memref_squeeze %dma_start3A_992 : memref<1x125xf32, #tpu.memory_space<vmem>> -> memref<125xf32, #tpu.memory_space<vmem>>
        %dma_start3A_994 = arith.constant 0 : i32
        %dma_start3A_995 = tpu.memref_slice %arg10[%run_scoped3A_766, %run_scoped3A_767, %dma_start3A_994] : memref<2x8x125xi32, #tpu.memory_space<vmem>> -> memref<1x1x125xi32, #tpu.memory_space<vmem>>
        %dma_start3A_996 = tpu.memref_squeeze %dma_start3A_995 : memref<1x1x125xi32, #tpu.memory_space<vmem>> -> memref<125xi32, #tpu.memory_space<vmem>>
        %dma_start3A_997 = arith.constant 0 : i32
        %dma_start3A_998 = tpu.memref_slice %arg18[%dma_start3A_997] : memref<10240xf32, #tpu.memory_space<vmem_shared>> -> memref<10240xf32, #tpu.memory_space<vmem_shared>>
        tpu.enqueue_indirect_dma source(%dma_start3A_993 : memref<125xf32, #tpu.memory_space<vmem>>) target(%dma_start3A_998 : memref<10240xf32, #tpu.memory_space<vmem_shared>>) offsets(%dma_start3A_996 : memref<125xi32, #tpu.memory_space<vmem>>) semaphore(%run_scoped3A_990 : memref<!tpu.dma_semaphore, #tpu.memory_space<semaphore_mem>>) {add = true}
        %dma_wait3A_999 = arith.constant 0 : i32
        %dma_wait3A_1000 = tpu.memref_slice %arg13[%run_scoped3A_765, %dma_wait3A_999] : memref<2x125xf32, #tpu.memory_space<vmem>> -> memref<1x125xf32, #tpu.memory_space<vmem>>
        %dma_wait3A_1001 = tpu.memref_squeeze %dma_wait3A_1000 : memref<1x125xf32, #tpu.memory_space<vmem>> -> memref<125xf32, #tpu.memory_space<vmem>>
        %dma_wait3A_1002 = arith.constant 0 : i32
        %dma_wait3A_1003 = tpu.memref_slice %arg10[%run_scoped3A_766, %run_scoped3A_767, %dma_wait3A_1002] : memref<2x8x125xi32, #tpu.memory_space<vmem>> -> memref<1x1x125xi32, #tpu.memory_space<vmem>>
        %dma_wait3A_1004 = tpu.memref_squeeze %dma_wait3A_1003 : memref<1x1x125xi32, #tpu.memory_space<vmem>> -> memref<125xi32, #tpu.memory_space<vmem>>
        %dma_wait3A_1005 = arith.constant 0 : i32
        %dma_wait3A_1006 = tpu.memref_slice %arg18[%dma_wait3A_1005] : memref<10240xf32, #tpu.memory_space<vmem_shared>> -> memref<10240xf32, #tpu.memory_space<vmem_shared>>
        tpu.wait_indirect_dma semaphore(%run_scoped3A_990 : memref<!tpu.dma_semaphore, #tpu.memory_space<semaphore_mem>>) src(%dma_wait3A_1001 : memref<125xf32, #tpu.memory_space<vmem>>) dst(%dma_wait3A_1006 : memref<10240xf32, #tpu.memory_space<vmem_shared>>)
        tpu.yield
      }) : () -> ()
      %mul3A_768 = arith.constant 8 : i32
      %mul3A_769 = arith.muli %add3A_535, %mul3A_768 : i32
      %add3A_770 = arith.constant 4 : i32
      %add3A_771 = arith.addi %mul3A_769, %add3A_770 : i32
      %dma_wait3A_772 = arith.constant 1 : i32
      %dma_wait3A_773 = arith.constant 4 : i32
      %dma_wait3A_774 = arith.constant 0 : i32
      %dma_wait3A_775 = arith.constant 0 : i32
      %dma_wait3A_776 = arith.constant 0 : i32
      %dma_wait3A_777 = tpu.memref_slice %arg12[%dma_wait3A_774, %dma_wait3A_775, %dma_wait3A_776] : memref<2x125x128xf32, #tpu.memory_space<vmem>> -> memref<1x125x128xf32, #tpu.memory_space<vmem>>
      %dma_wait3A_778 = tpu.memref_squeeze %dma_wait3A_777 : memref<1x125x128xf32, #tpu.memory_space<vmem>> -> memref<125x128xf32, #tpu.memory_space<vmem>>
      %dma_wait3A_779 = arith.constant 0 : i32
      %dma_wait3A_780 = tpu.memref_slice %arg10[%dma_wait3A_772, %dma_wait3A_773, %dma_wait3A_779] : memref<2x8x125xi32, #tpu.memory_space<vmem>> -> memref<1x1x125xi32, #tpu.memory_space<vmem>>
      %dma_wait3A_781 = tpu.memref_squeeze %dma_wait3A_780 : memref<1x1x125xi32, #tpu.memory_space<vmem>> -> memref<125xi32, #tpu.memory_space<vmem>>
      %dma_wait3A_782 = arith.constant 0 : i32
      %dma_wait3A_783 = arith.constant 0 : i32
      %dma_wait3A_784 = tpu.memref_slice %arg2[%dma_wait3A_782, %dma_wait3A_783] : memref<10240x128xf32, #tpu.memory_space<hbm>> -> memref<10240x128xf32, #tpu.memory_space<hbm>>
      tpu.wait_indirect_dma semaphore(%arg14 : memref<!tpu.dma_semaphore, #tpu.memory_space<semaphore_mem>>) src(%dma_wait3A_784 : memref<10240x128xf32, #tpu.memory_space<hbm>>) dst(%dma_wait3A_778 : memref<125x128xf32, #tpu.memory_space<vmem>>)
      %dma_wait3A_785 = arith.constant 1 : i32
      %dma_wait3A_786 = arith.constant 4 : i32
      %dma_wait3A_787 = arith.constant 0 : i32
      %dma_wait3A_788 = arith.constant 0 : i32
      %dma_wait3A_789 = tpu.memref_slice %arg13[%dma_wait3A_787, %dma_wait3A_788] : memref<2x125xf32, #tpu.memory_space<vmem>> -> memref<1x125xf32, #tpu.memory_space<vmem>>
      %dma_wait3A_790 = tpu.memref_squeeze %dma_wait3A_789 : memref<1x125xf32, #tpu.memory_space<vmem>> -> memref<125xf32, #tpu.memory_space<vmem>>
      %dma_wait3A_791 = arith.constant 0 : i32
      %dma_wait3A_792 = tpu.memref_slice %arg11[%dma_wait3A_785, %dma_wait3A_786, %dma_wait3A_791] : memref<2x8x125xi32, #tpu.memory_space<vmem>> -> memref<1x1x125xi32, #tpu.memory_space<vmem>>
      %dma_wait3A_793 = tpu.memref_squeeze %dma_wait3A_792 : memref<1x1x125xi32, #tpu.memory_space<vmem>> -> memref<125xi32, #tpu.memory_space<vmem>>
      %dma_wait3A_794 = arith.constant 0 : i32
      %dma_wait3A_795 = tpu.memref_slice %arg3[%dma_wait3A_794] : memref<10240xf32, #tpu.memory_space<hbm>> -> memref<10240xf32, #tpu.memory_space<hbm>>
      tpu.wait_indirect_dma semaphore(%arg15 : memref<!tpu.dma_semaphore, #tpu.memory_space<semaphore_mem>>) src(%dma_wait3A_795 : memref<10240xf32, #tpu.memory_space<hbm>>) dst(%dma_wait3A_790 : memref<125xf32, #tpu.memory_space<vmem>>)
      %dma_start3A_796 = arith.constant 1 : i32
      %dma_start3A_797 = arith.constant 5 : i32
      %dma_start3A_798 = arith.constant 1 : i32
      %dma_start3A_799 = arith.constant 0 : i32
      %dma_start3A_800 = arith.constant 0 : i32
      %dma_start3A_801 = tpu.memref_slice %arg12[%dma_start3A_798, %dma_start3A_799, %dma_start3A_800] : memref<2x125x128xf32, #tpu.memory_space<vmem>> -> memref<1x125x128xf32, #tpu.memory_space<vmem>>
      %dma_start3A_802 = tpu.memref_squeeze %dma_start3A_801 : memref<1x125x128xf32, #tpu.memory_space<vmem>> -> memref<125x128xf32, #tpu.memory_space<vmem>>
      %dma_start3A_803 = arith.constant 0 : i32
      %dma_start3A_804 = tpu.memref_slice %arg10[%dma_start3A_796, %dma_start3A_797, %dma_start3A_803] : memref<2x8x125xi32, #tpu.memory_space<vmem>> -> memref<1x1x125xi32, #tpu.memory_space<vmem>>
      %dma_start3A_805 = tpu.memref_squeeze %dma_start3A_804 : memref<1x1x125xi32, #tpu.memory_space<vmem>> -> memref<125xi32, #tpu.memory_space<vmem>>
      %dma_start3A_806 = arith.constant 0 : i32
      %dma_start3A_807 = arith.constant 0 : i32
      %dma_start3A_808 = tpu.memref_slice %arg2[%dma_start3A_806, %dma_start3A_807] : memref<10240x128xf32, #tpu.memory_space<hbm>> -> memref<10240x128xf32, #tpu.memory_space<hbm>>
      tpu.enqueue_indirect_dma source(%dma_start3A_808 : memref<10240x128xf32, #tpu.memory_space<hbm>>) target(%dma_start3A_802 : memref<125x128xf32, #tpu.memory_space<vmem>>) offsets(%dma_start3A_805 : memref<125xi32, #tpu.memory_space<vmem>>) semaphore(%arg14 : memref<!tpu.dma_semaphore, #tpu.memory_space<semaphore_mem>>)
      %dma_start3A_809 = arith.constant 1 : i32
      %dma_start3A_810 = arith.constant 5 : i32
      %dma_start3A_811 = arith.constant 1 : i32
      %dma_start3A_812 = arith.constant 0 : i32
      %dma_start3A_813 = tpu.memref_slice %arg13[%dma_start3A_811, %dma_start3A_812] : memref<2x125xf32, #tpu.memory_space<vmem>> -> memref<1x125xf32, #tpu.memory_space<vmem>>
      %dma_start3A_814 = tpu.memref_squeeze %dma_start3A_813 : memref<1x125xf32, #tpu.memory_space<vmem>> -> memref<125xf32, #tpu.memory_space<vmem>>
      %dma_start3A_815 = arith.constant 0 : i32
      %dma_start3A_816 = tpu.memref_slice %arg11[%dma_start3A_809, %dma_start3A_810, %dma_start3A_815] : memref<2x8x125xi32, #tpu.memory_space<vmem>> -> memref<1x1x125xi32, #tpu.memory_space<vmem>>
      %dma_start3A_817 = tpu.memref_squeeze %dma_start3A_816 : memref<1x1x125xi32, #tpu.memory_space<vmem>> -> memref<125xi32, #tpu.memory_space<vmem>>
      %dma_start3A_818 = arith.constant 0 : i32
      %dma_start3A_819 = tpu.memref_slice %arg3[%dma_start3A_818] : memref<10240xf32, #tpu.memory_space<hbm>> -> memref<10240xf32, #tpu.memory_space<hbm>>
      tpu.enqueue_indirect_dma source(%dma_start3A_819 : memref<10240xf32, #tpu.memory_space<hbm>>) target(%dma_start3A_814 : memref<125xf32, #tpu.memory_space<vmem>>) offsets(%dma_start3A_817 : memref<125xi32, #tpu.memory_space<vmem>>) semaphore(%arg15 : memref<!tpu.dma_semaphore, #tpu.memory_space<semaphore_mem>>)
      %run_scoped3A_820 = arith.constant 0 : i32
      %run_scoped3A_821 = arith.constant 1 : i32
      %run_scoped3A_822 = arith.constant 4 : i32
      "tpu.region"() ({
        %run_scoped3A_990 = tpu.sem_alloc : memref<!tpu.dma_semaphore, #tpu.memory_space<semaphore_mem>>
        %dma_start3A_991 = arith.constant 0 : i32
        %dma_start3A_992 = arith.constant 0 : i32
        %dma_start3A_993 = tpu.memref_slice %arg12[%run_scoped3A_820, %dma_start3A_991, %dma_start3A_992] : memref<2x125x128xf32, #tpu.memory_space<vmem>> -> memref<1x125x128xf32, #tpu.memory_space<vmem>>
        %dma_start3A_994 = tpu.memref_squeeze %dma_start3A_993 : memref<1x125x128xf32, #tpu.memory_space<vmem>> -> memref<125x128xf32, #tpu.memory_space<vmem>>
        %dma_start3A_995 = arith.constant 0 : i32
        %dma_start3A_996 = tpu.memref_slice %arg11[%run_scoped3A_821, %run_scoped3A_822, %dma_start3A_995] : memref<2x8x125xi32, #tpu.memory_space<vmem>> -> memref<1x1x125xi32, #tpu.memory_space<vmem>>
        %dma_start3A_997 = tpu.memref_squeeze %dma_start3A_996 : memref<1x1x125xi32, #tpu.memory_space<vmem>> -> memref<125xi32, #tpu.memory_space<vmem>>
        %dma_start3A_998 = arith.constant 0 : i32
        %dma_start3A_999 = arith.constant 0 : i32
        %dma_start3A_1000 = tpu.memref_slice %arg17[%dma_start3A_998, %dma_start3A_999] : memref<10240x128xf32, #tpu.memory_space<vmem_shared>> -> memref<10240x128xf32, #tpu.memory_space<vmem_shared>>
        tpu.enqueue_indirect_dma source(%dma_start3A_994 : memref<125x128xf32, #tpu.memory_space<vmem>>) target(%dma_start3A_1000 : memref<10240x128xf32, #tpu.memory_space<vmem_shared>>) offsets(%dma_start3A_997 : memref<125xi32, #tpu.memory_space<vmem>>) semaphore(%run_scoped3A_990 : memref<!tpu.dma_semaphore, #tpu.memory_space<semaphore_mem>>) {add = true}
        %dma_wait3A_1001 = arith.constant 0 : i32
        %dma_wait3A_1002 = arith.constant 0 : i32
        %dma_wait3A_1003 = tpu.memref_slice %arg12[%run_scoped3A_820, %dma_wait3A_1001, %dma_wait3A_1002] : memref<2x125x128xf32, #tpu.memory_space<vmem>> -> memref<1x125x128xf32, #tpu.memory_space<vmem>>
        %dma_wait3A_1004 = tpu.memref_squeeze %dma_wait3A_1003 : memref<1x125x128xf32, #tpu.memory_space<vmem>> -> memref<125x128xf32, #tpu.memory_space<vmem>>
        %dma_wait3A_1005 = arith.constant 0 : i32
        %dma_wait3A_1006 = tpu.memref_slice %arg11[%run_scoped3A_821, %run_scoped3A_822, %dma_wait3A_1005] : memref<2x8x125xi32, #tpu.memory_space<vmem>> -> memref<1x1x125xi32, #tpu.memory_space<vmem>>
        %dma_wait3A_1007 = tpu.memref_squeeze %dma_wait3A_1006 : memref<1x1x125xi32, #tpu.memory_space<vmem>> -> memref<125xi32, #tpu.memory_space<vmem>>
        %dma_wait3A_1008 = arith.constant 0 : i32
        %dma_wait3A_1009 = arith.constant 0 : i32
        %dma_wait3A_1010 = tpu.memref_slice %arg17[%dma_wait3A_1008, %dma_wait3A_1009] : memref<10240x128xf32, #tpu.memory_space<vmem_shared>> -> memref<10240x128xf32, #tpu.memory_space<vmem_shared>>
        tpu.wait_indirect_dma semaphore(%run_scoped3A_990 : memref<!tpu.dma_semaphore, #tpu.memory_space<semaphore_mem>>) src(%dma_wait3A_1004 : memref<125x128xf32, #tpu.memory_space<vmem>>) dst(%dma_wait3A_1010 : memref<10240x128xf32, #tpu.memory_space<vmem_shared>>)
        tpu.yield
      }) : () -> ()
      %run_scoped3A_823 = arith.constant 0 : i32
      %run_scoped3A_824 = arith.constant 1 : i32
      %run_scoped3A_825 = arith.constant 4 : i32
      "tpu.region"() ({
        %run_scoped3A_990 = tpu.sem_alloc : memref<!tpu.dma_semaphore, #tpu.memory_space<semaphore_mem>>
        %dma_start3A_991 = arith.constant 0 : i32
        %dma_start3A_992 = tpu.memref_slice %arg13[%run_scoped3A_823, %dma_start3A_991] : memref<2x125xf32, #tpu.memory_space<vmem>> -> memref<1x125xf32, #tpu.memory_space<vmem>>
        %dma_start3A_993 = tpu.memref_squeeze %dma_start3A_992 : memref<1x125xf32, #tpu.memory_space<vmem>> -> memref<125xf32, #tpu.memory_space<vmem>>
        %dma_start3A_994 = arith.constant 0 : i32
        %dma_start3A_995 = tpu.memref_slice %arg10[%run_scoped3A_824, %run_scoped3A_825, %dma_start3A_994] : memref<2x8x125xi32, #tpu.memory_space<vmem>> -> memref<1x1x125xi32, #tpu.memory_space<vmem>>
        %dma_start3A_996 = tpu.memref_squeeze %dma_start3A_995 : memref<1x1x125xi32, #tpu.memory_space<vmem>> -> memref<125xi32, #tpu.memory_space<vmem>>
        %dma_start3A_997 = arith.constant 0 : i32
        %dma_start3A_998 = tpu.memref_slice %arg18[%dma_start3A_997] : memref<10240xf32, #tpu.memory_space<vmem_shared>> -> memref<10240xf32, #tpu.memory_space<vmem_shared>>
        tpu.enqueue_indirect_dma source(%dma_start3A_993 : memref<125xf32, #tpu.memory_space<vmem>>) target(%dma_start3A_998 : memref<10240xf32, #tpu.memory_space<vmem_shared>>) offsets(%dma_start3A_996 : memref<125xi32, #tpu.memory_space<vmem>>) semaphore(%run_scoped3A_990 : memref<!tpu.dma_semaphore, #tpu.memory_space<semaphore_mem>>) {add = true}
        %dma_wait3A_999 = arith.constant 0 : i32
        %dma_wait3A_1000 = tpu.memref_slice %arg13[%run_scoped3A_823, %dma_wait3A_999] : memref<2x125xf32, #tpu.memory_space<vmem>> -> memref<1x125xf32, #tpu.memory_space<vmem>>
        %dma_wait3A_1001 = tpu.memref_squeeze %dma_wait3A_1000 : memref<1x125xf32, #tpu.memory_space<vmem>> -> memref<125xf32, #tpu.memory_space<vmem>>
        %dma_wait3A_1002 = arith.constant 0 : i32
        %dma_wait3A_1003 = tpu.memref_slice %arg10[%run_scoped3A_824, %run_scoped3A_825, %dma_wait3A_1002] : memref<2x8x125xi32, #tpu.memory_space<vmem>> -> memref<1x1x125xi32, #tpu.memory_space<vmem>>
        %dma_wait3A_1004 = tpu.memref_squeeze %dma_wait3A_1003 : memref<1x1x125xi32, #tpu.memory_space<vmem>> -> memref<125xi32, #tpu.memory_space<vmem>>
        %dma_wait3A_1005 = arith.constant 0 : i32
        %dma_wait3A_1006 = tpu.memref_slice %arg18[%dma_wait3A_1005] : memref<10240xf32, #tpu.memory_space<vmem_shared>> -> memref<10240xf32, #tpu.memory_space<vmem_shared>>
        tpu.wait_indirect_dma semaphore(%run_scoped3A_990 : memref<!tpu.dma_semaphore, #tpu.memory_space<semaphore_mem>>) src(%dma_wait3A_1001 : memref<125xf32, #tpu.memory_space<vmem>>) dst(%dma_wait3A_1006 : memref<10240xf32, #tpu.memory_space<vmem_shared>>)
        tpu.yield
      }) : () -> ()
      %mul3A_826 = arith.constant 8 : i32
      %mul3A_827 = arith.muli %add3A_535, %mul3A_826 : i32
      %add3A_828 = arith.constant 5 : i32
      %add3A_829 = arith.addi %mul3A_827, %add3A_828 : i32
      %dma_wait3A_830 = arith.constant 1 : i32
      %dma_wait3A_831 = arith.constant 5 : i32
      %dma_wait3A_832 = arith.constant 1 : i32
      %dma_wait3A_833 = arith.constant 0 : i32
      %dma_wait3A_834 = arith.constant 0 : i32
      %dma_wait3A_835 = tpu.memref_slice %arg12[%dma_wait3A_832, %dma_wait3A_833, %dma_wait3A_834] : memref<2x125x128xf32, #tpu.memory_space<vmem>> -> memref<1x125x128xf32, #tpu.memory_space<vmem>>
      %dma_wait3A_836 = tpu.memref_squeeze %dma_wait3A_835 : memref<1x125x128xf32, #tpu.memory_space<vmem>> -> memref<125x128xf32, #tpu.memory_space<vmem>>
      %dma_wait3A_837 = arith.constant 0 : i32
      %dma_wait3A_838 = tpu.memref_slice %arg10[%dma_wait3A_830, %dma_wait3A_831, %dma_wait3A_837] : memref<2x8x125xi32, #tpu.memory_space<vmem>> -> memref<1x1x125xi32, #tpu.memory_space<vmem>>
      %dma_wait3A_839 = tpu.memref_squeeze %dma_wait3A_838 : memref<1x1x125xi32, #tpu.memory_space<vmem>> -> memref<125xi32, #tpu.memory_space<vmem>>
      %dma_wait3A_840 = arith.constant 0 : i32
      %dma_wait3A_841 = arith.constant 0 : i32
      %dma_wait3A_842 = tpu.memref_slice %arg2[%dma_wait3A_840, %dma_wait3A_841] : memref<10240x128xf32, #tpu.memory_space<hbm>> -> memref<10240x128xf32, #tpu.memory_space<hbm>>
      tpu.wait_indirect_dma semaphore(%arg14 : memref<!tpu.dma_semaphore, #tpu.memory_space<semaphore_mem>>) src(%dma_wait3A_842 : memref<10240x128xf32, #tpu.memory_space<hbm>>) dst(%dma_wait3A_836 : memref<125x128xf32, #tpu.memory_space<vmem>>)
      %dma_wait3A_843 = arith.constant 1 : i32
      %dma_wait3A_844 = arith.constant 5 : i32
      %dma_wait3A_845 = arith.constant 1 : i32
      %dma_wait3A_846 = arith.constant 0 : i32
      %dma_wait3A_847 = tpu.memref_slice %arg13[%dma_wait3A_845, %dma_wait3A_846] : memref<2x125xf32, #tpu.memory_space<vmem>> -> memref<1x125xf32, #tpu.memory_space<vmem>>
      %dma_wait3A_848 = tpu.memref_squeeze %dma_wait3A_847 : memref<1x125xf32, #tpu.memory_space<vmem>> -> memref<125xf32, #tpu.memory_space<vmem>>
      %dma_wait3A_849 = arith.constant 0 : i32
      %dma_wait3A_850 = tpu.memref_slice %arg11[%dma_wait3A_843, %dma_wait3A_844, %dma_wait3A_849] : memref<2x8x125xi32, #tpu.memory_space<vmem>> -> memref<1x1x125xi32, #tpu.memory_space<vmem>>
      %dma_wait3A_851 = tpu.memref_squeeze %dma_wait3A_850 : memref<1x1x125xi32, #tpu.memory_space<vmem>> -> memref<125xi32, #tpu.memory_space<vmem>>
      %dma_wait3A_852 = arith.constant 0 : i32
      %dma_wait3A_853 = tpu.memref_slice %arg3[%dma_wait3A_852] : memref<10240xf32, #tpu.memory_space<hbm>> -> memref<10240xf32, #tpu.memory_space<hbm>>
      tpu.wait_indirect_dma semaphore(%arg15 : memref<!tpu.dma_semaphore, #tpu.memory_space<semaphore_mem>>) src(%dma_wait3A_853 : memref<10240xf32, #tpu.memory_space<hbm>>) dst(%dma_wait3A_848 : memref<125xf32, #tpu.memory_space<vmem>>)
      %dma_start3A_854 = arith.constant 1 : i32
      %dma_start3A_855 = arith.constant 6 : i32
      %dma_start3A_856 = arith.constant 0 : i32
      %dma_start3A_857 = arith.constant 0 : i32
      %dma_start3A_858 = arith.constant 0 : i32
      %dma_start3A_859 = tpu.memref_slice %arg12[%dma_start3A_856, %dma_start3A_857, %dma_start3A_858] : memref<2x125x128xf32, #tpu.memory_space<vmem>> -> memref<1x125x128xf32, #tpu.memory_space<vmem>>
      %dma_start3A_860 = tpu.memref_squeeze %dma_start3A_859 : memref<1x125x128xf32, #tpu.memory_space<vmem>> -> memref<125x128xf32, #tpu.memory_space<vmem>>
      %dma_start3A_861 = arith.constant 0 : i32
      %dma_start3A_862 = tpu.memref_slice %arg10[%dma_start3A_854, %dma_start3A_855, %dma_start3A_861] : memref<2x8x125xi32, #tpu.memory_space<vmem>> -> memref<1x1x125xi32, #tpu.memory_space<vmem>>
      %dma_start3A_863 = tpu.memref_squeeze %dma_start3A_862 : memref<1x1x125xi32, #tpu.memory_space<vmem>> -> memref<125xi32, #tpu.memory_space<vmem>>
      %dma_start3A_864 = arith.constant 0 : i32
      %dma_start3A_865 = arith.constant 0 : i32
      %dma_start3A_866 = tpu.memref_slice %arg2[%dma_start3A_864, %dma_start3A_865] : memref<10240x128xf32, #tpu.memory_space<hbm>> -> memref<10240x128xf32, #tpu.memory_space<hbm>>
      tpu.enqueue_indirect_dma source(%dma_start3A_866 : memref<10240x128xf32, #tpu.memory_space<hbm>>) target(%dma_start3A_860 : memref<125x128xf32, #tpu.memory_space<vmem>>) offsets(%dma_start3A_863 : memref<125xi32, #tpu.memory_space<vmem>>) semaphore(%arg14 : memref<!tpu.dma_semaphore, #tpu.memory_space<semaphore_mem>>)
      %dma_start3A_867 = arith.constant 1 : i32
      %dma_start3A_868 = arith.constant 6 : i32
      %dma_start3A_869 = arith.constant 0 : i32
      %dma_start3A_870 = arith.constant 0 : i32
      %dma_start3A_871 = tpu.memref_slice %arg13[%dma_start3A_869, %dma_start3A_870] : memref<2x125xf32, #tpu.memory_space<vmem>> -> memref<1x125xf32, #tpu.memory_space<vmem>>
      %dma_start3A_872 = tpu.memref_squeeze %dma_start3A_871 : memref<1x125xf32, #tpu.memory_space<vmem>> -> memref<125xf32, #tpu.memory_space<vmem>>
      %dma_start3A_873 = arith.constant 0 : i32
      %dma_start3A_874 = tpu.memref_slice %arg11[%dma_start3A_867, %dma_start3A_868, %dma_start3A_873] : memref<2x8x125xi32, #tpu.memory_space<vmem>> -> memref<1x1x125xi32, #tpu.memory_space<vmem>>
      %dma_start3A_875 = tpu.memref_squeeze %dma_start3A_874 : memref<1x1x125xi32, #tpu.memory_space<vmem>> -> memref<125xi32, #tpu.memory_space<vmem>>
      %dma_start3A_876 = arith.constant 0 : i32
      %dma_start3A_877 = tpu.memref_slice %arg3[%dma_start3A_876] : memref<10240xf32, #tpu.memory_space<hbm>> -> memref<10240xf32, #tpu.memory_space<hbm>>
      tpu.enqueue_indirect_dma source(%dma_start3A_877 : memref<10240xf32, #tpu.memory_space<hbm>>) target(%dma_start3A_872 : memref<125xf32, #tpu.memory_space<vmem>>) offsets(%dma_start3A_875 : memref<125xi32, #tpu.memory_space<vmem>>) semaphore(%arg15 : memref<!tpu.dma_semaphore, #tpu.memory_space<semaphore_mem>>)
      %run_scoped3A_878 = arith.constant 1 : i32
      %run_scoped3A_879 = arith.constant 1 : i32
      %run_scoped3A_880 = arith.constant 5 : i32
      "tpu.region"() ({
        %run_scoped3A_990 = tpu.sem_alloc : memref<!tpu.dma_semaphore, #tpu.memory_space<semaphore_mem>>
        %dma_start3A_991 = arith.constant 0 : i32
        %dma_start3A_992 = arith.constant 0 : i32
        %dma_start3A_993 = tpu.memref_slice %arg12[%run_scoped3A_878, %dma_start3A_991, %dma_start3A_992] : memref<2x125x128xf32, #tpu.memory_space<vmem>> -> memref<1x125x128xf32, #tpu.memory_space<vmem>>
        %dma_start3A_994 = tpu.memref_squeeze %dma_start3A_993 : memref<1x125x128xf32, #tpu.memory_space<vmem>> -> memref<125x128xf32, #tpu.memory_space<vmem>>
        %dma_start3A_995 = arith.constant 0 : i32
        %dma_start3A_996 = tpu.memref_slice %arg11[%run_scoped3A_879, %run_scoped3A_880, %dma_start3A_995] : memref<2x8x125xi32, #tpu.memory_space<vmem>> -> memref<1x1x125xi32, #tpu.memory_space<vmem>>
        %dma_start3A_997 = tpu.memref_squeeze %dma_start3A_996 : memref<1x1x125xi32, #tpu.memory_space<vmem>> -> memref<125xi32, #tpu.memory_space<vmem>>
        %dma_start3A_998 = arith.constant 0 : i32
        %dma_start3A_999 = arith.constant 0 : i32
        %dma_start3A_1000 = tpu.memref_slice %arg17[%dma_start3A_998, %dma_start3A_999] : memref<10240x128xf32, #tpu.memory_space<vmem_shared>> -> memref<10240x128xf32, #tpu.memory_space<vmem_shared>>
        tpu.enqueue_indirect_dma source(%dma_start3A_994 : memref<125x128xf32, #tpu.memory_space<vmem>>) target(%dma_start3A_1000 : memref<10240x128xf32, #tpu.memory_space<vmem_shared>>) offsets(%dma_start3A_997 : memref<125xi32, #tpu.memory_space<vmem>>) semaphore(%run_scoped3A_990 : memref<!tpu.dma_semaphore, #tpu.memory_space<semaphore_mem>>) {add = true}
        %dma_wait3A_1001 = arith.constant 0 : i32
        %dma_wait3A_1002 = arith.constant 0 : i32
        %dma_wait3A_1003 = tpu.memref_slice %arg12[%run_scoped3A_878, %dma_wait3A_1001, %dma_wait3A_1002] : memref<2x125x128xf32, #tpu.memory_space<vmem>> -> memref<1x125x128xf32, #tpu.memory_space<vmem>>
        %dma_wait3A_1004 = tpu.memref_squeeze %dma_wait3A_1003 : memref<1x125x128xf32, #tpu.memory_space<vmem>> -> memref<125x128xf32, #tpu.memory_space<vmem>>
        %dma_wait3A_1005 = arith.constant 0 : i32
        %dma_wait3A_1006 = tpu.memref_slice %arg11[%run_scoped3A_879, %run_scoped3A_880, %dma_wait3A_1005] : memref<2x8x125xi32, #tpu.memory_space<vmem>> -> memref<1x1x125xi32, #tpu.memory_space<vmem>>
        %dma_wait3A_1007 = tpu.memref_squeeze %dma_wait3A_1006 : memref<1x1x125xi32, #tpu.memory_space<vmem>> -> memref<125xi32, #tpu.memory_space<vmem>>
        %dma_wait3A_1008 = arith.constant 0 : i32
        %dma_wait3A_1009 = arith.constant 0 : i32
        %dma_wait3A_1010 = tpu.memref_slice %arg17[%dma_wait3A_1008, %dma_wait3A_1009] : memref<10240x128xf32, #tpu.memory_space<vmem_shared>> -> memref<10240x128xf32, #tpu.memory_space<vmem_shared>>
        tpu.wait_indirect_dma semaphore(%run_scoped3A_990 : memref<!tpu.dma_semaphore, #tpu.memory_space<semaphore_mem>>) src(%dma_wait3A_1004 : memref<125x128xf32, #tpu.memory_space<vmem>>) dst(%dma_wait3A_1010 : memref<10240x128xf32, #tpu.memory_space<vmem_shared>>)
        tpu.yield
      }) : () -> ()
      %run_scoped3A_881 = arith.constant 1 : i32
      %run_scoped3A_882 = arith.constant 1 : i32
      %run_scoped3A_883 = arith.constant 5 : i32
      "tpu.region"() ({
        %run_scoped3A_990 = tpu.sem_alloc : memref<!tpu.dma_semaphore, #tpu.memory_space<semaphore_mem>>
        %dma_start3A_991 = arith.constant 0 : i32
        %dma_start3A_992 = tpu.memref_slice %arg13[%run_scoped3A_881, %dma_start3A_991] : memref<2x125xf32, #tpu.memory_space<vmem>> -> memref<1x125xf32, #tpu.memory_space<vmem>>
        %dma_start3A_993 = tpu.memref_squeeze %dma_start3A_992 : memref<1x125xf32, #tpu.memory_space<vmem>> -> memref<125xf32, #tpu.memory_space<vmem>>
        %dma_start3A_994 = arith.constant 0 : i32
        %dma_start3A_995 = tpu.memref_slice %arg10[%run_scoped3A_882, %run_scoped3A_883, %dma_start3A_994] : memref<2x8x125xi32, #tpu.memory_space<vmem>> -> memref<1x1x125xi32, #tpu.memory_space<vmem>>
        %dma_start3A_996 = tpu.memref_squeeze %dma_start3A_995 : memref<1x1x125xi32, #tpu.memory_space<vmem>> -> memref<125xi32, #tpu.memory_space<vmem>>
        %dma_start3A_997 = arith.constant 0 : i32
        %dma_start3A_998 = tpu.memref_slice %arg18[%dma_start3A_997] : memref<10240xf32, #tpu.memory_space<vmem_shared>> -> memref<10240xf32, #tpu.memory_space<vmem_shared>>
        tpu.enqueue_indirect_dma source(%dma_start3A_993 : memref<125xf32, #tpu.memory_space<vmem>>) target(%dma_start3A_998 : memref<10240xf32, #tpu.memory_space<vmem_shared>>) offsets(%dma_start3A_996 : memref<125xi32, #tpu.memory_space<vmem>>) semaphore(%run_scoped3A_990 : memref<!tpu.dma_semaphore, #tpu.memory_space<semaphore_mem>>) {add = true}
        %dma_wait3A_999 = arith.constant 0 : i32
        %dma_wait3A_1000 = tpu.memref_slice %arg13[%run_scoped3A_881, %dma_wait3A_999] : memref<2x125xf32, #tpu.memory_space<vmem>> -> memref<1x125xf32, #tpu.memory_space<vmem>>
        %dma_wait3A_1001 = tpu.memref_squeeze %dma_wait3A_1000 : memref<1x125xf32, #tpu.memory_space<vmem>> -> memref<125xf32, #tpu.memory_space<vmem>>
        %dma_wait3A_1002 = arith.constant 0 : i32
        %dma_wait3A_1003 = tpu.memref_slice %arg10[%run_scoped3A_882, %run_scoped3A_883, %dma_wait3A_1002] : memref<2x8x125xi32, #tpu.memory_space<vmem>> -> memref<1x1x125xi32, #tpu.memory_space<vmem>>
        %dma_wait3A_1004 = tpu.memref_squeeze %dma_wait3A_1003 : memref<1x1x125xi32, #tpu.memory_space<vmem>> -> memref<125xi32, #tpu.memory_space<vmem>>
        %dma_wait3A_1005 = arith.constant 0 : i32
        %dma_wait3A_1006 = tpu.memref_slice %arg18[%dma_wait3A_1005] : memref<10240xf32, #tpu.memory_space<vmem_shared>> -> memref<10240xf32, #tpu.memory_space<vmem_shared>>
        tpu.wait_indirect_dma semaphore(%run_scoped3A_990 : memref<!tpu.dma_semaphore, #tpu.memory_space<semaphore_mem>>) src(%dma_wait3A_1001 : memref<125xf32, #tpu.memory_space<vmem>>) dst(%dma_wait3A_1006 : memref<10240xf32, #tpu.memory_space<vmem_shared>>)
        tpu.yield
      }) : () -> ()
      %mul3A_884 = arith.constant 8 : i32
      %mul3A_885 = arith.muli %add3A_535, %mul3A_884 : i32
      %add3A_886 = arith.constant 6 : i32
      %add3A_887 = arith.addi %mul3A_885, %add3A_886 : i32
      %dma_wait3A_888 = arith.constant 1 : i32
      %dma_wait3A_889 = arith.constant 6 : i32
      %dma_wait3A_890 = arith.constant 0 : i32
      %dma_wait3A_891 = arith.constant 0 : i32
      %dma_wait3A_892 = arith.constant 0 : i32
      %dma_wait3A_893 = tpu.memref_slice %arg12[%dma_wait3A_890, %dma_wait3A_891, %dma_wait3A_892] : memref<2x125x128xf32, #tpu.memory_space<vmem>> -> memref<1x125x128xf32, #tpu.memory_space<vmem>>
      %dma_wait3A_894 = tpu.memref_squeeze %dma_wait3A_893 : memref<1x125x128xf32, #tpu.memory_space<vmem>> -> memref<125x128xf32, #tpu.memory_space<vmem>>
      %dma_wait3A_895 = arith.constant 0 : i32
      %dma_wait3A_896 = tpu.memref_slice %arg10[%dma_wait3A_888, %dma_wait3A_889, %dma_wait3A_895] : memref<2x8x125xi32, #tpu.memory_space<vmem>> -> memref<1x1x125xi32, #tpu.memory_space<vmem>>
      %dma_wait3A_897 = tpu.memref_squeeze %dma_wait3A_896 : memref<1x1x125xi32, #tpu.memory_space<vmem>> -> memref<125xi32, #tpu.memory_space<vmem>>
      %dma_wait3A_898 = arith.constant 0 : i32
      %dma_wait3A_899 = arith.constant 0 : i32
      %dma_wait3A_900 = tpu.memref_slice %arg2[%dma_wait3A_898, %dma_wait3A_899] : memref<10240x128xf32, #tpu.memory_space<hbm>> -> memref<10240x128xf32, #tpu.memory_space<hbm>>
      tpu.wait_indirect_dma semaphore(%arg14 : memref<!tpu.dma_semaphore, #tpu.memory_space<semaphore_mem>>) src(%dma_wait3A_900 : memref<10240x128xf32, #tpu.memory_space<hbm>>) dst(%dma_wait3A_894 : memref<125x128xf32, #tpu.memory_space<vmem>>)
      %dma_wait3A_901 = arith.constant 1 : i32
      %dma_wait3A_902 = arith.constant 6 : i32
      %dma_wait3A_903 = arith.constant 0 : i32
      %dma_wait3A_904 = arith.constant 0 : i32
      %dma_wait3A_905 = tpu.memref_slice %arg13[%dma_wait3A_903, %dma_wait3A_904] : memref<2x125xf32, #tpu.memory_space<vmem>> -> memref<1x125xf32, #tpu.memory_space<vmem>>
      %dma_wait3A_906 = tpu.memref_squeeze %dma_wait3A_905 : memref<1x125xf32, #tpu.memory_space<vmem>> -> memref<125xf32, #tpu.memory_space<vmem>>
      %dma_wait3A_907 = arith.constant 0 : i32
      %dma_wait3A_908 = tpu.memref_slice %arg11[%dma_wait3A_901, %dma_wait3A_902, %dma_wait3A_907] : memref<2x8x125xi32, #tpu.memory_space<vmem>> -> memref<1x1x125xi32, #tpu.memory_space<vmem>>
      %dma_wait3A_909 = tpu.memref_squeeze %dma_wait3A_908 : memref<1x1x125xi32, #tpu.memory_space<vmem>> -> memref<125xi32, #tpu.memory_space<vmem>>
      %dma_wait3A_910 = arith.constant 0 : i32
      %dma_wait3A_911 = tpu.memref_slice %arg3[%dma_wait3A_910] : memref<10240xf32, #tpu.memory_space<hbm>> -> memref<10240xf32, #tpu.memory_space<hbm>>
      tpu.wait_indirect_dma semaphore(%arg15 : memref<!tpu.dma_semaphore, #tpu.memory_space<semaphore_mem>>) src(%dma_wait3A_911 : memref<10240xf32, #tpu.memory_space<hbm>>) dst(%dma_wait3A_906 : memref<125xf32, #tpu.memory_space<vmem>>)
      %dma_start3A_912 = arith.constant 1 : i32
      %dma_start3A_913 = arith.constant 7 : i32
      %dma_start3A_914 = arith.constant 1 : i32
      %dma_start3A_915 = arith.constant 0 : i32
      %dma_start3A_916 = arith.constant 0 : i32
      %dma_start3A_917 = tpu.memref_slice %arg12[%dma_start3A_914, %dma_start3A_915, %dma_start3A_916] : memref<2x125x128xf32, #tpu.memory_space<vmem>> -> memref<1x125x128xf32, #tpu.memory_space<vmem>>
      %dma_start3A_918 = tpu.memref_squeeze %dma_start3A_917 : memref<1x125x128xf32, #tpu.memory_space<vmem>> -> memref<125x128xf32, #tpu.memory_space<vmem>>
      %dma_start3A_919 = arith.constant 0 : i32
      %dma_start3A_920 = tpu.memref_slice %arg10[%dma_start3A_912, %dma_start3A_913, %dma_start3A_919] : memref<2x8x125xi32, #tpu.memory_space<vmem>> -> memref<1x1x125xi32, #tpu.memory_space<vmem>>
      %dma_start3A_921 = tpu.memref_squeeze %dma_start3A_920 : memref<1x1x125xi32, #tpu.memory_space<vmem>> -> memref<125xi32, #tpu.memory_space<vmem>>
      %dma_start3A_922 = arith.constant 0 : i32
      %dma_start3A_923 = arith.constant 0 : i32
      %dma_start3A_924 = tpu.memref_slice %arg2[%dma_start3A_922, %dma_start3A_923] : memref<10240x128xf32, #tpu.memory_space<hbm>> -> memref<10240x128xf32, #tpu.memory_space<hbm>>
      tpu.enqueue_indirect_dma source(%dma_start3A_924 : memref<10240x128xf32, #tpu.memory_space<hbm>>) target(%dma_start3A_918 : memref<125x128xf32, #tpu.memory_space<vmem>>) offsets(%dma_start3A_921 : memref<125xi32, #tpu.memory_space<vmem>>) semaphore(%arg14 : memref<!tpu.dma_semaphore, #tpu.memory_space<semaphore_mem>>)
      %dma_start3A_925 = arith.constant 1 : i32
      %dma_start3A_926 = arith.constant 7 : i32
      %dma_start3A_927 = arith.constant 1 : i32
      %dma_start3A_928 = arith.constant 0 : i32
      %dma_start3A_929 = tpu.memref_slice %arg13[%dma_start3A_927, %dma_start3A_928] : memref<2x125xf32, #tpu.memory_space<vmem>> -> memref<1x125xf32, #tpu.memory_space<vmem>>
      %dma_start3A_930 = tpu.memref_squeeze %dma_start3A_929 : memref<1x125xf32, #tpu.memory_space<vmem>> -> memref<125xf32, #tpu.memory_space<vmem>>
      %dma_start3A_931 = arith.constant 0 : i32
      %dma_start3A_932 = tpu.memref_slice %arg11[%dma_start3A_925, %dma_start3A_926, %dma_start3A_931] : memref<2x8x125xi32, #tpu.memory_space<vmem>> -> memref<1x1x125xi32, #tpu.memory_space<vmem>>
      %dma_start3A_933 = tpu.memref_squeeze %dma_start3A_932 : memref<1x1x125xi32, #tpu.memory_space<vmem>> -> memref<125xi32, #tpu.memory_space<vmem>>
      %dma_start3A_934 = arith.constant 0 : i32
      %dma_start3A_935 = tpu.memref_slice %arg3[%dma_start3A_934] : memref<10240xf32, #tpu.memory_space<hbm>> -> memref<10240xf32, #tpu.memory_space<hbm>>
      tpu.enqueue_indirect_dma source(%dma_start3A_935 : memref<10240xf32, #tpu.memory_space<hbm>>) target(%dma_start3A_930 : memref<125xf32, #tpu.memory_space<vmem>>) offsets(%dma_start3A_933 : memref<125xi32, #tpu.memory_space<vmem>>) semaphore(%arg15 : memref<!tpu.dma_semaphore, #tpu.memory_space<semaphore_mem>>)
      %run_scoped3A_936 = arith.constant 0 : i32
      %run_scoped3A_937 = arith.constant 1 : i32
      %run_scoped3A_938 = arith.constant 6 : i32
      "tpu.region"() ({
        %run_scoped3A_990 = tpu.sem_alloc : memref<!tpu.dma_semaphore, #tpu.memory_space<semaphore_mem>>
        %dma_start3A_991 = arith.constant 0 : i32
        %dma_start3A_992 = arith.constant 0 : i32
        %dma_start3A_993 = tpu.memref_slice %arg12[%run_scoped3A_936, %dma_start3A_991, %dma_start3A_992] : memref<2x125x128xf32, #tpu.memory_space<vmem>> -> memref<1x125x128xf32, #tpu.memory_space<vmem>>
        %dma_start3A_994 = tpu.memref_squeeze %dma_start3A_993 : memref<1x125x128xf32, #tpu.memory_space<vmem>> -> memref<125x128xf32, #tpu.memory_space<vmem>>
        %dma_start3A_995 = arith.constant 0 : i32
        %dma_start3A_996 = tpu.memref_slice %arg11[%run_scoped3A_937, %run_scoped3A_938, %dma_start3A_995] : memref<2x8x125xi32, #tpu.memory_space<vmem>> -> memref<1x1x125xi32, #tpu.memory_space<vmem>>
        %dma_start3A_997 = tpu.memref_squeeze %dma_start3A_996 : memref<1x1x125xi32, #tpu.memory_space<vmem>> -> memref<125xi32, #tpu.memory_space<vmem>>
        %dma_start3A_998 = arith.constant 0 : i32
        %dma_start3A_999 = arith.constant 0 : i32
        %dma_start3A_1000 = tpu.memref_slice %arg17[%dma_start3A_998, %dma_start3A_999] : memref<10240x128xf32, #tpu.memory_space<vmem_shared>> -> memref<10240x128xf32, #tpu.memory_space<vmem_shared>>
        tpu.enqueue_indirect_dma source(%dma_start3A_994 : memref<125x128xf32, #tpu.memory_space<vmem>>) target(%dma_start3A_1000 : memref<10240x128xf32, #tpu.memory_space<vmem_shared>>) offsets(%dma_start3A_997 : memref<125xi32, #tpu.memory_space<vmem>>) semaphore(%run_scoped3A_990 : memref<!tpu.dma_semaphore, #tpu.memory_space<semaphore_mem>>) {add = true}
        %dma_wait3A_1001 = arith.constant 0 : i32
        %dma_wait3A_1002 = arith.constant 0 : i32
        %dma_wait3A_1003 = tpu.memref_slice %arg12[%run_scoped3A_936, %dma_wait3A_1001, %dma_wait3A_1002] : memref<2x125x128xf32, #tpu.memory_space<vmem>> -> memref<1x125x128xf32, #tpu.memory_space<vmem>>
        %dma_wait3A_1004 = tpu.memref_squeeze %dma_wait3A_1003 : memref<1x125x128xf32, #tpu.memory_space<vmem>> -> memref<125x128xf32, #tpu.memory_space<vmem>>
        %dma_wait3A_1005 = arith.constant 0 : i32
        %dma_wait3A_1006 = tpu.memref_slice %arg11[%run_scoped3A_937, %run_scoped3A_938, %dma_wait3A_1005] : memref<2x8x125xi32, #tpu.memory_space<vmem>> -> memref<1x1x125xi32, #tpu.memory_space<vmem>>
        %dma_wait3A_1007 = tpu.memref_squeeze %dma_wait3A_1006 : memref<1x1x125xi32, #tpu.memory_space<vmem>> -> memref<125xi32, #tpu.memory_space<vmem>>
        %dma_wait3A_1008 = arith.constant 0 : i32
        %dma_wait3A_1009 = arith.constant 0 : i32
        %dma_wait3A_1010 = tpu.memref_slice %arg17[%dma_wait3A_1008, %dma_wait3A_1009] : memref<10240x128xf32, #tpu.memory_space<vmem_shared>> -> memref<10240x128xf32, #tpu.memory_space<vmem_shared>>
        tpu.wait_indirect_dma semaphore(%run_scoped3A_990 : memref<!tpu.dma_semaphore, #tpu.memory_space<semaphore_mem>>) src(%dma_wait3A_1004 : memref<125x128xf32, #tpu.memory_space<vmem>>) dst(%dma_wait3A_1010 : memref<10240x128xf32, #tpu.memory_space<vmem_shared>>)
        tpu.yield
      }) : () -> ()
      %run_scoped3A_939 = arith.constant 0 : i32
      %run_scoped3A_940 = arith.constant 1 : i32
      %run_scoped3A_941 = arith.constant 6 : i32
      "tpu.region"() ({
        %run_scoped3A_990 = tpu.sem_alloc : memref<!tpu.dma_semaphore, #tpu.memory_space<semaphore_mem>>
        %dma_start3A_991 = arith.constant 0 : i32
        %dma_start3A_992 = tpu.memref_slice %arg13[%run_scoped3A_939, %dma_start3A_991] : memref<2x125xf32, #tpu.memory_space<vmem>> -> memref<1x125xf32, #tpu.memory_space<vmem>>
        %dma_start3A_993 = tpu.memref_squeeze %dma_start3A_992 : memref<1x125xf32, #tpu.memory_space<vmem>> -> memref<125xf32, #tpu.memory_space<vmem>>
        %dma_start3A_994 = arith.constant 0 : i32
        %dma_start3A_995 = tpu.memref_slice %arg10[%run_scoped3A_940, %run_scoped3A_941, %dma_start3A_994] : memref<2x8x125xi32, #tpu.memory_space<vmem>> -> memref<1x1x125xi32, #tpu.memory_space<vmem>>
        %dma_start3A_996 = tpu.memref_squeeze %dma_start3A_995 : memref<1x1x125xi32, #tpu.memory_space<vmem>> -> memref<125xi32, #tpu.memory_space<vmem>>
        %dma_start3A_997 = arith.constant 0 : i32
        %dma_start3A_998 = tpu.memref_slice %arg18[%dma_start3A_997] : memref<10240xf32, #tpu.memory_space<vmem_shared>> -> memref<10240xf32, #tpu.memory_space<vmem_shared>>
        tpu.enqueue_indirect_dma source(%dma_start3A_993 : memref<125xf32, #tpu.memory_space<vmem>>) target(%dma_start3A_998 : memref<10240xf32, #tpu.memory_space<vmem_shared>>) offsets(%dma_start3A_996 : memref<125xi32, #tpu.memory_space<vmem>>) semaphore(%run_scoped3A_990 : memref<!tpu.dma_semaphore, #tpu.memory_space<semaphore_mem>>) {add = true}
        %dma_wait3A_999 = arith.constant 0 : i32
        %dma_wait3A_1000 = tpu.memref_slice %arg13[%run_scoped3A_939, %dma_wait3A_999] : memref<2x125xf32, #tpu.memory_space<vmem>> -> memref<1x125xf32, #tpu.memory_space<vmem>>
        %dma_wait3A_1001 = tpu.memref_squeeze %dma_wait3A_1000 : memref<1x125xf32, #tpu.memory_space<vmem>> -> memref<125xf32, #tpu.memory_space<vmem>>
        %dma_wait3A_1002 = arith.constant 0 : i32
        %dma_wait3A_1003 = tpu.memref_slice %arg10[%run_scoped3A_940, %run_scoped3A_941, %dma_wait3A_1002] : memref<2x8x125xi32, #tpu.memory_space<vmem>> -> memref<1x1x125xi32, #tpu.memory_space<vmem>>
        %dma_wait3A_1004 = tpu.memref_squeeze %dma_wait3A_1003 : memref<1x1x125xi32, #tpu.memory_space<vmem>> -> memref<125xi32, #tpu.memory_space<vmem>>
        %dma_wait3A_1005 = arith.constant 0 : i32
        %dma_wait3A_1006 = tpu.memref_slice %arg18[%dma_wait3A_1005] : memref<10240xf32, #tpu.memory_space<vmem_shared>> -> memref<10240xf32, #tpu.memory_space<vmem_shared>>
        tpu.wait_indirect_dma semaphore(%run_scoped3A_990 : memref<!tpu.dma_semaphore, #tpu.memory_space<semaphore_mem>>) src(%dma_wait3A_1001 : memref<125xf32, #tpu.memory_space<vmem>>) dst(%dma_wait3A_1006 : memref<10240xf32, #tpu.memory_space<vmem_shared>>)
        tpu.yield
      }) : () -> ()
      %mul3A_942 = arith.constant 8 : i32
      %mul3A_943 = arith.muli %add3A_535, %mul3A_942 : i32
      %add3A_944 = arith.constant 7 : i32
      %add3A_945 = arith.addi %mul3A_943, %add3A_944 : i32
      %dma_wait3A_946 = arith.constant 1 : i32
      %dma_wait3A_947 = arith.constant 7 : i32
      %dma_wait3A_948 = arith.constant 1 : i32
      %dma_wait3A_949 = arith.constant 0 : i32
      %dma_wait3A_950 = arith.constant 0 : i32
      %dma_wait3A_951 = tpu.memref_slice %arg12[%dma_wait3A_948, %dma_wait3A_949, %dma_wait3A_950] : memref<2x125x128xf32, #tpu.memory_space<vmem>> -> memref<1x125x128xf32, #tpu.memory_space<vmem>>
      %dma_wait3A_952 = tpu.memref_squeeze %dma_wait3A_951 : memref<1x125x128xf32, #tpu.memory_space<vmem>> -> memref<125x128xf32, #tpu.memory_space<vmem>>
      %dma_wait3A_953 = arith.constant 0 : i32
      %dma_wait3A_954 = tpu.memref_slice %arg10[%dma_wait3A_946, %dma_wait3A_947, %dma_wait3A_953] : memref<2x8x125xi32, #tpu.memory_space<vmem>> -> memref<1x1x125xi32, #tpu.memory_space<vmem>>
      %dma_wait3A_955 = tpu.memref_squeeze %dma_wait3A_954 : memref<1x1x125xi32, #tpu.memory_space<vmem>> -> memref<125xi32, #tpu.memory_space<vmem>>
      %dma_wait3A_956 = arith.constant 0 : i32
      %dma_wait3A_957 = arith.constant 0 : i32
      %dma_wait3A_958 = tpu.memref_slice %arg2[%dma_wait3A_956, %dma_wait3A_957] : memref<10240x128xf32, #tpu.memory_space<hbm>> -> memref<10240x128xf32, #tpu.memory_space<hbm>>
      tpu.wait_indirect_dma semaphore(%arg14 : memref<!tpu.dma_semaphore, #tpu.memory_space<semaphore_mem>>) src(%dma_wait3A_958 : memref<10240x128xf32, #tpu.memory_space<hbm>>) dst(%dma_wait3A_952 : memref<125x128xf32, #tpu.memory_space<vmem>>)
      %dma_wait3A_959 = arith.constant 1 : i32
      %dma_wait3A_960 = arith.constant 7 : i32
      %dma_wait3A_961 = arith.constant 1 : i32
      %dma_wait3A_962 = arith.constant 0 : i32
      %dma_wait3A_963 = tpu.memref_slice %arg13[%dma_wait3A_961, %dma_wait3A_962] : memref<2x125xf32, #tpu.memory_space<vmem>> -> memref<1x125xf32, #tpu.memory_space<vmem>>
      %dma_wait3A_964 = tpu.memref_squeeze %dma_wait3A_963 : memref<1x125xf32, #tpu.memory_space<vmem>> -> memref<125xf32, #tpu.memory_space<vmem>>
      %dma_wait3A_965 = arith.constant 0 : i32
      %dma_wait3A_966 = tpu.memref_slice %arg11[%dma_wait3A_959, %dma_wait3A_960, %dma_wait3A_965] : memref<2x8x125xi32, #tpu.memory_space<vmem>> -> memref<1x1x125xi32, #tpu.memory_space<vmem>>
      %dma_wait3A_967 = tpu.memref_squeeze %dma_wait3A_966 : memref<1x1x125xi32, #tpu.memory_space<vmem>> -> memref<125xi32, #tpu.memory_space<vmem>>
      %dma_wait3A_968 = arith.constant 0 : i32
      %dma_wait3A_969 = tpu.memref_slice %arg3[%dma_wait3A_968] : memref<10240xf32, #tpu.memory_space<hbm>> -> memref<10240xf32, #tpu.memory_space<hbm>>
      tpu.wait_indirect_dma semaphore(%arg15 : memref<!tpu.dma_semaphore, #tpu.memory_space<semaphore_mem>>) src(%dma_wait3A_969 : memref<10240xf32, #tpu.memory_space<hbm>>) dst(%dma_wait3A_964 : memref<125xf32, #tpu.memory_space<vmem>>)
      %add3A_970 = arith.constant 1 : i32
      %add3A_971 = arith.addi %add3A_535, %add3A_970 : i32
      %lt3A_972 = arith.constant 10 : i32
      %lt3A_973 = arith.cmpi slt, %add3A_971, %lt3A_972 : i32
      %convert_element_type3A_974 = arith.extui %lt3A_973 : i1 to i32
      %cond3A_975 = arith.constant 0 : i32
      %cond3A_976 = arith.cmpi ne, %convert_element_type3A_974, %cond3A_975 : i32
      scf.if %cond3A_976 {
        %dma_wait3A_990 = arith.constant 0 : i32
        %dma_wait3A_991 = arith.constant 0 : i32
        %dma_wait3A_992 = arith.constant 0 : i32
        %dma_wait3A_993 = tpu.memref_slice %arg10[%dma_wait3A_990, %dma_wait3A_991, %dma_wait3A_992] : memref<2x8x125xi32, #tpu.memory_space<vmem>> -> memref<1x8x125xi32, #tpu.memory_space<vmem>>
        %dma_wait3A_994 = tpu.memref_squeeze %dma_wait3A_993 : memref<1x8x125xi32, #tpu.memory_space<vmem>> -> memref<8x125xi32, #tpu.memory_space<vmem>>
        %dma_wait3A_995 = arith.constant 0 : i32
        %dma_wait3A_996 = arith.constant 0 : i32
        %dma_wait3A_997 = tpu.memref_slice %arg4[%add3A, %dma_wait3A_995, %dma_wait3A_996] : memref<32x80x125xi32, #tpu.memory_space<hbm>> -> memref<1x8x125xi32, #tpu.memory_space<hbm>>
        %dma_wait3A_998 = tpu.memref_squeeze %dma_wait3A_997 : memref<1x8x125xi32, #tpu.memory_space<hbm>> -> memref<8x125xi32, #tpu.memory_space<hbm>>
        %dma_wait3A_999 = arith.constant 0 : i32
        %dma_wait3A_1000 = arith.constant 0 : i32
        %dma_wait3A_1001 = tpu.memref_slice %arg10[%dma_wait3A_990, %dma_wait3A_999, %dma_wait3A_1000] : memref<2x8x125xi32, #tpu.memory_space<vmem>> -> memref<1x8x125xi32, #tpu.memory_space<vmem>>
        %dma_wait3A_1002 = tpu.memref_squeeze %dma_wait3A_1001 : memref<1x8x125xi32, #tpu.memory_space<vmem>> -> memref<8x125xi32, #tpu.memory_space<vmem>>
        %dma_wait3A_1003 = arith.constant 0 : i32
        %dma_wait3A_1004 = arith.constant 0 : i32
        %dma_wait3A_1005 = tpu.memref_slice %arg4[%add3A, %dma_wait3A_1003, %dma_wait3A_1004] : memref<32x80x125xi32, #tpu.memory_space<hbm>> -> memref<1x8x125xi32, #tpu.memory_space<hbm>>
        %dma_wait3A_1006 = tpu.memref_squeeze %dma_wait3A_1005 : memref<1x8x125xi32, #tpu.memory_space<hbm>> -> memref<8x125xi32, #tpu.memory_space<hbm>>
        tpu.wait_dma2 semaphore(%arg16 : memref<!tpu.dma_semaphore, #tpu.memory_space<semaphore_mem>>) src(%dma_wait3A_1006 : memref<8x125xi32, #tpu.memory_space<hbm>>) dst(%dma_wait3A_1002 : memref<8x125xi32, #tpu.memory_space<vmem>>)
        %dma_wait3A_1007 = arith.constant 0 : i32
        %dma_wait3A_1008 = arith.constant 0 : i32
        %dma_wait3A_1009 = arith.constant 0 : i32
        %dma_wait3A_1010 = tpu.memref_slice %arg11[%dma_wait3A_1007, %dma_wait3A_1008, %dma_wait3A_1009] : memref<2x8x125xi32, #tpu.memory_space<vmem>> -> memref<1x8x125xi32, #tpu.memory_space<vmem>>
        %dma_wait3A_1011 = tpu.memref_squeeze %dma_wait3A_1010 : memref<1x8x125xi32, #tpu.memory_space<vmem>> -> memref<8x125xi32, #tpu.memory_space<vmem>>
        %dma_wait3A_1012 = arith.constant 0 : i32
        %dma_wait3A_1013 = arith.constant 0 : i32
        %dma_wait3A_1014 = tpu.memref_slice %arg5[%add3A, %dma_wait3A_1012, %dma_wait3A_1013] : memref<32x80x125xi32, #tpu.memory_space<hbm>> -> memref<1x8x125xi32, #tpu.memory_space<hbm>>
        %dma_wait3A_1015 = tpu.memref_squeeze %dma_wait3A_1014 : memref<1x8x125xi32, #tpu.memory_space<hbm>> -> memref<8x125xi32, #tpu.memory_space<hbm>>
        %dma_wait3A_1016 = arith.constant 0 : i32
        %dma_wait3A_1017 = arith.constant 0 : i32
        %dma_wait3A_1018 = tpu.memref_slice %arg11[%dma_wait3A_1007, %dma_wait3A_1016, %dma_wait3A_1017] : memref<2x8x125xi32, #tpu.memory_space<vmem>> -> memref<1x8x125xi32, #tpu.memory_space<vmem>>
        %dma_wait3A_1019 = tpu.memref_squeeze %dma_wait3A_1018 : memref<1x8x125xi32, #tpu.memory_space<vmem>> -> memref<8x125xi32, #tpu.memory_space<vmem>>
        %dma_wait3A_1020 = arith.constant 0 : i32
        %dma_wait3A_1021 = arith.constant 0 : i32
        %dma_wait3A_1022 = tpu.memref_slice %arg5[%add3A, %dma_wait3A_1020, %dma_wait3A_1021] : memref<32x80x125xi32, #tpu.memory_space<hbm>> -> memref<1x8x125xi32, #tpu.memory_space<hbm>>
        %dma_wait3A_1023 = tpu.memref_squeeze %dma_wait3A_1022 : memref<1x8x125xi32, #tpu.memory_space<hbm>> -> memref<8x125xi32, #tpu.memory_space<hbm>>
        tpu.wait_dma2 semaphore(%arg16 : memref<!tpu.dma_semaphore, #tpu.memory_space<semaphore_mem>>) src(%dma_wait3A_1023 : memref<8x125xi32, #tpu.memory_space<hbm>>) dst(%dma_wait3A_1019 : memref<8x125xi32, #tpu.memory_space<vmem>>)
        %dma_start3A_1024 = arith.constant 0 : i32
        %dma_start3A_1025 = arith.constant 0 : i32
        %dma_start3A_1026 = arith.constant 0 : i32
        %dma_start3A_1027 = arith.constant 0 : i32
        %dma_start3A_1028 = arith.constant 0 : i32
        %dma_start3A_1029 = tpu.memref_slice %arg12[%dma_start3A_1026, %dma_start3A_1027, %dma_start3A_1028] : memref<2x125x128xf32, #tpu.memory_space<vmem>> -> memref<1x125x128xf32, #tpu.memory_space<vmem>>
        %dma_start3A_1030 = tpu.memref_squeeze %dma_start3A_1029 : memref<1x125x128xf32, #tpu.memory_space<vmem>> -> memref<125x128xf32, #tpu.memory_space<vmem>>
        %dma_start3A_1031 = arith.constant 0 : i32
        %dma_start3A_1032 = tpu.memref_slice %arg10[%dma_start3A_1024, %dma_start3A_1025, %dma_start3A_1031] : memref<2x8x125xi32, #tpu.memory_space<vmem>> -> memref<1x1x125xi32, #tpu.memory_space<vmem>>
        %dma_start3A_1033 = tpu.memref_squeeze %dma_start3A_1032 : memref<1x1x125xi32, #tpu.memory_space<vmem>> -> memref<125xi32, #tpu.memory_space<vmem>>
        %dma_start3A_1034 = arith.constant 0 : i32
        %dma_start3A_1035 = arith.constant 0 : i32
        %dma_start3A_1036 = tpu.memref_slice %arg2[%dma_start3A_1034, %dma_start3A_1035] : memref<10240x128xf32, #tpu.memory_space<hbm>> -> memref<10240x128xf32, #tpu.memory_space<hbm>>
        tpu.enqueue_indirect_dma source(%dma_start3A_1036 : memref<10240x128xf32, #tpu.memory_space<hbm>>) target(%dma_start3A_1030 : memref<125x128xf32, #tpu.memory_space<vmem>>) offsets(%dma_start3A_1033 : memref<125xi32, #tpu.memory_space<vmem>>) semaphore(%arg14 : memref<!tpu.dma_semaphore, #tpu.memory_space<semaphore_mem>>)
        %dma_start3A_1037 = arith.constant 0 : i32
        %dma_start3A_1038 = arith.constant 0 : i32
        %dma_start3A_1039 = arith.constant 0 : i32
        %dma_start3A_1040 = arith.constant 0 : i32
        %dma_start3A_1041 = tpu.memref_slice %arg13[%dma_start3A_1039, %dma_start3A_1040] : memref<2x125xf32, #tpu.memory_space<vmem>> -> memref<1x125xf32, #tpu.memory_space<vmem>>
        %dma_start3A_1042 = tpu.memref_squeeze %dma_start3A_1041 : memref<1x125xf32, #tpu.memory_space<vmem>> -> memref<125xf32, #tpu.memory_space<vmem>>
        %dma_start3A_1043 = arith.constant 0 : i32
        %dma_start3A_1044 = tpu.memref_slice %arg11[%dma_start3A_1037, %dma_start3A_1038, %dma_start3A_1043] : memref<2x8x125xi32, #tpu.memory_space<vmem>> -> memref<1x1x125xi32, #tpu.memory_space<vmem>>
        %dma_start3A_1045 = tpu.memref_squeeze %dma_start3A_1044 : memref<1x1x125xi32, #tpu.memory_space<vmem>> -> memref<125xi32, #tpu.memory_space<vmem>>
        %dma_start3A_1046 = arith.constant 0 : i32
        %dma_start3A_1047 = tpu.memref_slice %arg3[%dma_start3A_1046] : memref<10240xf32, #tpu.memory_space<hbm>> -> memref<10240xf32, #tpu.memory_space<hbm>>
        tpu.enqueue_indirect_dma source(%dma_start3A_1047 : memref<10240xf32, #tpu.memory_space<hbm>>) target(%dma_start3A_1042 : memref<125xf32, #tpu.memory_space<vmem>>) offsets(%dma_start3A_1045 : memref<125xi32, #tpu.memory_space<vmem>>) semaphore(%arg15 : memref<!tpu.dma_semaphore, #tpu.memory_space<semaphore_mem>>)
      } else {
      }
      %run_scoped3A_977 = arith.constant 1 : i32
      %run_scoped3A_978 = arith.constant 1 : i32
      %run_scoped3A_979 = arith.constant 7 : i32
      "tpu.region"() ({
        %run_scoped3A_990 = tpu.sem_alloc : memref<!tpu.dma_semaphore, #tpu.memory_space<semaphore_mem>>
        %dma_start3A_991 = arith.constant 0 : i32
        %dma_start3A_992 = arith.constant 0 : i32
        %dma_start3A_993 = tpu.memref_slice %arg12[%run_scoped3A_977, %dma_start3A_991, %dma_start3A_992] : memref<2x125x128xf32, #tpu.memory_space<vmem>> -> memref<1x125x128xf32, #tpu.memory_space<vmem>>
        %dma_start3A_994 = tpu.memref_squeeze %dma_start3A_993 : memref<1x125x128xf32, #tpu.memory_space<vmem>> -> memref<125x128xf32, #tpu.memory_space<vmem>>
        %dma_start3A_995 = arith.constant 0 : i32
        %dma_start3A_996 = tpu.memref_slice %arg11[%run_scoped3A_978, %run_scoped3A_979, %dma_start3A_995] : memref<2x8x125xi32, #tpu.memory_space<vmem>> -> memref<1x1x125xi32, #tpu.memory_space<vmem>>
        %dma_start3A_997 = tpu.memref_squeeze %dma_start3A_996 : memref<1x1x125xi32, #tpu.memory_space<vmem>> -> memref<125xi32, #tpu.memory_space<vmem>>
        %dma_start3A_998 = arith.constant 0 : i32
        %dma_start3A_999 = arith.constant 0 : i32
        %dma_start3A_1000 = tpu.memref_slice %arg17[%dma_start3A_998, %dma_start3A_999] : memref<10240x128xf32, #tpu.memory_space<vmem_shared>> -> memref<10240x128xf32, #tpu.memory_space<vmem_shared>>
        tpu.enqueue_indirect_dma source(%dma_start3A_994 : memref<125x128xf32, #tpu.memory_space<vmem>>) target(%dma_start3A_1000 : memref<10240x128xf32, #tpu.memory_space<vmem_shared>>) offsets(%dma_start3A_997 : memref<125xi32, #tpu.memory_space<vmem>>) semaphore(%run_scoped3A_990 : memref<!tpu.dma_semaphore, #tpu.memory_space<semaphore_mem>>) {add = true}
        %dma_wait3A_1001 = arith.constant 0 : i32
        %dma_wait3A_1002 = arith.constant 0 : i32
        %dma_wait3A_1003 = tpu.memref_slice %arg12[%run_scoped3A_977, %dma_wait3A_1001, %dma_wait3A_1002] : memref<2x125x128xf32, #tpu.memory_space<vmem>> -> memref<1x125x128xf32, #tpu.memory_space<vmem>>
        %dma_wait3A_1004 = tpu.memref_squeeze %dma_wait3A_1003 : memref<1x125x128xf32, #tpu.memory_space<vmem>> -> memref<125x128xf32, #tpu.memory_space<vmem>>
        %dma_wait3A_1005 = arith.constant 0 : i32
        %dma_wait3A_1006 = tpu.memref_slice %arg11[%run_scoped3A_978, %run_scoped3A_979, %dma_wait3A_1005] : memref<2x8x125xi32, #tpu.memory_space<vmem>> -> memref<1x1x125xi32, #tpu.memory_space<vmem>>
        %dma_wait3A_1007 = tpu.memref_squeeze %dma_wait3A_1006 : memref<1x1x125xi32, #tpu.memory_space<vmem>> -> memref<125xi32, #tpu.memory_space<vmem>>
        %dma_wait3A_1008 = arith.constant 0 : i32
        %dma_wait3A_1009 = arith.constant 0 : i32
        %dma_wait3A_1010 = tpu.memref_slice %arg17[%dma_wait3A_1008, %dma_wait3A_1009] : memref<10240x128xf32, #tpu.memory_space<vmem_shared>> -> memref<10240x128xf32, #tpu.memory_space<vmem_shared>>
        tpu.wait_indirect_dma semaphore(%run_scoped3A_990 : memref<!tpu.dma_semaphore, #tpu.memory_space<semaphore_mem>>) src(%dma_wait3A_1004 : memref<125x128xf32, #tpu.memory_space<vmem>>) dst(%dma_wait3A_1010 : memref<10240x128xf32, #tpu.memory_space<vmem_shared>>)
        tpu.yield
      }) : () -> ()
      %run_scoped3A_980 = arith.constant 1 : i32
      %run_scoped3A_981 = arith.constant 1 : i32
      %run_scoped3A_982 = arith.constant 7 : i32
      "tpu.region"() ({
        %run_scoped3A_990 = tpu.sem_alloc : memref<!tpu.dma_semaphore, #tpu.memory_space<semaphore_mem>>
        %dma_start3A_991 = arith.constant 0 : i32
        %dma_start3A_992 = tpu.memref_slice %arg13[%run_scoped3A_980, %dma_start3A_991] : memref<2x125xf32, #tpu.memory_space<vmem>> -> memref<1x125xf32, #tpu.memory_space<vmem>>
        %dma_start3A_993 = tpu.memref_squeeze %dma_start3A_992 : memref<1x125xf32, #tpu.memory_space<vmem>> -> memref<125xf32, #tpu.memory_space<vmem>>
        %dma_start3A_994 = arith.constant 0 : i32
        %dma_start3A_995 = tpu.memref_slice %arg10[%run_scoped3A_981, %run_scoped3A_982, %dma_start3A_994] : memref<2x8x125xi32, #tpu.memory_space<vmem>> -> memref<1x1x125xi32, #tpu.memory_space<vmem>>
        %dma_start3A_996 = tpu.memref_squeeze %dma_start3A_995 : memref<1x1x125xi32, #tpu.memory_space<vmem>> -> memref<125xi32, #tpu.memory_space<vmem>>
        %dma_start3A_997 = arith.constant 0 : i32
        %dma_start3A_998 = tpu.memref_slice %arg18[%dma_start3A_997] : memref<10240xf32, #tpu.memory_space<vmem_shared>> -> memref<10240xf32, #tpu.memory_space<vmem_shared>>
        tpu.enqueue_indirect_dma source(%dma_start3A_993 : memref<125xf32, #tpu.memory_space<vmem>>) target(%dma_start3A_998 : memref<10240xf32, #tpu.memory_space<vmem_shared>>) offsets(%dma_start3A_996 : memref<125xi32, #tpu.memory_space<vmem>>) semaphore(%run_scoped3A_990 : memref<!tpu.dma_semaphore, #tpu.memory_space<semaphore_mem>>) {add = true}
        %dma_wait3A_999 = arith.constant 0 : i32
        %dma_wait3A_1000 = tpu.memref_slice %arg13[%run_scoped3A_980, %dma_wait3A_999] : memref<2x125xf32, #tpu.memory_space<vmem>> -> memref<1x125xf32, #tpu.memory_space<vmem>>
        %dma_wait3A_1001 = tpu.memref_squeeze %dma_wait3A_1000 : memref<1x125xf32, #tpu.memory_space<vmem>> -> memref<125xf32, #tpu.memory_space<vmem>>
        %dma_wait3A_1002 = arith.constant 0 : i32
        %dma_wait3A_1003 = tpu.memref_slice %arg10[%run_scoped3A_981, %run_scoped3A_982, %dma_wait3A_1002] : memref<2x8x125xi32, #tpu.memory_space<vmem>> -> memref<1x1x125xi32, #tpu.memory_space<vmem>>
        %dma_wait3A_1004 = tpu.memref_squeeze %dma_wait3A_1003 : memref<1x1x125xi32, #tpu.memory_space<vmem>> -> memref<125xi32, #tpu.memory_space<vmem>>
        %dma_wait3A_1005 = arith.constant 0 : i32
        %dma_wait3A_1006 = tpu.memref_slice %arg18[%dma_wait3A_1005] : memref<10240xf32, #tpu.memory_space<vmem_shared>> -> memref<10240xf32, #tpu.memory_space<vmem_shared>>
        tpu.wait_indirect_dma semaphore(%run_scoped3A_990 : memref<!tpu.dma_semaphore, #tpu.memory_space<semaphore_mem>>) src(%dma_wait3A_1001 : memref<125xf32, #tpu.memory_space<vmem>>) dst(%dma_wait3A_1006 : memref<10240xf32, #tpu.memory_space<vmem_shared>>)
        tpu.yield
      }) : () -> ()
      %add3A_983 = arith.constant 2 : i32
      %add3A_984 = arith.addi %add3A_535, %add3A_983 : i32
      %lt3A_985 = arith.constant 10 : i32
      %lt3A_986 = arith.cmpi slt, %add3A_984, %lt3A_985 : i32
      %convert_element_type3A_987 = arith.extui %lt3A_986 : i1 to i32
      %cond3A_988 = arith.constant 0 : i32
      %cond3A_989 = arith.cmpi ne, %convert_element_type3A_987, %cond3A_988 : i32
      scf.if %cond3A_989 {
        %add3A_990 = arith.constant 2 : i32
        %add3A_991 = arith.addi %add3A_535, %add3A_990 : i32
        %mul3A_992 = arith.constant 8 : i32
        %mul3A_993 = arith.muli %add3A_991, %mul3A_992 : i32
        %dma_start3A_994 = arith.constant 1 : i32
        %dma_start3A_995 = arith.constant 0 : i32
        %dma_start3A_996 = arith.constant 0 : i32
        %dma_start3A_997 = tpu.memref_slice %arg10[%dma_start3A_994, %dma_start3A_995, %dma_start3A_996] : memref<2x8x125xi32, #tpu.memory_space<vmem>> -> memref<1x8x125xi32, #tpu.memory_space<vmem>>
        %dma_start3A_998 = tpu.memref_squeeze %dma_start3A_997 : memref<1x8x125xi32, #tpu.memory_space<vmem>> -> memref<8x125xi32, #tpu.memory_space<vmem>>
        %dma_start3A_999 = arith.constant 0 : i32
        %dma_start3A_1000 = tpu.memref_slice %arg4[%add3A, %mul3A_993, %dma_start3A_999] : memref<32x80x125xi32, #tpu.memory_space<hbm>> -> memref<1x8x125xi32, #tpu.memory_space<hbm>>
        %dma_start3A_1001 = tpu.memref_squeeze %dma_start3A_1000 : memref<1x8x125xi32, #tpu.memory_space<hbm>> -> memref<8x125xi32, #tpu.memory_space<hbm>>
        %dma_start3A_1002 = arith.constant 0 : i32
        %dma_start3A_1003 = arith.constant 0 : i32
        %dma_start3A_1004 = tpu.memref_slice %arg10[%dma_start3A_994, %dma_start3A_1002, %dma_start3A_1003] : memref<2x8x125xi32, #tpu.memory_space<vmem>> -> memref<1x8x125xi32, #tpu.memory_space<vmem>>
        %dma_start3A_1005 = tpu.memref_squeeze %dma_start3A_1004 : memref<1x8x125xi32, #tpu.memory_space<vmem>> -> memref<8x125xi32, #tpu.memory_space<vmem>>
        %dma_start3A_1006 = arith.constant 0 : i32
        %dma_start3A_1007 = tpu.memref_slice %arg4[%add3A, %mul3A_993, %dma_start3A_1006] : memref<32x80x125xi32, #tpu.memory_space<hbm>> -> memref<1x8x125xi32, #tpu.memory_space<hbm>>
        %dma_start3A_1008 = tpu.memref_squeeze %dma_start3A_1007 : memref<1x8x125xi32, #tpu.memory_space<hbm>> -> memref<8x125xi32, #tpu.memory_space<hbm>>
        tpu.enqueue_dma source(%dma_start3A_1008 : memref<8x125xi32, #tpu.memory_space<hbm>>) target(%dma_start3A_1005 : memref<8x125xi32, #tpu.memory_space<vmem>>) target_semaphore(%arg16 : memref<!tpu.dma_semaphore, #tpu.memory_space<semaphore_mem>>)
        %add3A_1009 = arith.constant 2 : i32
        %add3A_1010 = arith.addi %add3A_535, %add3A_1009 : i32
        %mul3A_1011 = arith.constant 8 : i32
        %mul3A_1012 = arith.muli %add3A_1010, %mul3A_1011 : i32
        %dma_start3A_1013 = arith.constant 1 : i32
        %dma_start3A_1014 = arith.constant 0 : i32
        %dma_start3A_1015 = arith.constant 0 : i32
        %dma_start3A_1016 = tpu.memref_slice %arg11[%dma_start3A_1013, %dma_start3A_1014, %dma_start3A_1015] : memref<2x8x125xi32, #tpu.memory_space<vmem>> -> memref<1x8x125xi32, #tpu.memory_space<vmem>>
        %dma_start3A_1017 = tpu.memref_squeeze %dma_start3A_1016 : memref<1x8x125xi32, #tpu.memory_space<vmem>> -> memref<8x125xi32, #tpu.memory_space<vmem>>
        %dma_start3A_1018 = arith.constant 0 : i32
        %dma_start3A_1019 = tpu.memref_slice %arg5[%add3A, %mul3A_1012, %dma_start3A_1018] : memref<32x80x125xi32, #tpu.memory_space<hbm>> -> memref<1x8x125xi32, #tpu.memory_space<hbm>>
        %dma_start3A_1020 = tpu.memref_squeeze %dma_start3A_1019 : memref<1x8x125xi32, #tpu.memory_space<hbm>> -> memref<8x125xi32, #tpu.memory_space<hbm>>
        %dma_start3A_1021 = arith.constant 0 : i32
        %dma_start3A_1022 = arith.constant 0 : i32
        %dma_start3A_1023 = tpu.memref_slice %arg11[%dma_start3A_1013, %dma_start3A_1021, %dma_start3A_1022] : memref<2x8x125xi32, #tpu.memory_space<vmem>> -> memref<1x8x125xi32, #tpu.memory_space<vmem>>
        %dma_start3A_1024 = tpu.memref_squeeze %dma_start3A_1023 : memref<1x8x125xi32, #tpu.memory_space<vmem>> -> memref<8x125xi32, #tpu.memory_space<vmem>>
        %dma_start3A_1025 = arith.constant 0 : i32
        %dma_start3A_1026 = tpu.memref_slice %arg5[%add3A, %mul3A_1012, %dma_start3A_1025] : memref<32x80x125xi32, #tpu.memory_space<hbm>> -> memref<1x8x125xi32, #tpu.memory_space<hbm>>
        %dma_start3A_1027 = tpu.memref_squeeze %dma_start3A_1026 : memref<1x8x125xi32, #tpu.memory_space<hbm>> -> memref<8x125xi32, #tpu.memory_space<hbm>>
        tpu.enqueue_dma source(%dma_start3A_1027 : memref<8x125xi32, #tpu.memory_space<hbm>>) target(%dma_start3A_1024 : memref<8x125xi32, #tpu.memory_space<vmem>>) target_semaphore(%arg16 : memref<!tpu.dma_semaphore, #tpu.memory_space<semaphore_mem>>)
      } else {
      }
    }
    %scan3A_67 = arith.constant 5 : i32
    %barrier3A_68 = arith.constant 0 : index
    tpu.barrier barrier_id(%barrier3A_68)
    %mul3A_69 = arith.constant 640 : i32
    %mul3A_70 = arith.muli %arg1, %mul3A_69 : i32
    %mul3A_71 = arith.constant 640 : i32
    %mul3A_72 = arith.muli %arg1, %mul3A_71 : i32
    "tpu.region"() ({
      %run_scoped3A_77 = tpu.sem_alloc : memref<!tpu.dma_semaphore, #tpu.memory_space<semaphore_mem>>
      %dma_start3A_78 = arith.constant 0 : i32
      %dma_start3A_79 = tpu.memref_slice %arg8[%arg0, %mul3A_72, %dma_start3A_78] : memref<2x10240x128xf32, #tpu.memory_space<hbm>> -> memref<1x640x128xf32, #tpu.memory_space<hbm>>
      %dma_start3A_80 = tpu.memref_squeeze %dma_start3A_79 : memref<1x640x128xf32, #tpu.memory_space<hbm>> -> memref<640x128xf32, #tpu.memory_space<hbm>>
      %dma_start3A_81 = arith.constant 0 : i32
      %dma_start3A_82 = tpu.memref_slice %arg17[%mul3A_70, %dma_start3A_81] : memref<10240x128xf32, #tpu.memory_space<vmem_shared>> -> memref<640x128xf32, #tpu.memory_space<vmem_shared>>
      tpu.enqueue_dma source(%dma_start3A_82 : memref<640x128xf32, #tpu.memory_space<vmem_shared>>) target(%dma_start3A_80 : memref<640x128xf32, #tpu.memory_space<hbm>>) target_semaphore(%run_scoped3A_77 : memref<!tpu.dma_semaphore, #tpu.memory_space<semaphore_mem>>)
      %dma_wait3A = arith.constant 0 : i32
      %dma_wait3A_83 = tpu.memref_slice %arg8[%arg0, %mul3A_72, %dma_wait3A] : memref<2x10240x128xf32, #tpu.memory_space<hbm>> -> memref<1x640x128xf32, #tpu.memory_space<hbm>>
      %dma_wait3A_84 = tpu.memref_squeeze %dma_wait3A_83 : memref<1x640x128xf32, #tpu.memory_space<hbm>> -> memref<640x128xf32, #tpu.memory_space<hbm>>
      %dma_wait3A_85 = arith.constant 0 : i32
      %dma_wait3A_86 = tpu.memref_slice %arg17[%mul3A_70, %dma_wait3A_85] : memref<10240x128xf32, #tpu.memory_space<vmem_shared>> -> memref<640x128xf32, #tpu.memory_space<vmem_shared>>
      tpu.wait_dma2 semaphore(%run_scoped3A_77 : memref<!tpu.dma_semaphore, #tpu.memory_space<semaphore_mem>>) src(%dma_wait3A_86 : memref<640x128xf32, #tpu.memory_space<vmem_shared>>) dst(%dma_wait3A_84 : memref<640x128xf32, #tpu.memory_space<hbm>>)
      tpu.yield
    }) : () -> ()
    %mul3A_73 = arith.constant 640 : i32
    %mul3A_74 = arith.muli %arg1, %mul3A_73 : i32
    %mul3A_75 = arith.constant 640 : i32
    %mul3A_76 = arith.muli %arg1, %mul3A_75 : i32
    "tpu.region"() ({
      %run_scoped3A_77 = tpu.sem_alloc : memref<!tpu.dma_semaphore, #tpu.memory_space<semaphore_mem>>
      %dma_start3A_78 = tpu.memref_slice %arg9[%arg0, %mul3A_76] : memref<2x10240xf32, #tpu.memory_space<hbm>> -> memref<1x640xf32, #tpu.memory_space<hbm>>
      %dma_start3A_79 = tpu.memref_squeeze %dma_start3A_78 : memref<1x640xf32, #tpu.memory_space<hbm>> -> memref<640xf32, #tpu.memory_space<hbm>>
      %dma_start3A_80 = tpu.memref_slice %arg18[%mul3A_74] : memref<10240xf32, #tpu.memory_space<vmem_shared>> -> memref<640xf32, #tpu.memory_space<vmem_shared>>
      tpu.enqueue_dma source(%dma_start3A_80 : memref<640xf32, #tpu.memory_space<vmem_shared>>) target(%dma_start3A_79 : memref<640xf32, #tpu.memory_space<hbm>>) target_semaphore(%run_scoped3A_77 : memref<!tpu.dma_semaphore, #tpu.memory_space<semaphore_mem>>)
      %dma_wait3A = tpu.memref_slice %arg9[%arg0, %mul3A_76] : memref<2x10240xf32, #tpu.memory_space<hbm>> -> memref<1x640xf32, #tpu.memory_space<hbm>>
      %dma_wait3A_81 = tpu.memref_squeeze %dma_wait3A : memref<1x640xf32, #tpu.memory_space<hbm>> -> memref<640xf32, #tpu.memory_space<hbm>>
      %dma_wait3A_82 = tpu.memref_slice %arg18[%mul3A_74] : memref<10240xf32, #tpu.memory_space<vmem_shared>> -> memref<640xf32, #tpu.memory_space<vmem_shared>>
      tpu.wait_dma2 semaphore(%run_scoped3A_77 : memref<!tpu.dma_semaphore, #tpu.memory_space<semaphore_mem>>) src(%dma_wait3A_82 : memref<640xf32, #tpu.memory_space<vmem_shared>>) dst(%dma_wait3A_81 : memref<640xf32, #tpu.memory_space<hbm>>)
      tpu.yield
    }) : () -> ()
    return
  }
}

#map = affine_map<(d0, d1) -> (0, 0, 0)>
#map1 = affine_map<(d0, d1) -> (0)>
#map2 = affine_map<(d0, d1) -> (0, 0)>
module attributes {stable_mosaic.version = 14 : i64} {
  func.func @_sc_hist_body(%arg0: i32, %arg1: i32, %arg2: memref<32x80x125xi32, #tpu.memory_space<hbm>>, %arg3: memref<125xf32, #tpu.memory_space<hbm>>, %arg4: memref<640xf32, #tpu.memory_space<hbm>>, %arg5: memref<2x10240xf32, #tpu.memory_space<hbm>>, %arg6: memref<80x125xi32, #tpu.memory_space<vmem>>, %arg7: memref<125xf32, #tpu.memory_space<vmem>>, %arg8: memref<!tpu.dma_semaphore, #tpu.memory_space<semaphore_mem>>, %arg9: memref<10240xf32, #tpu.memory_space<vmem_shared>>) attributes {dimension_semantics = [#tpu.dimension_semantics<core_parallel>, #tpu.dimension_semantics<subcore_parallel>], iteration_bounds = array<i64: 2, 16>, scalar_prefetch = 0 : i64, scratch_operands = 4 : i64, tpu.core_type = #tpu.core_type<sc_vector_subcore>, window_params = [{transform_indices = #map}, {transform_indices = #map1}, {transform_indices = #map1}, {transform_indices = #map2}]} {
    %mul3A = arith.constant 16 : i32
    %mul3A_0 = arith.muli %arg0, %mul3A : i32
    %add3A = arith.addi %mul3A_0, %arg1 : i32
    %mul3A_1 = arith.constant 640 : i32
    %mul3A_2 = arith.muli %arg1, %mul3A_1 : i32
    "tpu.region"() ({
      %run_scoped3A = tpu.sem_alloc : memref<!tpu.dma_semaphore, #tpu.memory_space<semaphore_mem>>
      %dma_start3A = tpu.memref_slice %arg9[%mul3A_2] : memref<10240xf32, #tpu.memory_space<vmem_shared>> -> memref<640xf32, #tpu.memory_space<vmem_shared>>
      tpu.enqueue_dma source(%arg4 : memref<640xf32, #tpu.memory_space<hbm>>) target(%dma_start3A : memref<640xf32, #tpu.memory_space<vmem_shared>>) target_semaphore(%run_scoped3A : memref<!tpu.dma_semaphore, #tpu.memory_space<semaphore_mem>>)
      %dma_wait3A = tpu.memref_slice %arg9[%mul3A_2] : memref<10240xf32, #tpu.memory_space<vmem_shared>> -> memref<640xf32, #tpu.memory_space<vmem_shared>>
      tpu.wait_dma2 semaphore(%run_scoped3A : memref<!tpu.dma_semaphore, #tpu.memory_space<semaphore_mem>>) src(%arg4 : memref<640xf32, #tpu.memory_space<hbm>>) dst(%dma_wait3A : memref<640xf32, #tpu.memory_space<vmem_shared>>)
      tpu.yield
    }) : () -> ()
    "tpu.region"() ({
      %run_scoped3A = tpu.sem_alloc : memref<!tpu.dma_semaphore, #tpu.memory_space<semaphore_mem>>
      tpu.enqueue_dma source(%arg3 : memref<125xf32, #tpu.memory_space<hbm>>) target(%arg7 : memref<125xf32, #tpu.memory_space<vmem>>) target_semaphore(%run_scoped3A : memref<!tpu.dma_semaphore, #tpu.memory_space<semaphore_mem>>)
      tpu.wait_dma2 semaphore(%run_scoped3A : memref<!tpu.dma_semaphore, #tpu.memory_space<semaphore_mem>>) src(%arg3 : memref<125xf32, #tpu.memory_space<hbm>>) dst(%arg7 : memref<125xf32, #tpu.memory_space<vmem>>)
      tpu.yield
    }) : () -> ()
    "tpu.region"() ({
      %run_scoped3A = tpu.sem_alloc : memref<!tpu.dma_semaphore, #tpu.memory_space<semaphore_mem>>
      %dma_start3A = arith.constant 0 : i32
      %dma_start3A_19 = arith.constant 0 : i32
      %dma_start3A_20 = tpu.memref_slice %arg2[%add3A, %dma_start3A, %dma_start3A_19] : memref<32x80x125xi32, #tpu.memory_space<hbm>> -> memref<1x80x125xi32, #tpu.memory_space<hbm>>
      %dma_start3A_21 = tpu.memref_squeeze %dma_start3A_20 : memref<1x80x125xi32, #tpu.memory_space<hbm>> -> memref<80x125xi32, #tpu.memory_space<hbm>>
      %dma_start3A_22 = arith.constant 0 : i32
      %dma_start3A_23 = arith.constant 0 : i32
      %dma_start3A_24 = tpu.memref_slice %arg2[%add3A, %dma_start3A_22, %dma_start3A_23] : memref<32x80x125xi32, #tpu.memory_space<hbm>> -> memref<1x80x125xi32, #tpu.memory_space<hbm>>
      %dma_start3A_25 = tpu.memref_squeeze %dma_start3A_24 : memref<1x80x125xi32, #tpu.memory_space<hbm>> -> memref<80x125xi32, #tpu.memory_space<hbm>>
      tpu.enqueue_dma source(%dma_start3A_25 : memref<80x125xi32, #tpu.memory_space<hbm>>) target(%arg6 : memref<80x125xi32, #tpu.memory_space<vmem>>) target_semaphore(%run_scoped3A : memref<!tpu.dma_semaphore, #tpu.memory_space<semaphore_mem>>)
      %dma_wait3A = arith.constant 0 : i32
      %dma_wait3A_26 = arith.constant 0 : i32
      %dma_wait3A_27 = tpu.memref_slice %arg2[%add3A, %dma_wait3A, %dma_wait3A_26] : memref<32x80x125xi32, #tpu.memory_space<hbm>> -> memref<1x80x125xi32, #tpu.memory_space<hbm>>
      %dma_wait3A_28 = tpu.memref_squeeze %dma_wait3A_27 : memref<1x80x125xi32, #tpu.memory_space<hbm>> -> memref<80x125xi32, #tpu.memory_space<hbm>>
      %dma_wait3A_29 = arith.constant 0 : i32
      %dma_wait3A_30 = arith.constant 0 : i32
      %dma_wait3A_31 = tpu.memref_slice %arg2[%add3A, %dma_wait3A_29, %dma_wait3A_30] : memref<32x80x125xi32, #tpu.memory_space<hbm>> -> memref<1x80x125xi32, #tpu.memory_space<hbm>>
      %dma_wait3A_32 = tpu.memref_squeeze %dma_wait3A_31 : memref<1x80x125xi32, #tpu.memory_space<hbm>> -> memref<80x125xi32, #tpu.memory_space<hbm>>
      tpu.wait_dma2 semaphore(%run_scoped3A : memref<!tpu.dma_semaphore, #tpu.memory_space<semaphore_mem>>) src(%dma_wait3A_32 : memref<80x125xi32, #tpu.memory_space<hbm>>) dst(%arg6 : memref<80x125xi32, #tpu.memory_space<vmem>>)
      tpu.yield
    }) : () -> ()
    %barrier3A = arith.constant 0 : index
    tpu.barrier barrier_id(%barrier3A)
    %scan3A = arith.constant 0 : i32
    %scan3A_3 = arith.constant 0 : i32
    %scan3A_4 = arith.constant 80 : i32
    %scan3A_5 = arith.addi %scan3A_3, %scan3A_4 : i32
    %scan3A_6 = arith.constant 1 : i32
    scf.for %scan3A_19 = %scan3A_3 to %scan3A_5 step %scan3A_6  : i32 {
      %dma_start3A = arith.constant 0 : i32
      %dma_start3A_20 = tpu.memref_slice %arg6[%scan3A_19, %dma_start3A] : memref<80x125xi32, #tpu.memory_space<vmem>> -> memref<1x125xi32, #tpu.memory_space<vmem>>
      %dma_start3A_21 = tpu.memref_squeeze %dma_start3A_20 : memref<1x125xi32, #tpu.memory_space<vmem>> -> memref<125xi32, #tpu.memory_space<vmem>>
      %dma_start3A_22 = arith.constant 0 : i32
      %dma_start3A_23 = tpu.memref_slice %arg9[%dma_start3A_22] : memref<10240xf32, #tpu.memory_space<vmem_shared>> -> memref<10240xf32, #tpu.memory_space<vmem_shared>>
      tpu.enqueue_indirect_dma source(%arg7 : memref<125xf32, #tpu.memory_space<vmem>>) target(%dma_start3A_23 : memref<10240xf32, #tpu.memory_space<vmem_shared>>) offsets(%dma_start3A_21 : memref<125xi32, #tpu.memory_space<vmem>>) semaphore(%arg8 : memref<!tpu.dma_semaphore, #tpu.memory_space<semaphore_mem>>) {add = true}
    }
    %scan3A_7 = arith.constant 80 : i32
    %scan3A_8 = arith.constant 0 : i32
    %scan3A_9 = arith.constant 0 : i32
    %scan3A_10 = arith.constant 80 : i32
    %scan3A_11 = arith.addi %scan3A_9, %scan3A_10 : i32
    %scan3A_12 = arith.constant 1 : i32
    scf.for %scan3A_19 = %scan3A_9 to %scan3A_11 step %scan3A_12  : i32 {
      %dma_wait3A = arith.constant 0 : i32
      %dma_wait3A_20 = arith.constant 0 : i32
      %dma_wait3A_21 = tpu.memref_slice %arg6[%dma_wait3A, %dma_wait3A_20] : memref<80x125xi32, #tpu.memory_space<vmem>> -> memref<1x125xi32, #tpu.memory_space<vmem>>
      %dma_wait3A_22 = tpu.memref_squeeze %dma_wait3A_21 : memref<1x125xi32, #tpu.memory_space<vmem>> -> memref<125xi32, #tpu.memory_space<vmem>>
      %dma_wait3A_23 = arith.constant 0 : i32
      %dma_wait3A_24 = tpu.memref_slice %arg9[%dma_wait3A_23] : memref<10240xf32, #tpu.memory_space<vmem_shared>> -> memref<10240xf32, #tpu.memory_space<vmem_shared>>
      tpu.wait_indirect_dma semaphore(%arg8 : memref<!tpu.dma_semaphore, #tpu.memory_space<semaphore_mem>>) src(%arg7 : memref<125xf32, #tpu.memory_space<vmem>>) dst(%dma_wait3A_24 : memref<10240xf32, #tpu.memory_space<vmem_shared>>)
    }
    %scan3A_13 = arith.constant 80 : i32
    %barrier3A_14 = arith.constant 0 : index
    tpu.barrier barrier_id(%barrier3A_14)
    %mul3A_15 = arith.constant 640 : i32
    %mul3A_16 = arith.muli %arg1, %mul3A_15 : i32
    %mul3A_17 = arith.constant 640 : i32
    %mul3A_18 = arith.muli %arg1, %mul3A_17 : i32
    "tpu.region"() ({
      %run_scoped3A = tpu.sem_alloc : memref<!tpu.dma_semaphore, #tpu.memory_space<semaphore_mem>>
      %dma_start3A = tpu.memref_slice %arg5[%arg0, %mul3A_18] : memref<2x10240xf32, #tpu.memory_space<hbm>> -> memref<1x640xf32, #tpu.memory_space<hbm>>
      %dma_start3A_19 = tpu.memref_squeeze %dma_start3A : memref<1x640xf32, #tpu.memory_space<hbm>> -> memref<640xf32, #tpu.memory_space<hbm>>
      %dma_start3A_20 = tpu.memref_slice %arg9[%mul3A_16] : memref<10240xf32, #tpu.memory_space<vmem_shared>> -> memref<640xf32, #tpu.memory_space<vmem_shared>>
      tpu.enqueue_dma source(%dma_start3A_20 : memref<640xf32, #tpu.memory_space<vmem_shared>>) target(%dma_start3A_19 : memref<640xf32, #tpu.memory_space<hbm>>) target_semaphore(%run_scoped3A : memref<!tpu.dma_semaphore, #tpu.memory_space<semaphore_mem>>)
      %dma_wait3A = tpu.memref_slice %arg5[%arg0, %mul3A_18] : memref<2x10240xf32, #tpu.memory_space<hbm>> -> memref<1x640xf32, #tpu.memory_space<hbm>>
      %dma_wait3A_21 = tpu.memref_squeeze %dma_wait3A : memref<1x640xf32, #tpu.memory_space<hbm>> -> memref<640xf32, #tpu.memory_space<hbm>>
      %dma_wait3A_22 = tpu.memref_slice %arg9[%mul3A_16] : memref<10240xf32, #tpu.memory_space<vmem_shared>> -> memref<640xf32, #tpu.memory_space<vmem_shared>>
      tpu.wait_dma2 semaphore(%run_scoped3A : memref<!tpu.dma_semaphore, #tpu.memory_space<semaphore_mem>>) src(%dma_wait3A_22 : memref<640xf32, #tpu.memory_space<vmem_shared>>) dst(%dma_wait3A_21 : memref<640xf32, #tpu.memory_space<hbm>>)
      tpu.yield
    }) : () -> ()
    return
  }
}

module attributes {stable_mosaic.version = 14 : i64} {
  func.func @_tc_prep_body(%arg0: i32, %arg1: memref<2048x128xf32, #tpu.memory_space<vmem>>, %arg2: memref<2x2048x1xf32, #tpu.memory_space<vmem>>, %arg3: memref<2048x128xf32, #tpu.memory_space<vmem>>, %arg4: memref<2048x1xf32, #tpu.memory_space<vmem>>) attributes {dimension_semantics = [#tpu.dimension_semantics<arbitrary>], iteration_bounds = array<i64: 5>, scalar_prefetch = 0 : i64, scratch_operands = 0 : i64, tpu.core_type = #tpu.core_type<tc>, window_params = [{transform_indices = @transform_0, window_bounds = array<i64: 2048, 128>}, {transform_indices = @transform_1, window_bounds = array<i64: 2, 2048, 1>}, {transform_indices = @transform_2, window_bounds = array<i64: 2048, 128>}, {transform_indices = @transform_3, window_bounds = array<i64: 2048, 1>}]} {
    %get3A = arith.constant 0 : index
    %get3A_0 = arith.constant 0 : index
    %get3A_1 = arith.constant 0 : index
    %get3A_2 = vector.load %arg2[%get3A, %get3A_0, %get3A_1] : memref<2x2048x1xf32, #tpu.memory_space<vmem>>, vector<1x2048x1xf32>
    %get3A_3 = vector.shape_cast %get3A_2 : vector<1x2048x1xf32> to vector<2048x1xf32>
    %get3A_4 = arith.constant 1 : index
    %get3A_5 = arith.constant 0 : index
    %get3A_6 = arith.constant 0 : index
    %get3A_7 = vector.load %arg2[%get3A_4, %get3A_5, %get3A_6] : memref<2x2048x1xf32, #tpu.memory_space<vmem>>, vector<1x2048x1xf32>
    %get3A_8 = vector.shape_cast %get3A_7 : vector<1x2048x1xf32> to vector<2048x1xf32>
    %add3A = arith.addf %get3A_3, %get3A_8 : vector<2048x1xf32>
    %add3A_9 = arith.constant 1.000000e+00 : f32
    %add3A_10 = vector.broadcast %add3A_9 : f32 to vector<2048x1xf32>
    %add3A_11 = arith.addf %add3A, %add3A_10 : vector<2048x1xf32>
    %rsqrt3A = math.rsqrt %add3A_11 : vector<2048x1xf32>
    %get3A_12 = arith.constant 0 : index
    %get3A_13 = arith.constant 0 : index
    %get3A_14 = vector.load %arg1[%get3A_12, %get3A_13] : memref<2048x128xf32, #tpu.memory_space<vmem>>, vector<2048x128xf32>
    %mul3A = vector.broadcast %rsqrt3A : vector<2048x1xf32> to vector<2048x128xf32>
    %mul3A_15 = arith.mulf %get3A_14, %mul3A : vector<2048x128xf32>
    %swap3A = arith.constant 0 : index
    %swap3A_16 = arith.constant 0 : index
    %swap3A_17 = vector.load %arg3[%swap3A, %swap3A_16] : memref<2048x128xf32, #tpu.memory_space<vmem>>, vector<2048x128xf32>
    tpu.vector_store %arg3[%swap3A, %swap3A_16], %mul3A_15 {strides = array<i32>} : memref<2048x128xf32, #tpu.memory_space<vmem>>, vector<2048x128xf32>,
    %swap3A_18 = arith.constant 0 : index
    %swap3A_19 = arith.constant 0 : index
    %swap3A_20 = vector.load %arg4[%swap3A_18, %swap3A_19] : memref<2048x1xf32, #tpu.memory_space<vmem>>, vector<2048x1xf32>
    tpu.vector_store %arg4[%swap3A_18, %swap3A_19], %rsqrt3A {strides = array<i32>} : memref<2048x1xf32, #tpu.memory_space<vmem>>, vector<2048x1xf32>,
    return
  }
  func.func @transform_0(%arg0: i32) -> (i32, i32) {
    %c0_i32 = arith.constant 0 : i32
    %c0_i32_0 = arith.constant 0 : i32
    return %arg0, %c0_i32 : i32, i32
  }
  func.func @transform_1(%arg0: i32) -> (i32, i32, i32) {
    %c0_i32 = arith.constant 0 : i32
    %c0_i32_0 = arith.constant 0 : i32
    %c0_i32_1 = arith.constant 0 : i32
    return %c0_i32, %arg0, %c0_i32_0 : i32, i32, i32
  }
  func.func @transform_2(%arg0: i32) -> (i32, i32) {
    %c0_i32 = arith.constant 0 : i32
    %c0_i32_0 = arith.constant 0 : i32
    return %arg0, %c0_i32 : i32, i32
  }
  func.func @transform_3(%arg0: i32) -> (i32, i32) {
    %c0_i32 = arith.constant 0 : i32
    %c0_i32_0 = arith.constant 0 : i32
    return %arg0, %c0_i32 : i32, i32
  }
}

module attributes {stable_mosaic.version = 14 : i64} {
  func.func @_tc_final_body(%arg0: i32, %arg1: memref<2x2048x128xf32, #tpu.memory_space<vmem>>, %arg2: memref<2048x128xf32, #tpu.memory_space<vmem>>, %arg3: memref<2048x1xf32, #tpu.memory_space<vmem>>, %arg4: memref<2x2048x1xf32, #tpu.memory_space<vmem>>, %arg5: memref<128x256xf32, #tpu.memory_space<vmem>>, %arg6: memref<1x256xf32, #tpu.memory_space<vmem>>, %arg7: memref<256x128xf32, #tpu.memory_space<vmem>>, %arg8: memref<1x128xf32, #tpu.memory_space<vmem>>, %arg9: memref<1x128xf32, #tpu.memory_space<vmem>>, %arg10: memref<1x256xf32, #tpu.memory_space<vmem>>) attributes {dimension_semantics = [#tpu.dimension_semantics<arbitrary>], iteration_bounds = array<i64: 5>, scalar_prefetch = 0 : i64, scratch_operands = 1 : i64, tpu.core_type = #tpu.core_type<tc>, window_params = [{transform_indices = @transform_0, window_bounds = array<i64: 2, 2048, 128>}, {transform_indices = @transform_1, window_bounds = array<i64: 2048, 128>}, {transform_indices = @transform_2, window_bounds = array<i64: 2048, 1>}, {transform_indices = @transform_3, window_bounds = array<i64: 2, 2048, 1>}, {pipeline_mode = #tpu.pipeline_mode<synchronous>, transform_indices = @transform_4, window_bounds = array<i64: 128, 256>}, {pipeline_mode = #tpu.pipeline_mode<synchronous>, transform_indices = @transform_5, window_bounds = array<i64: 1, 256>}, {pipeline_mode = #tpu.pipeline_mode<synchronous>, transform_indices = @transform_6, window_bounds = array<i64: 256, 128>}, {pipeline_mode = #tpu.pipeline_mode<synchronous>, transform_indices = @transform_7, window_bounds = array<i64: 1, 128>}, {pipeline_mode = #tpu.pipeline_mode<synchronous>, transform_indices = @transform_8, window_bounds = array<i64: 1, 128>}]} {
    %get3A = arith.constant 0 : index
    %get3A_0 = arith.constant 0 : index
    %get3A_1 = vector.load %arg3[%get3A, %get3A_0] : memref<2048x1xf32, #tpu.memory_space<vmem>>, vector<2048x1xf32>
    %get3A_2 = arith.constant 0 : index
    %get3A_3 = arith.constant 0 : index
    %get3A_4 = arith.constant 0 : index
    %get3A_5 = vector.load %arg1[%get3A_2, %get3A_3, %get3A_4] : memref<2x2048x128xf32, #tpu.memory_space<vmem>>, vector<1x2048x128xf32>
    %get3A_6 = vector.shape_cast %get3A_5 : vector<1x2048x128xf32> to vector<2048x128xf32>
    %get3A_7 = arith.constant 1 : index
    %get3A_8 = arith.constant 0 : index
    %get3A_9 = arith.constant 0 : index
    %get3A_10 = vector.load %arg1[%get3A_7, %get3A_8, %get3A_9] : memref<2x2048x128xf32, #tpu.memory_space<vmem>>, vector<1x2048x128xf32>
    %get3A_11 = vector.shape_cast %get3A_10 : vector<1x2048x128xf32> to vector<2048x128xf32>
    %add3A = arith.addf %get3A_6, %get3A_11 : vector<2048x128xf32>
    %get3A_12 = arith.constant 0 : index
    %get3A_13 = arith.constant 0 : index
    %get3A_14 = vector.load %arg2[%get3A_12, %get3A_13] : memref<2048x128xf32, #tpu.memory_space<vmem>>, vector<2048x128xf32>
    %add3A_15 = arith.addf %add3A, %get3A_14 : vector<2048x128xf32>
    %mul3A = vector.broadcast %get3A_1 : vector<2048x1xf32> to vector<2048x128xf32>
    %mul3A_16 = arith.mulf %add3A_15, %mul3A : vector<2048x128xf32>
    %get3A_17 = arith.constant 0 : index
    %get3A_18 = arith.constant 0 : index
    %get3A_19 = vector.load %arg5[%get3A_17, %get3A_18] : memref<128x256xf32, #tpu.memory_space<vmem>>, vector<128x256xf32>
    %dot_general3A = arith.constant dense<0.000000e+00> : vector<2048x256xf32>
    %dot_general3A_20 = tpu.matmul %mul3A_16, %get3A_19, %dot_general3A {dimension_numbers = #tpu.dot_dimension_numbers<[1], [0], [0], [1], [0, 0, 1, 1], [], []>, transpose_lhs_hint = false} : vector<2048x128xf32>, vector<128x256xf32>, vector<2048x256xf32> -> vector<2048x256xf32>
    %get3A_21 = arith.constant 0 : index
    %get3A_22 = arith.constant 0 : index
    %get3A_23 = vector.load %arg6[%get3A_21, %get3A_22] : memref<1x256xf32, #tpu.memory_space<vmem>>, vector<1x256xf32>
    %add3A_24 = vector.broadcast %get3A_23 : vector<1x256xf32> to vector<2048x256xf32>
    %add3A_25 = arith.addf %dot_general3A_20, %add3A_24 : vector<2048x256xf32>
    %max3A = arith.constant 0.000000e+00 : f32
    %max3A_26 = vector.broadcast %max3A : f32 to vector<2048x256xf32>
    %max3A_27 = arith.maximumf %add3A_25, %max3A_26 : vector<2048x256xf32>
    %mul3A_28 = arith.constant 2048 : i32
    %mul3A_29 = arith.muli %arg0, %mul3A_28 : i32
    %iota3A = tpu.iota {dimensions = array<i32: 0>} : vector<2048x1xi32>
    %add3A_30 = vector.broadcast %mul3A_29 : i32 to vector<2048x1xi32>
    %add3A_31 = arith.addi %add3A_30, %iota3A : vector<2048x1xi32>
    %lt3A = arith.constant 10000 : i32
    %lt3A_32 = vector.broadcast %lt3A : i32 to vector<2048x1xi32>
    %lt3A_33 = arith.cmpi slt, %add3A_31, %lt3A_32 : vector<2048x1xi32>
    %jit3A = arith.constant 0.000000e+00 : f32
    %broadcast_in_dim3A = vector.shape_cast %lt3A_33 : vector<2048x1xi1> to vector<2048x1xi1>
    %broadcast_in_dim3A_34 = vector.broadcast %broadcast_in_dim3A : vector<2048x1xi1> to vector<2048x256xi1>
    %broadcast_in_dim3A_35 = vector.broadcast %jit3A : f32 to vector<2048x256xf32>
    %select_n3A = arith.select %broadcast_in_dim3A_34, %max3A_27, %broadcast_in_dim3A_35 : vector<2048x256xi1>, vector<2048x256xf32>
    %get3A_36 = arith.constant 0 : index
    %get3A_37 = arith.constant 0 : index
    %get3A_38 = arith.constant 0 : index
    %get3A_39 = vector.load %arg4[%get3A_36, %get3A_37, %get3A_38] : memref<2x2048x1xf32, #tpu.memory_space<vmem>>, vector<1x2048x1xf32>
    %get3A_40 = vector.shape_cast %get3A_39 : vector<1x2048x1xf32> to vector<2048x1xf32>
    %get3A_41 = arith.constant 1 : index
    %get3A_42 = arith.constant 0 : index
    %get3A_43 = arith.constant 0 : index
    %get3A_44 = vector.load %arg4[%get3A_41, %get3A_42, %get3A_43] : memref<2x2048x1xf32, #tpu.memory_space<vmem>>, vector<1x2048x1xf32>
    %get3A_45 = vector.shape_cast %get3A_44 : vector<1x2048x1xf32> to vector<2048x1xf32>
    %add3A_46 = arith.addf %get3A_40, %get3A_45 : vector<2048x1xf32>
    %add3A_47 = arith.addf %add3A_46, %get3A_1 : vector<2048x1xf32>
    %mul3A_48 = arith.mulf %get3A_1, %add3A_47 : vector<2048x1xf32>
    %dot_general3A_49 = arith.constant dense<0.000000e+00> : vector<1x256xf32>
    %dot_general3A_50 = tpu.matmul %mul3A_48, %select_n3A, %dot_general3A_49 {dimension_numbers = #tpu.dot_dimension_numbers<[0], [0], [1], [1], [0, 1, 1, 1], [], []>, transpose_lhs_hint = false} : vector<2048x1xf32>, vector<2048x256xf32>, vector<1x256xf32> -> vector<1x256xf32>
    %eq3A = arith.constant 0 : i32
    %eq3A_51 = arith.cmpi eq, %arg0, %eq3A : i32
    %convert_element_type3A = arith.extui %eq3A_51 : i1 to i32
    %cond3A = arith.constant 0 : i32
    %cond3A_52 = arith.cmpi ne, %convert_element_type3A, %cond3A : i32
    scf.if %cond3A_52 {
      %broadcast_in_dim3A_64 = arith.constant 0.000000e+00 : f32
      %broadcast_in_dim3A_65 = vector.broadcast %broadcast_in_dim3A_64 : f32 to vector<1x256xf32>
      %swap3A_66 = arith.constant 0 : index
      %swap3A_67 = arith.constant 0 : index
      %swap3A_68 = vector.load %arg10[%swap3A_66, %swap3A_67] : memref<1x256xf32, #tpu.memory_space<vmem>>, vector<1x256xf32>
      tpu.vector_store %arg10[%swap3A_66, %swap3A_67], %broadcast_in_dim3A_65 {strides = array<i32>} : memref<1x256xf32, #tpu.memory_space<vmem>>, vector<1x256xf32>,
    } else {
    }
    %get3A_53 = arith.constant 0 : index
    %get3A_54 = arith.constant 0 : index
    %get3A_55 = vector.load %arg10[%get3A_53, %get3A_54] : memref<1x256xf32, #tpu.memory_space<vmem>>, vector<1x256xf32>
    %add3A_56 = arith.addf %get3A_55, %dot_general3A_50 : vector<1x256xf32>
    %swap3A = arith.constant 0 : index
    %swap3A_57 = arith.constant 0 : index
    %swap3A_58 = vector.load %arg10[%swap3A, %swap3A_57] : memref<1x256xf32, #tpu.memory_space<vmem>>, vector<1x256xf32>
    tpu.vector_store %arg10[%swap3A, %swap3A_57], %add3A_56 {strides = array<i32>} : memref<1x256xf32, #tpu.memory_space<vmem>>, vector<1x256xf32>,
    %eq3A_59 = arith.constant 4 : i32
    %eq3A_60 = arith.cmpi eq, %arg0, %eq3A_59 : i32
    %convert_element_type3A_61 = arith.extui %eq3A_60 : i1 to i32
    %cond3A_62 = arith.constant 0 : i32
    %cond3A_63 = arith.cmpi ne, %convert_element_type3A_61, %cond3A_62 : i32
    scf.if %cond3A_63 {
      %get3A_64 = arith.constant 0 : index
      %get3A_65 = arith.constant 0 : index
      %get3A_66 = vector.load %arg10[%get3A_64, %get3A_65] : memref<1x256xf32, #tpu.memory_space<vmem>>, vector<1x256xf32>
      %get3A_67 = arith.constant 0 : index
      %get3A_68 = arith.constant 0 : index
      %get3A_69 = vector.load %arg7[%get3A_67, %get3A_68] : memref<256x128xf32, #tpu.memory_space<vmem>>, vector<256x128xf32>
      %dot_general3A_70 = arith.constant dense<0.000000e+00> : vector<1x128xf32>
      %dot_general3A_71 = tpu.matmul %get3A_66, %get3A_69, %dot_general3A_70 {dimension_numbers = #tpu.dot_dimension_numbers<[1], [0], [0], [1], [0, 0, 1, 1], [], []>, transpose_lhs_hint = false} : vector<1x256xf32>, vector<256x128xf32>, vector<1x128xf32> -> vector<1x128xf32>
      %div3A = arith.constant 1.000000e+04 : f32
      %div3A_72 = vector.broadcast %div3A : f32 to vector<1x128xf32>
      %div3A_73 = arith.divf %dot_general3A_71, %div3A_72 : vector<1x128xf32>
      %get3A_74 = arith.constant 0 : index
      %get3A_75 = arith.constant 0 : index
      %get3A_76 = vector.load %arg8[%get3A_74, %get3A_75] : memref<1x128xf32, #tpu.memory_space<vmem>>, vector<1x128xf32>
      %add3A_77 = arith.addf %div3A_73, %get3A_76 : vector<1x128xf32>
      %logistic3A = arith.negf %add3A_77 : vector<1x128xf32>
      %logistic3A_78 = math.exp %logistic3A : vector<1x128xf32>
      %logistic3A_79 = arith.constant 1.000000e+00 : f32
      %logistic3A_80 = vector.broadcast %logistic3A_79 : f32 to vector<1x128xf32>
      %logistic3A_81 = arith.addf %logistic3A_80, %logistic3A_78 : vector<1x128xf32>
      %logistic3A_82 = arith.divf %logistic3A_80, %logistic3A_81 : vector<1x128xf32>
      %gt3A = arith.constant 1.000000e-01 : f32
      %gt3A_83 = vector.broadcast %gt3A : f32 to vector<1x128xf32>
      %gt3A_84 = arith.cmpf ogt, %logistic3A_82, %gt3A_83 : vector<1x128xf32>
      %sub3A = arith.constant 1.000000e-01 : f32
      %sub3A_85 = vector.broadcast %sub3A : f32 to vector<1x128xf32>
      %sub3A_86 = arith.subf %logistic3A_82, %sub3A_85 : vector<1x128xf32>
      %lt3A_87 = arith.constant -1.000000e-01 : f32
      %lt3A_88 = vector.broadcast %lt3A_87 : f32 to vector<1x128xf32>
      %lt3A_89 = arith.cmpf olt, %logistic3A_82, %lt3A_88 : vector<1x128xf32>
      %add3A_90 = arith.constant 1.000000e-01 : f32
      %add3A_91 = vector.broadcast %add3A_90 : f32 to vector<1x128xf32>
      %add3A_92 = arith.addf %logistic3A_82, %add3A_91 : vector<1x128xf32>
      %jit3A_93 = arith.constant 0.000000e+00 : f32
      %broadcast_in_dim3A_94 = vector.broadcast %jit3A_93 : f32 to vector<1x128xf32>
      %select_n3A_95 = arith.select %lt3A_89, %add3A_92, %broadcast_in_dim3A_94 : vector<1x128xi1>, vector<1x128xf32>
      %select_n3A_96 = arith.select %gt3A_84, %sub3A_86, %select_n3A_95 : vector<1x128xi1>, vector<1x128xf32>
      %sign3A = tpu.bitcast %select_n3A_96 : vector<1x128xf32> -> vector<1x128xi32>
      %sign3A_97 = arith.constant -2147483648 : i32
      %sign3A_98 = vector.broadcast %sign3A_97 : i32 to vector<1x128xi32>
      %sign3A_99 = arith.andi %sign3A, %sign3A_98 : vector<1x128xi32>
      %sign3A_100 = arith.constant 1065353216 : i32
      %sign3A_101 = vector.broadcast %sign3A_100 : i32 to vector<1x128xi32>
      %sign3A_102 = arith.ori %sign3A_101, %sign3A_99 : vector<1x128xi32>
      %sign3A_103 = tpu.bitcast %sign3A_102 : vector<1x128xi32> -> vector<1x128xf32>
      %sign3A_104 = math.absf %select_n3A_96 : vector<1x128xf32>
      %sign3A_105 = arith.constant 0.000000e+00 : f32
      %sign3A_106 = vector.broadcast %sign3A_105 : f32 to vector<1x128xf32>
      %sign3A_107 = arith.cmpf ogt, %sign3A_104, %sign3A_106 : vector<1x128xf32>
      %sign3A_108 = arith.select %sign3A_107, %sign3A_103, %select_n3A_96 : vector<1x128xi1>, vector<1x128xf32>
      %mul3A_109 = arith.mulf %sign3A_108, %logistic3A_82 : vector<1x128xf32>
      %swap3A_110 = arith.constant 0 : index
      %swap3A_111 = arith.constant 0 : index
      %swap3A_112 = vector.load %arg9[%swap3A_110, %swap3A_111] : memref<1x128xf32, #tpu.memory_space<vmem>>, vector<1x128xf32>
      tpu.vector_store %arg9[%swap3A_110, %swap3A_111], %mul3A_109 {strides = array<i32>} : memref<1x128xf32, #tpu.memory_space<vmem>>, vector<1x128xf32>,
    } else {
    }
    return
  }
  func.func @transform_0(%arg0: i32) -> (i32, i32, i32) {
    %c0_i32 = arith.constant 0 : i32
    %c0_i32_0 = arith.constant 0 : i32
    %c0_i32_1 = arith.constant 0 : i32
    return %c0_i32, %arg0, %c0_i32_0 : i32, i32, i32
  }
  func.func @transform_1(%arg0: i32) -> (i32, i32) {
    %c0_i32 = arith.constant 0 : i32
    %c0_i32_0 = arith.constant 0 : i32
    return %arg0, %c0_i32 : i32, i32
  }
  func.func @transform_2(%arg0: i32) -> (i32, i32) {
    %c0_i32 = arith.constant 0 : i32
    %c0_i32_0 = arith.constant 0 : i32
    return %arg0, %c0_i32 : i32, i32
  }
  func.func @transform_3(%arg0: i32) -> (i32, i32, i32) {
    %c0_i32 = arith.constant 0 : i32
    %c0_i32_0 = arith.constant 0 : i32
    %c0_i32_1 = arith.constant 0 : i32
    return %c0_i32, %arg0, %c0_i32_0 : i32, i32, i32
  }
  func.func @transform_4(%arg0: i32) -> (i32, i32) {
    %c0_i32 = arith.constant 0 : i32
    %c0_i32_0 = arith.constant 0 : i32
    %c0_i32_1 = arith.constant 0 : i32
    return %c0_i32, %c0_i32_0 : i32, i32
  }
  func.func @transform_5(%arg0: i32) -> (i32, i32) {
    %c0_i32 = arith.constant 0 : i32
    %c0_i32_0 = arith.constant 0 : i32
    %c0_i32_1 = arith.constant 0 : i32
    return %c0_i32, %c0_i32_0 : i32, i32
  }
  func.func @transform_6(%arg0: i32) -> (i32, i32) {
    %c0_i32 = arith.constant 0 : i32
    %c0_i32_0 = arith.constant 0 : i32
    %c0_i32_1 = arith.constant 0 : i32
    return %c0_i32, %c0_i32_0 : i32, i32
  }
  func.func @transform_7(%arg0: i32) -> (i32, i32) {
    %c0_i32 = arith.constant 0 : i32
    %c0_i32_0 = arith.constant 0 : i32
    %c0_i32_1 = arith.constant 0 : i32
    return %c0_i32, %c0_i32_0 : i32, i32
  }
  func.func @transform_8(%arg0: i32) -> (i32, i32) {
    %c0_i32 = arith.constant 0 : i32
    %c0_i32_0 = arith.constant 0 : i32
    %c0_i32_1 = arith.constant 0 : i32
    return %c0_i32, %c0_i32_0 : i32, i32
  }
}

</mosaic_0001>

<sc_bundles>
// kernel: kernel.6.cloned.1.call-start
scs
__scs_entry_jumppad:
0x0: {  	(pc) =	sbr.rel $0x88, $3  }
0x1: {  	(tag) =	ssettag $0x0;
	lr =	simm.s32 $0x1  }
0x2: {  	[smem:$0x3F9B] =	sst lr;
	_ =	strace $0xD0000000  }
0x3: {  	_ = 	snop  }
0x4: {  	_ = 	snop  }
0x5: {  	_ = 	snop  }
0x6: {  	_ = 	snop  }
0x7: {  	_ = 	snop  }
__scs_overlays_trampoline_lowered:
0x8: {  	[smem:$0x3FAA] =	sst s0  }
0x9: {  	[smem:$0x3FAB] =	sst s1  }
0xa: {  	[smem:$0x3FAC] =	sst s2  }
0xb: {  	[smem:$0x3FAD] =	sst s3  }
0xc: {  	[smem:$0x3FAE] =	sst s4  }
0xd: {  	[smem:$0x3FAF] =	sst s5  }
0xe: {  	[smem:$0x3FB0] =	sst s6  }
0xf: {  	[smem:$0x3FB1] =	sst s7  }
0x10: {  	[smem:$0x3FB2] =	sst s8  }
0x11: {  	[smem:$0x3FB3] =	sst s9;
	s0 =	simm.s32 @!p0 $0x0  }
0x12: {  	s1 =	sld [smem:$0x3F99];
	s0 =	simm.s32 @p0 $0x1  }
0x13: {  	[smem:$0x3FB4] =	sst s0;
	s0 =	simm.s32 @!p1 $0x0  }
0x14: {  	s2 =	sld [smem:$0x3F98];
	s0 =	simm.s32 @p1 $0x1  }
0x15: {  	[smem:$0x3FB5] =	sst s0;
	s0 =	simm.s32 @!p2 $0x0  }
0x16: {  	s3 =	sld [smem:$0x3FDB];
	s0 =	simm.s32 @p2 $0x1  }
0x17: {  	s4 =	simm.s32 $0x1BF5;
	[smem:$0x3FB7] =	sst s0  }
0x18: {  	s0 =	sld [smem:$0x3F9A];
	_ =	swait.ge [sflag:s4], $0x0  }
0x19: {  	s7 =	sld [smem:$0x3F9B]  }
0x1a: {  	s8 =	sadd.s32 $0xFFFFE003, lr  }
0x1b: {  	s9 =	sadd.s32 $0xFFFFFEF7, lr;
	s5 =	simm.s32 $0xFFFFFFFF;
	p2 =	slt.u32 s8, $0xFFFFF086  }
0x1c: {  	p1 =	slt.u32 s9, $0xF7A;
	s5 =	simm.s32 @!p2 $0x0  }
0x1d: {  	s5 =	simm.s32 @p1 $0x1;
	p0 =	seq.s32 s7, s2  }
0x1e: {  	s7 =	smul.u32 @!p0 $0xF7A, s2;
	p2 =	seq.s32 @!p0 s5, $0x0  }
0x1f: {  	s9 =	smul.u32 $0xF7A, s1;
	s8 =	simm.s32 @!p0 $0x1BF5;
	p2 =	por !p2, p0  }
0x20: {  	[sflag:s8] =	ssyncset.s32 @!p0 $0xFFFFF086;
	s6 =	sadd.s32 @!p0 s3, s7;
	s7 =	simm.s32 @!p0 $0x108  }
0x21: {  	s3 =	sadd.s32 s3, s9;
	s6 =	sadd.s32 @!p0 $0x88, s6;
	s7 =	simm.s32 @p2 $0x1082  }
0x22: {  	[simem:s7], [sflag:s8] =	dma.local @!p0 [hbm:s6], $0xF7A  }
0x23: {  	s9 =	sor.u32 $0xD0000000, s2;
	s6 =	simm.s32 $0x108;
	_ =	swait.ge @!p0 [sflag:s8], $0x0  }
0x24: {  	s3 =	sadd.s32 $0x88, s3;
	s6 =	simm.s32 @!p1 $0x1082;
	[sflag:s4] =	ssyncset.s32 $0xFFFFF086  }
0x25: {  	[simem:s6], [sflag:s4] =	dma.local [hbm:s3], $0xF7A  }
0x26: {  	[smem:$0x3F9B] =	sst s1;
	(tag) =	ssettag s2;
	_ =	strace s9  }
0x27: {  	s1 =	sld [smem:$0x3FAB]  }
0x28: {  	s2 =	sld [smem:$0x3FAC]  }
0x29: {  	s4 =	sld [smem:$0x3FAE]  }
0x2a: {  	p0 =	seq.s32 s5, $0x0;
	s5 =	sld [smem:$0x3FAF]  }
0x2b: {  	s6 =	sld [smem:$0x3FB0]  }
0x2c: {  	s7 =	sld [smem:$0x3FB1]  }
0x2d: {  	s3 =	simm.s32 $0x108;
	s8 =	sld [smem:$0x3FB2]  }
0x2e: {  	s3 =	simm.s32 @!p0 $0x1082;
	s9 =	sld [smem:$0x3FB3]  }
0x2f: {  	lr =	sadd.s32 s0, s3;
	s0 =	sld [smem:$0x3FAA]  }
0x30: {  	s3 =	sld [smem:$0x3FAD]  }
0x31: {  	[smem:$0x3FB6] =	sst s10  }
0x32: {  	s10 =	sld [smem:$0x3FB4];
	_ =	sdelay $0x3  }
0x33: {  	p0 =	seq.s32 s10, $0x1;
	s10 =	sld [smem:$0x3FB6];
	_ =	sdelay $0x3  }
0x34: {  	[smem:$0x3FB6] =	sst s10  }
0x35: {  	s10 =	sld [smem:$0x3FB5];
	_ =	sdelay $0x3  }
0x36: {  	p1 =	seq.s32 s10, $0x1;
	s10 =	sld [smem:$0x3FB6];
	_ =	sdelay $0x3  }
0x37: {  	[smem:$0x3FB6] =	sst s10  }
0x38: {  	s10 =	sld [smem:$0x3FB7]  }
0x39: {  	_ = 	snop;
	(pc) =	sbr.ind lr, $3  }
0x3a: {  	_ = 	snop  }
0x3b: {  	_ = 	snop  }
0x3c: {  	p2 =	seq.s32 s10, $0x1;
	s10 =	sld [smem:$0x3FB6]  }
0x3d: {  	_ =	shalt  }
0x3e: {  	_ =	shalt  }
0x3f: {  	_ =	shalt  }
0x40: {  	_ =	shalt  }
0x41: {  	_ =	shalt  }
0x42: {  	_ =	shalt  }
0x43: {  	_ =	shalt  }
0x44: {  	_ =	shalt  }
0x45: {  	_ =	shalt  }
0x46: {  	_ =	shalt  }
0x47: {  	_ =	shalt  }
0x48: {  	_ =	shalt  }
0x49: {  	_ =	shalt  }
0x4a: {  	_ =	shalt  }
0x4b: {  	_ =	shalt  }
0x4c: {  	_ =	shalt  }
0x4d: {  	_ =	shalt  }
0x4e: {  	_ =	shalt  }
0x4f: {  	_ =	shalt  }
0x50: {  	_ =	shalt  }
0x51: {  	_ =	shalt  }
0x52: {  	_ =	shalt  }
0x53: {  	_ =	shalt  }
0x54: {  	_ =	shalt  }
0x55: {  	_ =	shalt  }
0x56: {  	_ =	shalt  }
0x57: {  	_ =	shalt  }
0x58: {  	_ =	shalt  }
0x59: {  	_ =	shalt  }
0x5a: {  	_ =	shalt  }
0x5b: {  	_ =	shalt  }
0x5c: {  	_ =	shalt  }
0x5d: {  	_ =	shalt  }
0x5e: {  	_ =	shalt  }
0x5f: {  	_ =	shalt  }
0x60: {  	_ =	shalt  }
0x61: {  	_ =	shalt  }
0x62: {  	_ =	shalt  }
0x63: {  	_ =	shalt  }
0x64: {  	_ =	shalt  }
0x65: {  	_ =	shalt  }
0x66: {  	_ =	shalt  }
0x67: {  	_ =	shalt  }
0x68: {  	_ =	shalt  }
0x69: {  	_ =	shalt  }
0x6a: {  	_ =	shalt  }
0x6b: {  	_ =	shalt  }
0x6c: {  	_ =	shalt  }
0x6d: {  	_ =	shalt  }
0x6e: {  	_ =	shalt  }
0x6f: {  	_ =	shalt  }
0x70: {  	_ =	shalt  }
0x71: {  	_ =	shalt  }
0x72: {  	_ =	shalt  }
0x73: {  	_ =	shalt  }
0x74: {  	_ =	shalt  }
0x75: {  	_ =	shalt  }
0x76: {  	_ =	shalt  }
0x77: {  	_ =	shalt  }
0x78: {  	_ =	shalt  }
0x79: {  	_ =	shalt  }
0x7a: {  	_ =	shalt  }
0x7b: {  	_ =	shalt  }
0x7c: {  	_ =	shalt  }
0x7d: {  	_ =	shalt  }
0x7e: {  	_ =	shalt  }
0x7f: {  	_ =	shalt  }
0x80: {  	_ =	shalt  }
0x81: {  	_ =	shalt  }
0x82: {  	_ =	shalt  }
0x83: {  	_ =	shalt  }
0x84: {  	_ =	shalt  }
0x85: {  	_ =	shalt  }
0x86: {  	_ =	shalt  }
0x87: {  	_ =	shalt  }
.Lfunc_end0:
.L_simem_size_0:
called_computation_lowered:
.L_overlay_start_0:
0x88: {  	s2 =	sld [smem:$0x3FD9]  }
0x89: {  	s3 =	sld [smem:$0x3FFE];
	_ =	sdelay $0x1  }
0x8a: {  	s1 =	srdreg.scid  }
0x8b: {  	s0 =	sand.u32 $0x1, s1  }
0x8c: {  	s17 =	sshll.u32 s0, $0xA;
	s2 =	sadd.s32 s3, s2  }
0x8d: {  	s2 =	sadd.s32 s2, s17  }
0x8e: {  	[smem:$0x3FC2] =	sst s2  }
0x8f: {  	_ = 	snop  }
0x90: {  	s2 =	sld [smem:$0x3FD0];
	(tm) =	ssettm $0x1  }
0x91: {  	s18 =	sld [smem:$0x3FFB];
	_ =	sdelay $0x3  }
0x92: {  	_ =	strace s18  }
0x93: {  	s3 =	sld [smem:$0x3FFC];
	_ =	sdelay $0x3  }
0x94: {  	_ =	strace s3  }
0x95: {  	s3 =	sld [smem:$0x3FFD];
	_ =	sdelay $0x3  }
0x96: {  	_ =	strace s3  }
0x97: {  	_ =	strace $0x8FFFFFFF  }
0x98: {  	s19 =	sld [smem:$0x3FDB];
	_ =	sdelay $0x1  }
0x99: {  	s4 =	simm.s32 $_scs_section_size  }
0x9a: {  	s5 =	simm.s32 $_size__tile_overlayer_lowered;
	s6 =	simm.s32 $_tile_overlayer_lowered  }
0x9b: {  	s22 =	simm.s32 $0x1BFF;
	s21 =	sshll.u32 s6, $0x1;
	s3 =	sadd.s32 s4, s19  }
0x9c: {  	s7 =	simm.s32 $0x0;
	s20 =	sshll.u32 s5, $0x1;
	s5 =	sadd.s32 s21, s3  }
0x9d: {  	[timem:s7], [sflag:s22] =	dma.local [hbm:s5], s20  }
0x9e: {  	_ =	swait.ge [sflag:s22], s20  }
0x9f: {  	s4 =	ssub.s32 $0x0, s20;
	[sflag:s22] =	ssyncset.done $0x0  }
0xa0: {  	[sflag:s22] =	ssyncadd.s32 s4;
	_ =	sdelay $0x1  }
0xa1: {  	s23 =	simm.s32 $0x1B8B  }
0xa2: {  	_ =	swait.ge [sflag:s23], $0x1  }
0xa3: {  	[sflag:s23] =	ssyncset.done $0x0  }
0xa4: {  	s25 =	simm.s32 $0x1B8E;
	s24 =	sld [smem:$0x3FFE];
	[sflag:s23] =	ssyncadd.s32 $0xFFFFFFFF  }
0xa5: {  	s26 =	simm.s32 $execute0_lowered;
	[smem:$0x3FD2] =	sst s25  }
0xa6: {  	s5 =	sshll.u32 s26, $0x1;
	_ =	strace $0x80000046;
	[dreg:$0x1] =	wrdreg $0xFFFFFFFF  }
0xa7: {  	s28 =	simm.s32 $_size_execute0_lowered;
	s3 =	sadd.s32 s3, s5;
	[dreg:$0x0] =	wrdreg $0x0  }
0xa8: {  	s5 =	sshll.u32 s28, $0x1;
	[dreg:$0x2] =	wrdreg s3  }
0xa9: {  	[dreg:$0x3] =	wrdreg s5  }
0xaa: {  	[dreg:$0x4] =	wrdreg $0xC0  }
0xab: {  	_ =	task [dreg:s7], $0x5FFFF  }
0xac: {  	[dreg:$0x1] =	wrdreg $0xFFFFFFFF  }
0xad: {  	[dreg:$0x0] =	wrdreg $0x60  }
0xae: {  	[dreg:$0x2] =	wrdreg s24  }
0xaf: {  	[dreg:$0x3] =	wrdreg s2  }
0xb0: {  	[dreg:$0x4] =	wrdreg $0x28800  }
0xb1: {  	[dreg:$0x5] =	wrdreg $0x9  }
0xb2: {  	_ =	task.clear_ibuf [dreg:s7], $0x6FFFF;
	_ =	strace $0x90000046  }
0xb3: {  	s29 =	simm.s32 $0x9;
	_ =	strace $0x80000048  }
0xb4: {  	_ =	swait.ge [sflag:s29], $0x1  }
0xb5: {  	[sflag:s29] =	ssyncadd.s32 $0xFFFFFFFF  }
0xb6: {  	_ =	strace $0x90000048  }
0xb7: {  	_ =	sfence  }
0xb8: {  	s30 =	sld [smem:$0x0];
	_ =	sdelay $0x2  }
0xb9: {  	s31 =	sshll.u32 s1, $0xD;
	s1 =	sshrl.u32 s1, $0x2  }
0xba: {  	s3 =	sand.u32 $0x4000, s31;
	s1 =	sadd.s32 s1, s30  }
0xbb: {  	s0 =	sor.u32 s3, s0;
	s1 =	sshll.u32 s1, $0x11  }
0xbc: {  	s0 =	sor.u32 s1, s0  }
0xbd: {  	s0 =	sadd.s32 $0x8F2B, s0  }
0xbe: {  	[sflag:s0] =	ssyncadd.remote.s32 $0x1  }
0xbf: {  	_ =	sfence.sel $0xFFFF  }
0xc0: {  	[dreg:$0x0] =	wrdreg $0xFFFFFFFF;
	(pc) =	sbr.abs _section_cstart, $3  }
0xc1: {  	[dreg:$0x1] =	wrdreg $0xFFFFFFFF  }
0xc2: {  	_ =	task.clear_ibuf [dreg:s7], $0x2FFFF;
	_ =	strace $0x9FFFFFFF  }
0xc3: {  	(tm) =	ssettm $0x7FFFFFFF  }
tec
execute0_lowered:
.L_overlay_start_1:
0x0: {  	(tag) =	ssettag $0x1  }
0x1: {  	s6 =	rddreg [dreg:$0x0]  }
0x2: {  	s0 =	srdreg.scid;
	s2 =	rddreg [dreg:$0x1]  }
0x3: {  	s3 =	rddreg [dreg:$0x2];
	s4 =	simm.s32 $0x0;
	s13 =	simm.s32 $0x7D  }
0x4: {  	s14 =	simm.s32 $0x1;
	s15 =	simm.s32 $0x20;
	s16 =	simm.s32 $0x10  }
0x5: {  	s17 =	simm.s32 $0x0;
	s7 =	sand.u32 $0x1, s0;
	s0 =	stileid.u32  }
0x6: {  	[smem:$0x7FF] =	sst s4;
	s1 =	sshll.u32 s7, $0x4;
	s8 =	smul.u32 $0x500, s0  }
0x7: {  	s9 =	sshll.u32 s7, $0x7;
	s29 =	smul.u32 $0xA00, s0;
	s7 =	ssub.s32 $0x2, s7  }
0x8: {  	s31 =	sshll.u32 s0, $0x6;
	s5 =	sor.u32 s0, s1;
	s1 =	rddreg [dreg:$0x3]  }
0x9: {  	_ =	strace $0x80000047;
	s30 =	sshrl.u32 s7, $0x1;
	s5 =	smul.u32 $0x500, s5  }
0xa: {  	s8 =	sor.u32 s9, s8;
	s9 =	sshrl.u32 s29, $0x2;
	s11 =	ssub.s32 s7, s30  }
0xb: {  	s8 =	sshrl.u32 s8, $0x3;
	s12 =	sadd.s32 s9, s3;
	s9 =	smax.u32 s11, $0x1  }
0xc: {  	s11 =	simm.s32 $0x2;
	s10 =	sadd.s32 s5, s6;
	s5 =	sadd.s32 $0xB400, s6  }
0xd: {  	s8 =	sadd.s32 s8, s6;
	s6 =	sor.u32 $0x1C02, s31;
	s7 =	sadd.s32 $0x1400, s10  }
0xe: {  	s8 =	sadd.s32 $0xB600, s8;
	s10 =	sshrl.u32 s12, $0x3;
	s12 =	simm.s32 $0x2800  }
.LBB2_1:
0xf: {  	[spmem:s10], [sflag:s6] =	dma.local [hbm:s5], $0x50  }
0x10: {  	_ =	swait.ge [sflag:s11], $0x50  }
0x11: {  	[sflag:s11] =	ssyncset.done $0x0  }
0x12: {  	[sflag:s11] =	ssyncadd.s32 $0xFFFFFFB0  }
0x13: {  	[tilespmem:s12], [sflag:$0x2] =	stream.linear.gather [hbm4b:s2+s4], $0x80, $0x38;
	[tilespmem:$0x2B00] =	vst v63  }
0x14: {  	_ =	swait.ge [sflag:s11], $0x80  }
0x15: {  	[sflag:s11] =	ssyncset.done $0x0  }
0x16: {  	[sflag:s11] =	ssyncadd.s32 $0xFFFFFF80  }
0x17: {  	[tilespmem:s4], [sflag:$0x2] =	stream.linear.gather [hbm4b:s7+s4], $0x2800, $0x38;
	[tilespmem:$0x2B00] =	vst v63  }
0x18: {  	_ =	swait.ge [sflag:s11], $0x2800  }
0x19: {  	[sflag:s11] =	ssyncset.done $0x0  }
0x1a: {  	[sflag:s11] =	ssyncadd.s32 $0xFFFFD800  }
0x1b: {  	s18 =	simm.s32 $0x0;
	[bflag:$0x0] =	sbarrier.arrive $0xFFFF  }
.LBB2_2:
0x1c: {  	p0 =	sne.s32 s18, $0x9E00  }
.Ltmp0:
0x1d: {  	_ = 	snop;
	(pc) =	sbr.rel @p0 .LBB2_2-.Ltmp0, $3  }
0x1e: {  	_ =	sdelay $0x1  }
0x1f: {  	s19 =	sshra.s32 s18, $0x2;
	s18 =	sadd.s32 $0x200, s18  }
0x20: {  	[spmem:s3] =	stream.indirect.scatter.add.f32 [tilespmem:s12], [sflag:$0x1], $0x1, s19, s13, $0xb8;
	[tilespmem:$0x2B00] =	vst v63  }
0x21: {  	_ =	swait.ge [sflag:s14], $0x7D  }
0x22: {  	s18 =	simm.s32 $0x4F;
	[sflag:s14] =	ssyncset.done $0x0  }
.LBB2_4:
0x23: {  	p0 =	sne.s32 s18, $0x1;
	s18 =	sadd.s32 $0xFFFFFFFF, s18;
	[sflag:s14] =	ssyncadd.s32 $0xFFFFFF83  }
.Ltmp1:
0x24: {  	(pc) =	sbr.rel @p0 .LBB2_4-.Ltmp1, $3  }
0x25: {  	_ =	sdelay $0x1  }
0x26: {  	_ =	swait.ge [sflag:s14], $0x7D  }
0x27: {  	[sflag:s14] =	ssyncset.done $0x0  }
0x28: {  	s17 =	sadd.s32 $0x1, s17  }
0x29: {  	[sflag:s14] =	ssyncadd.s32 $0xFFFFFF83;
	p0 =	sne.s32 s17, s9  }
.Ltmp2:
0x2a: {  	[bflag:$0x0] =	sbarrier.arrive $0xFFFF;
	(pc) =	sbr.rel @p0 .LBB2_1-.Ltmp2, $4  }
0x2b: {  	[hbm:s8@s15], [sflag:s6] =	dma.strided [spmem:s10@s16], $0x50, s14, $0x10   }
0x2c: {  	_ =	swait.ge [sflag:s11], $0x50  }
0x2d: {  	[sflag:s11] =	ssyncset.done $0x0  }
0x2e: {  	[sflag:s11] =	ssyncadd.s32 $0xFFFFFFB0  }
0x2f: {  	_ =	sfence.sel $0x180000  }
0x30: {  	[bflag:$0x0] =	sbarrier.arrive $0xFFFF  }
0x31: {  	p0 =	sne.s32 s0, $0x0;
	_ =	strace $0x90000047  }
0x32: {  	s0 =	sadd.s32 @!p0 $0x100000, s1;
	[bflag:$0x2] =	sbarrier.arrive $0xFFFF  }
0x33: {  	[sflag:s0] =	ssyncadd.tile.s32 @!p0 $0x1;
	_ =	shalt  }
.Lfunc_end2:
_tile_overlayer_lowered:
.L_overlay_start_2:
0x34: {  	(tag) =	ssettag $0x2  }
0x35: {  	s0 =	rddreg [dreg:$0x0];
	s2 =	stileid.u32  }
0x36: {  	s1 =	rddreg [dreg:$0x1];
	p0 =	sne.s32 s2, $0x0  }
0x37: {  	s3 =	rddreg [dreg:$0x2];
	[bflag:$0x3] =	sbarrier.arrive $0xFFFF;
	s2 =	simm.s32 @!p0 $0x1C02  }
0x38: {  	[timem:s3], [sflag:s2] =	dma.local @!p0 [hbm:s0], s1  }
0x39: {  	s0 =	simm.s32 @!p0 $0x2  }
0x3a: {  	_ =	swait.ge @!p0 [sflag:s0], s1  }
0x3b: {  	s1 =	ssub.s32 @!p0 $0x0, s1;
	[sflag:s0] =	ssyncset.done @!p0 $0x0  }
0x3c: {  	[sflag:s0] =	ssyncadd.s32 @!p0 s1  }
0x3d: {  	[bflag:$0x3] =	sbarrier.arrive $0xFFFF  }
0x3e: {  	_ =	shalt  }

// kernel: kernel.9.cloned.1.call-start
scs
__scs_entry_jumppad:
0x0: {  	(pc) =	sbr.rel $0x88, $3  }
0x1: {  	(tag) =	ssettag $0x0;
	lr =	simm.s32 $0x1  }
0x2: {  	[smem:$0x3F9B] =	sst lr;
	_ =	strace $0xD0000000  }
0x3: {  	_ = 	snop  }
0x4: {  	_ = 	snop  }
0x5: {  	_ = 	snop  }
0x6: {  	_ = 	snop  }
0x7: {  	_ = 	snop  }
__scs_overlays_trampoline_lowered:
0x8: {  	[smem:$0x3FAA] =	sst s0  }
0x9: {  	[smem:$0x3FAB] =	sst s1  }
0xa: {  	[smem:$0x3FAC] =	sst s2  }
0xb: {  	[smem:$0x3FAD] =	sst s3  }
0xc: {  	[smem:$0x3FAE] =	sst s4  }
0xd: {  	[smem:$0x3FAF] =	sst s5  }
0xe: {  	[smem:$0x3FB0] =	sst s6  }
0xf: {  	[smem:$0x3FB1] =	sst s7  }
0x10: {  	[smem:$0x3FB2] =	sst s8  }
0x11: {  	[smem:$0x3FB3] =	sst s9;
	s0 =	simm.s32 @!p0 $0x0  }
0x12: {  	s1 =	sld [smem:$0x3F99];
	s0 =	simm.s32 @p0 $0x1  }
0x13: {  	[smem:$0x3FB4] =	sst s0;
	s0 =	simm.s32 @!p1 $0x0  }
0x14: {  	s2 =	sld [smem:$0x3F98];
	s0 =	simm.s32 @p1 $0x1  }
0x15: {  	[smem:$0x3FB5] =	sst s0;
	s0 =	simm.s32 @!p2 $0x0  }
0x16: {  	s3 =	sld [smem:$0x3FDB];
	s0 =	simm.s32 @p2 $0x1  }
0x17: {  	s4 =	simm.s32 $0x1BF5;
	[smem:$0x3FB7] =	sst s0  }
0x18: {  	s0 =	sld [smem:$0x3F9A];
	_ =	swait.ge [sflag:s4], $0x0  }
0x19: {  	s7 =	sld [smem:$0x3F9B]  }
0x1a: {  	s8 =	sadd.s32 $0xFFFFE003, lr  }
0x1b: {  	s9 =	sadd.s32 $0xFFFFFEF7, lr;
	s5 =	simm.s32 $0xFFFFFFFF;
	p2 =	slt.u32 s8, $0xFFFFF086  }
0x1c: {  	p1 =	slt.u32 s9, $0xF7A;
	s5 =	simm.s32 @!p2 $0x0  }
0x1d: {  	s5 =	simm.s32 @p1 $0x1;
	p0 =	seq.s32 s7, s2  }
0x1e: {  	s7 =	smul.u32 @!p0 $0xF7A, s2;
	p2 =	seq.s32 @!p0 s5, $0x0  }
0x1f: {  	s9 =	smul.u32 $0xF7A, s1;
	s8 =	simm.s32 @!p0 $0x1BF5;
	p2 =	por !p2, p0  }
0x20: {  	[sflag:s8] =	ssyncset.s32 @!p0 $0xFFFFF086;
	s6 =	sadd.s32 @!p0 s3, s7;
	s7 =	simm.s32 @!p0 $0x108  }
0x21: {  	s3 =	sadd.s32 s3, s9;
	s6 =	sadd.s32 @!p0 $0x88, s6;
	s7 =	simm.s32 @p2 $0x1082  }
0x22: {  	[simem:s7], [sflag:s8] =	dma.local @!p0 [hbm:s6], $0xF7A  }
0x23: {  	s9 =	sor.u32 $0xD0000000, s2;
	s6 =	simm.s32 $0x108;
	_ =	swait.ge @!p0 [sflag:s8], $0x0  }
0x24: {  	s3 =	sadd.s32 $0x88, s3;
	s6 =	simm.s32 @!p1 $0x1082;
	[sflag:s4] =	ssyncset.s32 $0xFFFFF086  }
0x25: {  	[simem:s6], [sflag:s4] =	dma.local [hbm:s3], $0xF7A  }
0x26: {  	[smem:$0x3F9B] =	sst s1;
	(tag) =	ssettag s2;
	_ =	strace s9  }
0x27: {  	s1 =	sld [smem:$0x3FAB]  }
0x28: {  	s2 =	sld [smem:$0x3FAC]  }
0x29: {  	s4 =	sld [smem:$0x3FAE]  }
0x2a: {  	p0 =	seq.s32 s5, $0x0;
	s5 =	sld [smem:$0x3FAF]  }
0x2b: {  	s6 =	sld [smem:$0x3FB0]  }
0x2c: {  	s7 =	sld [smem:$0x3FB1]  }
0x2d: {  	s3 =	simm.s32 $0x108;
	s8 =	sld [smem:$0x3FB2]  }
0x2e: {  	s3 =	simm.s32 @!p0 $0x1082;
	s9 =	sld [smem:$0x3FB3]  }
0x2f: {  	lr =	sadd.s32 s0, s3;
	s0 =	sld [smem:$0x3FAA]  }
0x30: {  	s3 =	sld [smem:$0x3FAD]  }
0x31: {  	[smem:$0x3FB6] =	sst s10  }
0x32: {  	s10 =	sld [smem:$0x3FB4];
	_ =	sdelay $0x3  }
0x33: {  	p0 =	seq.s32 s10, $0x1;
	s10 =	sld [smem:$0x3FB6];
	_ =	sdelay $0x3  }
0x34: {  	[smem:$0x3FB6] =	sst s10  }
0x35: {  	s10 =	sld [smem:$0x3FB5];
	_ =	sdelay $0x3  }
0x36: {  	p1 =	seq.s32 s10, $0x1;
	s10 =	sld [smem:$0x3FB6];
	_ =	sdelay $0x3  }
0x37: {  	[smem:$0x3FB6] =	sst s10  }
0x38: {  	s10 =	sld [smem:$0x3FB7]  }
0x39: {  	_ = 	snop;
	(pc) =	sbr.ind lr, $3  }
0x3a: {  	_ = 	snop  }
0x3b: {  	_ = 	snop  }
0x3c: {  	p2 =	seq.s32 s10, $0x1;
	s10 =	sld [smem:$0x3FB6]  }
0x3d: {  	_ =	shalt  }
0x3e: {  	_ =	shalt  }
0x3f: {  	_ =	shalt  }
0x40: {  	_ =	shalt  }
0x41: {  	_ =	shalt  }
0x42: {  	_ =	shalt  }
0x43: {  	_ =	shalt  }
0x44: {  	_ =	shalt  }
0x45: {  	_ =	shalt  }
0x46: {  	_ =	shalt  }
0x47: {  	_ =	shalt  }
0x48: {  	_ =	shalt  }
0x49: {  	_ =	shalt  }
0x4a: {  	_ =	shalt  }
0x4b: {  	_ =	shalt  }
0x4c: {  	_ =	shalt  }
0x4d: {  	_ =	shalt  }
0x4e: {  	_ =	shalt  }
0x4f: {  	_ =	shalt  }
0x50: {  	_ =	shalt  }
0x51: {  	_ =	shalt  }
0x52: {  	_ =	shalt  }
0x53: {  	_ =	shalt  }
0x54: {  	_ =	shalt  }
0x55: {  	_ =	shalt  }
0x56: {  	_ =	shalt  }
0x57: {  	_ =	shalt  }
0x58: {  	_ =	shalt  }
0x59: {  	_ =	shalt  }
0x5a: {  	_ =	shalt  }
0x5b: {  	_ =	shalt  }
0x5c: {  	_ =	shalt  }
0x5d: {  	_ =	shalt  }
0x5e: {  	_ =	shalt  }
0x5f: {  	_ =	shalt  }
0x60: {  	_ =	shalt  }
0x61: {  	_ =	shalt  }
0x62: {  	_ =	shalt  }
0x63: {  	_ =	shalt  }
0x64: {  	_ =	shalt  }
0x65: {  	_ =	shalt  }
0x66: {  	_ =	shalt  }
0x67: {  	_ =	shalt  }
0x68: {  	_ =	shalt  }
0x69: {  	_ =	shalt  }
0x6a: {  	_ =	shalt  }
0x6b: {  	_ =	shalt  }
0x6c: {  	_ =	shalt  }
0x6d: {  	_ =	shalt  }
0x6e: {  	_ =	shalt  }
0x6f: {  	_ =	shalt  }
0x70: {  	_ =	shalt  }
0x71: {  	_ =	shalt  }
0x72: {  	_ =	shalt  }
0x73: {  	_ =	shalt  }
0x74: {  	_ =	shalt  }
0x75: {  	_ =	shalt  }
0x76: {  	_ =	shalt  }
0x77: {  	_ =	shalt  }
0x78: {  	_ =	shalt  }
0x79: {  	_ =	shalt  }
0x7a: {  	_ =	shalt  }
0x7b: {  	_ =	shalt  }
0x7c: {  	_ =	shalt  }
0x7d: {  	_ =	shalt  }
0x7e: {  	_ =	shalt  }
0x7f: {  	_ =	shalt  }
0x80: {  	_ =	shalt  }
0x81: {  	_ =	shalt  }
0x82: {  	_ =	shalt  }
0x83: {  	_ =	shalt  }
0x84: {  	_ =	shalt  }
0x85: {  	_ =	shalt  }
0x86: {  	_ =	shalt  }
0x87: {  	_ =	shalt  }
.Lfunc_end0:
.L_simem_size_0:
called_computation.1_lowered:
.L_overlay_start_0:
0x88: {  	s2 =	sld [smem:$0x3FD9]  }
0x89: {  	s3 =	sld [smem:$0x3FFE];
	_ =	sdelay $0x1  }
0x8a: {  	s1 =	srdreg.scid  }
0x8b: {  	s0 =	sand.u32 $0x1, s1  }
0x8c: {  	s16 =	sshll.u32 s0, $0xA;
	s2 =	sadd.s32 s3, s2  }
0x8d: {  	s2 =	sadd.s32 s2, s16  }
0x8e: {  	[smem:$0x3FC2] =	sst s2  }
0x8f: {  	_ = 	snop  }
0x90: {  	(tm) =	ssettm $0x1  }
0x91: {  	s17 =	sld [smem:$0x3FFB];
	_ =	sdelay $0x3  }
0x92: {  	_ =	strace s17  }
0x93: {  	s2 =	sld [smem:$0x3FFC];
	_ =	sdelay $0x3  }
0x94: {  	_ =	strace s2  }
0x95: {  	s2 =	sld [smem:$0x3FFD];
	_ =	sdelay $0x3  }
0x96: {  	_ =	strace s2  }
0x97: {  	_ =	strace $0x8FFFFFFF  }
0x98: {  	s18 =	sld [smem:$0x3FDB];
	_ =	sdelay $0x1  }
0x99: {  	s19 =	simm.s32 $_scs_section_size  }
0x9a: {  	s4 =	simm.s32 $_size__tile_overlayer_lowered;
	s5 =	simm.s32 $_tile_overlayer_lowered  }
0x9b: {  	s22 =	simm.s32 $0x1BFF;
	s21 =	sshll.u32 s5, $0x1;
	s2 =	sadd.s32 s19, s18  }
0x9c: {  	s6 =	simm.s32 $0x0;
	s20 =	sshll.u32 s4, $0x1;
	s4 =	sadd.s32 s21, s2  }
0x9d: {  	[timem:s6], [sflag:s22] =	dma.local [hbm:s4], s20  }
0x9e: {  	_ =	swait.ge [sflag:s22], s20  }
0x9f: {  	s3 =	ssub.s32 $0x0, s20;
	[sflag:s22] =	ssyncset.done $0x0  }
0xa0: {  	[sflag:s22] =	ssyncadd.s32 s3;
	_ =	sdelay $0x1  }
0xa1: {  	s23 =	simm.s32 $0x1B8B  }
0xa2: {  	_ =	swait.ge [sflag:s23], $0x1  }
0xa3: {  	[sflag:s23] =	ssyncset.done $0x0  }
0xa4: {  	s25 =	simm.s32 $0x1B8E;
	s24 =	sld [smem:$0x3FFE];
	[sflag:s23] =	ssyncadd.s32 $0xFFFFFFFF  }
0xa5: {  	s26 =	simm.s32 $execute0_lowered;
	[smem:$0x3FD2] =	sst s25  }
0xa6: {  	s4 =	sshll.u32 s26, $0x1;
	_ =	strace $0x80000049;
	[dreg:$0x1] =	wrdreg $0xFFFFFFFF  }
0xa7: {  	s28 =	simm.s32 $_size_execute0_lowered;
	s2 =	sadd.s32 s2, s4;
	[dreg:$0x0] =	wrdreg $0x0  }
0xa8: {  	s4 =	sshll.u32 s28, $0x1;
	[dreg:$0x2] =	wrdreg s2  }
0xa9: {  	[dreg:$0x3] =	wrdreg s4  }
0xaa: {  	[dreg:$0x4] =	wrdreg $0xC0  }
0xab: {  	_ =	task [dreg:s6], $0x5FFFF  }
0xac: {  	[dreg:$0x1] =	wrdreg $0xFFFFFFFF  }
0xad: {  	[dreg:$0x0] =	wrdreg $0x60  }
0xae: {  	[dreg:$0x2] =	wrdreg s24  }
0xaf: {  	[dreg:$0x3] =	wrdreg $0x91000  }
0xb0: {  	[dreg:$0x4] =	wrdreg $0x1D1000  }
0xb1: {  	[dreg:$0x5] =	wrdreg $0x9  }
0xb2: {  	_ =	task.clear_ibuf [dreg:s6], $0x6FFFF;
	_ =	strace $0x90000049  }
0xb3: {  	s29 =	simm.s32 $0x9;
	_ =	strace $0x8000004B  }
0xb4: {  	_ =	swait.ge [sflag:s29], $0x1  }
0xb5: {  	[sflag:s29] =	ssyncadd.s32 $0xFFFFFFFF  }
0xb6: {  	_ =	strace $0x9000004B  }
0xb7: {  	_ =	sfence  }
0xb8: {  	s30 =	sld [smem:$0x0];
	_ =	sdelay $0x2  }
0xb9: {  	s31 =	sshll.u32 s1, $0xD;
	s1 =	sshrl.u32 s1, $0x2  }
0xba: {  	s3 =	sand.u32 $0x4000, s31;
	s1 =	sadd.s32 s1, s30  }
0xbb: {  	s0 =	sor.u32 s3, s0;
	s1 =	sshll.u32 s1, $0x11  }
0xbc: {  	s0 =	sor.u32 s1, s0  }
0xbd: {  	s0 =	sadd.s32 $0x8F2B, s0  }
0xbe: {  	[sflag:s0] =	ssyncadd.remote.s32 $0x1  }
0xbf: {  	_ =	sfence.sel $0xFFFF  }
0xc0: {  	[dreg:$0x0] =	wrdreg $0xFFFFFFFF;
	(pc) =	sbr.abs _section_cstart, $3  }
0xc1: {  	[dreg:$0x1] =	wrdreg $0xFFFFFFFF  }
0xc2: {  	_ =	task.clear_ibuf [dreg:s6], $0x2FFFF;
	_ =	strace $0x9FFFFFFF  }
0xc3: {  	(tm) =	ssettm $0x7FFFFFFF  }
tec
execute0_lowered:
.L_overlay_start_1:
0x0: {  	(tag) =	ssettag $0x1  }
0x1: {  	s0 =	rddreg [dreg:$0x0]  }
0x2: {  	s1 =	rddreg [dreg:$0x1]  }
0x3: {  	s2 =	rddreg [dreg:$0x2]  }
0x4: {  	s4 =	simm.s32 $0x0;
	s3 =	srdreg.scid;
	s13 =	stileid.u32  }
0x5: {  	s28 =	simm.s32 $0xC00;
	s29 =	simm.s32 $0x7D;
	s30 =	simm.s32 $0x1000  }
0x6: {  	s31 =	simm.s32 $0x9000;
	[smem:$0x7FF] =	sst s4;
	s3 =	sand.u32 $0x1, s3  }
0x7: {  	s5 =	sadd.s32 $0x16000, s0;
	s8 =	smul.u32 $0x14000, s13;
	s6 =	sadd.s32 $0xB600, s0  }
0x8: {  	s14 =	sadd.s32 $0xC000, s0;
	s9 =	smul.u32 $0x500, s13;
	s15 =	sadd.s32 $0x1400, s0  }
0x9: {  	s10 =	sadd.s32 $0x3E000, s0;
	s23 =	sadd.s32 $0xB400, s0;
	s25 =	smul.u32 $0x50000, s13  }
0xa: {  	s11 =	smul.u32 $0xA00, s13;
	_ =	strace $0x8000004A;
	[dreg:$0x6] =	wrdreg s10  }
0xb: {  	s7 =	smul.u32 $0x140000, s3;
	s22 =	sshll.u32 s3, $0x7;
	[dreg:$0x7] =	wrdreg s23  }
0xc: {  	s24 =	sshll.u32 s3, $0x4;
	s26 =	ssub.s32 $0x2, s3;
	[dreg:$0x5] =	wrdreg s15  }
0xd: {  	s3 =	smul.u32 $0x28000, s3;
	[dreg:$0x4] =	wrdreg s14;
	s12 =	sshrl.u32 s26, $0x1  }
0xe: {  	s11 =	sshrl.u32 s11, $0x2;
	s7 =	sadd.s32 s8, s7;
	s8 =	sor.u32 s22, s9  }
0xf: {  	s9 =	sshrl.u32 s25, $0x2;
	s10 =	ssub.s32 s26, s12;
	s12 =	sshll.u32 s13, $0x6  }
0x10: {  	s16 =	sadd.s32 s11, s2;
	s11 =	simm.s32 $0x800;
	s7 =	sshrl.u32 s7, $0x3  }
0x11: {  	s8 =	sshrl.u32 s8, $0x3;
	s9 =	sadd.s32 s9, s1;
	s21 =	sor.u32 $0x1C04, s12  }
0x12: {  	[dreg:$0xa] =	wrdreg s16;
	s23 =	smax.u32 s10, $0x1;
	s10 =	simm.s32 $0x5000  }
0x13: {  	s12 =	simm.s32 $0xF00;
	s16 =	simm.s32 $0xD00;
	s7 =	sadd.s32 s7, s0  }
0x14: {  	s0 =	sadd.s32 s8, s0;
	s8 =	sor.u32 s13, s24;
	[dreg:$0x8] =	wrdreg s9  }
0x15: {  	s13 =	smul.u32 $0x2800, s13;
	[dreg:$0x11] =	wrdreg s23;
	s23 =	simm.s32 $0x700  }
0x16: {  	[dreg:$0x9] =	wrdreg s21;
	s8 =	smul.u32 $0x2800, s8;
	s7 =	sadd.s32 $0x41200, s7  }
0x17: {  	s0 =	sadd.s32 $0x40800, s0;
	s3 =	sadd.s32 s13, s3;
	[dreg:$0xf] =	wrdreg s7  }
0x18: {  	[dreg:$0x10] =	wrdreg s0;
	s0 =	simm.s32 $0x1;
	s13 =	simm.s32 $0x9080  }
0x19: {  	s7 =	simm.s32 $0x780;
	s8 =	sshrl.u32 s8, $0x3;
	s20 =	sadd.s32 $0xC00, s3  }
0x1a: {  	s26 =	sadd.s32 $0x800, s3;
	s3 =	simm.s32 $0x2;
	s17 =	sadd.s32 s14, s8  }
0x1b: {  	s18 =	sor.u32 $0x80, s8;
	s8 =	sadd.s32 s15, s8;
	[dreg:$0x14] =	wrdreg s26  }
0x1c: {  	s22 =	sshrl.u32 s20, $0x3;
	s26 =	simm.s32 $0x400;
	[dreg:$0xb] =	wrdreg s17  }
0x1d: {  	s20 =	simm.s32 $0xE80;
	[dreg:$0xc] =	wrdreg s8;
	s19 =	sadd.s32 s14, s18  }
.Ltmp0:
0x1e: {  	s9 =	sadd.s32 s15, s18;
	s24 =	sadd.s32 s22, s15;
	(pc) =	sbr.rel .LBB2_1-.Ltmp0, $4  }
0x1f: {  	s25 =	sadd.s32 s22, s14;
	s22 =	simm.s32 $0x3;
	[dreg:$0xd] =	wrdreg s19  }
0x20: {  	s17 =	simm.s32 $0x600;
	s18 =	simm.s32 $0xE00;
	[dreg:$0xe] =	wrdreg s9  }
0x21: {  	s8 =	simm.s32 $0xF80;
	s14 =	simm.s32 $0x0;
	[dreg:$0x12] =	wrdreg s24  }
0x22: {  	[dreg:$0x13] =	wrdreg s25;
	s24 =	simm.s32 $0x4;
	s19 =	simm.s32 $0x680  }
.LBB2_4:
0x23: {  	[spmem:s1] =	stream.indirect.scatter.add.f32 [tilespmem:s10], [sflag:$0x4], $0x80, s8, s29, $0xb8;
	[tilespmem:$0x1D380] =	vst v63  }
0x24: {  	_ =	swait.ge [sflag:s24], $0x3E80  }
0x25: {  	[sflag:s24] =	ssyncset.done $0x0  }
0x26: {  	[sflag:s24] =	ssyncadd.s32 $0xFFFFC180  }
0x27: {  	[spmem:s2] =	stream.indirect.scatter.add.f32 [tilespmem:s13], [sflag:$0x4], $0x1, s7, s29, $0xb8;
	[tilespmem:$0x1D380] =	vst v63  }
0x28: {  	_ =	swait.ge [sflag:s24], $0x7D  }
0x29: {  	[sflag:s24] =	ssyncset.done $0x0  }
0x2a: {  	[sflag:s24] =	ssyncadd.s32 $0xFFFFFF83  }
0x2b: {  	[bflag:$0x0] =	sbarrier.arrive $0xFFFF  }
0x2c: {  	s21 =	rddreg [dreg:$0x9]  }
0x2d: {  	s9 =	rddreg [dreg:$0xf]  }
0x2e: {  	s11 =	rddreg [dreg:$0x16]  }
0x2f: {  	[hbm:s9], [sflag:s21] =	dma.local [spmem:s11], $0x2800  }
0x30: {  	_ =	swait.ge [sflag:s24], $0x2800  }
0x31: {  	s25 =	simm.s32 $0x20;
	[sflag:s24] =	ssyncset.done $0x0;
	s11 =	rddreg [dreg:$0x10]  }
0x32: {  	s14 =	simm.s32 $0x10;
	s15 =	rddreg [dreg:$0x17];
	[sflag:s24] =	ssyncadd.s32 $0xFFFFD800  }
0x33: {  	[hbm:s11@s25], [sflag:s21] =	dma.strided [spmem:s15@s14], $0x50, s0, $0x10   }
0x34: {  	_ =	swait.ge [sflag:s24], $0x50  }
0x35: {  	s15 =	rddreg [dreg:$0x15]  }
0x36: {  	s25 =	rddreg [dreg:$0x11];
	s14 =	sadd.s32 $0x1, s15  }
0x37: {  	p0 =	sne.s32 s14, s25  }
.Ltmp1:
0x38: {  	_ = 	snop;
	(pc) =	sbr.rel @!p0 .LBB2_5-.Ltmp1, $3  }
0x39: {  	_ =	sdelay $0x1  }
0x3a: {  	[sflag:s24] =	ssyncset.done $0x0  }
0x3b: {  	s11 =	simm.s32 $0x800;
	[sflag:s24] =	ssyncadd.s32 $0xFFFFFFB0  }
.LBB2_1:
0x3c: {  	[dreg:$0x15] =	wrdreg s14  }
0x3d: {  	s9 =	rddreg [dreg:$0x8]  }
0x3e: {  	s25 =	rddreg [dreg:$0x6];
	s15 =	sshrl.u32 s9, $0x3  }
0x3f: {  	[dreg:$0x16] =	wrdreg s15  }
0x40: {  	[spmem:s15], [sflag:s21] =	dma.local [hbm:s25], $0x2800  }
0x41: {  	_ =	swait.ge [sflag:s24], $0x2800  }
0x42: {  	s14 =	rddreg [dreg:$0xa]  }
0x43: {  	[sflag:s24] =	ssyncset.done $0x0;
	s25 =	rddreg [dreg:$0x7];
	s15 =	sshrl.u32 s14, $0x3  }
0x44: {  	[sflag:s24] =	ssyncadd.s32 $0xFFFFD800;
	[dreg:$0x17] =	wrdreg s15  }
0x45: {  	[spmem:s15], [sflag:s21] =	dma.local [hbm:s25], $0x50  }
0x46: {  	_ =	swait.ge [sflag:s24], $0x50  }
0x47: {  	[sflag:s24] =	ssyncset.done $0x0  }
0x48: {  	s14 =	rddreg [dreg:$0xb];
	[sflag:s24] =	ssyncadd.s32 $0xFFFFFFB0  }
0x49: {  	[tilespmem:s4], [sflag:$0x4] =	stream.linear.gather [hbm4b:s14+s4], $0x400, $0x38;
	[tilespmem:$0x1D380] =	vst v63  }
0x4a: {  	_ =	swait.ge [sflag:s24], $0x400  }
0x4b: {  	[sflag:s24] =	ssyncset.done $0x0  }
0x4c: {  	s15 =	rddreg [dreg:$0xc];
	[sflag:s24] =	ssyncadd.s32 $0xFFFFFC00  }
0x4d: {  	[tilespmem:s11], [sflag:$0x4] =	stream.linear.gather [hbm4b:s15+s4], $0x400, $0x38;
	[tilespmem:$0x1D380] =	vst v63  }
0x4e: {  	_ =	swait.ge [sflag:s24], $0x400  }
0x4f: {  	[sflag:s24] =	ssyncset.done $0x0  }
0x50: {  	[sflag:s24] =	ssyncadd.s32 $0xFFFFFC00  }
0x51: {  	[bflag:$0x0] =	sbarrier.arrive $0xFFFF  }
0x52: {  	s21 =	rddreg [dreg:$0xd]  }
0x53: {  	[tilespmem:s26], [sflag:$0x3] =	stream.linear.gather [hbm4b:s21+s4], $0x400, $0x38;
	[tilespmem:$0x1D380] =	vst v63  }
0x54: {  	s25 =	rddreg [dreg:$0xe]  }
0x55: {  	[tilespmem:s28], [sflag:$0x3] =	stream.linear.gather [hbm4b:s25+s4], $0x400, $0x38;
	[tilespmem:$0x1D380] =	vst v63  }
0x56: {  	_ = 	snop  }
0x57: {  	[tilespmem:s30], [sflag:$0x1] =	stream.indirect.gather [hbm4b:s5+s29], $0x80, s4, s29, $0xb8;
	[tilespmem:$0x1D380] =	vst v63  }
0x58: {  	s21 =	rddreg [dreg:$0x14];
	s25 =	simm.s32 $0x0  }
0x59: {  	[tilespmem:s31], [sflag:$0x2] =	stream.indirect.gather [hbm4b:s6+s29], $0x1, s11, s29, $0xb8;
	[tilespmem:$0x1D380] =	vst v63  }
.LBB2_2:
0x5a: {  	_ =	swait.ge [sflag:s0], $0x3E80  }
0x5b: {  	[sflag:s0] =	ssyncset.done $0x0  }
0x5c: {  	[sflag:s0] =	ssyncadd.s32 $0xFFFFC180  }
0x5d: {  	_ =	swait.ge [sflag:s3], $0x7D  }
0x5e: {  	[sflag:s3] =	ssyncset.done $0x0  }
0x5f: {  	s9 =	simm.s32 $0x80;
	[sflag:s3] =	ssyncadd.s32 $0xFFFFFF83  }
0x60: {  	[tilespmem:s10], [sflag:$0x1] =	stream.indirect.gather [hbm4b:s5+s29], $0x80, s9, s29, $0xb8;
	[tilespmem:$0x1D380] =	vst v63  }
0x61: {  	s14 =	simm.s32 $0x880  }
0x62: {  	[tilespmem:s13], [sflag:$0x2] =	stream.indirect.gather [hbm4b:s6+s29], $0x1, s14, s29, $0xb8;
	[tilespmem:$0x1D380] =	vst v63  }
0x63: {  	_ = 	snop  }
0x64: {  	[spmem:s1] =	stream.indirect.scatter.add.f32 [tilespmem:s30], [sflag:$0x4], $0x80, s11, s29, $0xb8;
	[tilespmem:$0x1D380] =	vst v63  }
0x65: {  	_ =	swait.ge [sflag:s24], $0x3E80  }
0x66: {  	[sflag:s24] =	ssyncset.done $0x0  }
0x67: {  	[sflag:s24] =	ssyncadd.s32 $0xFFFFC180  }
0x68: {  	[spmem:s2] =	stream.indirect.scatter.add.f32 [tilespmem:s31], [sflag:$0x4], $0x1, s4, s29, $0xb8;
	[tilespmem:$0x1D380] =	vst v63  }
0x69: {  	_ =	swait.ge [sflag:s24], $0x7D  }
0x6a: {  	[sflag:s24] =	ssyncset.done $0x0  }
0x6b: {  	[sflag:s24] =	ssyncadd.s32 $0xFFFFFF83  }
0x6c: {  	_ =	swait.ge [sflag:s0], $0x3E80  }
0x6d: {  	[sflag:s0] =	ssyncset.done $0x0  }
0x6e: {  	[sflag:s0] =	ssyncadd.s32 $0xFFFFC180  }
0x6f: {  	_ =	swait.ge [sflag:s3], $0x7D  }
0x70: {  	[sflag:s3] =	ssyncset.done $0x0  }
0x71: {  	s11 =	simm.s32 $0x100;
	[sflag:s3] =	ssyncadd.s32 $0xFFFFFF83  }
0x72: {  	[tilespmem:s30], [sflag:$0x1] =	stream.indirect.gather [hbm4b:s5+s29], $0x80, s11, s29, $0xb8;
	[tilespmem:$0x1D380] =	vst v63  }
0x73: {  	s15 =	simm.s32 $0x900  }
0x74: {  	[tilespmem:s31], [sflag:$0x2] =	stream.indirect.gather [hbm4b:s6+s29], $0x1, s15, s29, $0xb8;
	[tilespmem:$0x1D380] =	vst v63  }
0x75: {  	_ = 	snop  }
0x76: {  	[spmem:s1] =	stream.indirect.scatter.add.f32 [tilespmem:s10], [sflag:$0x4], $0x80, s14, s29, $0xb8;
	[tilespmem:$0x1D380] =	vst v63  }
0x77: {  	_ =	swait.ge [sflag:s24], $0x3E80  }
0x78: {  	[sflag:s24] =	ssyncset.done $0x0  }
0x79: {  	[sflag:s24] =	ssyncadd.s32 $0xFFFFC180  }
0x7a: {  	[spmem:s2] =	stream.indirect.scatter.add.f32 [tilespmem:s13], [sflag:$0x4], $0x1, s9, s29, $0xb8;
	[tilespmem:$0x1D380] =	vst v63  }
0x7b: {  	_ =	swait.ge [sflag:s24], $0x7D  }
0x7c: {  	[sflag:s24] =	ssyncset.done $0x0  }
0x7d: {  	[sflag:s24] =	ssyncadd.s32 $0xFFFFFF83  }
0x7e: {  	_ =	swait.ge [sflag:s0], $0x3E80  }
0x7f: {  	[sflag:s0] =	ssyncset.done $0x0  }
0x80: {  	[sflag:s0] =	ssyncadd.s32 $0xFFFFC180  }
0x81: {  	_ =	swait.ge [sflag:s3], $0x7D  }
0x82: {  	[sflag:s3] =	ssyncset.done $0x0  }
0x83: {  	s9 =	simm.s32 $0x180;
	[sflag:s3] =	ssyncadd.s32 $0xFFFFFF83  }
0x84: {  	[tilespmem:s10], [sflag:$0x1] =	stream.indirect.gather [hbm4b:s5+s29], $0x80, s9, s29, $0xb8;
	[tilespmem:$0x1D380] =	vst v63  }
0x85: {  	s14 =	simm.s32 $0x980  }
0x86: {  	[tilespmem:s13], [sflag:$0x2] =	stream.indirect.gather [hbm4b:s6+s29], $0x1, s14, s29, $0xb8;
	[tilespmem:$0x1D380] =	vst v63  }
0x87: {  	_ = 	snop  }
0x88: {  	[spmem:s1] =	stream.indirect.scatter.add.f32 [tilespmem:s30], [sflag:$0x4], $0x80, s15, s29, $0xb8;
	[tilespmem:$0x1D380] =	vst v63  }
0x89: {  	_ =	swait.ge [sflag:s24], $0x3E80  }
0x8a: {  	[sflag:s24] =	ssyncset.done $0x0  }
0x8b: {  	[sflag:s24] =	ssyncadd.s32 $0xFFFFC180  }
0x8c: {  	[spmem:s2] =	stream.indirect.scatter.add.f32 [tilespmem:s31], [sflag:$0x4], $0x1, s11, s29, $0xb8;
	[tilespmem:$0x1D380] =	vst v63  }
0x8d: {  	_ =	swait.ge [sflag:s24], $0x7D  }
0x8e: {  	[sflag:s24] =	ssyncset.done $0x0  }
0x8f: {  	[sflag:s24] =	ssyncadd.s32 $0xFFFFFF83  }
0x90: {  	_ =	swait.ge [sflag:s0], $0x3E80  }
0x91: {  	[sflag:s0] =	ssyncset.done $0x0  }
0x92: {  	[sflag:s0] =	ssyncadd.s32 $0xFFFFC180  }
0x93: {  	_ =	swait.ge [sflag:s3], $0x7D  }
0x94: {  	[sflag:s3] =	ssyncset.done $0x0  }
0x95: {  	s11 =	simm.s32 $0x200;
	[sflag:s3] =	ssyncadd.s32 $0xFFFFFF83  }
0x96: {  	[tilespmem:s30], [sflag:$0x1] =	stream.indirect.gather [hbm4b:s5+s29], $0x80, s11, s29, $0xb8;
	[tilespmem:$0x1D380] =	vst v63  }
0x97: {  	s15 =	simm.s32 $0xA00  }
0x98: {  	[tilespmem:s31], [sflag:$0x2] =	stream.indirect.gather [hbm4b:s6+s29], $0x1, s15, s29, $0xb8;
	[tilespmem:$0x1D380] =	vst v63  }
0x99: {  	_ = 	snop  }
0x9a: {  	[spmem:s1] =	stream.indirect.scatter.add.f32 [tilespmem:s10], [sflag:$0x4], $0x80, s14, s29, $0xb8;
	[tilespmem:$0x1D380] =	vst v63  }
0x9b: {  	_ =	swait.ge [sflag:s24], $0x3E80  }
0x9c: {  	[sflag:s24] =	ssyncset.done $0x0  }
0x9d: {  	[sflag:s24] =	ssyncadd.s32 $0xFFFFC180  }
0x9e: {  	[spmem:s2] =	stream.indirect.scatter.add.f32 [tilespmem:s13], [sflag:$0x4], $0x1, s9, s29, $0xb8;
	[tilespmem:$0x1D380] =	vst v63  }
0x9f: {  	_ =	swait.ge [sflag:s24], $0x7D  }
0xa0: {  	[sflag:s24] =	ssyncset.done $0x0  }
0xa1: {  	[sflag:s24] =	ssyncadd.s32 $0xFFFFFF83  }
0xa2: {  	_ =	swait.ge [sflag:s0], $0x3E80  }
0xa3: {  	[sflag:s0] =	ssyncset.done $0x0  }
0xa4: {  	[sflag:s0] =	ssyncadd.s32 $0xFFFFC180  }
0xa5: {  	_ =	swait.ge [sflag:s3], $0x7D  }
0xa6: {  	[sflag:s3] =	ssyncset.done $0x0  }
0xa7: {  	s9 =	simm.s32 $0x280;
	[sflag:s3] =	ssyncadd.s32 $0xFFFFFF83  }
0xa8: {  	[tilespmem:s10], [sflag:$0x1] =	stream.indirect.gather [hbm4b:s5+s29], $0x80, s9, s29, $0xb8;
	[tilespmem:$0x1D380] =	vst v63  }
0xa9: {  	s14 =	simm.s32 $0xA80  }
0xaa: {  	[tilespmem:s13], [sflag:$0x2] =	stream.indirect.gather [hbm4b:s6+s29], $0x1, s14, s29, $0xb8;
	[tilespmem:$0x1D380] =	vst v63  }
0xab: {  	_ = 	snop  }
0xac: {  	[spmem:s1] =	stream.indirect.scatter.add.f32 [tilespmem:s30], [sflag:$0x4], $0x80, s15, s29, $0xb8;
	[tilespmem:$0x1D380] =	vst v63  }
0xad: {  	_ =	swait.ge [sflag:s24], $0x3E80  }
0xae: {  	[sflag:s24] =	ssyncset.done $0x0  }
0xaf: {  	[sflag:s24] =	ssyncadd.s32 $0xFFFFC180  }
0xb0: {  	[spmem:s2] =	stream.indirect.scatter.add.f32 [tilespmem:s31], [sflag:$0x4], $0x1, s11, s29, $0xb8;
	[tilespmem:$0x1D380] =	vst v63  }
0xb1: {  	_ =	swait.ge [sflag:s24], $0x7D  }
0xb2: {  	[sflag:s24] =	ssyncset.done $0x0  }
0xb3: {  	[sflag:s24] =	ssyncadd.s32 $0xFFFFFF83  }
0xb4: {  	_ =	swait.ge [sflag:s0], $0x3E80  }
0xb5: {  	[sflag:s0] =	ssyncset.done $0x0  }
0xb6: {  	[sflag:s0] =	ssyncadd.s32 $0xFFFFC180  }
0xb7: {  	_ =	swait.ge [sflag:s3], $0x7D  }
0xb8: {  	[sflag:s3] =	ssyncset.done $0x0  }
0xb9: {  	s11 =	simm.s32 $0x300;
	[sflag:s3] =	ssyncadd.s32 $0xFFFFFF83  }
0xba: {  	[tilespmem:s30], [sflag:$0x1] =	stream.indirect.gather [hbm4b:s5+s29], $0x80, s11, s29, $0xb8;
	[tilespmem:$0x1D380] =	vst v63  }
0xbb: {  	s15 =	simm.s32 $0xB00  }
0xbc: {  	[tilespmem:s31], [sflag:$0x2] =	stream.indirect.gather [hbm4b:s6+s29], $0x1, s15, s29, $0xb8;
	[tilespmem:$0x1D380] =	vst v63  }
0xbd: {  	_ = 	snop  }
0xbe: {  	[spmem:s1] =	stream.indirect.scatter.add.f32 [tilespmem:s10], [sflag:$0x4], $0x80, s14, s29, $0xb8;
	[tilespmem:$0x1D380] =	vst v63  }
0xbf: {  	_ =	swait.ge [sflag:s24], $0x3E80  }
0xc0: {  	[sflag:s24] =	ssyncset.done $0x0  }
0xc1: {  	[sflag:s24] =	ssyncadd.s32 $0xFFFFC180  }
0xc2: {  	[spmem:s2] =	stream.indirect.scatter.add.f32 [tilespmem:s13], [sflag:$0x4], $0x1, s9, s29, $0xb8;
	[tilespmem:$0x1D380] =	vst v63  }
0xc3: {  	_ =	swait.ge [sflag:s24], $0x7D  }
0xc4: {  	[sflag:s24] =	ssyncset.done $0x0  }
0xc5: {  	[sflag:s24] =	ssyncadd.s32 $0xFFFFFF83  }
0xc6: {  	_ =	swait.ge [sflag:s0], $0x3E80  }
0xc7: {  	[sflag:s0] =	ssyncset.done $0x0  }
0xc8: {  	[sflag:s0] =	ssyncadd.s32 $0xFFFFC180  }
0xc9: {  	_ =	swait.ge [sflag:s3], $0x7D  }
0xca: {  	[sflag:s3] =	ssyncset.done $0x0  }
0xcb: {  	s9 =	simm.s32 $0x380;
	[sflag:s3] =	ssyncadd.s32 $0xFFFFFF83  }
0xcc: {  	[tilespmem:s10], [sflag:$0x1] =	stream.indirect.gather [hbm4b:s5+s29], $0x80, s9, s29, $0xb8;
	[tilespmem:$0x1D380] =	vst v63  }
0xcd: {  	s14 =	simm.s32 $0xB80  }
0xce: {  	[tilespmem:s13], [sflag:$0x2] =	stream.indirect.gather [hbm4b:s6+s29], $0x1, s14, s29, $0xb8;
	[tilespmem:$0x1D380] =	vst v63  }
0xcf: {  	_ = 	snop  }
0xd0: {  	[spmem:s1] =	stream.indirect.scatter.add.f32 [tilespmem:s30], [sflag:$0x4], $0x80, s15, s29, $0xb8;
	[tilespmem:$0x1D380] =	vst v63  }
0xd1: {  	_ =	swait.ge [sflag:s24], $0x3E80  }
0xd2: {  	[sflag:s24] =	ssyncset.done $0x0  }
0xd3: {  	[sflag:s24] =	ssyncadd.s32 $0xFFFFC180  }
0xd4: {  	[spmem:s2] =	stream.indirect.scatter.add.f32 [tilespmem:s31], [sflag:$0x4], $0x1, s11, s29, $0xb8;
	[tilespmem:$0x1D380] =	vst v63  }
0xd5: {  	_ =	swait.ge [sflag:s24], $0x7D  }
0xd6: {  	[sflag:s24] =	ssyncset.done $0x0  }
0xd7: {  	[sflag:s24] =	ssyncadd.s32 $0xFFFFFF83  }
0xd8: {  	_ =	swait.ge [sflag:s0], $0x3E80  }
0xd9: {  	[sflag:s0] =	ssyncset.done $0x0  }
0xda: {  	[sflag:s0] =	ssyncadd.s32 $0xFFFFC180  }
0xdb: {  	_ =	swait.ge [sflag:s3], $0x7D  }
0xdc: {  	[sflag:s3] =	ssyncset.done $0x0  }
0xdd: {  	[sflag:s3] =	ssyncadd.s32 $0xFFFFFF83  }
0xde: {  	_ =	swait.ge [sflag:s22], $0x400  }
0xdf: {  	[sflag:s22] =	ssyncset.done $0x0  }
0xe0: {  	[sflag:s22] =	ssyncadd.s32 $0xFFFFFC00  }
0xe1: {  	_ =	swait.ge [sflag:s22], $0x400  }
0xe2: {  	[sflag:s22] =	ssyncset.done $0x0  }
0xe3: {  	[sflag:s22] =	ssyncadd.s32 $0xFFFFFC00  }
0xe4: {  	[tilespmem:s30], [sflag:$0x1] =	stream.indirect.gather [hbm4b:s5+s29], $0x80, s26, s29, $0xb8;
	[tilespmem:$0x1D380] =	vst v63  }
0xe5: {  	_ = 	snop  }
0xe6: {  	[tilespmem:s31], [sflag:$0x2] =	stream.indirect.gather [hbm4b:s6+s29], $0x1, s28, s29, $0xb8;
	[tilespmem:$0x1D380] =	vst v63  }
0xe7: {  	_ = 	snop  }
0xe8: {  	[spmem:s1] =	stream.indirect.scatter.add.f32 [tilespmem:s10], [sflag:$0x4], $0x80, s14, s29, $0xb8;
	[tilespmem:$0x1D380] =	vst v63  }
0xe9: {  	_ =	swait.ge [sflag:s24], $0x3E80  }
0xea: {  	[sflag:s24] =	ssyncset.done $0x0  }
0xeb: {  	[sflag:s24] =	ssyncadd.s32 $0xFFFFC180  }
0xec: {  	[spmem:s2] =	stream.indirect.scatter.add.f32 [tilespmem:s13], [sflag:$0x4], $0x1, s9, s29, $0xb8;
	[tilespmem:$0x1D380] =	vst v63  }
0xed: {  	p0 =	seq.s32 s25, $0x400;
	_ =	swait.ge [sflag:s24], $0x7D  }
0xee: {  	s9 =	sshrl.u32 @!p0 s21, $0x3;
	[sflag:s24] =	ssyncset.done $0x0;
	s11 =	rddreg [dreg:$0x4]  }
0xef: {  	s14 =	simm.s32 @!p0 $0x0;
	[sflag:s24] =	ssyncadd.s32 $0xFFFFFF83;
	s11 =	sadd.s32 @!p0 s11, s9  }
0xf0: {  	[tilespmem:s14], [sflag:$0x3] =	stream.linear.gather @!p0 [hbm4b:s11+s14], $0x400, $0x38;
	[tilespmem:$0x1D380] =	vst v63  }
0xf1: {  	s11 =	rddreg [dreg:$0x5]  }
0xf2: {  	s9 =	sadd.s32 @!p0 s11, s9;
	s11 =	simm.s32 @!p0 $0x800  }
0xf3: {  	[tilespmem:s11], [sflag:$0x3] =	stream.linear.gather @!p0 [hbm4b:s9+s14], $0x400, $0x38;
	[tilespmem:$0x1D380] =	vst v63  }
0xf4: {  	_ =	swait.ge [sflag:s0], $0x3E80  }
0xf5: {  	[sflag:s0] =	ssyncset.done $0x0  }
0xf6: {  	[sflag:s0] =	ssyncadd.s32 $0xFFFFC180  }
0xf7: {  	_ =	swait.ge [sflag:s3], $0x7D  }
0xf8: {  	[sflag:s3] =	ssyncset.done $0x0  }
0xf9: {  	s9 =	simm.s32 $0x480;
	[sflag:s3] =	ssyncadd.s32 $0xFFFFFF83  }
0xfa: {  	[tilespmem:s10], [sflag:$0x1] =	stream.indirect.gather [hbm4b:s5+s29], $0x80, s9, s29, $0xb8;
	[tilespmem:$0x1D380] =	vst v63  }
0xfb: {  	s11 =	simm.s32 $0xC80  }
0xfc: {  	[tilespmem:s13], [sflag:$0x2] =	stream.indirect.gather [hbm4b:s6+s29], $0x1, s11, s29, $0xb8;
	[tilespmem:$0x1D380] =	vst v63  }
0xfd: {  	_ = 	snop  }
0xfe: {  	[spmem:s1] =	stream.indirect.scatter.add.f32 [tilespmem:s30], [sflag:$0x4], $0x80, s28, s29, $0xb8;
	[tilespmem:$0x1D380] =	vst v63  }
0xff: {  	_ =	swait.ge [sflag:s24], $0x3E80  }
0x100: {  	[sflag:s24] =	ssyncset.done $0x0  }
0x101: {  	[sflag:s24] =	ssyncadd.s32 $0xFFFFC180  }
0x102: {  	[spmem:s2] =	stream.indirect.scatter.add.f32 [tilespmem:s31], [sflag:$0x4], $0x1, s26, s29, $0xb8;
	[tilespmem:$0x1D380] =	vst v63  }
0x103: {  	_ =	swait.ge [sflag:s24], $0x7D  }
0x104: {  	[sflag:s24] =	ssyncset.done $0x0  }
0x105: {  	[sflag:s24] =	ssyncadd.s32 $0xFFFFFF83  }
0x106: {  	_ =	swait.ge [sflag:s0], $0x3E80  }
0x107: {  	[sflag:s0] =	ssyncset.done $0x0  }
0x108: {  	[sflag:s0] =	ssyncadd.s32 $0xFFFFC180  }
0x109: {  	_ =	swait.ge [sflag:s3], $0x7D  }
0x10a: {  	[sflag:s3] =	ssyncset.done $0x0  }
0x10b: {  	s14 =	simm.s32 $0x500;
	[sflag:s3] =	ssyncadd.s32 $0xFFFFFF83  }
0x10c: {  	[tilespmem:s30], [sflag:$0x1] =	stream.indirect.gather [hbm4b:s5+s29], $0x80, s14, s29, $0xb8;
	[tilespmem:$0x1D380] =	vst v63  }
0x10d: {  	_ = 	snop  }
0x10e: {  	[tilespmem:s31], [sflag:$0x2] =	stream.indirect.gather [hbm4b:s6+s29], $0x1, s16, s29, $0xb8;
	[tilespmem:$0x1D380] =	vst v63  }
0x10f: {  	_ = 	snop  }
0x110: {  	[spmem:s1] =	stream.indirect.scatter.add.f32 [tilespmem:s10], [sflag:$0x4], $0x80, s11, s29, $0xb8;
	[tilespmem:$0x1D380] =	vst v63  }
0x111: {  	_ =	swait.ge [sflag:s24], $0x3E80  }
0x112: {  	[sflag:s24] =	ssyncset.done $0x0  }
0x113: {  	[sflag:s24] =	ssyncadd.s32 $0xFFFFC180  }
0x114: {  	[spmem:s2] =	stream.indirect.scatter.add.f32 [tilespmem:s13], [sflag:$0x4], $0x1, s9, s29, $0xb8;
	[tilespmem:$0x1D380] =	vst v63  }
0x115: {  	_ =	swait.ge [sflag:s24], $0x7D  }
0x116: {  	[sflag:s24] =	ssyncset.done $0x0  }
0x117: {  	[sflag:s24] =	ssyncadd.s32 $0xFFFFFF83  }
0x118: {  	_ =	swait.ge [sflag:s0], $0x3E80  }
0x119: {  	[sflag:s0] =	ssyncset.done $0x0  }
0x11a: {  	[sflag:s0] =	ssyncadd.s32 $0xFFFFC180  }
0x11b: {  	_ =	swait.ge [sflag:s3], $0x7D  }
0x11c: {  	[sflag:s3] =	ssyncset.done $0x0  }
0x11d: {  	s9 =	simm.s32 $0x580;
	[sflag:s3] =	ssyncadd.s32 $0xFFFFFF83  }
0x11e: {  	[tilespmem:s10], [sflag:$0x1] =	stream.indirect.gather [hbm4b:s5+s29], $0x80, s9, s29, $0xb8;
	[tilespmem:$0x1D380] =	vst v63  }
0x11f: {  	s11 =	simm.s32 $0xD80  }
0x120: {  	[tilespmem:s13], [sflag:$0x2] =	stream.indirect.gather [hbm4b:s6+s29], $0x1, s11, s29, $0xb8;
	[tilespmem:$0x1D380] =	vst v63  }
0x121: {  	_ = 	snop  }
0x122: {  	[spmem:s1] =	stream.indirect.scatter.add.f32 [tilespmem:s30], [sflag:$0x4], $0x80, s16, s29, $0xb8;
	[tilespmem:$0x1D380] =	vst v63  }
0x123: {  	_ =	swait.ge [sflag:s24], $0x3E80  }
0x124: {  	[sflag:s24] =	ssyncset.done $0x0  }
0x125: {  	[sflag:s24] =	ssyncadd.s32 $0xFFFFC180  }
0x126: {  	[spmem:s2] =	stream.indirect.scatter.add.f32 [tilespmem:s31], [sflag:$0x4], $0x1, s14, s29, $0xb8;
	[tilespmem:$0x1D380] =	vst v63  }
0x127: {  	_ =	swait.ge [sflag:s24], $0x7D  }
0x128: {  	[sflag:s24] =	ssyncset.done $0x0  }
0x129: {  	[sflag:s24] =	ssyncadd.s32 $0xFFFFFF83  }
0x12a: {  	_ =	swait.ge [sflag:s0], $0x3E80  }
0x12b: {  	[sflag:s0] =	ssyncset.done $0x0  }
0x12c: {  	[sflag:s0] =	ssyncadd.s32 $0xFFFFC180  }
0x12d: {  	_ =	swait.ge [sflag:s3], $0x7D  }
0x12e: {  	[sflag:s3] =	ssyncset.done $0x0  }
0x12f: {  	[sflag:s3] =	ssyncadd.s32 $0xFFFFFF83  }
0x130: {  	[tilespmem:s30], [sflag:$0x1] =	stream.indirect.gather [hbm4b:s5+s29], $0x80, s17, s29, $0xb8;
	[tilespmem:$0x1D380] =	vst v63  }
0x131: {  	_ = 	snop  }
0x132: {  	[tilespmem:s31], [sflag:$0x2] =	stream.indirect.gather [hbm4b:s6+s29], $0x1, s18, s29, $0xb8;
	[tilespmem:$0x1D380] =	vst v63  }
0x133: {  	_ = 	snop  }
0x134: {  	[spmem:s1] =	stream.indirect.scatter.add.f32 [tilespmem:s10], [sflag:$0x4], $0x80, s11, s29, $0xb8;
	[tilespmem:$0x1D380] =	vst v63  }
0x135: {  	_ =	swait.ge [sflag:s24], $0x3E80  }
0x136: {  	[sflag:s24] =	ssyncset.done $0x0  }
0x137: {  	[sflag:s24] =	ssyncadd.s32 $0xFFFFC180  }
0x138: {  	[spmem:s2] =	stream.indirect.scatter.add.f32 [tilespmem:s13], [sflag:$0x4], $0x1, s9, s29, $0xb8;
	[tilespmem:$0x1D380] =	vst v63  }
0x139: {  	_ =	swait.ge [sflag:s24], $0x7D  }
0x13a: {  	[sflag:s24] =	ssyncset.done $0x0  }
0x13b: {  	[sflag:s24] =	ssyncadd.s32 $0xFFFFFF83  }
0x13c: {  	_ =	swait.ge [sflag:s0], $0x3E80  }
0x13d: {  	[sflag:s0] =	ssyncset.done $0x0  }
0x13e: {  	[sflag:s0] =	ssyncadd.s32 $0xFFFFC180  }
0x13f: {  	_ =	swait.ge [sflag:s3], $0x7D  }
0x140: {  	[sflag:s3] =	ssyncset.done $0x0  }
0x141: {  	[sflag:s3] =	ssyncadd.s32 $0xFFFFFF83  }
0x142: {  	[tilespmem:s10], [sflag:$0x1] =	stream.indirect.gather [hbm4b:s5+s29], $0x80, s19, s29, $0xb8;
	[tilespmem:$0x1D380] =	vst v63  }
0x143: {  	_ = 	snop  }
0x144: {  	[tilespmem:s13], [sflag:$0x2] =	stream.indirect.gather [hbm4b:s6+s29], $0x1, s20, s29, $0xb8;
	[tilespmem:$0x1D380] =	vst v63  }
0x145: {  	_ = 	snop  }
0x146: {  	[spmem:s1] =	stream.indirect.scatter.add.f32 [tilespmem:s30], [sflag:$0x4], $0x80, s18, s29, $0xb8;
	[tilespmem:$0x1D380] =	vst v63  }
0x147: {  	_ =	swait.ge [sflag:s24], $0x3E80  }
0x148: {  	[sflag:s24] =	ssyncset.done $0x0  }
0x149: {  	[sflag:s24] =	ssyncadd.s32 $0xFFFFC180  }
0x14a: {  	[spmem:s2] =	stream.indirect.scatter.add.f32 [tilespmem:s31], [sflag:$0x4], $0x1, s17, s29, $0xb8;
	[tilespmem:$0x1D380] =	vst v63  }
0x14b: {  	_ =	swait.ge [sflag:s24], $0x7D  }
0x14c: {  	[sflag:s24] =	ssyncset.done $0x0  }
0x14d: {  	[sflag:s24] =	ssyncadd.s32 $0xFFFFFF83  }
0x14e: {  	_ =	swait.ge [sflag:s0], $0x3E80  }
0x14f: {  	[sflag:s0] =	ssyncset.done $0x0  }
0x150: {  	[sflag:s0] =	ssyncadd.s32 $0xFFFFC180  }
0x151: {  	_ =	swait.ge [sflag:s3], $0x7D  }
0x152: {  	[sflag:s3] =	ssyncset.done $0x0  }
0x153: {  	[sflag:s3] =	ssyncadd.s32 $0xFFFFFF83  }
0x154: {  	[tilespmem:s30], [sflag:$0x1] =	stream.indirect.gather [hbm4b:s5+s29], $0x80, s23, s29, $0xb8;
	[tilespmem:$0x1D380] =	vst v63  }
0x155: {  	_ = 	snop  }
0x156: {  	[tilespmem:s31], [sflag:$0x2] =	stream.indirect.gather [hbm4b:s6+s29], $0x1, s12, s29, $0xb8;
	[tilespmem:$0x1D380] =	vst v63  }
0x157: {  	_ = 	snop  }
0x158: {  	[spmem:s1] =	stream.indirect.scatter.add.f32 [tilespmem:s10], [sflag:$0x4], $0x80, s20, s29, $0xb8;
	[tilespmem:$0x1D380] =	vst v63  }
0x159: {  	_ =	swait.ge [sflag:s24], $0x3E80  }
0x15a: {  	[sflag:s24] =	ssyncset.done $0x0  }
0x15b: {  	[sflag:s24] =	ssyncadd.s32 $0xFFFFC180  }
0x15c: {  	[spmem:s2] =	stream.indirect.scatter.add.f32 [tilespmem:s13], [sflag:$0x4], $0x1, s19, s29, $0xb8;
	[tilespmem:$0x1D380] =	vst v63  }
0x15d: {  	_ =	swait.ge [sflag:s24], $0x7D  }
0x15e: {  	[sflag:s24] =	ssyncset.done $0x0  }
0x15f: {  	[sflag:s24] =	ssyncadd.s32 $0xFFFFFF83  }
0x160: {  	_ =	swait.ge [sflag:s0], $0x3E80  }
0x161: {  	[sflag:s0] =	ssyncset.done $0x0  }
0x162: {  	[sflag:s0] =	ssyncadd.s32 $0xFFFFC180  }
0x163: {  	_ =	swait.ge [sflag:s3], $0x7D  }
0x164: {  	[sflag:s3] =	ssyncset.done $0x0  }
0x165: {  	[sflag:s3] =	ssyncadd.s32 $0xFFFFFF83  }
0x166: {  	[tilespmem:s10], [sflag:$0x1] =	stream.indirect.gather [hbm4b:s5+s29], $0x80, s7, s29, $0xb8;
	[tilespmem:$0x1D380] =	vst v63  }
0x167: {  	_ = 	snop  }
0x168: {  	[tilespmem:s13], [sflag:$0x2] =	stream.indirect.gather [hbm4b:s6+s29], $0x1, s8, s29, $0xb8;
	[tilespmem:$0x1D380] =	vst v63  }
0x169: {  	_ = 	snop  }
0x16a: {  	[spmem:s1] =	stream.indirect.scatter.add.f32 [tilespmem:s30], [sflag:$0x4], $0x80, s12, s29, $0xb8;
	[tilespmem:$0x1D380] =	vst v63  }
0x16b: {  	_ =	swait.ge [sflag:s24], $0x3E80  }
0x16c: {  	[sflag:s24] =	ssyncset.done $0x0  }
0x16d: {  	[sflag:s24] =	ssyncadd.s32 $0xFFFFC180  }
0x16e: {  	[spmem:s2] =	stream.indirect.scatter.add.f32 [tilespmem:s31], [sflag:$0x4], $0x1, s23, s29, $0xb8;
	[tilespmem:$0x1D380] =	vst v63  }
0x16f: {  	_ =	swait.ge [sflag:s24], $0x7D  }
0x170: {  	[sflag:s24] =	ssyncset.done $0x0  }
0x171: {  	[sflag:s24] =	ssyncadd.s32 $0xFFFFFF83  }
0x172: {  	_ =	swait.ge [sflag:s0], $0x3E80  }
.Ltmp2:
0x173: {  	[sflag:s0] =	ssyncset.done $0x0;
	(pc) =	sbr.rel @p0 .LBB2_4-.Ltmp2, $4  }
0x174: {  	[sflag:s0] =	ssyncadd.s32 $0xFFFFC180  }
0x175: {  	_ =	swait.ge [sflag:s3], $0x7D  }
0x176: {  	[sflag:s3] =	ssyncset.done $0x0  }
0x177: {  	s15 =	simm.s32 $0x800;
	[sflag:s3] =	ssyncadd.s32 $0xFFFFFF83  }
0x178: {  	_ =	swait.ge [sflag:s22], $0x400  }
0x179: {  	[sflag:s22] =	ssyncset.done $0x0  }
0x17a: {  	[sflag:s22] =	ssyncadd.s32 $0xFFFFFC00  }
0x17b: {  	_ =	swait.ge [sflag:s22], $0x400  }
0x17c: {  	[sflag:s22] =	ssyncset.done $0x0  }
0x17d: {  	[sflag:s22] =	ssyncadd.s32 $0xFFFFFC00  }
0x17e: {  	[tilespmem:s30], [sflag:$0x1] =	stream.indirect.gather [hbm4b:s5+s29], $0x80, s4, s29, $0xb8;
	[tilespmem:$0x1D380] =	vst v63  }
0x17f: {  	_ = 	snop  }
0x180: {  	[tilespmem:s31], [sflag:$0x2] =	stream.indirect.gather [hbm4b:s6+s29], $0x1, s15, s29, $0xb8;
	[tilespmem:$0x1D380] =	vst v63  }
0x181: {  	_ = 	snop  }
0x182: {  	[spmem:s1] =	stream.indirect.scatter.add.f32 [tilespmem:s10], [sflag:$0x4], $0x80, s8, s29, $0xb8;
	[tilespmem:$0x1D380] =	vst v63  }
0x183: {  	_ =	swait.ge [sflag:s24], $0x3E80  }
0x184: {  	[sflag:s24] =	ssyncset.done $0x0  }
0x185: {  	[sflag:s24] =	ssyncadd.s32 $0xFFFFC180  }
0x186: {  	[spmem:s2] =	stream.indirect.scatter.add.f32 [tilespmem:s13], [sflag:$0x4], $0x1, s7, s29, $0xb8;
	[tilespmem:$0x1D380] =	vst v63  }
0x187: {  	s21 =	sadd.s32 $0x800, s21;
	_ =	swait.ge [sflag:s24], $0x7D  }
.Ltmp3:
0x188: {  	[sflag:s24] =	ssyncset.done $0x0;
	s9 =	rddreg [dreg:$0x13];
	(pc) =	sbr.rel .LBB2_2-.Ltmp3, $4  }
0x189: {  	s15 =	rddreg [dreg:$0x12];
	[sflag:s24] =	ssyncadd.s32 $0xFFFFFF83;
	s9 =	sadd.s32 s25, s9  }
0x18a: {  	[tilespmem:s26], [sflag:$0x3] =	stream.linear.gather [hbm4b:s9+s4], $0x400, $0x38;
	[tilespmem:$0x1D380] =	vst v63  }
0x18b: {  	s11 =	simm.s32 $0x800;
	s9 =	sadd.s32 s25, s15;
	s25 =	sadd.s32 $0x100, s25  }
0x18c: {  	[tilespmem:s28], [sflag:$0x3] =	stream.linear.gather [hbm4b:s9+s4], $0x400, $0x38;
	[tilespmem:$0x1D380] =	vst v63  }
.LBB2_5:
0x18d: {  	_ =	sfence.sel $0x180000  }
0x18e: {  	[bflag:$0x0] =	sbarrier.arrive $0xFFFF  }
0x18f: {  	_ =	strace $0x9000004A  }
0x190: {  	s0 =	stileid.u32;
	[bflag:$0x2] =	sbarrier.arrive $0xFFFF  }
0x191: {  	p0 =	sne.s32 s0, $0x0;
	s0 =	rddreg [dreg:$0x3]  }
0x192: {  	s0 =	sadd.s32 @!p0 $0x100000, s0  }
0x193: {  	[sflag:s0] =	ssyncadd.tile.s32 @!p0 $0x1;
	_ =	shalt  }
.Lfunc_end2:
_tile_overlayer_lowered:
.L_overlay_start_2:
0x194: {  	(tag) =	ssettag $0x2  }
0x195: {  	s0 =	rddreg [dreg:$0x0];
	s2 =	stileid.u32  }
0x196: {  	s1 =	rddreg [dreg:$0x1];
	p0 =	sne.s32 s2, $0x0  }
0x197: {  	s3 =	rddreg [dreg:$0x2];
	[bflag:$0x3] =	sbarrier.arrive $0xFFFF;
	s2 =	simm.s32 @!p0 $0x1C04  }
0x198: {  	[timem:s3], [sflag:s2] =	dma.local @!p0 [hbm:s0], s1  }
0x199: {  	s0 =	simm.s32 @!p0 $0x4  }
0x19a: {  	_ =	swait.ge @!p0 [sflag:s0], s1  }
0x19b: {  	s1 =	ssub.s32 @!p0 $0x0, s1;
	[sflag:s0] =	ssyncset.done @!p0 $0x0  }
0x19c: {  	[sflag:s0] =	ssyncadd.s32 @!p0 s1  }
0x19d: {  	[bflag:$0x3] =	sbarrier.arrive $0xFFFF  }
0x19e: {  	_ =	shalt  }

</sc_bundles>
